<compile_context>
chip_gen: v7x
topology: tpu7x:2x2x1
jax: 0.10.2.dev20260603
libtpu: 0.0.44.dev20260713+nightly
codegen_flags: <defaults>
</compile_context>

<pallas_src>
import functools

import jax
import jax.numpy as jnp
from jax import lax
from jax.experimental import pallas as pl
from jax.experimental.pallas import tpu as pltpu
from jax.experimental.pallas import tpu_sc as plsc

N, C, H, W = 4, 96, 224, 224
HW = H * W
NC = N * C
TOPK = int(HW * 0.2)
NBINS = 4096
NWORKERS = 32

WPAD = 256
PACKW = WPAD // 2
WORDS_PER_SAMPLE = C * H * PACKW

NPART = 4
NC_H = NC // NPART
SPAN = WORDS_PER_SAMPLE // NWORKERS
CHUNK = 14336
NCHUNK = SPAN // CHUNK
NBUF = 2

SLICES = 4

_HIGH = lax.Precision.HIGHEST


def _sigmoid(x):
    return 1.0 / (1.0 + jnp.exp(-x))


def _kurt(x):
    y = x - 0.5
    y2 = y * y
    y3 = y2 * y
    y4 = y2 * y2
    m1 = jnp.mean(y)
    m2r = jnp.mean(y2)
    m3r = jnp.mean(y3)
    m4r = jnp.mean(y4)
    mu2 = m1 * m1
    m2 = m2r - mu2
    m4 = m4r - 4.0 * m1 * m3r + 6.0 * mu2 * m2r - 3.0 * mu2 * mu2
    return m4 / (m2 * m2)


def _phase_a_body(f1_ref, f2_ref, p_ref, g_ref):
    i = pl.program_id(0)
    x1 = _sigmoid(f1_ref[...])
    x2 = _sigmoid(f2_ref[...])
    d = jnp.abs(x1 - x2)
    idx = (d * float(NBINS)).astype(jnp.int32)
    idx = jnp.maximum(jnp.minimum(idx, NBINS - 1), 0)
    pad = jnp.zeros((SLICES, H, WPAD - W), jnp.int32)
    ifull = jnp.concatenate([idx, pad], axis=2)
    p_ref[...] = ifull[:, :, :PACKW] | (ifull[:, :, PACKW:] << 16)
    g = 0.0
    for j in range(SLICES):
        g += jnp.abs(_kurt(x1[j]) - _kurt(x2[j]))
    prev = jnp.where(i == 0, 0.0, g_ref[0, 0])
    g_ref[0, 0] = prev + g


def _phase_a(a, b, part):
    return pl.pallas_call(
        _phase_a_body,
        grid=(NC_H // SLICES,),
        in_specs=[
            pl.BlockSpec((SLICES, H, W),
                         lambda i: (i + part * (NC_H // SLICES), 0, 0)),
            pl.BlockSpec((SLICES, H, W),
                         lambda i: (i + part * (NC_H // SLICES), 0, 0)),
        ],
        out_specs=[
            pl.BlockSpec((SLICES, H, PACKW), lambda i: (i, 0, 0)),
            pl.BlockSpec((1, 1), lambda i: (0, 0), memory_space=pltpu.SMEM),
        ],
        out_shape=[
            jax.ShapeDtypeStruct((NC_H, H, PACKW), jnp.int32),
            jax.ShapeDtypeStruct((1, 1), jnp.float32),
        ],
    )(a, b)


def _make_sc_hist():
    mesh = plsc.VectorSubcoreMesh(core_axis_name="c", subcore_axis_name="s")

    @functools.partial(
        pl.kernel,
        mesh=mesh,
        compiler_params=pltpu.CompilerParams(needs_layout_passes=False),
        out_type=jax.ShapeDtypeStruct((NWORKERS * NBINS,), jnp.float32),
        scratch_types=[
            pltpu.VMEM((CHUNK,), jnp.int32),
            pltpu.VMEM((CHUNK,), jnp.int32),
            pltpu.VMEM((NBINS,), jnp.float32),
            pltpu.SemaphoreType.DMA,
            pltpu.SemaphoreType.DMA,
        ],
    )
    def sc_hist(p_hbm, out_hbm, buf0, buf1, hcnt, sem0, sem1):
        wid = lax.axis_index("s") * 2 + lax.axis_index("c")
        base = wid * SPAN
        bufs = (buf0, buf1)
        sems = (sem0, sem1)
        zeros = jnp.zeros((16,), jnp.float32)
        ones = jnp.ones((16,), jnp.float32)
        mask16 = jnp.full((16,), 0xFFFF, jnp.int32)

        def zbody(i, carry):
            hcnt[pl.ds(i * 16, 16)] = zeros
            return carry

        lax.fori_loop(0, NBINS // 16, zbody, 0)

        def copy_for(ci, b):
            return pltpu.make_async_copy(
                p_hbm.at[pl.ds(base + ci * CHUNK, CHUNK)], bufs[b], sems[b])

        for b in range(NBUF):
            copy_for(b, b).start()

        def process(buf):
            @plsc.parallel_loop(0, CHUNK // 128, unroll=2)
            def _(i):
                for q in range(8):
                    v = buf[pl.ds(i * 128 + q * 16, 16)]
                    lo = v & mask16
                    plsc.addupdate_scatter(hcnt, [lo], ones)
                    if q < 6:
                        hi = v >> 16
                        plsc.addupdate_scatter(hcnt, [hi], ones)

        def cbody(j, carry):
            for b in range(NBUF):
                ci = j * NBUF + b
                copy_for(ci, b).wait()
                process(bufs[b])

                @pl.when(ci + NBUF < NCHUNK)
                def _():
                    copy_for(ci + NBUF, b).start()
            return carry

        lax.fori_loop(0, NCHUNK // NBUF, cbody, 0)

        pltpu.sync_copy(hcnt, out_hbm.at[pl.ds(wid * NBINS, NBINS)])

    return sc_hist


def _combine_body(h0_ref, h1_ref, h2_ref, h3_ref,
                  g0_ref, g1_ref, g2_ref, g3_ref, o_ref):
    kf = float(TOPK)

    r = lax.broadcasted_iota(jnp.int32, (128, 1024), 1)
    grow = lax.broadcasted_iota(jnp.int32, (128, 1024), 0)
    same_b1 = ((r & 31) == (grow & 31))
    cntm = 0.0
    for p, h_ref in enumerate((h0_ref, h1_ref, h2_ref, h3_ref)):
        merge_p = (same_b1 & ((grow >> 5) == p)).astype(jnp.float32)
        cntm += jnp.dot(merge_p, h_ref[...], precision=_HIGH)

    jj = lax.broadcasted_iota(jnp.int32, (128, 128), 0)
    bb = lax.broadcasted_iota(jnp.int32, (128, 128), 1)
    fb0 = (jj & 31) * 128 + bb
    centers = (fb0.astype(jnp.float32) + 0.5) * (1.0 / float(NBINS))
    summ = cntm * centers
    tri = (jj >= bb).astype(jnp.float32)
    amat = ((bb > jj) & ((bb >> 5) == (jj >> 5))).astype(jnp.float32)

    rc_in = jnp.dot(cntm, tri, precision=_HIGH)
    rs_in = jnp.dot(summ, tri, precision=_HIGH)
    rc = rc_in + jnp.dot(amat, rc_in[:, 0:1], precision=_HIGH)
    rs = rs_in + jnp.dot(amat, rs_in[:, 0:1], precision=_HIGH)

    gi = lax.broadcasted_iota(jnp.int32, (128, 4), 0)
    si = lax.broadcasted_iota(jnp.int32, (128, 4), 1)
    sel_t = ((gi >> 5) == si).astype(jnp.float32)
    gi2 = lax.broadcasted_iota(jnp.int32, (4, 128), 1)
    si2 = lax.broadcasted_iota(jnp.int32, (4, 128), 0)
    sel_tt = ((gi2 >> 5) == si2).astype(jnp.float32)

    mask = (rc >= kf).astype(jnp.float32)
    msum = jnp.sum(mask, axis=1, keepdims=True)
    nge = jnp.dot(sel_tt, msum, precision=_HIGH)
    t_flat = nge - 1.0
    tb = jnp.dot(sel_t, t_flat, precision=_HIGH)

    fb = fb0.astype(jnp.float32)
    sel_bin = (fb == tb).astype(jnp.float32)

    def at_t(x):
        row = jnp.sum(sel_bin * x, axis=1, keepdims=True)
        return jnp.dot(sel_tt, row, precision=_HIGH)

    c_t = at_t(cntm)
    s_t = at_t(summ)
    rc_t = at_t(rc)
    rs_t = at_t(rs)

    cnt_above = rc_t - c_t
    sum_above = rs_t - s_t
    boundary = (kf - cnt_above) * s_t / jnp.maximum(c_t, 1.0)
    l_loss = jnp.sum(sum_above + boundary) / float(N * TOPK)
    g_sum = (g0_ref[0, 0] + g1_ref[0, 0] + g2_ref[0, 0] + g3_ref[0, 0])
    o_ref[0, 0] = 2.0 * l_loss + g_sum / float(NC)


def _combine(hists, gs):
    smem11 = pl.BlockSpec((1, 1), lambda: (0, 0), memory_space=pltpu.SMEM)
    return pl.pallas_call(
        _combine_body,
        in_specs=[pl.BlockSpec((1024, 128), lambda: (0, 0))] * NPART
                 + [smem11] * NPART,
        out_specs=smem11,
        out_shape=jax.ShapeDtypeStruct((1, 1), jnp.float32),
    )(*hists, *gs)


def kernel(fmap1, fmap2):
    a = fmap1.reshape(NC, H, W)
    b = fmap2.reshape(NC, H, W)
    sc = _make_sc_hist()
    hists, gs = [], []
    for p in range(NPART):
        packed, g = _phase_a(a, b, p)
        hists.append(sc(packed.reshape(-1)).reshape(1024, 128))
        gs.append(g)
    out = _combine(hists, gs)
    return out.reshape(())

# --- scband reference (transcript-rebuilt; emitter-appended) ---
"""Pipeline reference for scband-con-loss-72327249264963 (READ-ONLY COPY).

The authoritative reference and input builder live on the scoring server;
editing this copy changes nothing except your own understanding.
"""

import jax, jax.numpy as jnp
import numpy as np


def kurtosis_jnp(x, dims=(2, 3), excess=True):
    x = x - x.mean(axis=dims, keepdims=True)
    x_4 = jnp.power(x, 4).mean(axis=dims, keepdims=True)
    x_var2 = jnp.power(jnp.var(x, axis=dims, keepdims=True), 2)
    kurtosis = x_4 / x_var2
    if excess:
        kurtosis = kurtosis - 3
    # torch: .squeeze(-1).squeeze(-1).squeeze(-1) -> removes the two size-1 dims,
    # third squeeze is a no-op since C > 1. Result shape [N, C].
    kurtosis = jnp.squeeze(kurtosis, axis=(2, 3))
    return kurtosis


def setup_inputs(seed: int = 0) -> dict:
    key = jax.random.key(seed)
    k1, k2 = jax.random.split(key)
    fmap1 = jax.random.normal(k1, (4, 96, 224, 224), dtype=jnp.float32)
    fmap2 = jax.random.normal(k2, (4, 96, 224, 224), dtype=jnp.float32)
    return {"fmap1": fmap1, "fmap2": fmap2}


def reference(fmap1, fmap2):
    lw = 2
    gw = 1
    ns, cs, hs, ws = fmap1.shape
    f1 = jax.nn.sigmoid(fmap1)
    f2 = jax.nn.sigmoid(fmap2)
    l_loss = jnp.abs(f1 - f2)
    k = int(hs * ws * 0.2)
    top_vals, _ = jax.lax.top_k(l_loss.reshape(ns, -1), k)
    l_loss = jnp.mean(top_vals)
    k1 = kurtosis_jnp(f1)
    k2 = kurtosis_jnp(f2)
    g_loss = jnp.mean(jnp.abs(k1 - k2))
    return lw * l_loss + gw * g_loss

if __name__ == "__main__":
    import jax
    _d = setup_inputs()
    print(jax.jit(kernel)(*tuple(_d.values())))

</pallas_src>

<mosaic_0001>
#map = affine_map<(d0, d1) -> (0)>
module attributes {stable_mosaic.version = 14 : i64} {
  func.func @sc_hist(%arg0: i32, %arg1: i32, %arg2: memref<2752512xi32, #tpu.memory_space<hbm>>, %arg3: memref<131072xf32, #tpu.memory_space<hbm>>, %arg4: memref<14336xi32, #tpu.memory_space<vmem>>, %arg5: memref<14336xi32, #tpu.memory_space<vmem>>, %arg6: memref<4096xf32, #tpu.memory_space<vmem>>, %arg7: memref<!tpu.dma_semaphore, #tpu.memory_space<semaphore_mem>>, %arg8: memref<!tpu.dma_semaphore, #tpu.memory_space<semaphore_mem>>) attributes {dimension_semantics = [#tpu.dimension_semantics<core_parallel>, #tpu.dimension_semantics<subcore_parallel>], iteration_bounds = array<i64: 2, 16>, scalar_prefetch = 0 : i64, scratch_operands = 5 : i64, tpu.core_type = #tpu.core_type<sc_vector_subcore>, window_params = [{transform_indices = #map}, {transform_indices = #map}]} {
    %mul3A = arith.constant 2 : i32
    %mul3A_0 = arith.muli %arg1, %mul3A : i32
    %add3A = arith.addi %mul3A_0, %arg0 : i32
    %mul3A_1 = arith.constant 86016 : i32
    %mul3A_2 = arith.muli %add3A, %mul3A_1 : i32
    %broadcast_in_dim3A = arith.constant 0.000000e+00 : f32
    %broadcast_in_dim3A_3 = vector.broadcast %broadcast_in_dim3A : f32 to vector<16xf32>
    %broadcast_in_dim3A_4 = arith.constant 1.000000e+00 : f32
    %broadcast_in_dim3A_5 = vector.broadcast %broadcast_in_dim3A_4 : f32 to vector<16xf32>
    %broadcast_in_dim3A_6 = arith.constant 65535 : i32
    %broadcast_in_dim3A_7 = vector.broadcast %broadcast_in_dim3A_6 : i32 to vector<16xi32>
    %scan3A = arith.constant 0 : i32
    %scan3A_8 = arith.constant 0 : i32
    %scan3A_9 = arith.constant 256 : i32
    %scan3A_10 = arith.addi %scan3A_8, %scan3A_9 : i32
    %scan3A_11 = arith.constant 1 : i32
    scf.for %scan3A_28 = %scan3A_8 to %scan3A_10 step %scan3A_11  : i32 {
      %mul3A_29 = arith.constant 16 : i32
      %mul3A_30 = arith.muli %scan3A_28, %mul3A_29 : i32
      %swap3A = arith.index_cast %mul3A_30 : i32 to index
      %swap3A_31 = tpu.vector_load %arg6[%swap3A] {strides = array<i32>} : memref<4096xf32, #tpu.memory_space<vmem>>, vector<16xf32>,
      tpu.vector_store %arg6[%swap3A], %broadcast_in_dim3A_3 {strides = array<i32>} : memref<4096xf32, #tpu.memory_space<vmem>>, vector<16xf32>,
    }
    %scan3A_12 = arith.constant 256 : i32
    %add3A_13 = arith.constant 0 : i32
    %add3A_14 = arith.addi %mul3A_2, %add3A_13 : i32
    %dma_start3A = tpu.memref_slice %arg2[%add3A_14] : memref<2752512xi32, #tpu.memory_space<hbm>> -> memref<14336xi32, #tpu.memory_space<hbm>>
    %dma_start3A_15 = tpu.memref_slice %arg2[%add3A_14] : memref<2752512xi32, #tpu.memory_space<hbm>> -> memref<14336xi32, #tpu.memory_space<hbm>>
    tpu.enqueue_dma source(%dma_start3A_15 : memref<14336xi32, #tpu.memory_space<hbm>>) target(%arg4 : memref<14336xi32, #tpu.memory_space<vmem>>) target_semaphore(%arg7 : memref<!tpu.dma_semaphore, #tpu.memory_space<semaphore_mem>>)
    %add3A_16 = arith.constant 14336 : i32
    %add3A_17 = arith.addi %mul3A_2, %add3A_16 : i32
    %dma_start3A_18 = tpu.memref_slice %arg2[%add3A_17] : memref<2752512xi32, #tpu.memory_space<hbm>> -> memref<14336xi32, #tpu.memory_space<hbm>>
    %dma_start3A_19 = tpu.memref_slice %arg2[%add3A_17] : memref<2752512xi32, #tpu.memory_space<hbm>> -> memref<14336xi32, #tpu.memory_space<hbm>>
    tpu.enqueue_dma source(%dma_start3A_19 : memref<14336xi32, #tpu.memory_space<hbm>>) target(%arg5 : memref<14336xi32, #tpu.memory_space<vmem>>) target_semaphore(%arg8 : memref<!tpu.dma_semaphore, #tpu.memory_space<semaphore_mem>>)
    %scan3A_20 = arith.constant 0 : i32
    %scan3A_21 = arith.constant 0 : i32
    %scan3A_22 = arith.constant 3 : i32
    %scan3A_23 = arith.addi %scan3A_21, %scan3A_22 : i32
    %scan3A_24 = arith.constant 1 : i32
    scf.for %scan3A_28 = %scan3A_21 to %scan3A_23 step %scan3A_24  : i32 {
      %mul3A_29 = arith.constant 2 : i32
      %mul3A_30 = arith.muli %scan3A_28, %mul3A_29 : i32
      %add3A_31 = arith.constant 0 : i32
      %add3A_32 = arith.addi %mul3A_30, %add3A_31 : i32
      %mul3A_33 = arith.constant 14336 : i32
      %mul3A_34 = arith.muli %add3A_32, %mul3A_33 : i32
      %add3A_35 = arith.addi %mul3A_2, %mul3A_34 : i32
      %dma_wait3A = tpu.memref_slice %arg2[%add3A_35] : memref<2752512xi32, #tpu.memory_space<hbm>> -> memref<14336xi32, #tpu.memory_space<hbm>>
      %dma_wait3A_36 = tpu.memref_slice %arg2[%add3A_35] : memref<2752512xi32, #tpu.memory_space<hbm>> -> memref<14336xi32, #tpu.memory_space<hbm>>
      tpu.wait_dma2 semaphore(%arg7 : memref<!tpu.dma_semaphore, #tpu.memory_space<semaphore_mem>>) src(%dma_wait3A_36 : memref<14336xi32, #tpu.memory_space<hbm>>) dst(%arg4 : memref<14336xi32, #tpu.memory_space<vmem>>)
      %parallel_loop3A = arith.constant 0 : i32
      %parallel_loop3A_37 = arith.constant 112 : i32
      %parallel_loop3A_38 = arith.constant 1 : i32
      scf.for %parallel_loop3A_62 = %parallel_loop3A to %parallel_loop3A_37 step %parallel_loop3A_38  : i32 {
        %parallel_loop3A_63 = arith.constant 128 : i32
        %parallel_loop3A_64 = arith.muli %parallel_loop3A_62, %parallel_loop3A_63 : i32
        %parallel_loop3A_65 = arith.constant 0 : i32
        %parallel_loop3A_66 = arith.addi %parallel_loop3A_64, %parallel_loop3A_65 : i32
        %parallel_loop3A_67 = arith.index_cast %parallel_loop3A_66 : i32 to index
        %parallel_loop3A_68 = tpu.vector_load %arg4[%parallel_loop3A_67] {strides = array<i32>} : memref<14336xi32, #tpu.memory_space<vmem>>, vector<16xi32>,
        %parallel_loop3A_69 = arith.andi %parallel_loop3A_68, %broadcast_in_dim3A_7 : vector<16xi32>
        tpu.vector_store_idx %arg6[%parallel_loop3A_69], %broadcast_in_dim3A_5 {add = true} : memref<4096xf32, #tpu.memory_space<vmem>>[vector<16xi32>], vector<16xf32>,
        %parallel_loop3A_70 = arith.constant 16 : i32
        %parallel_loop3A_71 = vector.broadcast %parallel_loop3A_70 : i32 to vector<16xi32>
        %parallel_loop3A_72 = arith.shrsi %parallel_loop3A_68, %parallel_loop3A_71 : vector<16xi32>
        tpu.vector_store_idx %arg6[%parallel_loop3A_72], %broadcast_in_dim3A_5 {add = true} : memref<4096xf32, #tpu.memory_space<vmem>>[vector<16xi32>], vector<16xf32>,
        %parallel_loop3A_73 = arith.constant 128 : i32
        %parallel_loop3A_74 = arith.muli %parallel_loop3A_62, %parallel_loop3A_73 : i32
        %parallel_loop3A_75 = arith.constant 16 : i32
        %parallel_loop3A_76 = arith.addi %parallel_loop3A_74, %parallel_loop3A_75 : i32
        %parallel_loop3A_77 = arith.index_cast %parallel_loop3A_76 : i32 to index
        %parallel_loop3A_78 = tpu.vector_load %arg4[%parallel_loop3A_77] {strides = array<i32>} : memref<14336xi32, #tpu.memory_space<vmem>>, vector<16xi32>,
        %parallel_loop3A_79 = arith.andi %parallel_loop3A_78, %broadcast_in_dim3A_7 : vector<16xi32>
        tpu.vector_store_idx %arg6[%parallel_loop3A_79], %broadcast_in_dim3A_5 {add = true} : memref<4096xf32, #tpu.memory_space<vmem>>[vector<16xi32>], vector<16xf32>,
        %parallel_loop3A_80 = arith.constant 16 : i32
        %parallel_loop3A_81 = vector.broadcast %parallel_loop3A_80 : i32 to vector<16xi32>
        %parallel_loop3A_82 = arith.shrsi %parallel_loop3A_78, %parallel_loop3A_81 : vector<16xi32>
        tpu.vector_store_idx %arg6[%parallel_loop3A_82], %broadcast_in_dim3A_5 {add = true} : memref<4096xf32, #tpu.memory_space<vmem>>[vector<16xi32>], vector<16xf32>,
        %parallel_loop3A_83 = arith.constant 128 : i32
        %parallel_loop3A_84 = arith.muli %parallel_loop3A_62, %parallel_loop3A_83 : i32
        %parallel_loop3A_85 = arith.constant 32 : i32
        %parallel_loop3A_86 = arith.addi %parallel_loop3A_84, %parallel_loop3A_85 : i32
        %parallel_loop3A_87 = arith.index_cast %parallel_loop3A_86 : i32 to index
        %parallel_loop3A_88 = tpu.vector_load %arg4[%parallel_loop3A_87] {strides = array<i32>} : memref<14336xi32, #tpu.memory_space<vmem>>, vector<16xi32>,
        %parallel_loop3A_89 = arith.andi %parallel_loop3A_88, %broadcast_in_dim3A_7 : vector<16xi32>
        tpu.vector_store_idx %arg6[%parallel_loop3A_89], %broadcast_in_dim3A_5 {add = true} : memref<4096xf32, #tpu.memory_space<vmem>>[vector<16xi32>], vector<16xf32>,
        %parallel_loop3A_90 = arith.constant 16 : i32
        %parallel_loop3A_91 = vector.broadcast %parallel_loop3A_90 : i32 to vector<16xi32>
        %parallel_loop3A_92 = arith.shrsi %parallel_loop3A_88, %parallel_loop3A_91 : vector<16xi32>
        tpu.vector_store_idx %arg6[%parallel_loop3A_92], %broadcast_in_dim3A_5 {add = true} : memref<4096xf32, #tpu.memory_space<vmem>>[vector<16xi32>], vector<16xf32>,
        %parallel_loop3A_93 = arith.constant 128 : i32
        %parallel_loop3A_94 = arith.muli %parallel_loop3A_62, %parallel_loop3A_93 : i32
        %parallel_loop3A_95 = arith.constant 48 : i32
        %parallel_loop3A_96 = arith.addi %parallel_loop3A_94, %parallel_loop3A_95 : i32
        %parallel_loop3A_97 = arith.index_cast %parallel_loop3A_96 : i32 to index
        %parallel_loop3A_98 = tpu.vector_load %arg4[%parallel_loop3A_97] {strides = array<i32>} : memref<14336xi32, #tpu.memory_space<vmem>>, vector<16xi32>,
        %parallel_loop3A_99 = arith.andi %parallel_loop3A_98, %broadcast_in_dim3A_7 : vector<16xi32>
        tpu.vector_store_idx %arg6[%parallel_loop3A_99], %broadcast_in_dim3A_5 {add = true} : memref<4096xf32, #tpu.memory_space<vmem>>[vector<16xi32>], vector<16xf32>,
        %parallel_loop3A_100 = arith.constant 16 : i32
        %parallel_loop3A_101 = vector.broadcast %parallel_loop3A_100 : i32 to vector<16xi32>
        %parallel_loop3A_102 = arith.shrsi %parallel_loop3A_98, %parallel_loop3A_101 : vector<16xi32>
        tpu.vector_store_idx %arg6[%parallel_loop3A_102], %broadcast_in_dim3A_5 {add = true} : memref<4096xf32, #tpu.memory_space<vmem>>[vector<16xi32>], vector<16xf32>,
        %parallel_loop3A_103 = arith.constant 128 : i32
        %parallel_loop3A_104 = arith.muli %parallel_loop3A_62, %parallel_loop3A_103 : i32
        %parallel_loop3A_105 = arith.constant 64 : i32
        %parallel_loop3A_106 = arith.addi %parallel_loop3A_104, %parallel_loop3A_105 : i32
        %parallel_loop3A_107 = arith.index_cast %parallel_loop3A_106 : i32 to index
        %parallel_loop3A_108 = tpu.vector_load %arg4[%parallel_loop3A_107] {strides = array<i32>} : memref<14336xi32, #tpu.memory_space<vmem>>, vector<16xi32>,
        %parallel_loop3A_109 = arith.andi %parallel_loop3A_108, %broadcast_in_dim3A_7 : vector<16xi32>
        tpu.vector_store_idx %arg6[%parallel_loop3A_109], %broadcast_in_dim3A_5 {add = true} : memref<4096xf32, #tpu.memory_space<vmem>>[vector<16xi32>], vector<16xf32>,
        %parallel_loop3A_110 = arith.constant 16 : i32
        %parallel_loop3A_111 = vector.broadcast %parallel_loop3A_110 : i32 to vector<16xi32>
        %parallel_loop3A_112 = arith.shrsi %parallel_loop3A_108, %parallel_loop3A_111 : vector<16xi32>
        tpu.vector_store_idx %arg6[%parallel_loop3A_112], %broadcast_in_dim3A_5 {add = true} : memref<4096xf32, #tpu.memory_space<vmem>>[vector<16xi32>], vector<16xf32>,
        %parallel_loop3A_113 = arith.constant 128 : i32
        %parallel_loop3A_114 = arith.muli %parallel_loop3A_62, %parallel_loop3A_113 : i32
        %parallel_loop3A_115 = arith.constant 80 : i32
        %parallel_loop3A_116 = arith.addi %parallel_loop3A_114, %parallel_loop3A_115 : i32
        %parallel_loop3A_117 = arith.index_cast %parallel_loop3A_116 : i32 to index
        %parallel_loop3A_118 = tpu.vector_load %arg4[%parallel_loop3A_117] {strides = array<i32>} : memref<14336xi32, #tpu.memory_space<vmem>>, vector<16xi32>,
        %parallel_loop3A_119 = arith.andi %parallel_loop3A_118, %broadcast_in_dim3A_7 : vector<16xi32>
        tpu.vector_store_idx %arg6[%parallel_loop3A_119], %broadcast_in_dim3A_5 {add = true} : memref<4096xf32, #tpu.memory_space<vmem>>[vector<16xi32>], vector<16xf32>,
        %parallel_loop3A_120 = arith.constant 16 : i32
        %parallel_loop3A_121 = vector.broadcast %parallel_loop3A_120 : i32 to vector<16xi32>
        %parallel_loop3A_122 = arith.shrsi %parallel_loop3A_118, %parallel_loop3A_121 : vector<16xi32>
        tpu.vector_store_idx %arg6[%parallel_loop3A_122], %broadcast_in_dim3A_5 {add = true} : memref<4096xf32, #tpu.memory_space<vmem>>[vector<16xi32>], vector<16xf32>,
        %parallel_loop3A_123 = arith.constant 128 : i32
        %parallel_loop3A_124 = arith.muli %parallel_loop3A_62, %parallel_loop3A_123 : i32
        %parallel_loop3A_125 = arith.constant 96 : i32
        %parallel_loop3A_126 = arith.addi %parallel_loop3A_124, %parallel_loop3A_125 : i32
        %parallel_loop3A_127 = arith.index_cast %parallel_loop3A_126 : i32 to index
        %parallel_loop3A_128 = tpu.vector_load %arg4[%parallel_loop3A_127] {strides = array<i32>} : memref<14336xi32, #tpu.memory_space<vmem>>, vector<16xi32>,
        %parallel_loop3A_129 = arith.andi %parallel_loop3A_128, %broadcast_in_dim3A_7 : vector<16xi32>
        tpu.vector_store_idx %arg6[%parallel_loop3A_129], %broadcast_in_dim3A_5 {add = true} : memref<4096xf32, #tpu.memory_space<vmem>>[vector<16xi32>], vector<16xf32>,
        %parallel_loop3A_130 = arith.constant 128 : i32
        %parallel_loop3A_131 = arith.muli %parallel_loop3A_62, %parallel_loop3A_130 : i32
        %parallel_loop3A_132 = arith.constant 112 : i32
        %parallel_loop3A_133 = arith.addi %parallel_loop3A_131, %parallel_loop3A_132 : i32
        %parallel_loop3A_134 = arith.index_cast %parallel_loop3A_133 : i32 to index
        %parallel_loop3A_135 = tpu.vector_load %arg4[%parallel_loop3A_134] {strides = array<i32>} : memref<14336xi32, #tpu.memory_space<vmem>>, vector<16xi32>,
        %parallel_loop3A_136 = arith.andi %parallel_loop3A_135, %broadcast_in_dim3A_7 : vector<16xi32>
        tpu.vector_store_idx %arg6[%parallel_loop3A_136], %broadcast_in_dim3A_5 {add = true} : memref<4096xf32, #tpu.memory_space<vmem>>[vector<16xi32>], vector<16xf32>,
      } {sc.loop_unroll_factor = 2 : i64, sc.parallel_access}
      %add3A_39 = arith.constant 2 : i32
      %add3A_40 = arith.addi %add3A_32, %add3A_39 : i32
      %lt3A = arith.constant 6 : i32
      %lt3A_41 = arith.cmpi slt, %add3A_40, %lt3A : i32
      %convert_element_type3A = arith.extui %lt3A_41 : i1 to i32
      %cond3A = arith.constant 0 : i32
      %cond3A_42 = arith.cmpi ne, %convert_element_type3A, %cond3A : i32
      scf.if %cond3A_42 {
        %add3A_62 = arith.constant 2 : i32
        %add3A_63 = arith.addi %add3A_32, %add3A_62 : i32
        %mul3A_64 = arith.constant 14336 : i32
        %mul3A_65 = arith.muli %add3A_63, %mul3A_64 : i32
        %add3A_66 = arith.addi %mul3A_2, %mul3A_65 : i32
        %dma_start3A_67 = tpu.memref_slice %arg2[%add3A_66] : memref<2752512xi32, #tpu.memory_space<hbm>> -> memref<14336xi32, #tpu.memory_space<hbm>>
        %dma_start3A_68 = tpu.memref_slice %arg2[%add3A_66] : memref<2752512xi32, #tpu.memory_space<hbm>> -> memref<14336xi32, #tpu.memory_space<hbm>>
        tpu.enqueue_dma source(%dma_start3A_68 : memref<14336xi32, #tpu.memory_space<hbm>>) target(%arg4 : memref<14336xi32, #tpu.memory_space<vmem>>) target_semaphore(%arg7 : memref<!tpu.dma_semaphore, #tpu.memory_space<semaphore_mem>>)
      } else {
      }
      %mul3A_43 = arith.constant 2 : i32
      %mul3A_44 = arith.muli %scan3A_28, %mul3A_43 : i32
      %add3A_45 = arith.constant 1 : i32
      %add3A_46 = arith.addi %mul3A_44, %add3A_45 : i32
      %mul3A_47 = arith.constant 14336 : i32
      %mul3A_48 = arith.muli %add3A_46, %mul3A_47 : i32
      %add3A_49 = arith.addi %mul3A_2, %mul3A_48 : i32
      %dma_wait3A_50 = tpu.memref_slice %arg2[%add3A_49] : memref<2752512xi32, #tpu.memory_space<hbm>> -> memref<14336xi32, #tpu.memory_space<hbm>>
      %dma_wait3A_51 = tpu.memref_slice %arg2[%add3A_49] : memref<2752512xi32, #tpu.memory_space<hbm>> -> memref<14336xi32, #tpu.memory_space<hbm>>
      tpu.wait_dma2 semaphore(%arg8 : memref<!tpu.dma_semaphore, #tpu.memory_space<semaphore_mem>>) src(%dma_wait3A_51 : memref<14336xi32, #tpu.memory_space<hbm>>) dst(%arg5 : memref<14336xi32, #tpu.memory_space<vmem>>)
      %parallel_loop3A_52 = arith.constant 0 : i32
      %parallel_loop3A_53 = arith.constant 112 : i32
      %parallel_loop3A_54 = arith.constant 1 : i32
      scf.for %parallel_loop3A_62 = %parallel_loop3A_52 to %parallel_loop3A_53 step %parallel_loop3A_54  : i32 {
        %parallel_loop3A_63 = arith.constant 128 : i32
        %parallel_loop3A_64 = arith.muli %parallel_loop3A_62, %parallel_loop3A_63 : i32
        %parallel_loop3A_65 = arith.constant 0 : i32
        %parallel_loop3A_66 = arith.addi %parallel_loop3A_64, %parallel_loop3A_65 : i32
        %parallel_loop3A_67 = arith.index_cast %parallel_loop3A_66 : i32 to index
        %parallel_loop3A_68 = tpu.vector_load %arg5[%parallel_loop3A_67] {strides = array<i32>} : memref<14336xi32, #tpu.memory_space<vmem>>, vector<16xi32>,
        %parallel_loop3A_69 = arith.andi %parallel_loop3A_68, %broadcast_in_dim3A_7 : vector<16xi32>
        tpu.vector_store_idx %arg6[%parallel_loop3A_69], %broadcast_in_dim3A_5 {add = true} : memref<4096xf32, #tpu.memory_space<vmem>>[vector<16xi32>], vector<16xf32>,
        %parallel_loop3A_70 = arith.constant 16 : i32
        %parallel_loop3A_71 = vector.broadcast %parallel_loop3A_70 : i32 to vector<16xi32>
        %parallel_loop3A_72 = arith.shrsi %parallel_loop3A_68, %parallel_loop3A_71 : vector<16xi32>
        tpu.vector_store_idx %arg6[%parallel_loop3A_72], %broadcast_in_dim3A_5 {add = true} : memref<4096xf32, #tpu.memory_space<vmem>>[vector<16xi32>], vector<16xf32>,
        %parallel_loop3A_73 = arith.constant 128 : i32
        %parallel_loop3A_74 = arith.muli %parallel_loop3A_62, %parallel_loop3A_73 : i32
        %parallel_loop3A_75 = arith.constant 16 : i32
        %parallel_loop3A_76 = arith.addi %parallel_loop3A_74, %parallel_loop3A_75 : i32
        %parallel_loop3A_77 = arith.index_cast %parallel_loop3A_76 : i32 to index
        %parallel_loop3A_78 = tpu.vector_load %arg5[%parallel_loop3A_77] {strides = array<i32>} : memref<14336xi32, #tpu.memory_space<vmem>>, vector<16xi32>,
        %parallel_loop3A_79 = arith.andi %parallel_loop3A_78, %broadcast_in_dim3A_7 : vector<16xi32>
        tpu.vector_store_idx %arg6[%parallel_loop3A_79], %broadcast_in_dim3A_5 {add = true} : memref<4096xf32, #tpu.memory_space<vmem>>[vector<16xi32>], vector<16xf32>,
        %parallel_loop3A_80 = arith.constant 16 : i32
        %parallel_loop3A_81 = vector.broadcast %parallel_loop3A_80 : i32 to vector<16xi32>
        %parallel_loop3A_82 = arith.shrsi %parallel_loop3A_78, %parallel_loop3A_81 : vector<16xi32>
        tpu.vector_store_idx %arg6[%parallel_loop3A_82], %broadcast_in_dim3A_5 {add = true} : memref<4096xf32, #tpu.memory_space<vmem>>[vector<16xi32>], vector<16xf32>,
        %parallel_loop3A_83 = arith.constant 128 : i32
        %parallel_loop3A_84 = arith.muli %parallel_loop3A_62, %parallel_loop3A_83 : i32
        %parallel_loop3A_85 = arith.constant 32 : i32
        %parallel_loop3A_86 = arith.addi %parallel_loop3A_84, %parallel_loop3A_85 : i32
        %parallel_loop3A_87 = arith.index_cast %parallel_loop3A_86 : i32 to index
        %parallel_loop3A_88 = tpu.vector_load %arg5[%parallel_loop3A_87] {strides = array<i32>} : memref<14336xi32, #tpu.memory_space<vmem>>, vector<16xi32>,
        %parallel_loop3A_89 = arith.andi %parallel_loop3A_88, %broadcast_in_dim3A_7 : vector<16xi32>
        tpu.vector_store_idx %arg6[%parallel_loop3A_89], %broadcast_in_dim3A_5 {add = true} : memref<4096xf32, #tpu.memory_space<vmem>>[vector<16xi32>], vector<16xf32>,
        %parallel_loop3A_90 = arith.constant 16 : i32
        %parallel_loop3A_91 = vector.broadcast %parallel_loop3A_90 : i32 to vector<16xi32>
        %parallel_loop3A_92 = arith.shrsi %parallel_loop3A_88, %parallel_loop3A_91 : vector<16xi32>
        tpu.vector_store_idx %arg6[%parallel_loop3A_92], %broadcast_in_dim3A_5 {add = true} : memref<4096xf32, #tpu.memory_space<vmem>>[vector<16xi32>], vector<16xf32>,
        %parallel_loop3A_93 = arith.constant 128 : i32
        %parallel_loop3A_94 = arith.muli %parallel_loop3A_62, %parallel_loop3A_93 : i32
        %parallel_loop3A_95 = arith.constant 48 : i32
        %parallel_loop3A_96 = arith.addi %parallel_loop3A_94, %parallel_loop3A_95 : i32
        %parallel_loop3A_97 = arith.index_cast %parallel_loop3A_96 : i32 to index
        %parallel_loop3A_98 = tpu.vector_load %arg5[%parallel_loop3A_97] {strides = array<i32>} : memref<14336xi32, #tpu.memory_space<vmem>>, vector<16xi32>,
        %parallel_loop3A_99 = arith.andi %parallel_loop3A_98, %broadcast_in_dim3A_7 : vector<16xi32>
        tpu.vector_store_idx %arg6[%parallel_loop3A_99], %broadcast_in_dim3A_5 {add = true} : memref<4096xf32, #tpu.memory_space<vmem>>[vector<16xi32>], vector<16xf32>,
        %parallel_loop3A_100 = arith.constant 16 : i32
        %parallel_loop3A_101 = vector.broadcast %parallel_loop3A_100 : i32 to vector<16xi32>
        %parallel_loop3A_102 = arith.shrsi %parallel_loop3A_98, %parallel_loop3A_101 : vector<16xi32>
        tpu.vector_store_idx %arg6[%parallel_loop3A_102], %broadcast_in_dim3A_5 {add = true} : memref<4096xf32, #tpu.memory_space<vmem>>[vector<16xi32>], vector<16xf32>,
        %parallel_loop3A_103 = arith.constant 128 : i32
        %parallel_loop3A_104 = arith.muli %parallel_loop3A_62, %parallel_loop3A_103 : i32
        %parallel_loop3A_105 = arith.constant 64 : i32
        %parallel_loop3A_106 = arith.addi %parallel_loop3A_104, %parallel_loop3A_105 : i32
        %parallel_loop3A_107 = arith.index_cast %parallel_loop3A_106 : i32 to index
        %parallel_loop3A_108 = tpu.vector_load %arg5[%parallel_loop3A_107] {strides = array<i32>} : memref<14336xi32, #tpu.memory_space<vmem>>, vector<16xi32>,
        %parallel_loop3A_109 = arith.andi %parallel_loop3A_108, %broadcast_in_dim3A_7 : vector<16xi32>
        tpu.vector_store_idx %arg6[%parallel_loop3A_109], %broadcast_in_dim3A_5 {add = true} : memref<4096xf32, #tpu.memory_space<vmem>>[vector<16xi32>], vector<16xf32>,
        %parallel_loop3A_110 = arith.constant 16 : i32
        %parallel_loop3A_111 = vector.broadcast %parallel_loop3A_110 : i32 to vector<16xi32>
        %parallel_loop3A_112 = arith.shrsi %parallel_loop3A_108, %parallel_loop3A_111 : vector<16xi32>
        tpu.vector_store_idx %arg6[%parallel_loop3A_112], %broadcast_in_dim3A_5 {add = true} : memref<4096xf32, #tpu.memory_space<vmem>>[vector<16xi32>], vector<16xf32>,
        %parallel_loop3A_113 = arith.constant 128 : i32
        %parallel_loop3A_114 = arith.muli %parallel_loop3A_62, %parallel_loop3A_113 : i32
        %parallel_loop3A_115 = arith.constant 80 : i32
        %parallel_loop3A_116 = arith.addi %parallel_loop3A_114, %parallel_loop3A_115 : i32
        %parallel_loop3A_117 = arith.index_cast %parallel_loop3A_116 : i32 to index
        %parallel_loop3A_118 = tpu.vector_load %arg5[%parallel_loop3A_117] {strides = array<i32>} : memref<14336xi32, #tpu.memory_space<vmem>>, vector<16xi32>,
        %parallel_loop3A_119 = arith.andi %parallel_loop3A_118, %broadcast_in_dim3A_7 : vector<16xi32>
        tpu.vector_store_idx %arg6[%parallel_loop3A_119], %broadcast_in_dim3A_5 {add = true} : memref<4096xf32, #tpu.memory_space<vmem>>[vector<16xi32>], vector<16xf32>,
        %parallel_loop3A_120 = arith.constant 16 : i32
        %parallel_loop3A_121 = vector.broadcast %parallel_loop3A_120 : i32 to vector<16xi32>
        %parallel_loop3A_122 = arith.shrsi %parallel_loop3A_118, %parallel_loop3A_121 : vector<16xi32>
        tpu.vector_store_idx %arg6[%parallel_loop3A_122], %broadcast_in_dim3A_5 {add = true} : memref<4096xf32, #tpu.memory_space<vmem>>[vector<16xi32>], vector<16xf32>,
        %parallel_loop3A_123 = arith.constant 128 : i32
        %parallel_loop3A_124 = arith.muli %parallel_loop3A_62, %parallel_loop3A_123 : i32
        %parallel_loop3A_125 = arith.constant 96 : i32
        %parallel_loop3A_126 = arith.addi %parallel_loop3A_124, %parallel_loop3A_125 : i32
        %parallel_loop3A_127 = arith.index_cast %parallel_loop3A_126 : i32 to index
        %parallel_loop3A_128 = tpu.vector_load %arg5[%parallel_loop3A_127] {strides = array<i32>} : memref<14336xi32, #tpu.memory_space<vmem>>, vector<16xi32>,
        %parallel_loop3A_129 = arith.andi %parallel_loop3A_128, %broadcast_in_dim3A_7 : vector<16xi32>
        tpu.vector_store_idx %arg6[%parallel_loop3A_129], %broadcast_in_dim3A_5 {add = true} : memref<4096xf32, #tpu.memory_space<vmem>>[vector<16xi32>], vector<16xf32>,
        %parallel_loop3A_130 = arith.constant 128 : i32
        %parallel_loop3A_131 = arith.muli %parallel_loop3A_62, %parallel_loop3A_130 : i32
        %parallel_loop3A_132 = arith.constant 112 : i32
        %parallel_loop3A_133 = arith.addi %parallel_loop3A_131, %parallel_loop3A_132 : i32
        %parallel_loop3A_134 = arith.index_cast %parallel_loop3A_133 : i32 to index
        %parallel_loop3A_135 = tpu.vector_load %arg5[%parallel_loop3A_134] {strides = array<i32>} : memref<14336xi32, #tpu.memory_space<vmem>>, vector<16xi32>,
        %parallel_loop3A_136 = arith.andi %parallel_loop3A_135, %broadcast_in_dim3A_7 : vector<16xi32>
        tpu.vector_store_idx %arg6[%parallel_loop3A_136], %broadcast_in_dim3A_5 {add = true} : memref<4096xf32, #tpu.memory_space<vmem>>[vector<16xi32>], vector<16xf32>,
      } {sc.loop_unroll_factor = 2 : i64, sc.parallel_access}
      %add3A_55 = arith.constant 2 : i32
      %add3A_56 = arith.addi %add3A_46, %add3A_55 : i32
      %lt3A_57 = arith.constant 6 : i32
      %lt3A_58 = arith.cmpi slt, %add3A_56, %lt3A_57 : i32
      %convert_element_type3A_59 = arith.extui %lt3A_58 : i1 to i32
      %cond3A_60 = arith.constant 0 : i32
      %cond3A_61 = arith.cmpi ne, %convert_element_type3A_59, %cond3A_60 : i32
      scf.if %cond3A_61 {
        %add3A_62 = arith.constant 2 : i32
        %add3A_63 = arith.addi %add3A_46, %add3A_62 : i32
        %mul3A_64 = arith.constant 14336 : i32
        %mul3A_65 = arith.muli %add3A_63, %mul3A_64 : i32
        %add3A_66 = arith.addi %mul3A_2, %mul3A_65 : i32
        %dma_start3A_67 = tpu.memref_slice %arg2[%add3A_66] : memref<2752512xi32, #tpu.memory_space<hbm>> -> memref<14336xi32, #tpu.memory_space<hbm>>
        %dma_start3A_68 = tpu.memref_slice %arg2[%add3A_66] : memref<2752512xi32, #tpu.memory_space<hbm>> -> memref<14336xi32, #tpu.memory_space<hbm>>
        tpu.enqueue_dma source(%dma_start3A_68 : memref<14336xi32, #tpu.memory_space<hbm>>) target(%arg5 : memref<14336xi32, #tpu.memory_space<vmem>>) target_semaphore(%arg8 : memref<!tpu.dma_semaphore, #tpu.memory_space<semaphore_mem>>)
      } else {
      }
    }
    %scan3A_25 = arith.constant 3 : i32
    %mul3A_26 = arith.constant 4096 : i32
    %mul3A_27 = arith.muli %add3A, %mul3A_26 : i32
    "tpu.region"() ({
      %run_scoped3A = tpu.sem_alloc : memref<!tpu.dma_semaphore, #tpu.memory_space<semaphore_mem>>
      %dma_start3A_28 = tpu.memref_slice %arg3[%mul3A_27] : memref<131072xf32, #tpu.memory_space<hbm>> -> memref<4096xf32, #tpu.memory_space<hbm>>
      %dma_start3A_29 = tpu.memref_slice %arg3[%mul3A_27] : memref<131072xf32, #tpu.memory_space<hbm>> -> memref<4096xf32, #tpu.memory_space<hbm>>
      tpu.enqueue_dma source(%arg6 : memref<4096xf32, #tpu.memory_space<vmem>>) target(%dma_start3A_29 : memref<4096xf32, #tpu.memory_space<hbm>>) target_semaphore(%run_scoped3A : memref<!tpu.dma_semaphore, #tpu.memory_space<semaphore_mem>>)
      %dma_wait3A = tpu.memref_slice %arg3[%mul3A_27] : memref<131072xf32, #tpu.memory_space<hbm>> -> memref<4096xf32, #tpu.memory_space<hbm>>
      %dma_wait3A_30 = tpu.memref_slice %arg3[%mul3A_27] : memref<131072xf32, #tpu.memory_space<hbm>> -> memref<4096xf32, #tpu.memory_space<hbm>>
      tpu.wait_dma2 semaphore(%run_scoped3A : memref<!tpu.dma_semaphore, #tpu.memory_space<semaphore_mem>>) src(%arg6 : memref<4096xf32, #tpu.memory_space<vmem>>) dst(%dma_wait3A_30 : memref<4096xf32, #tpu.memory_space<hbm>>)
      tpu.yield
    }) : () -> ()
    return
  }
}

#map = affine_map<(d0, d1) -> (0)>
module attributes {stable_mosaic.version = 14 : i64} {
  func.func @sc_hist(%arg0: i32, %arg1: i32, %arg2: memref<2752512xi32, #tpu.memory_space<hbm>>, %arg3: memref<131072xf32, #tpu.memory_space<hbm>>, %arg4: memref<14336xi32, #tpu.memory_space<vmem>>, %arg5: memref<14336xi32, #tpu.memory_space<vmem>>, %arg6: memref<4096xf32, #tpu.memory_space<vmem>>, %arg7: memref<!tpu.dma_semaphore, #tpu.memory_space<semaphore_mem>>, %arg8: memref<!tpu.dma_semaphore, #tpu.memory_space<semaphore_mem>>) attributes {dimension_semantics = [#tpu.dimension_semantics<core_parallel>, #tpu.dimension_semantics<subcore_parallel>], iteration_bounds = array<i64: 2, 16>, scalar_prefetch = 0 : i64, scratch_operands = 5 : i64, tpu.core_type = #tpu.core_type<sc_vector_subcore>, window_params = [{transform_indices = #map}, {transform_indices = #map}]} {
    %mul3A = arith.constant 2 : i32
    %mul3A_0 = arith.muli %arg1, %mul3A : i32
    %add3A = arith.addi %mul3A_0, %arg0 : i32
    %mul3A_1 = arith.constant 86016 : i32
    %mul3A_2 = arith.muli %add3A, %mul3A_1 : i32
    %broadcast_in_dim3A = arith.constant 0.000000e+00 : f32
    %broadcast_in_dim3A_3 = vector.broadcast %broadcast_in_dim3A : f32 to vector<16xf32>
    %broadcast_in_dim3A_4 = arith.constant 1.000000e+00 : f32
    %broadcast_in_dim3A_5 = vector.broadcast %broadcast_in_dim3A_4 : f32 to vector<16xf32>
    %broadcast_in_dim3A_6 = arith.constant 65535 : i32
    %broadcast_in_dim3A_7 = vector.broadcast %broadcast_in_dim3A_6 : i32 to vector<16xi32>
    %scan3A = arith.constant 0 : i32
    %scan3A_8 = arith.constant 0 : i32
    %scan3A_9 = arith.constant 256 : i32
    %scan3A_10 = arith.addi %scan3A_8, %scan3A_9 : i32
    %scan3A_11 = arith.constant 1 : i32
    scf.for %scan3A_28 = %scan3A_8 to %scan3A_10 step %scan3A_11  : i32 {
      %mul3A_29 = arith.constant 16 : i32
      %mul3A_30 = arith.muli %scan3A_28, %mul3A_29 : i32
      %swap3A = arith.index_cast %mul3A_30 : i32 to index
      %swap3A_31 = tpu.vector_load %arg6[%swap3A] {strides = array<i32>} : memref<4096xf32, #tpu.memory_space<vmem>>, vector<16xf32>,
      tpu.vector_store %arg6[%swap3A], %broadcast_in_dim3A_3 {strides = array<i32>} : memref<4096xf32, #tpu.memory_space<vmem>>, vector<16xf32>,
    }
    %scan3A_12 = arith.constant 256 : i32
    %add3A_13 = arith.constant 0 : i32
    %add3A_14 = arith.addi %mul3A_2, %add3A_13 : i32
    %dma_start3A = tpu.memref_slice %arg2[%add3A_14] : memref<2752512xi32, #tpu.memory_space<hbm>> -> memref<14336xi32, #tpu.memory_space<hbm>>
    %dma_start3A_15 = tpu.memref_slice %arg2[%add3A_14] : memref<2752512xi32, #tpu.memory_space<hbm>> -> memref<14336xi32, #tpu.memory_space<hbm>>
    tpu.enqueue_dma source(%dma_start3A_15 : memref<14336xi32, #tpu.memory_space<hbm>>) target(%arg4 : memref<14336xi32, #tpu.memory_space<vmem>>) target_semaphore(%arg7 : memref<!tpu.dma_semaphore, #tpu.memory_space<semaphore_mem>>)
    %add3A_16 = arith.constant 14336 : i32
    %add3A_17 = arith.addi %mul3A_2, %add3A_16 : i32
    %dma_start3A_18 = tpu.memref_slice %arg2[%add3A_17] : memref<2752512xi32, #tpu.memory_space<hbm>> -> memref<14336xi32, #tpu.memory_space<hbm>>
    %dma_start3A_19 = tpu.memref_slice %arg2[%add3A_17] : memref<2752512xi32, #tpu.memory_space<hbm>> -> memref<14336xi32, #tpu.memory_space<hbm>>
    tpu.enqueue_dma source(%dma_start3A_19 : memref<14336xi32, #tpu.memory_space<hbm>>) target(%arg5 : memref<14336xi32, #tpu.memory_space<vmem>>) target_semaphore(%arg8 : memref<!tpu.dma_semaphore, #tpu.memory_space<semaphore_mem>>)
    %scan3A_20 = arith.constant 0 : i32
    %scan3A_21 = arith.constant 0 : i32
    %scan3A_22 = arith.constant 3 : i32
    %scan3A_23 = arith.addi %scan3A_21, %scan3A_22 : i32
    %scan3A_24 = arith.constant 1 : i32
    scf.for %scan3A_28 = %scan3A_21 to %scan3A_23 step %scan3A_24  : i32 {
      %mul3A_29 = arith.constant 2 : i32
      %mul3A_30 = arith.muli %scan3A_28, %mul3A_29 : i32
      %add3A_31 = arith.constant 0 : i32
      %add3A_32 = arith.addi %mul3A_30, %add3A_31 : i32
      %mul3A_33 = arith.constant 14336 : i32
      %mul3A_34 = arith.muli %add3A_32, %mul3A_33 : i32
      %add3A_35 = arith.addi %mul3A_2, %mul3A_34 : i32
      %dma_wait3A = tpu.memref_slice %arg2[%add3A_35] : memref<2752512xi32, #tpu.memory_space<hbm>> -> memref<14336xi32, #tpu.memory_space<hbm>>
      %dma_wait3A_36 = tpu.memref_slice %arg2[%add3A_35] : memref<2752512xi32, #tpu.memory_space<hbm>> -> memref<14336xi32, #tpu.memory_space<hbm>>
      tpu.wait_dma2 semaphore(%arg7 : memref<!tpu.dma_semaphore, #tpu.memory_space<semaphore_mem>>) src(%dma_wait3A_36 : memref<14336xi32, #tpu.memory_space<hbm>>) dst(%arg4 : memref<14336xi32, #tpu.memory_space<vmem>>)
      %parallel_loop3A = arith.constant 0 : i32
      %parallel_loop3A_37 = arith.constant 112 : i32
      %parallel_loop3A_38 = arith.constant 1 : i32
      scf.for %parallel_loop3A_62 = %parallel_loop3A to %parallel_loop3A_37 step %parallel_loop3A_38  : i32 {
        %parallel_loop3A_63 = arith.constant 128 : i32
        %parallel_loop3A_64 = arith.muli %parallel_loop3A_62, %parallel_loop3A_63 : i32
        %parallel_loop3A_65 = arith.constant 0 : i32
        %parallel_loop3A_66 = arith.addi %parallel_loop3A_64, %parallel_loop3A_65 : i32
        %parallel_loop3A_67 = arith.index_cast %parallel_loop3A_66 : i32 to index
        %parallel_loop3A_68 = tpu.vector_load %arg4[%parallel_loop3A_67] {strides = array<i32>} : memref<14336xi32, #tpu.memory_space<vmem>>, vector<16xi32>,
        %parallel_loop3A_69 = arith.andi %parallel_loop3A_68, %broadcast_in_dim3A_7 : vector<16xi32>
        tpu.vector_store_idx %arg6[%parallel_loop3A_69], %broadcast_in_dim3A_5 {add = true} : memref<4096xf32, #tpu.memory_space<vmem>>[vector<16xi32>], vector<16xf32>,
        %parallel_loop3A_70 = arith.constant 16 : i32
        %parallel_loop3A_71 = vector.broadcast %parallel_loop3A_70 : i32 to vector<16xi32>
        %parallel_loop3A_72 = arith.shrsi %parallel_loop3A_68, %parallel_loop3A_71 : vector<16xi32>
        tpu.vector_store_idx %arg6[%parallel_loop3A_72], %broadcast_in_dim3A_5 {add = true} : memref<4096xf32, #tpu.memory_space<vmem>>[vector<16xi32>], vector<16xf32>,
        %parallel_loop3A_73 = arith.constant 128 : i32
        %parallel_loop3A_74 = arith.muli %parallel_loop3A_62, %parallel_loop3A_73 : i32
        %parallel_loop3A_75 = arith.constant 16 : i32
        %parallel_loop3A_76 = arith.addi %parallel_loop3A_74, %parallel_loop3A_75 : i32
        %parallel_loop3A_77 = arith.index_cast %parallel_loop3A_76 : i32 to index
        %parallel_loop3A_78 = tpu.vector_load %arg4[%parallel_loop3A_77] {strides = array<i32>} : memref<14336xi32, #tpu.memory_space<vmem>>, vector<16xi32>,
        %parallel_loop3A_79 = arith.andi %parallel_loop3A_78, %broadcast_in_dim3A_7 : vector<16xi32>
        tpu.vector_store_idx %arg6[%parallel_loop3A_79], %broadcast_in_dim3A_5 {add = true} : memref<4096xf32, #tpu.memory_space<vmem>>[vector<16xi32>], vector<16xf32>,
        %parallel_loop3A_80 = arith.constant 16 : i32
        %parallel_loop3A_81 = vector.broadcast %parallel_loop3A_80 : i32 to vector<16xi32>
        %parallel_loop3A_82 = arith.shrsi %parallel_loop3A_78, %parallel_loop3A_81 : vector<16xi32>
        tpu.vector_store_idx %arg6[%parallel_loop3A_82], %broadcast_in_dim3A_5 {add = true} : memref<4096xf32, #tpu.memory_space<vmem>>[vector<16xi32>], vector<16xf32>,
        %parallel_loop3A_83 = arith.constant 128 : i32
        %parallel_loop3A_84 = arith.muli %parallel_loop3A_62, %parallel_loop3A_83 : i32
        %parallel_loop3A_85 = arith.constant 32 : i32
        %parallel_loop3A_86 = arith.addi %parallel_loop3A_84, %parallel_loop3A_85 : i32
        %parallel_loop3A_87 = arith.index_cast %parallel_loop3A_86 : i32 to index
        %parallel_loop3A_88 = tpu.vector_load %arg4[%parallel_loop3A_87] {strides = array<i32>} : memref<14336xi32, #tpu.memory_space<vmem>>, vector<16xi32>,
        %parallel_loop3A_89 = arith.andi %parallel_loop3A_88, %broadcast_in_dim3A_7 : vector<16xi32>
        tpu.vector_store_idx %arg6[%parallel_loop3A_89], %broadcast_in_dim3A_5 {add = true} : memref<4096xf32, #tpu.memory_space<vmem>>[vector<16xi32>], vector<16xf32>,
        %parallel_loop3A_90 = arith.constant 16 : i32
        %parallel_loop3A_91 = vector.broadcast %parallel_loop3A_90 : i32 to vector<16xi32>
        %parallel_loop3A_92 = arith.shrsi %parallel_loop3A_88, %parallel_loop3A_91 : vector<16xi32>
        tpu.vector_store_idx %arg6[%parallel_loop3A_92], %broadcast_in_dim3A_5 {add = true} : memref<4096xf32, #tpu.memory_space<vmem>>[vector<16xi32>], vector<16xf32>,
        %parallel_loop3A_93 = arith.constant 128 : i32
        %parallel_loop3A_94 = arith.muli %parallel_loop3A_62, %parallel_loop3A_93 : i32
        %parallel_loop3A_95 = arith.constant 48 : i32
        %parallel_loop3A_96 = arith.addi %parallel_loop3A_94, %parallel_loop3A_95 : i32
        %parallel_loop3A_97 = arith.index_cast %parallel_loop3A_96 : i32 to index
        %parallel_loop3A_98 = tpu.vector_load %arg4[%parallel_loop3A_97] {strides = array<i32>} : memref<14336xi32, #tpu.memory_space<vmem>>, vector<16xi32>,
        %parallel_loop3A_99 = arith.andi %parallel_loop3A_98, %broadcast_in_dim3A_7 : vector<16xi32>
        tpu.vector_store_idx %arg6[%parallel_loop3A_99], %broadcast_in_dim3A_5 {add = true} : memref<4096xf32, #tpu.memory_space<vmem>>[vector<16xi32>], vector<16xf32>,
        %parallel_loop3A_100 = arith.constant 16 : i32
        %parallel_loop3A_101 = vector.broadcast %parallel_loop3A_100 : i32 to vector<16xi32>
        %parallel_loop3A_102 = arith.shrsi %parallel_loop3A_98, %parallel_loop3A_101 : vector<16xi32>
        tpu.vector_store_idx %arg6[%parallel_loop3A_102], %broadcast_in_dim3A_5 {add = true} : memref<4096xf32, #tpu.memory_space<vmem>>[vector<16xi32>], vector<16xf32>,
        %parallel_loop3A_103 = arith.constant 128 : i32
        %parallel_loop3A_104 = arith.muli %parallel_loop3A_62, %parallel_loop3A_103 : i32
        %parallel_loop3A_105 = arith.constant 64 : i32
        %parallel_loop3A_106 = arith.addi %parallel_loop3A_104, %parallel_loop3A_105 : i32
        %parallel_loop3A_107 = arith.index_cast %parallel_loop3A_106 : i32 to index
        %parallel_loop3A_108 = tpu.vector_load %arg4[%parallel_loop3A_107] {strides = array<i32>} : memref<14336xi32, #tpu.memory_space<vmem>>, vector<16xi32>,
        %parallel_loop3A_109 = arith.andi %parallel_loop3A_108, %broadcast_in_dim3A_7 : vector<16xi32>
        tpu.vector_store_idx %arg6[%parallel_loop3A_109], %broadcast_in_dim3A_5 {add = true} : memref<4096xf32, #tpu.memory_space<vmem>>[vector<16xi32>], vector<16xf32>,
        %parallel_loop3A_110 = arith.constant 16 : i32
        %parallel_loop3A_111 = vector.broadcast %parallel_loop3A_110 : i32 to vector<16xi32>
        %parallel_loop3A_112 = arith.shrsi %parallel_loop3A_108, %parallel_loop3A_111 : vector<16xi32>
        tpu.vector_store_idx %arg6[%parallel_loop3A_112], %broadcast_in_dim3A_5 {add = true} : memref<4096xf32, #tpu.memory_space<vmem>>[vector<16xi32>], vector<16xf32>,
        %parallel_loop3A_113 = arith.constant 128 : i32
        %parallel_loop3A_114 = arith.muli %parallel_loop3A_62, %parallel_loop3A_113 : i32
        %parallel_loop3A_115 = arith.constant 80 : i32
        %parallel_loop3A_116 = arith.addi %parallel_loop3A_114, %parallel_loop3A_115 : i32
        %parallel_loop3A_117 = arith.index_cast %parallel_loop3A_116 : i32 to index
        %parallel_loop3A_118 = tpu.vector_load %arg4[%parallel_loop3A_117] {strides = array<i32>} : memref<14336xi32, #tpu.memory_space<vmem>>, vector<16xi32>,
        %parallel_loop3A_119 = arith.andi %parallel_loop3A_118, %broadcast_in_dim3A_7 : vector<16xi32>
        tpu.vector_store_idx %arg6[%parallel_loop3A_119], %broadcast_in_dim3A_5 {add = true} : memref<4096xf32, #tpu.memory_space<vmem>>[vector<16xi32>], vector<16xf32>,
        %parallel_loop3A_120 = arith.constant 16 : i32
        %parallel_loop3A_121 = vector.broadcast %parallel_loop3A_120 : i32 to vector<16xi32>
        %parallel_loop3A_122 = arith.shrsi %parallel_loop3A_118, %parallel_loop3A_121 : vector<16xi32>
        tpu.vector_store_idx %arg6[%parallel_loop3A_122], %broadcast_in_dim3A_5 {add = true} : memref<4096xf32, #tpu.memory_space<vmem>>[vector<16xi32>], vector<16xf32>,
        %parallel_loop3A_123 = arith.constant 128 : i32
        %parallel_loop3A_124 = arith.muli %parallel_loop3A_62, %parallel_loop3A_123 : i32
        %parallel_loop3A_125 = arith.constant 96 : i32
        %parallel_loop3A_126 = arith.addi %parallel_loop3A_124, %parallel_loop3A_125 : i32
        %parallel_loop3A_127 = arith.index_cast %parallel_loop3A_126 : i32 to index
        %parallel_loop3A_128 = tpu.vector_load %arg4[%parallel_loop3A_127] {strides = array<i32>} : memref<14336xi32, #tpu.memory_space<vmem>>, vector<16xi32>,
        %parallel_loop3A_129 = arith.andi %parallel_loop3A_128, %broadcast_in_dim3A_7 : vector<16xi32>
        tpu.vector_store_idx %arg6[%parallel_loop3A_129], %broadcast_in_dim3A_5 {add = true} : memref<4096xf32, #tpu.memory_space<vmem>>[vector<16xi32>], vector<16xf32>,
        %parallel_loop3A_130 = arith.constant 128 : i32
        %parallel_loop3A_131 = arith.muli %parallel_loop3A_62, %parallel_loop3A_130 : i32
        %parallel_loop3A_132 = arith.constant 112 : i32
        %parallel_loop3A_133 = arith.addi %parallel_loop3A_131, %parallel_loop3A_132 : i32
        %parallel_loop3A_134 = arith.index_cast %parallel_loop3A_133 : i32 to index
        %parallel_loop3A_135 = tpu.vector_load %arg4[%parallel_loop3A_134] {strides = array<i32>} : memref<14336xi32, #tpu.memory_space<vmem>>, vector<16xi32>,
        %parallel_loop3A_136 = arith.andi %parallel_loop3A_135, %broadcast_in_dim3A_7 : vector<16xi32>
        tpu.vector_store_idx %arg6[%parallel_loop3A_136], %broadcast_in_dim3A_5 {add = true} : memref<4096xf32, #tpu.memory_space<vmem>>[vector<16xi32>], vector<16xf32>,
      } {sc.loop_unroll_factor = 2 : i64, sc.parallel_access}
      %add3A_39 = arith.constant 2 : i32
      %add3A_40 = arith.addi %add3A_32, %add3A_39 : i32
      %lt3A = arith.constant 6 : i32
      %lt3A_41 = arith.cmpi slt, %add3A_40, %lt3A : i32
      %convert_element_type3A = arith.extui %lt3A_41 : i1 to i32
      %cond3A = arith.constant 0 : i32
      %cond3A_42 = arith.cmpi ne, %convert_element_type3A, %cond3A : i32
      scf.if %cond3A_42 {
        %add3A_62 = arith.constant 2 : i32
        %add3A_63 = arith.addi %add3A_32, %add3A_62 : i32
        %mul3A_64 = arith.constant 14336 : i32
        %mul3A_65 = arith.muli %add3A_63, %mul3A_64 : i32
        %add3A_66 = arith.addi %mul3A_2, %mul3A_65 : i32
        %dma_start3A_67 = tpu.memref_slice %arg2[%add3A_66] : memref<2752512xi32, #tpu.memory_space<hbm>> -> memref<14336xi32, #tpu.memory_space<hbm>>
        %dma_start3A_68 = tpu.memref_slice %arg2[%add3A_66] : memref<2752512xi32, #tpu.memory_space<hbm>> -> memref<14336xi32, #tpu.memory_space<hbm>>
        tpu.enqueue_dma source(%dma_start3A_68 : memref<14336xi32, #tpu.memory_space<hbm>>) target(%arg4 : memref<14336xi32, #tpu.memory_space<vmem>>) target_semaphore(%arg7 : memref<!tpu.dma_semaphore, #tpu.memory_space<semaphore_mem>>)
      } else {
      }
      %mul3A_43 = arith.constant 2 : i32
      %mul3A_44 = arith.muli %scan3A_28, %mul3A_43 : i32
      %add3A_45 = arith.constant 1 : i32
      %add3A_46 = arith.addi %mul3A_44, %add3A_45 : i32
      %mul3A_47 = arith.constant 14336 : i32
      %mul3A_48 = arith.muli %add3A_46, %mul3A_47 : i32
      %add3A_49 = arith.addi %mul3A_2, %mul3A_48 : i32
      %dma_wait3A_50 = tpu.memref_slice %arg2[%add3A_49] : memref<2752512xi32, #tpu.memory_space<hbm>> -> memref<14336xi32, #tpu.memory_space<hbm>>
      %dma_wait3A_51 = tpu.memref_slice %arg2[%add3A_49] : memref<2752512xi32, #tpu.memory_space<hbm>> -> memref<14336xi32, #tpu.memory_space<hbm>>
      tpu.wait_dma2 semaphore(%arg8 : memref<!tpu.dma_semaphore, #tpu.memory_space<semaphore_mem>>) src(%dma_wait3A_51 : memref<14336xi32, #tpu.memory_space<hbm>>) dst(%arg5 : memref<14336xi32, #tpu.memory_space<vmem>>)
      %parallel_loop3A_52 = arith.constant 0 : i32
      %parallel_loop3A_53 = arith.constant 112 : i32
      %parallel_loop3A_54 = arith.constant 1 : i32
      scf.for %parallel_loop3A_62 = %parallel_loop3A_52 to %parallel_loop3A_53 step %parallel_loop3A_54  : i32 {
        %parallel_loop3A_63 = arith.constant 128 : i32
        %parallel_loop3A_64 = arith.muli %parallel_loop3A_62, %parallel_loop3A_63 : i32
        %parallel_loop3A_65 = arith.constant 0 : i32
        %parallel_loop3A_66 = arith.addi %parallel_loop3A_64, %parallel_loop3A_65 : i32
        %parallel_loop3A_67 = arith.index_cast %parallel_loop3A_66 : i32 to index
        %parallel_loop3A_68 = tpu.vector_load %arg5[%parallel_loop3A_67] {strides = array<i32>} : memref<14336xi32, #tpu.memory_space<vmem>>, vector<16xi32>,
        %parallel_loop3A_69 = arith.andi %parallel_loop3A_68, %broadcast_in_dim3A_7 : vector<16xi32>
        tpu.vector_store_idx %arg6[%parallel_loop3A_69], %broadcast_in_dim3A_5 {add = true} : memref<4096xf32, #tpu.memory_space<vmem>>[vector<16xi32>], vector<16xf32>,
        %parallel_loop3A_70 = arith.constant 16 : i32
        %parallel_loop3A_71 = vector.broadcast %parallel_loop3A_70 : i32 to vector<16xi32>
        %parallel_loop3A_72 = arith.shrsi %parallel_loop3A_68, %parallel_loop3A_71 : vector<16xi32>
        tpu.vector_store_idx %arg6[%parallel_loop3A_72], %broadcast_in_dim3A_5 {add = true} : memref<4096xf32, #tpu.memory_space<vmem>>[vector<16xi32>], vector<16xf32>,
        %parallel_loop3A_73 = arith.constant 128 : i32
        %parallel_loop3A_74 = arith.muli %parallel_loop3A_62, %parallel_loop3A_73 : i32
        %parallel_loop3A_75 = arith.constant 16 : i32
        %parallel_loop3A_76 = arith.addi %parallel_loop3A_74, %parallel_loop3A_75 : i32
        %parallel_loop3A_77 = arith.index_cast %parallel_loop3A_76 : i32 to index
        %parallel_loop3A_78 = tpu.vector_load %arg5[%parallel_loop3A_77] {strides = array<i32>} : memref<14336xi32, #tpu.memory_space<vmem>>, vector<16xi32>,
        %parallel_loop3A_79 = arith.andi %parallel_loop3A_78, %broadcast_in_dim3A_7 : vector<16xi32>
        tpu.vector_store_idx %arg6[%parallel_loop3A_79], %broadcast_in_dim3A_5 {add = true} : memref<4096xf32, #tpu.memory_space<vmem>>[vector<16xi32>], vector<16xf32>,
        %parallel_loop3A_80 = arith.constant 16 : i32
        %parallel_loop3A_81 = vector.broadcast %parallel_loop3A_80 : i32 to vector<16xi32>
        %parallel_loop3A_82 = arith.shrsi %parallel_loop3A_78, %parallel_loop3A_81 : vector<16xi32>
        tpu.vector_store_idx %arg6[%parallel_loop3A_82], %broadcast_in_dim3A_5 {add = true} : memref<4096xf32, #tpu.memory_space<vmem>>[vector<16xi32>], vector<16xf32>,
        %parallel_loop3A_83 = arith.constant 128 : i32
        %parallel_loop3A_84 = arith.muli %parallel_loop3A_62, %parallel_loop3A_83 : i32
        %parallel_loop3A_85 = arith.constant 32 : i32
        %parallel_loop3A_86 = arith.addi %parallel_loop3A_84, %parallel_loop3A_85 : i32
        %parallel_loop3A_87 = arith.index_cast %parallel_loop3A_86 : i32 to index
        %parallel_loop3A_88 = tpu.vector_load %arg5[%parallel_loop3A_87] {strides = array<i32>} : memref<14336xi32, #tpu.memory_space<vmem>>, vector<16xi32>,
        %parallel_loop3A_89 = arith.andi %parallel_loop3A_88, %broadcast_in_dim3A_7 : vector<16xi32>
        tpu.vector_store_idx %arg6[%parallel_loop3A_89], %broadcast_in_dim3A_5 {add = true} : memref<4096xf32, #tpu.memory_space<vmem>>[vector<16xi32>], vector<16xf32>,
        %parallel_loop3A_90 = arith.constant 16 : i32
        %parallel_loop3A_91 = vector.broadcast %parallel_loop3A_90 : i32 to vector<16xi32>
        %parallel_loop3A_92 = arith.shrsi %parallel_loop3A_88, %parallel_loop3A_91 : vector<16xi32>
        tpu.vector_store_idx %arg6[%parallel_loop3A_92], %broadcast_in_dim3A_5 {add = true} : memref<4096xf32, #tpu.memory_space<vmem>>[vector<16xi32>], vector<16xf32>,
        %parallel_loop3A_93 = arith.constant 128 : i32
        %parallel_loop3A_94 = arith.muli %parallel_loop3A_62, %parallel_loop3A_93 : i32
        %parallel_loop3A_95 = arith.constant 48 : i32
        %parallel_loop3A_96 = arith.addi %parallel_loop3A_94, %parallel_loop3A_95 : i32
        %parallel_loop3A_97 = arith.index_cast %parallel_loop3A_96 : i32 to index
        %parallel_loop3A_98 = tpu.vector_load %arg5[%parallel_loop3A_97] {strides = array<i32>} : memref<14336xi32, #tpu.memory_space<vmem>>, vector<16xi32>,
        %parallel_loop3A_99 = arith.andi %parallel_loop3A_98, %broadcast_in_dim3A_7 : vector<16xi32>
        tpu.vector_store_idx %arg6[%parallel_loop3A_99], %broadcast_in_dim3A_5 {add = true} : memref<4096xf32, #tpu.memory_space<vmem>>[vector<16xi32>], vector<16xf32>,
        %parallel_loop3A_100 = arith.constant 16 : i32
        %parallel_loop3A_101 = vector.broadcast %parallel_loop3A_100 : i32 to vector<16xi32>
        %parallel_loop3A_102 = arith.shrsi %parallel_loop3A_98, %parallel_loop3A_101 : vector<16xi32>
        tpu.vector_store_idx %arg6[%parallel_loop3A_102], %broadcast_in_dim3A_5 {add = true} : memref<4096xf32, #tpu.memory_space<vmem>>[vector<16xi32>], vector<16xf32>,
        %parallel_loop3A_103 = arith.constant 128 : i32
        %parallel_loop3A_104 = arith.muli %parallel_loop3A_62, %parallel_loop3A_103 : i32
        %parallel_loop3A_105 = arith.constant 64 : i32
        %parallel_loop3A_106 = arith.addi %parallel_loop3A_104, %parallel_loop3A_105 : i32
        %parallel_loop3A_107 = arith.index_cast %parallel_loop3A_106 : i32 to index
        %parallel_loop3A_108 = tpu.vector_load %arg5[%parallel_loop3A_107] {strides = array<i32>} : memref<14336xi32, #tpu.memory_space<vmem>>, vector<16xi32>,
        %parallel_loop3A_109 = arith.andi %parallel_loop3A_108, %broadcast_in_dim3A_7 : vector<16xi32>
        tpu.vector_store_idx %arg6[%parallel_loop3A_109], %broadcast_in_dim3A_5 {add = true} : memref<4096xf32, #tpu.memory_space<vmem>>[vector<16xi32>], vector<16xf32>,
        %parallel_loop3A_110 = arith.constant 16 : i32
        %parallel_loop3A_111 = vector.broadcast %parallel_loop3A_110 : i32 to vector<16xi32>
        %parallel_loop3A_112 = arith.shrsi %parallel_loop3A_108, %parallel_loop3A_111 : vector<16xi32>
        tpu.vector_store_idx %arg6[%parallel_loop3A_112], %broadcast_in_dim3A_5 {add = true} : memref<4096xf32, #tpu.memory_space<vmem>>[vector<16xi32>], vector<16xf32>,
        %parallel_loop3A_113 = arith.constant 128 : i32
        %parallel_loop3A_114 = arith.muli %parallel_loop3A_62, %parallel_loop3A_113 : i32
        %parallel_loop3A_115 = arith.constant 80 : i32
        %parallel_loop3A_116 = arith.addi %parallel_loop3A_114, %parallel_loop3A_115 : i32
        %parallel_loop3A_117 = arith.index_cast %parallel_loop3A_116 : i32 to index
        %parallel_loop3A_118 = tpu.vector_load %arg5[%parallel_loop3A_117] {strides = array<i32>} : memref<14336xi32, #tpu.memory_space<vmem>>, vector<16xi32>,
        %parallel_loop3A_119 = arith.andi %parallel_loop3A_118, %broadcast_in_dim3A_7 : vector<16xi32>
        tpu.vector_store_idx %arg6[%parallel_loop3A_119], %broadcast_in_dim3A_5 {add = true} : memref<4096xf32, #tpu.memory_space<vmem>>[vector<16xi32>], vector<16xf32>,
        %parallel_loop3A_120 = arith.constant 16 : i32
        %parallel_loop3A_121 = vector.broadcast %parallel_loop3A_120 : i32 to vector<16xi32>
        %parallel_loop3A_122 = arith.shrsi %parallel_loop3A_118, %parallel_loop3A_121 : vector<16xi32>
        tpu.vector_store_idx %arg6[%parallel_loop3A_122], %broadcast_in_dim3A_5 {add = true} : memref<4096xf32, #tpu.memory_space<vmem>>[vector<16xi32>], vector<16xf32>,
        %parallel_loop3A_123 = arith.constant 128 : i32
        %parallel_loop3A_124 = arith.muli %parallel_loop3A_62, %parallel_loop3A_123 : i32
        %parallel_loop3A_125 = arith.constant 96 : i32
        %parallel_loop3A_126 = arith.addi %parallel_loop3A_124, %parallel_loop3A_125 : i32
        %parallel_loop3A_127 = arith.index_cast %parallel_loop3A_126 : i32 to index
        %parallel_loop3A_128 = tpu.vector_load %arg5[%parallel_loop3A_127] {strides = array<i32>} : memref<14336xi32, #tpu.memory_space<vmem>>, vector<16xi32>,
        %parallel_loop3A_129 = arith.andi %parallel_loop3A_128, %broadcast_in_dim3A_7 : vector<16xi32>
        tpu.vector_store_idx %arg6[%parallel_loop3A_129], %broadcast_in_dim3A_5 {add = true} : memref<4096xf32, #tpu.memory_space<vmem>>[vector<16xi32>], vector<16xf32>,
        %parallel_loop3A_130 = arith.constant 128 : i32
        %parallel_loop3A_131 = arith.muli %parallel_loop3A_62, %parallel_loop3A_130 : i32
        %parallel_loop3A_132 = arith.constant 112 : i32
        %parallel_loop3A_133 = arith.addi %parallel_loop3A_131, %parallel_loop3A_132 : i32
        %parallel_loop3A_134 = arith.index_cast %parallel_loop3A_133 : i32 to index
        %parallel_loop3A_135 = tpu.vector_load %arg5[%parallel_loop3A_134] {strides = array<i32>} : memref<14336xi32, #tpu.memory_space<vmem>>, vector<16xi32>,
        %parallel_loop3A_136 = arith.andi %parallel_loop3A_135, %broadcast_in_dim3A_7 : vector<16xi32>
        tpu.vector_store_idx %arg6[%parallel_loop3A_136], %broadcast_in_dim3A_5 {add = true} : memref<4096xf32, #tpu.memory_space<vmem>>[vector<16xi32>], vector<16xf32>,
      } {sc.loop_unroll_factor = 2 : i64, sc.parallel_access}
      %add3A_55 = arith.constant 2 : i32
      %add3A_56 = arith.addi %add3A_46, %add3A_55 : i32
      %lt3A_57 = arith.constant 6 : i32
      %lt3A_58 = arith.cmpi slt, %add3A_56, %lt3A_57 : i32
      %convert_element_type3A_59 = arith.extui %lt3A_58 : i1 to i32
      %cond3A_60 = arith.constant 0 : i32
      %cond3A_61 = arith.cmpi ne, %convert_element_type3A_59, %cond3A_60 : i32
      scf.if %cond3A_61 {
        %add3A_62 = arith.constant 2 : i32
        %add3A_63 = arith.addi %add3A_46, %add3A_62 : i32
        %mul3A_64 = arith.constant 14336 : i32
        %mul3A_65 = arith.muli %add3A_63, %mul3A_64 : i32
        %add3A_66 = arith.addi %mul3A_2, %mul3A_65 : i32
        %dma_start3A_67 = tpu.memref_slice %arg2[%add3A_66] : memref<2752512xi32, #tpu.memory_space<hbm>> -> memref<14336xi32, #tpu.memory_space<hbm>>
        %dma_start3A_68 = tpu.memref_slice %arg2[%add3A_66] : memref<2752512xi32, #tpu.memory_space<hbm>> -> memref<14336xi32, #tpu.memory_space<hbm>>
        tpu.enqueue_dma source(%dma_start3A_68 : memref<14336xi32, #tpu.memory_space<hbm>>) target(%arg5 : memref<14336xi32, #tpu.memory_space<vmem>>) target_semaphore(%arg8 : memref<!tpu.dma_semaphore, #tpu.memory_space<semaphore_mem>>)
      } else {
      }
    }
    %scan3A_25 = arith.constant 3 : i32
    %mul3A_26 = arith.constant 4096 : i32
    %mul3A_27 = arith.muli %add3A, %mul3A_26 : i32
    "tpu.region"() ({
      %run_scoped3A = tpu.sem_alloc : memref<!tpu.dma_semaphore, #tpu.memory_space<semaphore_mem>>
      %dma_start3A_28 = tpu.memref_slice %arg3[%mul3A_27] : memref<131072xf32, #tpu.memory_space<hbm>> -> memref<4096xf32, #tpu.memory_space<hbm>>
      %dma_start3A_29 = tpu.memref_slice %arg3[%mul3A_27] : memref<131072xf32, #tpu.memory_space<hbm>> -> memref<4096xf32, #tpu.memory_space<hbm>>
      tpu.enqueue_dma source(%arg6 : memref<4096xf32, #tpu.memory_space<vmem>>) target(%dma_start3A_29 : memref<4096xf32, #tpu.memory_space<hbm>>) target_semaphore(%run_scoped3A : memref<!tpu.dma_semaphore, #tpu.memory_space<semaphore_mem>>)
      %dma_wait3A = tpu.memref_slice %arg3[%mul3A_27] : memref<131072xf32, #tpu.memory_space<hbm>> -> memref<4096xf32, #tpu.memory_space<hbm>>
      %dma_wait3A_30 = tpu.memref_slice %arg3[%mul3A_27] : memref<131072xf32, #tpu.memory_space<hbm>> -> memref<4096xf32, #tpu.memory_space<hbm>>
      tpu.wait_dma2 semaphore(%run_scoped3A : memref<!tpu.dma_semaphore, #tpu.memory_space<semaphore_mem>>) src(%arg6 : memref<4096xf32, #tpu.memory_space<vmem>>) dst(%dma_wait3A_30 : memref<4096xf32, #tpu.memory_space<hbm>>)
      tpu.yield
    }) : () -> ()
    return
  }
}

#map = affine_map<(d0, d1) -> (0)>
module attributes {stable_mosaic.version = 14 : i64} {
  func.func @sc_hist(%arg0: i32, %arg1: i32, %arg2: memref<2752512xi32, #tpu.memory_space<hbm>>, %arg3: memref<131072xf32, #tpu.memory_space<hbm>>, %arg4: memref<14336xi32, #tpu.memory_space<vmem>>, %arg5: memref<14336xi32, #tpu.memory_space<vmem>>, %arg6: memref<4096xf32, #tpu.memory_space<vmem>>, %arg7: memref<!tpu.dma_semaphore, #tpu.memory_space<semaphore_mem>>, %arg8: memref<!tpu.dma_semaphore, #tpu.memory_space<semaphore_mem>>) attributes {dimension_semantics = [#tpu.dimension_semantics<core_parallel>, #tpu.dimension_semantics<subcore_parallel>], iteration_bounds = array<i64: 2, 16>, scalar_prefetch = 0 : i64, scratch_operands = 5 : i64, tpu.core_type = #tpu.core_type<sc_vector_subcore>, window_params = [{transform_indices = #map}, {transform_indices = #map}]} {
    %mul3A = arith.constant 2 : i32
    %mul3A_0 = arith.muli %arg1, %mul3A : i32
    %add3A = arith.addi %mul3A_0, %arg0 : i32
    %mul3A_1 = arith.constant 86016 : i32
    %mul3A_2 = arith.muli %add3A, %mul3A_1 : i32
    %broadcast_in_dim3A = arith.constant 0.000000e+00 : f32
    %broadcast_in_dim3A_3 = vector.broadcast %broadcast_in_dim3A : f32 to vector<16xf32>
    %broadcast_in_dim3A_4 = arith.constant 1.000000e+00 : f32
    %broadcast_in_dim3A_5 = vector.broadcast %broadcast_in_dim3A_4 : f32 to vector<16xf32>
    %broadcast_in_dim3A_6 = arith.constant 65535 : i32
    %broadcast_in_dim3A_7 = vector.broadcast %broadcast_in_dim3A_6 : i32 to vector<16xi32>
    %scan3A = arith.constant 0 : i32
    %scan3A_8 = arith.constant 0 : i32
    %scan3A_9 = arith.constant 256 : i32
    %scan3A_10 = arith.addi %scan3A_8, %scan3A_9 : i32
    %scan3A_11 = arith.constant 1 : i32
    scf.for %scan3A_28 = %scan3A_8 to %scan3A_10 step %scan3A_11  : i32 {
      %mul3A_29 = arith.constant 16 : i32
      %mul3A_30 = arith.muli %scan3A_28, %mul3A_29 : i32
      %swap3A = arith.index_cast %mul3A_30 : i32 to index
      %swap3A_31 = tpu.vector_load %arg6[%swap3A] {strides = array<i32>} : memref<4096xf32, #tpu.memory_space<vmem>>, vector<16xf32>,
      tpu.vector_store %arg6[%swap3A], %broadcast_in_dim3A_3 {strides = array<i32>} : memref<4096xf32, #tpu.memory_space<vmem>>, vector<16xf32>,
    }
    %scan3A_12 = arith.constant 256 : i32
    %add3A_13 = arith.constant 0 : i32
    %add3A_14 = arith.addi %mul3A_2, %add3A_13 : i32
    %dma_start3A = tpu.memref_slice %arg2[%add3A_14] : memref<2752512xi32, #tpu.memory_space<hbm>> -> memref<14336xi32, #tpu.memory_space<hbm>>
    %dma_start3A_15 = tpu.memref_slice %arg2[%add3A_14] : memref<2752512xi32, #tpu.memory_space<hbm>> -> memref<14336xi32, #tpu.memory_space<hbm>>
    tpu.enqueue_dma source(%dma_start3A_15 : memref<14336xi32, #tpu.memory_space<hbm>>) target(%arg4 : memref<14336xi32, #tpu.memory_space<vmem>>) target_semaphore(%arg7 : memref<!tpu.dma_semaphore, #tpu.memory_space<semaphore_mem>>)
    %add3A_16 = arith.constant 14336 : i32
    %add3A_17 = arith.addi %mul3A_2, %add3A_16 : i32
    %dma_start3A_18 = tpu.memref_slice %arg2[%add3A_17] : memref<2752512xi32, #tpu.memory_space<hbm>> -> memref<14336xi32, #tpu.memory_space<hbm>>
    %dma_start3A_19 = tpu.memref_slice %arg2[%add3A_17] : memref<2752512xi32, #tpu.memory_space<hbm>> -> memref<14336xi32, #tpu.memory_space<hbm>>
    tpu.enqueue_dma source(%dma_start3A_19 : memref<14336xi32, #tpu.memory_space<hbm>>) target(%arg5 : memref<14336xi32, #tpu.memory_space<vmem>>) target_semaphore(%arg8 : memref<!tpu.dma_semaphore, #tpu.memory_space<semaphore_mem>>)
    %scan3A_20 = arith.constant 0 : i32
    %scan3A_21 = arith.constant 0 : i32
    %scan3A_22 = arith.constant 3 : i32
    %scan3A_23 = arith.addi %scan3A_21, %scan3A_22 : i32
    %scan3A_24 = arith.constant 1 : i32
    scf.for %scan3A_28 = %scan3A_21 to %scan3A_23 step %scan3A_24  : i32 {
      %mul3A_29 = arith.constant 2 : i32
      %mul3A_30 = arith.muli %scan3A_28, %mul3A_29 : i32
      %add3A_31 = arith.constant 0 : i32
      %add3A_32 = arith.addi %mul3A_30, %add3A_31 : i32
      %mul3A_33 = arith.constant 14336 : i32
      %mul3A_34 = arith.muli %add3A_32, %mul3A_33 : i32
      %add3A_35 = arith.addi %mul3A_2, %mul3A_34 : i32
      %dma_wait3A = tpu.memref_slice %arg2[%add3A_35] : memref<2752512xi32, #tpu.memory_space<hbm>> -> memref<14336xi32, #tpu.memory_space<hbm>>
      %dma_wait3A_36 = tpu.memref_slice %arg2[%add3A_35] : memref<2752512xi32, #tpu.memory_space<hbm>> -> memref<14336xi32, #tpu.memory_space<hbm>>
      tpu.wait_dma2 semaphore(%arg7 : memref<!tpu.dma_semaphore, #tpu.memory_space<semaphore_mem>>) src(%dma_wait3A_36 : memref<14336xi32, #tpu.memory_space<hbm>>) dst(%arg4 : memref<14336xi32, #tpu.memory_space<vmem>>)
      %parallel_loop3A = arith.constant 0 : i32
      %parallel_loop3A_37 = arith.constant 112 : i32
      %parallel_loop3A_38 = arith.constant 1 : i32
      scf.for %parallel_loop3A_62 = %parallel_loop3A to %parallel_loop3A_37 step %parallel_loop3A_38  : i32 {
        %parallel_loop3A_63 = arith.constant 128 : i32
        %parallel_loop3A_64 = arith.muli %parallel_loop3A_62, %parallel_loop3A_63 : i32
        %parallel_loop3A_65 = arith.constant 0 : i32
        %parallel_loop3A_66 = arith.addi %parallel_loop3A_64, %parallel_loop3A_65 : i32
        %parallel_loop3A_67 = arith.index_cast %parallel_loop3A_66 : i32 to index
        %parallel_loop3A_68 = tpu.vector_load %arg4[%parallel_loop3A_67] {strides = array<i32>} : memref<14336xi32, #tpu.memory_space<vmem>>, vector<16xi32>,
        %parallel_loop3A_69 = arith.andi %parallel_loop3A_68, %broadcast_in_dim3A_7 : vector<16xi32>
        tpu.vector_store_idx %arg6[%parallel_loop3A_69], %broadcast_in_dim3A_5 {add = true} : memref<4096xf32, #tpu.memory_space<vmem>>[vector<16xi32>], vector<16xf32>,
        %parallel_loop3A_70 = arith.constant 16 : i32
        %parallel_loop3A_71 = vector.broadcast %parallel_loop3A_70 : i32 to vector<16xi32>
        %parallel_loop3A_72 = arith.shrsi %parallel_loop3A_68, %parallel_loop3A_71 : vector<16xi32>
        tpu.vector_store_idx %arg6[%parallel_loop3A_72], %broadcast_in_dim3A_5 {add = true} : memref<4096xf32, #tpu.memory_space<vmem>>[vector<16xi32>], vector<16xf32>,
        %parallel_loop3A_73 = arith.constant 128 : i32
        %parallel_loop3A_74 = arith.muli %parallel_loop3A_62, %parallel_loop3A_73 : i32
        %parallel_loop3A_75 = arith.constant 16 : i32
        %parallel_loop3A_76 = arith.addi %parallel_loop3A_74, %parallel_loop3A_75 : i32
        %parallel_loop3A_77 = arith.index_cast %parallel_loop3A_76 : i32 to index
        %parallel_loop3A_78 = tpu.vector_load %arg4[%parallel_loop3A_77] {strides = array<i32>} : memref<14336xi32, #tpu.memory_space<vmem>>, vector<16xi32>,
        %parallel_loop3A_79 = arith.andi %parallel_loop3A_78, %broadcast_in_dim3A_7 : vector<16xi32>
        tpu.vector_store_idx %arg6[%parallel_loop3A_79], %broadcast_in_dim3A_5 {add = true} : memref<4096xf32, #tpu.memory_space<vmem>>[vector<16xi32>], vector<16xf32>,
        %parallel_loop3A_80 = arith.constant 16 : i32
        %parallel_loop3A_81 = vector.broadcast %parallel_loop3A_80 : i32 to vector<16xi32>
        %parallel_loop3A_82 = arith.shrsi %parallel_loop3A_78, %parallel_loop3A_81 : vector<16xi32>
        tpu.vector_store_idx %arg6[%parallel_loop3A_82], %broadcast_in_dim3A_5 {add = true} : memref<4096xf32, #tpu.memory_space<vmem>>[vector<16xi32>], vector<16xf32>,
        %parallel_loop3A_83 = arith.constant 128 : i32
        %parallel_loop3A_84 = arith.muli %parallel_loop3A_62, %parallel_loop3A_83 : i32
        %parallel_loop3A_85 = arith.constant 32 : i32
        %parallel_loop3A_86 = arith.addi %parallel_loop3A_84, %parallel_loop3A_85 : i32
        %parallel_loop3A_87 = arith.index_cast %parallel_loop3A_86 : i32 to index
        %parallel_loop3A_88 = tpu.vector_load %arg4[%parallel_loop3A_87] {strides = array<i32>} : memref<14336xi32, #tpu.memory_space<vmem>>, vector<16xi32>,
        %parallel_loop3A_89 = arith.andi %parallel_loop3A_88, %broadcast_in_dim3A_7 : vector<16xi32>
        tpu.vector_store_idx %arg6[%parallel_loop3A_89], %broadcast_in_dim3A_5 {add = true} : memref<4096xf32, #tpu.memory_space<vmem>>[vector<16xi32>], vector<16xf32>,
        %parallel_loop3A_90 = arith.constant 16 : i32
        %parallel_loop3A_91 = vector.broadcast %parallel_loop3A_90 : i32 to vector<16xi32>
        %parallel_loop3A_92 = arith.shrsi %parallel_loop3A_88, %parallel_loop3A_91 : vector<16xi32>
        tpu.vector_store_idx %arg6[%parallel_loop3A_92], %broadcast_in_dim3A_5 {add = true} : memref<4096xf32, #tpu.memory_space<vmem>>[vector<16xi32>], vector<16xf32>,
        %parallel_loop3A_93 = arith.constant 128 : i32
        %parallel_loop3A_94 = arith.muli %parallel_loop3A_62, %parallel_loop3A_93 : i32
        %parallel_loop3A_95 = arith.constant 48 : i32
        %parallel_loop3A_96 = arith.addi %parallel_loop3A_94, %parallel_loop3A_95 : i32
        %parallel_loop3A_97 = arith.index_cast %parallel_loop3A_96 : i32 to index
        %parallel_loop3A_98 = tpu.vector_load %arg4[%parallel_loop3A_97] {strides = array<i32>} : memref<14336xi32, #tpu.memory_space<vmem>>, vector<16xi32>,
        %parallel_loop3A_99 = arith.andi %parallel_loop3A_98, %broadcast_in_dim3A_7 : vector<16xi32>
        tpu.vector_store_idx %arg6[%parallel_loop3A_99], %broadcast_in_dim3A_5 {add = true} : memref<4096xf32, #tpu.memory_space<vmem>>[vector<16xi32>], vector<16xf32>,
        %parallel_loop3A_100 = arith.constant 16 : i32
        %parallel_loop3A_101 = vector.broadcast %parallel_loop3A_100 : i32 to vector<16xi32>
        %parallel_loop3A_102 = arith.shrsi %parallel_loop3A_98, %parallel_loop3A_101 : vector<16xi32>
        tpu.vector_store_idx %arg6[%parallel_loop3A_102], %broadcast_in_dim3A_5 {add = true} : memref<4096xf32, #tpu.memory_space<vmem>>[vector<16xi32>], vector<16xf32>,
        %parallel_loop3A_103 = arith.constant 128 : i32
        %parallel_loop3A_104 = arith.muli %parallel_loop3A_62, %parallel_loop3A_103 : i32
        %parallel_loop3A_105 = arith.constant 64 : i32
        %parallel_loop3A_106 = arith.addi %parallel_loop3A_104, %parallel_loop3A_105 : i32
        %parallel_loop3A_107 = arith.index_cast %parallel_loop3A_106 : i32 to index
        %parallel_loop3A_108 = tpu.vector_load %arg4[%parallel_loop3A_107] {strides = array<i32>} : memref<14336xi32, #tpu.memory_space<vmem>>, vector<16xi32>,
        %parallel_loop3A_109 = arith.andi %parallel_loop3A_108, %broadcast_in_dim3A_7 : vector<16xi32>
        tpu.vector_store_idx %arg6[%parallel_loop3A_109], %broadcast_in_dim3A_5 {add = true} : memref<4096xf32, #tpu.memory_space<vmem>>[vector<16xi32>], vector<16xf32>,
        %parallel_loop3A_110 = arith.constant 16 : i32
        %parallel_loop3A_111 = vector.broadcast %parallel_loop3A_110 : i32 to vector<16xi32>
        %parallel_loop3A_112 = arith.shrsi %parallel_loop3A_108, %parallel_loop3A_111 : vector<16xi32>
        tpu.vector_store_idx %arg6[%parallel_loop3A_112], %broadcast_in_dim3A_5 {add = true} : memref<4096xf32, #tpu.memory_space<vmem>>[vector<16xi32>], vector<16xf32>,
        %parallel_loop3A_113 = arith.constant 128 : i32
        %parallel_loop3A_114 = arith.muli %parallel_loop3A_62, %parallel_loop3A_113 : i32
        %parallel_loop3A_115 = arith.constant 80 : i32
        %parallel_loop3A_116 = arith.addi %parallel_loop3A_114, %parallel_loop3A_115 : i32
        %parallel_loop3A_117 = arith.index_cast %parallel_loop3A_116 : i32 to index
        %parallel_loop3A_118 = tpu.vector_load %arg4[%parallel_loop3A_117] {strides = array<i32>} : memref<14336xi32, #tpu.memory_space<vmem>>, vector<16xi32>,
        %parallel_loop3A_119 = arith.andi %parallel_loop3A_118, %broadcast_in_dim3A_7 : vector<16xi32>
        tpu.vector_store_idx %arg6[%parallel_loop3A_119], %broadcast_in_dim3A_5 {add = true} : memref<4096xf32, #tpu.memory_space<vmem>>[vector<16xi32>], vector<16xf32>,
        %parallel_loop3A_120 = arith.constant 16 : i32
        %parallel_loop3A_121 = vector.broadcast %parallel_loop3A_120 : i32 to vector<16xi32>
        %parallel_loop3A_122 = arith.shrsi %parallel_loop3A_118, %parallel_loop3A_121 : vector<16xi32>
        tpu.vector_store_idx %arg6[%parallel_loop3A_122], %broadcast_in_dim3A_5 {add = true} : memref<4096xf32, #tpu.memory_space<vmem>>[vector<16xi32>], vector<16xf32>,
        %parallel_loop3A_123 = arith.constant 128 : i32
        %parallel_loop3A_124 = arith.muli %parallel_loop3A_62, %parallel_loop3A_123 : i32
        %parallel_loop3A_125 = arith.constant 96 : i32
        %parallel_loop3A_126 = arith.addi %parallel_loop3A_124, %parallel_loop3A_125 : i32
        %parallel_loop3A_127 = arith.index_cast %parallel_loop3A_126 : i32 to index
        %parallel_loop3A_128 = tpu.vector_load %arg4[%parallel_loop3A_127] {strides = array<i32>} : memref<14336xi32, #tpu.memory_space<vmem>>, vector<16xi32>,
        %parallel_loop3A_129 = arith.andi %parallel_loop3A_128, %broadcast_in_dim3A_7 : vector<16xi32>
        tpu.vector_store_idx %arg6[%parallel_loop3A_129], %broadcast_in_dim3A_5 {add = true} : memref<4096xf32, #tpu.memory_space<vmem>>[vector<16xi32>], vector<16xf32>,
        %parallel_loop3A_130 = arith.constant 128 : i32
        %parallel_loop3A_131 = arith.muli %parallel_loop3A_62, %parallel_loop3A_130 : i32
        %parallel_loop3A_132 = arith.constant 112 : i32
        %parallel_loop3A_133 = arith.addi %parallel_loop3A_131, %parallel_loop3A_132 : i32
        %parallel_loop3A_134 = arith.index_cast %parallel_loop3A_133 : i32 to index
        %parallel_loop3A_135 = tpu.vector_load %arg4[%parallel_loop3A_134] {strides = array<i32>} : memref<14336xi32, #tpu.memory_space<vmem>>, vector<16xi32>,
        %parallel_loop3A_136 = arith.andi %parallel_loop3A_135, %broadcast_in_dim3A_7 : vector<16xi32>
        tpu.vector_store_idx %arg6[%parallel_loop3A_136], %broadcast_in_dim3A_5 {add = true} : memref<4096xf32, #tpu.memory_space<vmem>>[vector<16xi32>], vector<16xf32>,
      } {sc.loop_unroll_factor = 2 : i64, sc.parallel_access}
      %add3A_39 = arith.constant 2 : i32
      %add3A_40 = arith.addi %add3A_32, %add3A_39 : i32
      %lt3A = arith.constant 6 : i32
      %lt3A_41 = arith.cmpi slt, %add3A_40, %lt3A : i32
      %convert_element_type3A = arith.extui %lt3A_41 : i1 to i32
      %cond3A = arith.constant 0 : i32
      %cond3A_42 = arith.cmpi ne, %convert_element_type3A, %cond3A : i32
      scf.if %cond3A_42 {
        %add3A_62 = arith.constant 2 : i32
        %add3A_63 = arith.addi %add3A_32, %add3A_62 : i32
        %mul3A_64 = arith.constant 14336 : i32
        %mul3A_65 = arith.muli %add3A_63, %mul3A_64 : i32
        %add3A_66 = arith.addi %mul3A_2, %mul3A_65 : i32
        %dma_start3A_67 = tpu.memref_slice %arg2[%add3A_66] : memref<2752512xi32, #tpu.memory_space<hbm>> -> memref<14336xi32, #tpu.memory_space<hbm>>
        %dma_start3A_68 = tpu.memref_slice %arg2[%add3A_66] : memref<2752512xi32, #tpu.memory_space<hbm>> -> memref<14336xi32, #tpu.memory_space<hbm>>
        tpu.enqueue_dma source(%dma_start3A_68 : memref<14336xi32, #tpu.memory_space<hbm>>) target(%arg4 : memref<14336xi32, #tpu.memory_space<vmem>>) target_semaphore(%arg7 : memref<!tpu.dma_semaphore, #tpu.memory_space<semaphore_mem>>)
      } else {
      }
      %mul3A_43 = arith.constant 2 : i32
      %mul3A_44 = arith.muli %scan3A_28, %mul3A_43 : i32
      %add3A_45 = arith.constant 1 : i32
      %add3A_46 = arith.addi %mul3A_44, %add3A_45 : i32
      %mul3A_47 = arith.constant 14336 : i32
      %mul3A_48 = arith.muli %add3A_46, %mul3A_47 : i32
      %add3A_49 = arith.addi %mul3A_2, %mul3A_48 : i32
      %dma_wait3A_50 = tpu.memref_slice %arg2[%add3A_49] : memref<2752512xi32, #tpu.memory_space<hbm>> -> memref<14336xi32, #tpu.memory_space<hbm>>
      %dma_wait3A_51 = tpu.memref_slice %arg2[%add3A_49] : memref<2752512xi32, #tpu.memory_space<hbm>> -> memref<14336xi32, #tpu.memory_space<hbm>>
      tpu.wait_dma2 semaphore(%arg8 : memref<!tpu.dma_semaphore, #tpu.memory_space<semaphore_mem>>) src(%dma_wait3A_51 : memref<14336xi32, #tpu.memory_space<hbm>>) dst(%arg5 : memref<14336xi32, #tpu.memory_space<vmem>>)
      %parallel_loop3A_52 = arith.constant 0 : i32
      %parallel_loop3A_53 = arith.constant 112 : i32
      %parallel_loop3A_54 = arith.constant 1 : i32
      scf.for %parallel_loop3A_62 = %parallel_loop3A_52 to %parallel_loop3A_53 step %parallel_loop3A_54  : i32 {
        %parallel_loop3A_63 = arith.constant 128 : i32
        %parallel_loop3A_64 = arith.muli %parallel_loop3A_62, %parallel_loop3A_63 : i32
        %parallel_loop3A_65 = arith.constant 0 : i32
        %parallel_loop3A_66 = arith.addi %parallel_loop3A_64, %parallel_loop3A_65 : i32
        %parallel_loop3A_67 = arith.index_cast %parallel_loop3A_66 : i32 to index
        %parallel_loop3A_68 = tpu.vector_load %arg5[%parallel_loop3A_67] {strides = array<i32>} : memref<14336xi32, #tpu.memory_space<vmem>>, vector<16xi32>,
        %parallel_loop3A_69 = arith.andi %parallel_loop3A_68, %broadcast_in_dim3A_7 : vector<16xi32>
        tpu.vector_store_idx %arg6[%parallel_loop3A_69], %broadcast_in_dim3A_5 {add = true} : memref<4096xf32, #tpu.memory_space<vmem>>[vector<16xi32>], vector<16xf32>,
        %parallel_loop3A_70 = arith.constant 16 : i32
        %parallel_loop3A_71 = vector.broadcast %parallel_loop3A_70 : i32 to vector<16xi32>
        %parallel_loop3A_72 = arith.shrsi %parallel_loop3A_68, %parallel_loop3A_71 : vector<16xi32>
        tpu.vector_store_idx %arg6[%parallel_loop3A_72], %broadcast_in_dim3A_5 {add = true} : memref<4096xf32, #tpu.memory_space<vmem>>[vector<16xi32>], vector<16xf32>,
        %parallel_loop3A_73 = arith.constant 128 : i32
        %parallel_loop3A_74 = arith.muli %parallel_loop3A_62, %parallel_loop3A_73 : i32
        %parallel_loop3A_75 = arith.constant 16 : i32
        %parallel_loop3A_76 = arith.addi %parallel_loop3A_74, %parallel_loop3A_75 : i32
        %parallel_loop3A_77 = arith.index_cast %parallel_loop3A_76 : i32 to index
        %parallel_loop3A_78 = tpu.vector_load %arg5[%parallel_loop3A_77] {strides = array<i32>} : memref<14336xi32, #tpu.memory_space<vmem>>, vector<16xi32>,
        %parallel_loop3A_79 = arith.andi %parallel_loop3A_78, %broadcast_in_dim3A_7 : vector<16xi32>
        tpu.vector_store_idx %arg6[%parallel_loop3A_79], %broadcast_in_dim3A_5 {add = true} : memref<4096xf32, #tpu.memory_space<vmem>>[vector<16xi32>], vector<16xf32>,
        %parallel_loop3A_80 = arith.constant 16 : i32
        %parallel_loop3A_81 = vector.broadcast %parallel_loop3A_80 : i32 to vector<16xi32>
        %parallel_loop3A_82 = arith.shrsi %parallel_loop3A_78, %parallel_loop3A_81 : vector<16xi32>
        tpu.vector_store_idx %arg6[%parallel_loop3A_82], %broadcast_in_dim3A_5 {add = true} : memref<4096xf32, #tpu.memory_space<vmem>>[vector<16xi32>], vector<16xf32>,
        %parallel_loop3A_83 = arith.constant 128 : i32
        %parallel_loop3A_84 = arith.muli %parallel_loop3A_62, %parallel_loop3A_83 : i32
        %parallel_loop3A_85 = arith.constant 32 : i32
        %parallel_loop3A_86 = arith.addi %parallel_loop3A_84, %parallel_loop3A_85 : i32
        %parallel_loop3A_87 = arith.index_cast %parallel_loop3A_86 : i32 to index
        %parallel_loop3A_88 = tpu.vector_load %arg5[%parallel_loop3A_87] {strides = array<i32>} : memref<14336xi32, #tpu.memory_space<vmem>>, vector<16xi32>,
        %parallel_loop3A_89 = arith.andi %parallel_loop3A_88, %broadcast_in_dim3A_7 : vector<16xi32>
        tpu.vector_store_idx %arg6[%parallel_loop3A_89], %broadcast_in_dim3A_5 {add = true} : memref<4096xf32, #tpu.memory_space<vmem>>[vector<16xi32>], vector<16xf32>,
        %parallel_loop3A_90 = arith.constant 16 : i32
        %parallel_loop3A_91 = vector.broadcast %parallel_loop3A_90 : i32 to vector<16xi32>
        %parallel_loop3A_92 = arith.shrsi %parallel_loop3A_88, %parallel_loop3A_91 : vector<16xi32>
        tpu.vector_store_idx %arg6[%parallel_loop3A_92], %broadcast_in_dim3A_5 {add = true} : memref<4096xf32, #tpu.memory_space<vmem>>[vector<16xi32>], vector<16xf32>,
        %parallel_loop3A_93 = arith.constant 128 : i32
        %parallel_loop3A_94 = arith.muli %parallel_loop3A_62, %parallel_loop3A_93 : i32
        %parallel_loop3A_95 = arith.constant 48 : i32
        %parallel_loop3A_96 = arith.addi %parallel_loop3A_94, %parallel_loop3A_95 : i32
        %parallel_loop3A_97 = arith.index_cast %parallel_loop3A_96 : i32 to index
        %parallel_loop3A_98 = tpu.vector_load %arg5[%parallel_loop3A_97] {strides = array<i32>} : memref<14336xi32, #tpu.memory_space<vmem>>, vector<16xi32>,
        %parallel_loop3A_99 = arith.andi %parallel_loop3A_98, %broadcast_in_dim3A_7 : vector<16xi32>
        tpu.vector_store_idx %arg6[%parallel_loop3A_99], %broadcast_in_dim3A_5 {add = true} : memref<4096xf32, #tpu.memory_space<vmem>>[vector<16xi32>], vector<16xf32>,
        %parallel_loop3A_100 = arith.constant 16 : i32
        %parallel_loop3A_101 = vector.broadcast %parallel_loop3A_100 : i32 to vector<16xi32>
        %parallel_loop3A_102 = arith.shrsi %parallel_loop3A_98, %parallel_loop3A_101 : vector<16xi32>
        tpu.vector_store_idx %arg6[%parallel_loop3A_102], %broadcast_in_dim3A_5 {add = true} : memref<4096xf32, #tpu.memory_space<vmem>>[vector<16xi32>], vector<16xf32>,
        %parallel_loop3A_103 = arith.constant 128 : i32
        %parallel_loop3A_104 = arith.muli %parallel_loop3A_62, %parallel_loop3A_103 : i32
        %parallel_loop3A_105 = arith.constant 64 : i32
        %parallel_loop3A_106 = arith.addi %parallel_loop3A_104, %parallel_loop3A_105 : i32
        %parallel_loop3A_107 = arith.index_cast %parallel_loop3A_106 : i32 to index
        %parallel_loop3A_108 = tpu.vector_load %arg5[%parallel_loop3A_107] {strides = array<i32>} : memref<14336xi32, #tpu.memory_space<vmem>>, vector<16xi32>,
        %parallel_loop3A_109 = arith.andi %parallel_loop3A_108, %broadcast_in_dim3A_7 : vector<16xi32>
        tpu.vector_store_idx %arg6[%parallel_loop3A_109], %broadcast_in_dim3A_5 {add = true} : memref<4096xf32, #tpu.memory_space<vmem>>[vector<16xi32>], vector<16xf32>,
        %parallel_loop3A_110 = arith.constant 16 : i32
        %parallel_loop3A_111 = vector.broadcast %parallel_loop3A_110 : i32 to vector<16xi32>
        %parallel_loop3A_112 = arith.shrsi %parallel_loop3A_108, %parallel_loop3A_111 : vector<16xi32>
        tpu.vector_store_idx %arg6[%parallel_loop3A_112], %broadcast_in_dim3A_5 {add = true} : memref<4096xf32, #tpu.memory_space<vmem>>[vector<16xi32>], vector<16xf32>,
        %parallel_loop3A_113 = arith.constant 128 : i32
        %parallel_loop3A_114 = arith.muli %parallel_loop3A_62, %parallel_loop3A_113 : i32
        %parallel_loop3A_115 = arith.constant 80 : i32
        %parallel_loop3A_116 = arith.addi %parallel_loop3A_114, %parallel_loop3A_115 : i32
        %parallel_loop3A_117 = arith.index_cast %parallel_loop3A_116 : i32 to index
        %parallel_loop3A_118 = tpu.vector_load %arg5[%parallel_loop3A_117] {strides = array<i32>} : memref<14336xi32, #tpu.memory_space<vmem>>, vector<16xi32>,
        %parallel_loop3A_119 = arith.andi %parallel_loop3A_118, %broadcast_in_dim3A_7 : vector<16xi32>
        tpu.vector_store_idx %arg6[%parallel_loop3A_119], %broadcast_in_dim3A_5 {add = true} : memref<4096xf32, #tpu.memory_space<vmem>>[vector<16xi32>], vector<16xf32>,
        %parallel_loop3A_120 = arith.constant 16 : i32
        %parallel_loop3A_121 = vector.broadcast %parallel_loop3A_120 : i32 to vector<16xi32>
        %parallel_loop3A_122 = arith.shrsi %parallel_loop3A_118, %parallel_loop3A_121 : vector<16xi32>
        tpu.vector_store_idx %arg6[%parallel_loop3A_122], %broadcast_in_dim3A_5 {add = true} : memref<4096xf32, #tpu.memory_space<vmem>>[vector<16xi32>], vector<16xf32>,
        %parallel_loop3A_123 = arith.constant 128 : i32
        %parallel_loop3A_124 = arith.muli %parallel_loop3A_62, %parallel_loop3A_123 : i32
        %parallel_loop3A_125 = arith.constant 96 : i32
        %parallel_loop3A_126 = arith.addi %parallel_loop3A_124, %parallel_loop3A_125 : i32
        %parallel_loop3A_127 = arith.index_cast %parallel_loop3A_126 : i32 to index
        %parallel_loop3A_128 = tpu.vector_load %arg5[%parallel_loop3A_127] {strides = array<i32>} : memref<14336xi32, #tpu.memory_space<vmem>>, vector<16xi32>,
        %parallel_loop3A_129 = arith.andi %parallel_loop3A_128, %broadcast_in_dim3A_7 : vector<16xi32>
        tpu.vector_store_idx %arg6[%parallel_loop3A_129], %broadcast_in_dim3A_5 {add = true} : memref<4096xf32, #tpu.memory_space<vmem>>[vector<16xi32>], vector<16xf32>,
        %parallel_loop3A_130 = arith.constant 128 : i32
        %parallel_loop3A_131 = arith.muli %parallel_loop3A_62, %parallel_loop3A_130 : i32
        %parallel_loop3A_132 = arith.constant 112 : i32
        %parallel_loop3A_133 = arith.addi %parallel_loop3A_131, %parallel_loop3A_132 : i32
        %parallel_loop3A_134 = arith.index_cast %parallel_loop3A_133 : i32 to index
        %parallel_loop3A_135 = tpu.vector_load %arg5[%parallel_loop3A_134] {strides = array<i32>} : memref<14336xi32, #tpu.memory_space<vmem>>, vector<16xi32>,
        %parallel_loop3A_136 = arith.andi %parallel_loop3A_135, %broadcast_in_dim3A_7 : vector<16xi32>
        tpu.vector_store_idx %arg6[%parallel_loop3A_136], %broadcast_in_dim3A_5 {add = true} : memref<4096xf32, #tpu.memory_space<vmem>>[vector<16xi32>], vector<16xf32>,
      } {sc.loop_unroll_factor = 2 : i64, sc.parallel_access}
      %add3A_55 = arith.constant 2 : i32
      %add3A_56 = arith.addi %add3A_46, %add3A_55 : i32
      %lt3A_57 = arith.constant 6 : i32
      %lt3A_58 = arith.cmpi slt, %add3A_56, %lt3A_57 : i32
      %convert_element_type3A_59 = arith.extui %lt3A_58 : i1 to i32
      %cond3A_60 = arith.constant 0 : i32
      %cond3A_61 = arith.cmpi ne, %convert_element_type3A_59, %cond3A_60 : i32
      scf.if %cond3A_61 {
        %add3A_62 = arith.constant 2 : i32
        %add3A_63 = arith.addi %add3A_46, %add3A_62 : i32
        %mul3A_64 = arith.constant 14336 : i32
        %mul3A_65 = arith.muli %add3A_63, %mul3A_64 : i32
        %add3A_66 = arith.addi %mul3A_2, %mul3A_65 : i32
        %dma_start3A_67 = tpu.memref_slice %arg2[%add3A_66] : memref<2752512xi32, #tpu.memory_space<hbm>> -> memref<14336xi32, #tpu.memory_space<hbm>>
        %dma_start3A_68 = tpu.memref_slice %arg2[%add3A_66] : memref<2752512xi32, #tpu.memory_space<hbm>> -> memref<14336xi32, #tpu.memory_space<hbm>>
        tpu.enqueue_dma source(%dma_start3A_68 : memref<14336xi32, #tpu.memory_space<hbm>>) target(%arg5 : memref<14336xi32, #tpu.memory_space<vmem>>) target_semaphore(%arg8 : memref<!tpu.dma_semaphore, #tpu.memory_space<semaphore_mem>>)
      } else {
      }
    }
    %scan3A_25 = arith.constant 3 : i32
    %mul3A_26 = arith.constant 4096 : i32
    %mul3A_27 = arith.muli %add3A, %mul3A_26 : i32
    "tpu.region"() ({
      %run_scoped3A = tpu.sem_alloc : memref<!tpu.dma_semaphore, #tpu.memory_space<semaphore_mem>>
      %dma_start3A_28 = tpu.memref_slice %arg3[%mul3A_27] : memref<131072xf32, #tpu.memory_space<hbm>> -> memref<4096xf32, #tpu.memory_space<hbm>>
      %dma_start3A_29 = tpu.memref_slice %arg3[%mul3A_27] : memref<131072xf32, #tpu.memory_space<hbm>> -> memref<4096xf32, #tpu.memory_space<hbm>>
      tpu.enqueue_dma source(%arg6 : memref<4096xf32, #tpu.memory_space<vmem>>) target(%dma_start3A_29 : memref<4096xf32, #tpu.memory_space<hbm>>) target_semaphore(%run_scoped3A : memref<!tpu.dma_semaphore, #tpu.memory_space<semaphore_mem>>)
      %dma_wait3A = tpu.memref_slice %arg3[%mul3A_27] : memref<131072xf32, #tpu.memory_space<hbm>> -> memref<4096xf32, #tpu.memory_space<hbm>>
      %dma_wait3A_30 = tpu.memref_slice %arg3[%mul3A_27] : memref<131072xf32, #tpu.memory_space<hbm>> -> memref<4096xf32, #tpu.memory_space<hbm>>
      tpu.wait_dma2 semaphore(%run_scoped3A : memref<!tpu.dma_semaphore, #tpu.memory_space<semaphore_mem>>) src(%arg6 : memref<4096xf32, #tpu.memory_space<vmem>>) dst(%dma_wait3A_30 : memref<4096xf32, #tpu.memory_space<hbm>>)
      tpu.yield
    }) : () -> ()
    return
  }
}

#map = affine_map<(d0, d1) -> (0)>
module attributes {stable_mosaic.version = 14 : i64} {
  func.func @sc_hist(%arg0: i32, %arg1: i32, %arg2: memref<2752512xi32, #tpu.memory_space<hbm>>, %arg3: memref<131072xf32, #tpu.memory_space<hbm>>, %arg4: memref<14336xi32, #tpu.memory_space<vmem>>, %arg5: memref<14336xi32, #tpu.memory_space<vmem>>, %arg6: memref<4096xf32, #tpu.memory_space<vmem>>, %arg7: memref<!tpu.dma_semaphore, #tpu.memory_space<semaphore_mem>>, %arg8: memref<!tpu.dma_semaphore, #tpu.memory_space<semaphore_mem>>) attributes {dimension_semantics = [#tpu.dimension_semantics<core_parallel>, #tpu.dimension_semantics<subcore_parallel>], iteration_bounds = array<i64: 2, 16>, scalar_prefetch = 0 : i64, scratch_operands = 5 : i64, tpu.core_type = #tpu.core_type<sc_vector_subcore>, window_params = [{transform_indices = #map}, {transform_indices = #map}]} {
    %mul3A = arith.constant 2 : i32
    %mul3A_0 = arith.muli %arg1, %mul3A : i32
    %add3A = arith.addi %mul3A_0, %arg0 : i32
    %mul3A_1 = arith.constant 86016 : i32
    %mul3A_2 = arith.muli %add3A, %mul3A_1 : i32
    %broadcast_in_dim3A = arith.constant 0.000000e+00 : f32
    %broadcast_in_dim3A_3 = vector.broadcast %broadcast_in_dim3A : f32 to vector<16xf32>
    %broadcast_in_dim3A_4 = arith.constant 1.000000e+00 : f32
    %broadcast_in_dim3A_5 = vector.broadcast %broadcast_in_dim3A_4 : f32 to vector<16xf32>
    %broadcast_in_dim3A_6 = arith.constant 65535 : i32
    %broadcast_in_dim3A_7 = vector.broadcast %broadcast_in_dim3A_6 : i32 to vector<16xi32>
    %scan3A = arith.constant 0 : i32
    %scan3A_8 = arith.constant 0 : i32
    %scan3A_9 = arith.constant 256 : i32
    %scan3A_10 = arith.addi %scan3A_8, %scan3A_9 : i32
    %scan3A_11 = arith.constant 1 : i32
    scf.for %scan3A_28 = %scan3A_8 to %scan3A_10 step %scan3A_11  : i32 {
      %mul3A_29 = arith.constant 16 : i32
      %mul3A_30 = arith.muli %scan3A_28, %mul3A_29 : i32
      %swap3A = arith.index_cast %mul3A_30 : i32 to index
      %swap3A_31 = tpu.vector_load %arg6[%swap3A] {strides = array<i32>} : memref<4096xf32, #tpu.memory_space<vmem>>, vector<16xf32>,
      tpu.vector_store %arg6[%swap3A], %broadcast_in_dim3A_3 {strides = array<i32>} : memref<4096xf32, #tpu.memory_space<vmem>>, vector<16xf32>,
    }
    %scan3A_12 = arith.constant 256 : i32
    %add3A_13 = arith.constant 0 : i32
    %add3A_14 = arith.addi %mul3A_2, %add3A_13 : i32
    %dma_start3A = tpu.memref_slice %arg2[%add3A_14] : memref<2752512xi32, #tpu.memory_space<hbm>> -> memref<14336xi32, #tpu.memory_space<hbm>>
    %dma_start3A_15 = tpu.memref_slice %arg2[%add3A_14] : memref<2752512xi32, #tpu.memory_space<hbm>> -> memref<14336xi32, #tpu.memory_space<hbm>>
    tpu.enqueue_dma source(%dma_start3A_15 : memref<14336xi32, #tpu.memory_space<hbm>>) target(%arg4 : memref<14336xi32, #tpu.memory_space<vmem>>) target_semaphore(%arg7 : memref<!tpu.dma_semaphore, #tpu.memory_space<semaphore_mem>>)
    %add3A_16 = arith.constant 14336 : i32
    %add3A_17 = arith.addi %mul3A_2, %add3A_16 : i32
    %dma_start3A_18 = tpu.memref_slice %arg2[%add3A_17] : memref<2752512xi32, #tpu.memory_space<hbm>> -> memref<14336xi32, #tpu.memory_space<hbm>>
    %dma_start3A_19 = tpu.memref_slice %arg2[%add3A_17] : memref<2752512xi32, #tpu.memory_space<hbm>> -> memref<14336xi32, #tpu.memory_space<hbm>>
    tpu.enqueue_dma source(%dma_start3A_19 : memref<14336xi32, #tpu.memory_space<hbm>>) target(%arg5 : memref<14336xi32, #tpu.memory_space<vmem>>) target_semaphore(%arg8 : memref<!tpu.dma_semaphore, #tpu.memory_space<semaphore_mem>>)
    %scan3A_20 = arith.constant 0 : i32
    %scan3A_21 = arith.constant 0 : i32
    %scan3A_22 = arith.constant 3 : i32
    %scan3A_23 = arith.addi %scan3A_21, %scan3A_22 : i32
    %scan3A_24 = arith.constant 1 : i32
    scf.for %scan3A_28 = %scan3A_21 to %scan3A_23 step %scan3A_24  : i32 {
      %mul3A_29 = arith.constant 2 : i32
      %mul3A_30 = arith.muli %scan3A_28, %mul3A_29 : i32
      %add3A_31 = arith.constant 0 : i32
      %add3A_32 = arith.addi %mul3A_30, %add3A_31 : i32
      %mul3A_33 = arith.constant 14336 : i32
      %mul3A_34 = arith.muli %add3A_32, %mul3A_33 : i32
      %add3A_35 = arith.addi %mul3A_2, %mul3A_34 : i32
      %dma_wait3A = tpu.memref_slice %arg2[%add3A_35] : memref<2752512xi32, #tpu.memory_space<hbm>> -> memref<14336xi32, #tpu.memory_space<hbm>>
      %dma_wait3A_36 = tpu.memref_slice %arg2[%add3A_35] : memref<2752512xi32, #tpu.memory_space<hbm>> -> memref<14336xi32, #tpu.memory_space<hbm>>
      tpu.wait_dma2 semaphore(%arg7 : memref<!tpu.dma_semaphore, #tpu.memory_space<semaphore_mem>>) src(%dma_wait3A_36 : memref<14336xi32, #tpu.memory_space<hbm>>) dst(%arg4 : memref<14336xi32, #tpu.memory_space<vmem>>)
      %parallel_loop3A = arith.constant 0 : i32
      %parallel_loop3A_37 = arith.constant 112 : i32
      %parallel_loop3A_38 = arith.constant 1 : i32
      scf.for %parallel_loop3A_62 = %parallel_loop3A to %parallel_loop3A_37 step %parallel_loop3A_38  : i32 {
        %parallel_loop3A_63 = arith.constant 128 : i32
        %parallel_loop3A_64 = arith.muli %parallel_loop3A_62, %parallel_loop3A_63 : i32
        %parallel_loop3A_65 = arith.constant 0 : i32
        %parallel_loop3A_66 = arith.addi %parallel_loop3A_64, %parallel_loop3A_65 : i32
        %parallel_loop3A_67 = arith.index_cast %parallel_loop3A_66 : i32 to index
        %parallel_loop3A_68 = tpu.vector_load %arg4[%parallel_loop3A_67] {strides = array<i32>} : memref<14336xi32, #tpu.memory_space<vmem>>, vector<16xi32>,
        %parallel_loop3A_69 = arith.andi %parallel_loop3A_68, %broadcast_in_dim3A_7 : vector<16xi32>
        tpu.vector_store_idx %arg6[%parallel_loop3A_69], %broadcast_in_dim3A_5 {add = true} : memref<4096xf32, #tpu.memory_space<vmem>>[vector<16xi32>], vector<16xf32>,
        %parallel_loop3A_70 = arith.constant 16 : i32
        %parallel_loop3A_71 = vector.broadcast %parallel_loop3A_70 : i32 to vector<16xi32>
        %parallel_loop3A_72 = arith.shrsi %parallel_loop3A_68, %parallel_loop3A_71 : vector<16xi32>
        tpu.vector_store_idx %arg6[%parallel_loop3A_72], %broadcast_in_dim3A_5 {add = true} : memref<4096xf32, #tpu.memory_space<vmem>>[vector<16xi32>], vector<16xf32>,
        %parallel_loop3A_73 = arith.constant 128 : i32
        %parallel_loop3A_74 = arith.muli %parallel_loop3A_62, %parallel_loop3A_73 : i32
        %parallel_loop3A_75 = arith.constant 16 : i32
        %parallel_loop3A_76 = arith.addi %parallel_loop3A_74, %parallel_loop3A_75 : i32
        %parallel_loop3A_77 = arith.index_cast %parallel_loop3A_76 : i32 to index
        %parallel_loop3A_78 = tpu.vector_load %arg4[%parallel_loop3A_77] {strides = array<i32>} : memref<14336xi32, #tpu.memory_space<vmem>>, vector<16xi32>,
        %parallel_loop3A_79 = arith.andi %parallel_loop3A_78, %broadcast_in_dim3A_7 : vector<16xi32>
        tpu.vector_store_idx %arg6[%parallel_loop3A_79], %broadcast_in_dim3A_5 {add = true} : memref<4096xf32, #tpu.memory_space<vmem>>[vector<16xi32>], vector<16xf32>,
        %parallel_loop3A_80 = arith.constant 16 : i32
        %parallel_loop3A_81 = vector.broadcast %parallel_loop3A_80 : i32 to vector<16xi32>
        %parallel_loop3A_82 = arith.shrsi %parallel_loop3A_78, %parallel_loop3A_81 : vector<16xi32>
        tpu.vector_store_idx %arg6[%parallel_loop3A_82], %broadcast_in_dim3A_5 {add = true} : memref<4096xf32, #tpu.memory_space<vmem>>[vector<16xi32>], vector<16xf32>,
        %parallel_loop3A_83 = arith.constant 128 : i32
        %parallel_loop3A_84 = arith.muli %parallel_loop3A_62, %parallel_loop3A_83 : i32
        %parallel_loop3A_85 = arith.constant 32 : i32
        %parallel_loop3A_86 = arith.addi %parallel_loop3A_84, %parallel_loop3A_85 : i32
        %parallel_loop3A_87 = arith.index_cast %parallel_loop3A_86 : i32 to index
        %parallel_loop3A_88 = tpu.vector_load %arg4[%parallel_loop3A_87] {strides = array<i32>} : memref<14336xi32, #tpu.memory_space<vmem>>, vector<16xi32>,
        %parallel_loop3A_89 = arith.andi %parallel_loop3A_88, %broadcast_in_dim3A_7 : vector<16xi32>
        tpu.vector_store_idx %arg6[%parallel_loop3A_89], %broadcast_in_dim3A_5 {add = true} : memref<4096xf32, #tpu.memory_space<vmem>>[vector<16xi32>], vector<16xf32>,
        %parallel_loop3A_90 = arith.constant 16 : i32
        %parallel_loop3A_91 = vector.broadcast %parallel_loop3A_90 : i32 to vector<16xi32>
        %parallel_loop3A_92 = arith.shrsi %parallel_loop3A_88, %parallel_loop3A_91 : vector<16xi32>
        tpu.vector_store_idx %arg6[%parallel_loop3A_92], %broadcast_in_dim3A_5 {add = true} : memref<4096xf32, #tpu.memory_space<vmem>>[vector<16xi32>], vector<16xf32>,
        %parallel_loop3A_93 = arith.constant 128 : i32
        %parallel_loop3A_94 = arith.muli %parallel_loop3A_62, %parallel_loop3A_93 : i32
        %parallel_loop3A_95 = arith.constant 48 : i32
        %parallel_loop3A_96 = arith.addi %parallel_loop3A_94, %parallel_loop3A_95 : i32
        %parallel_loop3A_97 = arith.index_cast %parallel_loop3A_96 : i32 to index
        %parallel_loop3A_98 = tpu.vector_load %arg4[%parallel_loop3A_97] {strides = array<i32>} : memref<14336xi32, #tpu.memory_space<vmem>>, vector<16xi32>,
        %parallel_loop3A_99 = arith.andi %parallel_loop3A_98, %broadcast_in_dim3A_7 : vector<16xi32>
        tpu.vector_store_idx %arg6[%parallel_loop3A_99], %broadcast_in_dim3A_5 {add = true} : memref<4096xf32, #tpu.memory_space<vmem>>[vector<16xi32>], vector<16xf32>,
        %parallel_loop3A_100 = arith.constant 16 : i32
        %parallel_loop3A_101 = vector.broadcast %parallel_loop3A_100 : i32 to vector<16xi32>
        %parallel_loop3A_102 = arith.shrsi %parallel_loop3A_98, %parallel_loop3A_101 : vector<16xi32>
        tpu.vector_store_idx %arg6[%parallel_loop3A_102], %broadcast_in_dim3A_5 {add = true} : memref<4096xf32, #tpu.memory_space<vmem>>[vector<16xi32>], vector<16xf32>,
        %parallel_loop3A_103 = arith.constant 128 : i32
        %parallel_loop3A_104 = arith.muli %parallel_loop3A_62, %parallel_loop3A_103 : i32
        %parallel_loop3A_105 = arith.constant 64 : i32
        %parallel_loop3A_106 = arith.addi %parallel_loop3A_104, %parallel_loop3A_105 : i32
        %parallel_loop3A_107 = arith.index_cast %parallel_loop3A_106 : i32 to index
        %parallel_loop3A_108 = tpu.vector_load %arg4[%parallel_loop3A_107] {strides = array<i32>} : memref<14336xi32, #tpu.memory_space<vmem>>, vector<16xi32>,
        %parallel_loop3A_109 = arith.andi %parallel_loop3A_108, %broadcast_in_dim3A_7 : vector<16xi32>
        tpu.vector_store_idx %arg6[%parallel_loop3A_109], %broadcast_in_dim3A_5 {add = true} : memref<4096xf32, #tpu.memory_space<vmem>>[vector<16xi32>], vector<16xf32>,
        %parallel_loop3A_110 = arith.constant 16 : i32
        %parallel_loop3A_111 = vector.broadcast %parallel_loop3A_110 : i32 to vector<16xi32>
        %parallel_loop3A_112 = arith.shrsi %parallel_loop3A_108, %parallel_loop3A_111 : vector<16xi32>
        tpu.vector_store_idx %arg6[%parallel_loop3A_112], %broadcast_in_dim3A_5 {add = true} : memref<4096xf32, #tpu.memory_space<vmem>>[vector<16xi32>], vector<16xf32>,
        %parallel_loop3A_113 = arith.constant 128 : i32
        %parallel_loop3A_114 = arith.muli %parallel_loop3A_62, %parallel_loop3A_113 : i32
        %parallel_loop3A_115 = arith.constant 80 : i32
        %parallel_loop3A_116 = arith.addi %parallel_loop3A_114, %parallel_loop3A_115 : i32
        %parallel_loop3A_117 = arith.index_cast %parallel_loop3A_116 : i32 to index
        %parallel_loop3A_118 = tpu.vector_load %arg4[%parallel_loop3A_117] {strides = array<i32>} : memref<14336xi32, #tpu.memory_space<vmem>>, vector<16xi32>,
        %parallel_loop3A_119 = arith.andi %parallel_loop3A_118, %broadcast_in_dim3A_7 : vector<16xi32>
        tpu.vector_store_idx %arg6[%parallel_loop3A_119], %broadcast_in_dim3A_5 {add = true} : memref<4096xf32, #tpu.memory_space<vmem>>[vector<16xi32>], vector<16xf32>,
        %parallel_loop3A_120 = arith.constant 16 : i32
        %parallel_loop3A_121 = vector.broadcast %parallel_loop3A_120 : i32 to vector<16xi32>
        %parallel_loop3A_122 = arith.shrsi %parallel_loop3A_118, %parallel_loop3A_121 : vector<16xi32>
        tpu.vector_store_idx %arg6[%parallel_loop3A_122], %broadcast_in_dim3A_5 {add = true} : memref<4096xf32, #tpu.memory_space<vmem>>[vector<16xi32>], vector<16xf32>,
        %parallel_loop3A_123 = arith.constant 128 : i32
        %parallel_loop3A_124 = arith.muli %parallel_loop3A_62, %parallel_loop3A_123 : i32
        %parallel_loop3A_125 = arith.constant 96 : i32
        %parallel_loop3A_126 = arith.addi %parallel_loop3A_124, %parallel_loop3A_125 : i32
        %parallel_loop3A_127 = arith.index_cast %parallel_loop3A_126 : i32 to index
        %parallel_loop3A_128 = tpu.vector_load %arg4[%parallel_loop3A_127] {strides = array<i32>} : memref<14336xi32, #tpu.memory_space<vmem>>, vector<16xi32>,
        %parallel_loop3A_129 = arith.andi %parallel_loop3A_128, %broadcast_in_dim3A_7 : vector<16xi32>
        tpu.vector_store_idx %arg6[%parallel_loop3A_129], %broadcast_in_dim3A_5 {add = true} : memref<4096xf32, #tpu.memory_space<vmem>>[vector<16xi32>], vector<16xf32>,
        %parallel_loop3A_130 = arith.constant 128 : i32
        %parallel_loop3A_131 = arith.muli %parallel_loop3A_62, %parallel_loop3A_130 : i32
        %parallel_loop3A_132 = arith.constant 112 : i32
        %parallel_loop3A_133 = arith.addi %parallel_loop3A_131, %parallel_loop3A_132 : i32
        %parallel_loop3A_134 = arith.index_cast %parallel_loop3A_133 : i32 to index
        %parallel_loop3A_135 = tpu.vector_load %arg4[%parallel_loop3A_134] {strides = array<i32>} : memref<14336xi32, #tpu.memory_space<vmem>>, vector<16xi32>,
        %parallel_loop3A_136 = arith.andi %parallel_loop3A_135, %broadcast_in_dim3A_7 : vector<16xi32>
        tpu.vector_store_idx %arg6[%parallel_loop3A_136], %broadcast_in_dim3A_5 {add = true} : memref<4096xf32, #tpu.memory_space<vmem>>[vector<16xi32>], vector<16xf32>,
      } {sc.loop_unroll_factor = 2 : i64, sc.parallel_access}
      %add3A_39 = arith.constant 2 : i32
      %add3A_40 = arith.addi %add3A_32, %add3A_39 : i32
      %lt3A = arith.constant 6 : i32
      %lt3A_41 = arith.cmpi slt, %add3A_40, %lt3A : i32
      %convert_element_type3A = arith.extui %lt3A_41 : i1 to i32
      %cond3A = arith.constant 0 : i32
      %cond3A_42 = arith.cmpi ne, %convert_element_type3A, %cond3A : i32
      scf.if %cond3A_42 {
        %add3A_62 = arith.constant 2 : i32
        %add3A_63 = arith.addi %add3A_32, %add3A_62 : i32
        %mul3A_64 = arith.constant 14336 : i32
        %mul3A_65 = arith.muli %add3A_63, %mul3A_64 : i32
        %add3A_66 = arith.addi %mul3A_2, %mul3A_65 : i32
        %dma_start3A_67 = tpu.memref_slice %arg2[%add3A_66] : memref<2752512xi32, #tpu.memory_space<hbm>> -> memref<14336xi32, #tpu.memory_space<hbm>>
        %dma_start3A_68 = tpu.memref_slice %arg2[%add3A_66] : memref<2752512xi32, #tpu.memory_space<hbm>> -> memref<14336xi32, #tpu.memory_space<hbm>>
        tpu.enqueue_dma source(%dma_start3A_68 : memref<14336xi32, #tpu.memory_space<hbm>>) target(%arg4 : memref<14336xi32, #tpu.memory_space<vmem>>) target_semaphore(%arg7 : memref<!tpu.dma_semaphore, #tpu.memory_space<semaphore_mem>>)
      } else {
      }
      %mul3A_43 = arith.constant 2 : i32
      %mul3A_44 = arith.muli %scan3A_28, %mul3A_43 : i32
      %add3A_45 = arith.constant 1 : i32
      %add3A_46 = arith.addi %mul3A_44, %add3A_45 : i32
      %mul3A_47 = arith.constant 14336 : i32
      %mul3A_48 = arith.muli %add3A_46, %mul3A_47 : i32
      %add3A_49 = arith.addi %mul3A_2, %mul3A_48 : i32
      %dma_wait3A_50 = tpu.memref_slice %arg2[%add3A_49] : memref<2752512xi32, #tpu.memory_space<hbm>> -> memref<14336xi32, #tpu.memory_space<hbm>>
      %dma_wait3A_51 = tpu.memref_slice %arg2[%add3A_49] : memref<2752512xi32, #tpu.memory_space<hbm>> -> memref<14336xi32, #tpu.memory_space<hbm>>
      tpu.wait_dma2 semaphore(%arg8 : memref<!tpu.dma_semaphore, #tpu.memory_space<semaphore_mem>>) src(%dma_wait3A_51 : memref<14336xi32, #tpu.memory_space<hbm>>) dst(%arg5 : memref<14336xi32, #tpu.memory_space<vmem>>)
      %parallel_loop3A_52 = arith.constant 0 : i32
      %parallel_loop3A_53 = arith.constant 112 : i32
      %parallel_loop3A_54 = arith.constant 1 : i32
      scf.for %parallel_loop3A_62 = %parallel_loop3A_52 to %parallel_loop3A_53 step %parallel_loop3A_54  : i32 {
        %parallel_loop3A_63 = arith.constant 128 : i32
        %parallel_loop3A_64 = arith.muli %parallel_loop3A_62, %parallel_loop3A_63 : i32
        %parallel_loop3A_65 = arith.constant 0 : i32
        %parallel_loop3A_66 = arith.addi %parallel_loop3A_64, %parallel_loop3A_65 : i32
        %parallel_loop3A_67 = arith.index_cast %parallel_loop3A_66 : i32 to index
        %parallel_loop3A_68 = tpu.vector_load %arg5[%parallel_loop3A_67] {strides = array<i32>} : memref<14336xi32, #tpu.memory_space<vmem>>, vector<16xi32>,
        %parallel_loop3A_69 = arith.andi %parallel_loop3A_68, %broadcast_in_dim3A_7 : vector<16xi32>
        tpu.vector_store_idx %arg6[%parallel_loop3A_69], %broadcast_in_dim3A_5 {add = true} : memref<4096xf32, #tpu.memory_space<vmem>>[vector<16xi32>], vector<16xf32>,
        %parallel_loop3A_70 = arith.constant 16 : i32
        %parallel_loop3A_71 = vector.broadcast %parallel_loop3A_70 : i32 to vector<16xi32>
        %parallel_loop3A_72 = arith.shrsi %parallel_loop3A_68, %parallel_loop3A_71 : vector<16xi32>
        tpu.vector_store_idx %arg6[%parallel_loop3A_72], %broadcast_in_dim3A_5 {add = true} : memref<4096xf32, #tpu.memory_space<vmem>>[vector<16xi32>], vector<16xf32>,
        %parallel_loop3A_73 = arith.constant 128 : i32
        %parallel_loop3A_74 = arith.muli %parallel_loop3A_62, %parallel_loop3A_73 : i32
        %parallel_loop3A_75 = arith.constant 16 : i32
        %parallel_loop3A_76 = arith.addi %parallel_loop3A_74, %parallel_loop3A_75 : i32
        %parallel_loop3A_77 = arith.index_cast %parallel_loop3A_76 : i32 to index
        %parallel_loop3A_78 = tpu.vector_load %arg5[%parallel_loop3A_77] {strides = array<i32>} : memref<14336xi32, #tpu.memory_space<vmem>>, vector<16xi32>,
        %parallel_loop3A_79 = arith.andi %parallel_loop3A_78, %broadcast_in_dim3A_7 : vector<16xi32>
        tpu.vector_store_idx %arg6[%parallel_loop3A_79], %broadcast_in_dim3A_5 {add = true} : memref<4096xf32, #tpu.memory_space<vmem>>[vector<16xi32>], vector<16xf32>,
        %parallel_loop3A_80 = arith.constant 16 : i32
        %parallel_loop3A_81 = vector.broadcast %parallel_loop3A_80 : i32 to vector<16xi32>
        %parallel_loop3A_82 = arith.shrsi %parallel_loop3A_78, %parallel_loop3A_81 : vector<16xi32>
        tpu.vector_store_idx %arg6[%parallel_loop3A_82], %broadcast_in_dim3A_5 {add = true} : memref<4096xf32, #tpu.memory_space<vmem>>[vector<16xi32>], vector<16xf32>,
        %parallel_loop3A_83 = arith.constant 128 : i32
        %parallel_loop3A_84 = arith.muli %parallel_loop3A_62, %parallel_loop3A_83 : i32
        %parallel_loop3A_85 = arith.constant 32 : i32
        %parallel_loop3A_86 = arith.addi %parallel_loop3A_84, %parallel_loop3A_85 : i32
        %parallel_loop3A_87 = arith.index_cast %parallel_loop3A_86 : i32 to index
        %parallel_loop3A_88 = tpu.vector_load %arg5[%parallel_loop3A_87] {strides = array<i32>} : memref<14336xi32, #tpu.memory_space<vmem>>, vector<16xi32>,
        %parallel_loop3A_89 = arith.andi %parallel_loop3A_88, %broadcast_in_dim3A_7 : vector<16xi32>
        tpu.vector_store_idx %arg6[%parallel_loop3A_89], %broadcast_in_dim3A_5 {add = true} : memref<4096xf32, #tpu.memory_space<vmem>>[vector<16xi32>], vector<16xf32>,
        %parallel_loop3A_90 = arith.constant 16 : i32
        %parallel_loop3A_91 = vector.broadcast %parallel_loop3A_90 : i32 to vector<16xi32>
        %parallel_loop3A_92 = arith.shrsi %parallel_loop3A_88, %parallel_loop3A_91 : vector<16xi32>
        tpu.vector_store_idx %arg6[%parallel_loop3A_92], %broadcast_in_dim3A_5 {add = true} : memref<4096xf32, #tpu.memory_space<vmem>>[vector<16xi32>], vector<16xf32>,
        %parallel_loop3A_93 = arith.constant 128 : i32
        %parallel_loop3A_94 = arith.muli %parallel_loop3A_62, %parallel_loop3A_93 : i32
        %parallel_loop3A_95 = arith.constant 48 : i32
        %parallel_loop3A_96 = arith.addi %parallel_loop3A_94, %parallel_loop3A_95 : i32
        %parallel_loop3A_97 = arith.index_cast %parallel_loop3A_96 : i32 to index
        %parallel_loop3A_98 = tpu.vector_load %arg5[%parallel_loop3A_97] {strides = array<i32>} : memref<14336xi32, #tpu.memory_space<vmem>>, vector<16xi32>,
        %parallel_loop3A_99 = arith.andi %parallel_loop3A_98, %broadcast_in_dim3A_7 : vector<16xi32>
        tpu.vector_store_idx %arg6[%parallel_loop3A_99], %broadcast_in_dim3A_5 {add = true} : memref<4096xf32, #tpu.memory_space<vmem>>[vector<16xi32>], vector<16xf32>,
        %parallel_loop3A_100 = arith.constant 16 : i32
        %parallel_loop3A_101 = vector.broadcast %parallel_loop3A_100 : i32 to vector<16xi32>
        %parallel_loop3A_102 = arith.shrsi %parallel_loop3A_98, %parallel_loop3A_101 : vector<16xi32>
        tpu.vector_store_idx %arg6[%parallel_loop3A_102], %broadcast_in_dim3A_5 {add = true} : memref<4096xf32, #tpu.memory_space<vmem>>[vector<16xi32>], vector<16xf32>,
        %parallel_loop3A_103 = arith.constant 128 : i32
        %parallel_loop3A_104 = arith.muli %parallel_loop3A_62, %parallel_loop3A_103 : i32
        %parallel_loop3A_105 = arith.constant 64 : i32
        %parallel_loop3A_106 = arith.addi %parallel_loop3A_104, %parallel_loop3A_105 : i32
        %parallel_loop3A_107 = arith.index_cast %parallel_loop3A_106 : i32 to index
        %parallel_loop3A_108 = tpu.vector_load %arg5[%parallel_loop3A_107] {strides = array<i32>} : memref<14336xi32, #tpu.memory_space<vmem>>, vector<16xi32>,
        %parallel_loop3A_109 = arith.andi %parallel_loop3A_108, %broadcast_in_dim3A_7 : vector<16xi32>
        tpu.vector_store_idx %arg6[%parallel_loop3A_109], %broadcast_in_dim3A_5 {add = true} : memref<4096xf32, #tpu.memory_space<vmem>>[vector<16xi32>], vector<16xf32>,
        %parallel_loop3A_110 = arith.constant 16 : i32
        %parallel_loop3A_111 = vector.broadcast %parallel_loop3A_110 : i32 to vector<16xi32>
        %parallel_loop3A_112 = arith.shrsi %parallel_loop3A_108, %parallel_loop3A_111 : vector<16xi32>
        tpu.vector_store_idx %arg6[%parallel_loop3A_112], %broadcast_in_dim3A_5 {add = true} : memref<4096xf32, #tpu.memory_space<vmem>>[vector<16xi32>], vector<16xf32>,
        %parallel_loop3A_113 = arith.constant 128 : i32
        %parallel_loop3A_114 = arith.muli %parallel_loop3A_62, %parallel_loop3A_113 : i32
        %parallel_loop3A_115 = arith.constant 80 : i32
        %parallel_loop3A_116 = arith.addi %parallel_loop3A_114, %parallel_loop3A_115 : i32
        %parallel_loop3A_117 = arith.index_cast %parallel_loop3A_116 : i32 to index
        %parallel_loop3A_118 = tpu.vector_load %arg5[%parallel_loop3A_117] {strides = array<i32>} : memref<14336xi32, #tpu.memory_space<vmem>>, vector<16xi32>,
        %parallel_loop3A_119 = arith.andi %parallel_loop3A_118, %broadcast_in_dim3A_7 : vector<16xi32>
        tpu.vector_store_idx %arg6[%parallel_loop3A_119], %broadcast_in_dim3A_5 {add = true} : memref<4096xf32, #tpu.memory_space<vmem>>[vector<16xi32>], vector<16xf32>,
        %parallel_loop3A_120 = arith.constant 16 : i32
        %parallel_loop3A_121 = vector.broadcast %parallel_loop3A_120 : i32 to vector<16xi32>
        %parallel_loop3A_122 = arith.shrsi %parallel_loop3A_118, %parallel_loop3A_121 : vector<16xi32>
        tpu.vector_store_idx %arg6[%parallel_loop3A_122], %broadcast_in_dim3A_5 {add = true} : memref<4096xf32, #tpu.memory_space<vmem>>[vector<16xi32>], vector<16xf32>,
        %parallel_loop3A_123 = arith.constant 128 : i32
        %parallel_loop3A_124 = arith.muli %parallel_loop3A_62, %parallel_loop3A_123 : i32
        %parallel_loop3A_125 = arith.constant 96 : i32
        %parallel_loop3A_126 = arith.addi %parallel_loop3A_124, %parallel_loop3A_125 : i32
        %parallel_loop3A_127 = arith.index_cast %parallel_loop3A_126 : i32 to index
        %parallel_loop3A_128 = tpu.vector_load %arg5[%parallel_loop3A_127] {strides = array<i32>} : memref<14336xi32, #tpu.memory_space<vmem>>, vector<16xi32>,
        %parallel_loop3A_129 = arith.andi %parallel_loop3A_128, %broadcast_in_dim3A_7 : vector<16xi32>
        tpu.vector_store_idx %arg6[%parallel_loop3A_129], %broadcast_in_dim3A_5 {add = true} : memref<4096xf32, #tpu.memory_space<vmem>>[vector<16xi32>], vector<16xf32>,
        %parallel_loop3A_130 = arith.constant 128 : i32
        %parallel_loop3A_131 = arith.muli %parallel_loop3A_62, %parallel_loop3A_130 : i32
        %parallel_loop3A_132 = arith.constant 112 : i32
        %parallel_loop3A_133 = arith.addi %parallel_loop3A_131, %parallel_loop3A_132 : i32
        %parallel_loop3A_134 = arith.index_cast %parallel_loop3A_133 : i32 to index
        %parallel_loop3A_135 = tpu.vector_load %arg5[%parallel_loop3A_134] {strides = array<i32>} : memref<14336xi32, #tpu.memory_space<vmem>>, vector<16xi32>,
        %parallel_loop3A_136 = arith.andi %parallel_loop3A_135, %broadcast_in_dim3A_7 : vector<16xi32>
        tpu.vector_store_idx %arg6[%parallel_loop3A_136], %broadcast_in_dim3A_5 {add = true} : memref<4096xf32, #tpu.memory_space<vmem>>[vector<16xi32>], vector<16xf32>,
      } {sc.loop_unroll_factor = 2 : i64, sc.parallel_access}
      %add3A_55 = arith.constant 2 : i32
      %add3A_56 = arith.addi %add3A_46, %add3A_55 : i32
      %lt3A_57 = arith.constant 6 : i32
      %lt3A_58 = arith.cmpi slt, %add3A_56, %lt3A_57 : i32
      %convert_element_type3A_59 = arith.extui %lt3A_58 : i1 to i32
      %cond3A_60 = arith.constant 0 : i32
      %cond3A_61 = arith.cmpi ne, %convert_element_type3A_59, %cond3A_60 : i32
      scf.if %cond3A_61 {
        %add3A_62 = arith.constant 2 : i32
        %add3A_63 = arith.addi %add3A_46, %add3A_62 : i32
        %mul3A_64 = arith.constant 14336 : i32
        %mul3A_65 = arith.muli %add3A_63, %mul3A_64 : i32
        %add3A_66 = arith.addi %mul3A_2, %mul3A_65 : i32
        %dma_start3A_67 = tpu.memref_slice %arg2[%add3A_66] : memref<2752512xi32, #tpu.memory_space<hbm>> -> memref<14336xi32, #tpu.memory_space<hbm>>
        %dma_start3A_68 = tpu.memref_slice %arg2[%add3A_66] : memref<2752512xi32, #tpu.memory_space<hbm>> -> memref<14336xi32, #tpu.memory_space<hbm>>
        tpu.enqueue_dma source(%dma_start3A_68 : memref<14336xi32, #tpu.memory_space<hbm>>) target(%arg5 : memref<14336xi32, #tpu.memory_space<vmem>>) target_semaphore(%arg8 : memref<!tpu.dma_semaphore, #tpu.memory_space<semaphore_mem>>)
      } else {
      }
    }
    %scan3A_25 = arith.constant 3 : i32
    %mul3A_26 = arith.constant 4096 : i32
    %mul3A_27 = arith.muli %add3A, %mul3A_26 : i32
    "tpu.region"() ({
      %run_scoped3A = tpu.sem_alloc : memref<!tpu.dma_semaphore, #tpu.memory_space<semaphore_mem>>
      %dma_start3A_28 = tpu.memref_slice %arg3[%mul3A_27] : memref<131072xf32, #tpu.memory_space<hbm>> -> memref<4096xf32, #tpu.memory_space<hbm>>
      %dma_start3A_29 = tpu.memref_slice %arg3[%mul3A_27] : memref<131072xf32, #tpu.memory_space<hbm>> -> memref<4096xf32, #tpu.memory_space<hbm>>
      tpu.enqueue_dma source(%arg6 : memref<4096xf32, #tpu.memory_space<vmem>>) target(%dma_start3A_29 : memref<4096xf32, #tpu.memory_space<hbm>>) target_semaphore(%run_scoped3A : memref<!tpu.dma_semaphore, #tpu.memory_space<semaphore_mem>>)
      %dma_wait3A = tpu.memref_slice %arg3[%mul3A_27] : memref<131072xf32, #tpu.memory_space<hbm>> -> memref<4096xf32, #tpu.memory_space<hbm>>
      %dma_wait3A_30 = tpu.memref_slice %arg3[%mul3A_27] : memref<131072xf32, #tpu.memory_space<hbm>> -> memref<4096xf32, #tpu.memory_space<hbm>>
      tpu.wait_dma2 semaphore(%run_scoped3A : memref<!tpu.dma_semaphore, #tpu.memory_space<semaphore_mem>>) src(%arg6 : memref<4096xf32, #tpu.memory_space<vmem>>) dst(%dma_wait3A_30 : memref<4096xf32, #tpu.memory_space<hbm>>)
      tpu.yield
    }) : () -> ()
    return
  }
}

module attributes {stable_mosaic.version = 14 : i64} {
  func.func @_phase_a_body(%arg0: i32, %arg1: memref<4x224x224xf32, #tpu.memory_space<vmem>>, %arg2: memref<4x224x224xf32, #tpu.memory_space<vmem>>, %arg3: memref<4x224x128xi32, #tpu.memory_space<vmem>>, %arg4: memref<1x1xf32, #tpu.memory_space<smem>>) attributes {dimension_semantics = [#tpu.dimension_semantics<arbitrary>], iteration_bounds = array<i64: 24>, scalar_prefetch = 0 : i64, scratch_operands = 0 : i64, tpu.core_type = #tpu.core_type<tc>, window_params = [{transform_indices = @transform_0, window_bounds = array<i64: 4, 224, 224>}, {transform_indices = @transform_1, window_bounds = array<i64: 4, 224, 224>}, {transform_indices = @transform_2, window_bounds = array<i64: 4, 224, 128>}, {transform_indices = @transform_3, window_bounds = array<i64: 1, 1>}]} {
    %get3A = arith.constant 0 : index
    %get3A_0 = arith.constant 0 : index
    %get3A_1 = arith.constant 0 : index
    %get3A_2 = vector.load %arg1[%get3A, %get3A_0, %get3A_1] : memref<4x224x224xf32, #tpu.memory_space<vmem>>, vector<4x224x224xf32>
    %neg3A = arith.constant 0.000000e+00 : f32
    %neg3A_3 = vector.broadcast %neg3A : f32 to vector<4x224x224xf32>
    %neg3A_4 = arith.subf %neg3A_3, %get3A_2 : vector<4x224x224xf32>
    %exp3A = math.exp %neg3A_4 : vector<4x224x224xf32>
    %add3A = arith.constant 1.000000e+00 : f32
    %add3A_5 = vector.broadcast %add3A : f32 to vector<4x224x224xf32>
    %add3A_6 = arith.addf %add3A_5, %exp3A : vector<4x224x224xf32>
    %div3A = arith.constant 1.000000e+00 : f32
    %div3A_7 = vector.broadcast %div3A : f32 to vector<4x224x224xf32>
    %div3A_8 = arith.divf %div3A_7, %add3A_6 : vector<4x224x224xf32>
    %get3A_9 = arith.constant 0 : index
    %get3A_10 = arith.constant 0 : index
    %get3A_11 = arith.constant 0 : index
    %get3A_12 = vector.load %arg2[%get3A_9, %get3A_10, %get3A_11] : memref<4x224x224xf32, #tpu.memory_space<vmem>>, vector<4x224x224xf32>
    %neg3A_13 = arith.constant 0.000000e+00 : f32
    %neg3A_14 = vector.broadcast %neg3A_13 : f32 to vector<4x224x224xf32>
    %neg3A_15 = arith.subf %neg3A_14, %get3A_12 : vector<4x224x224xf32>
    %exp3A_16 = math.exp %neg3A_15 : vector<4x224x224xf32>
    %add3A_17 = arith.constant 1.000000e+00 : f32
    %add3A_18 = vector.broadcast %add3A_17 : f32 to vector<4x224x224xf32>
    %add3A_19 = arith.addf %add3A_18, %exp3A_16 : vector<4x224x224xf32>
    %div3A_20 = arith.constant 1.000000e+00 : f32
    %div3A_21 = vector.broadcast %div3A_20 : f32 to vector<4x224x224xf32>
    %div3A_22 = arith.divf %div3A_21, %add3A_19 : vector<4x224x224xf32>
    %sub3A = arith.subf %div3A_8, %div3A_22 : vector<4x224x224xf32>
    %abs3A = math.absf %sub3A : vector<4x224x224xf32>
    %mul3A = arith.constant 4.096000e+03 : f32
    %mul3A_23 = vector.broadcast %mul3A : f32 to vector<4x224x224xf32>
    %mul3A_24 = arith.mulf %abs3A, %mul3A_23 : vector<4x224x224xf32>
    %convert_element_type3A = arith.fptosi %mul3A_24 : vector<4x224x224xf32> to vector<4x224x224xi32>
    %min3A = arith.constant 4095 : i32
    %min3A_25 = vector.broadcast %min3A : i32 to vector<4x224x224xi32>
    %min3A_26 = arith.minsi %convert_element_type3A, %min3A_25 : vector<4x224x224xi32>
    %max3A = arith.constant 0 : i32
    %max3A_27 = vector.broadcast %max3A : i32 to vector<4x224x224xi32>
    %max3A_28 = arith.maxsi %min3A_26, %max3A_27 : vector<4x224x224xi32>
    %broadcast_in_dim3A = arith.constant 0 : i32
    %broadcast_in_dim3A_29 = vector.broadcast %broadcast_in_dim3A : i32 to vector<4x224x32xi32>
    %concatenate3A = tpu.concatenate %max3A_28, %broadcast_in_dim3A_29 in 2 : vector<4x224x224xi32>, vector<4x224x32xi32> -> vector<4x224x256xi32>
    %slice3A = vector.extract_strided_slice %concatenate3A {offsets = [0, 0, 0], sizes = [4, 224, 128], strides = [1, 1, 1]} : vector<4x224x256xi32> to vector<4x224x128xi32>
    %slice3A_30 = vector.extract_strided_slice %concatenate3A {offsets = [0, 0, 128], sizes = [4, 224, 128], strides = [1, 1, 1]} : vector<4x224x256xi32> to vector<4x224x128xi32>
    %shift_left3A = arith.constant 16 : i32
    %shift_left3A_31 = vector.broadcast %shift_left3A : i32 to vector<4x224x128xi32>
    %shift_left3A_32 = arith.shli %slice3A_30, %shift_left3A_31 : vector<4x224x128xi32>
    %or3A = arith.ori %slice3A, %shift_left3A_32 : vector<4x224x128xi32>
    %swap3A = arith.constant 0 : index
    %swap3A_33 = arith.constant 0 : index
    %swap3A_34 = arith.constant 0 : index
    %swap3A_35 = vector.load %arg3[%swap3A, %swap3A_33, %swap3A_34] : memref<4x224x128xi32, #tpu.memory_space<vmem>>, vector<4x224x128xi32>
    tpu.vector_store %arg3[%swap3A, %swap3A_33, %swap3A_34], %or3A {strides = array<i32>} : memref<4x224x128xi32, #tpu.memory_space<vmem>>, vector<4x224x128xi32>,
    %slice3A_36 = vector.extract_strided_slice %div3A_8 {offsets = [0, 0, 0], sizes = [1, 224, 224], strides = [1, 1, 1]} : vector<4x224x224xf32> to vector<1x224x224xf32>
    %squeeze3A = vector.shape_cast %slice3A_36 : vector<1x224x224xf32> to vector<224x224xf32>
    %sub3A_37 = arith.constant 5.000000e-01 : f32
    %sub3A_38 = vector.broadcast %sub3A_37 : f32 to vector<224x224xf32>
    %sub3A_39 = arith.subf %squeeze3A, %sub3A_38 : vector<224x224xf32>
    %mul3A_40 = arith.mulf %sub3A_39, %sub3A_39 : vector<224x224xf32>
    %mul3A_41 = arith.mulf %mul3A_40, %sub3A_39 : vector<224x224xf32>
    %mul3A_42 = arith.mulf %mul3A_40, %mul3A_40 : vector<224x224xf32>
    %reduce_sum3A = vector.shape_cast %sub3A_39 : vector<224x224xf32> to vector<1x224x224xf32>
    %reduce_sum3A_43 = arith.constant dense<0.000000e+00> : vector<1xf32>
    %reduce_sum3A_44 = vector.multi_reduction <add>, %reduce_sum3A, %reduce_sum3A_43 [1, 2] : vector<1x224x224xf32> to vector<1xf32>
    %reduce_sum3A_45 = vector.shape_cast %reduce_sum3A_44 : vector<1xf32> to vector<1x1x1xf32>
    %reduce_sum3A_46 = vector.extract %reduce_sum3A_45[0, 0, 0] : f32 from vector<1x1x1xf32>
    %div3A_47 = arith.constant 5.017600e+04 : f32
    %div3A_48 = arith.divf %reduce_sum3A_46, %div3A_47 : f32
    %reduce_sum3A_49 = vector.shape_cast %mul3A_40 : vector<224x224xf32> to vector<1x224x224xf32>
    %reduce_sum3A_50 = arith.constant dense<0.000000e+00> : vector<1xf32>
    %reduce_sum3A_51 = vector.multi_reduction <add>, %reduce_sum3A_49, %reduce_sum3A_50 [1, 2] : vector<1x224x224xf32> to vector<1xf32>
    %reduce_sum3A_52 = vector.shape_cast %reduce_sum3A_51 : vector<1xf32> to vector<1x1x1xf32>
    %reduce_sum3A_53 = vector.extract %reduce_sum3A_52[0, 0, 0] : f32 from vector<1x1x1xf32>
    %div3A_54 = arith.constant 5.017600e+04 : f32
    %div3A_55 = arith.divf %reduce_sum3A_53, %div3A_54 : f32
    %reduce_sum3A_56 = vector.shape_cast %mul3A_41 : vector<224x224xf32> to vector<1x224x224xf32>
    %reduce_sum3A_57 = arith.constant dense<0.000000e+00> : vector<1xf32>
    %reduce_sum3A_58 = vector.multi_reduction <add>, %reduce_sum3A_56, %reduce_sum3A_57 [1, 2] : vector<1x224x224xf32> to vector<1xf32>
    %reduce_sum3A_59 = vector.shape_cast %reduce_sum3A_58 : vector<1xf32> to vector<1x1x1xf32>
    %reduce_sum3A_60 = vector.extract %reduce_sum3A_59[0, 0, 0] : f32 from vector<1x1x1xf32>
    %div3A_61 = arith.constant 5.017600e+04 : f32
    %div3A_62 = arith.divf %reduce_sum3A_60, %div3A_61 : f32
    %reduce_sum3A_63 = vector.shape_cast %mul3A_42 : vector<224x224xf32> to vector<1x224x224xf32>
    %reduce_sum3A_64 = arith.constant dense<0.000000e+00> : vector<1xf32>
    %reduce_sum3A_65 = vector.multi_reduction <add>, %reduce_sum3A_63, %reduce_sum3A_64 [1, 2] : vector<1x224x224xf32> to vector<1xf32>
    %reduce_sum3A_66 = vector.shape_cast %reduce_sum3A_65 : vector<1xf32> to vector<1x1x1xf32>
    %reduce_sum3A_67 = vector.extract %reduce_sum3A_66[0, 0, 0] : f32 from vector<1x1x1xf32>
    %div3A_68 = arith.constant 5.017600e+04 : f32
    %div3A_69 = arith.divf %reduce_sum3A_67, %div3A_68 : f32
    %mul3A_70 = arith.mulf %div3A_48, %div3A_48 : f32
    %sub3A_71 = arith.subf %div3A_55, %mul3A_70 : f32
    %mul3A_72 = arith.constant 4.000000e+00 : f32
    %mul3A_73 = arith.mulf %mul3A_72, %div3A_48 : f32
    %mul3A_74 = arith.mulf %mul3A_73, %div3A_62 : f32
    %sub3A_75 = arith.subf %div3A_69, %mul3A_74 : f32
    %mul3A_76 = arith.constant 6.000000e+00 : f32
    %mul3A_77 = arith.mulf %mul3A_76, %mul3A_70 : f32
    %mul3A_78 = arith.mulf %mul3A_77, %div3A_55 : f32
    %add3A_79 = arith.addf %sub3A_75, %mul3A_78 : f32
    %mul3A_80 = arith.constant 3.000000e+00 : f32
    %mul3A_81 = arith.mulf %mul3A_80, %mul3A_70 : f32
    %mul3A_82 = arith.mulf %mul3A_81, %mul3A_70 : f32
    %sub3A_83 = arith.subf %add3A_79, %mul3A_82 : f32
    %mul3A_84 = arith.mulf %sub3A_71, %sub3A_71 : f32
    %div3A_85 = arith.divf %sub3A_83, %mul3A_84 : f32
    %slice3A_86 = vector.extract_strided_slice %div3A_22 {offsets = [0, 0, 0], sizes = [1, 224, 224], strides = [1, 1, 1]} : vector<4x224x224xf32> to vector<1x224x224xf32>
    %squeeze3A_87 = vector.shape_cast %slice3A_86 : vector<1x224x224xf32> to vector<224x224xf32>
    %sub3A_88 = arith.constant 5.000000e-01 : f32
    %sub3A_89 = vector.broadcast %sub3A_88 : f32 to vector<224x224xf32>
    %sub3A_90 = arith.subf %squeeze3A_87, %sub3A_89 : vector<224x224xf32>
    %mul3A_91 = arith.mulf %sub3A_90, %sub3A_90 : vector<224x224xf32>
    %mul3A_92 = arith.mulf %mul3A_91, %sub3A_90 : vector<224x224xf32>
    %mul3A_93 = arith.mulf %mul3A_91, %mul3A_91 : vector<224x224xf32>
    %reduce_sum3A_94 = vector.shape_cast %sub3A_90 : vector<224x224xf32> to vector<1x224x224xf32>
    %reduce_sum3A_95 = arith.constant dense<0.000000e+00> : vector<1xf32>
    %reduce_sum3A_96 = vector.multi_reduction <add>, %reduce_sum3A_94, %reduce_sum3A_95 [1, 2] : vector<1x224x224xf32> to vector<1xf32>
    %reduce_sum3A_97 = vector.shape_cast %reduce_sum3A_96 : vector<1xf32> to vector<1x1x1xf32>
    %reduce_sum3A_98 = vector.extract %reduce_sum3A_97[0, 0, 0] : f32 from vector<1x1x1xf32>
    %div3A_99 = arith.constant 5.017600e+04 : f32
    %div3A_100 = arith.divf %reduce_sum3A_98, %div3A_99 : f32
    %reduce_sum3A_101 = vector.shape_cast %mul3A_91 : vector<224x224xf32> to vector<1x224x224xf32>
    %reduce_sum3A_102 = arith.constant dense<0.000000e+00> : vector<1xf32>
    %reduce_sum3A_103 = vector.multi_reduction <add>, %reduce_sum3A_101, %reduce_sum3A_102 [1, 2] : vector<1x224x224xf32> to vector<1xf32>
    %reduce_sum3A_104 = vector.shape_cast %reduce_sum3A_103 : vector<1xf32> to vector<1x1x1xf32>
    %reduce_sum3A_105 = vector.extract %reduce_sum3A_104[0, 0, 0] : f32 from vector<1x1x1xf32>
    %div3A_106 = arith.constant 5.017600e+04 : f32
    %div3A_107 = arith.divf %reduce_sum3A_105, %div3A_106 : f32
    %reduce_sum3A_108 = vector.shape_cast %mul3A_92 : vector<224x224xf32> to vector<1x224x224xf32>
    %reduce_sum3A_109 = arith.constant dense<0.000000e+00> : vector<1xf32>
    %reduce_sum3A_110 = vector.multi_reduction <add>, %reduce_sum3A_108, %reduce_sum3A_109 [1, 2] : vector<1x224x224xf32> to vector<1xf32>
    %reduce_sum3A_111 = vector.shape_cast %reduce_sum3A_110 : vector<1xf32> to vector<1x1x1xf32>
    %reduce_sum3A_112 = vector.extract %reduce_sum3A_111[0, 0, 0] : f32 from vector<1x1x1xf32>
    %div3A_113 = arith.constant 5.017600e+04 : f32
    %div3A_114 = arith.divf %reduce_sum3A_112, %div3A_113 : f32
    %reduce_sum3A_115 = vector.shape_cast %mul3A_93 : vector<224x224xf32> to vector<1x224x224xf32>
    %reduce_sum3A_116 = arith.constant dense<0.000000e+00> : vector<1xf32>
    %reduce_sum3A_117 = vector.multi_reduction <add>, %reduce_sum3A_115, %reduce_sum3A_116 [1, 2] : vector<1x224x224xf32> to vector<1xf32>
    %reduce_sum3A_118 = vector.shape_cast %reduce_sum3A_117 : vector<1xf32> to vector<1x1x1xf32>
    %reduce_sum3A_119 = vector.extract %reduce_sum3A_118[0, 0, 0] : f32 from vector<1x1x1xf32>
    %div3A_120 = arith.constant 5.017600e+04 : f32
    %div3A_121 = arith.divf %reduce_sum3A_119, %div3A_120 : f32
    %mul3A_122 = arith.mulf %div3A_100, %div3A_100 : f32
    %sub3A_123 = arith.subf %div3A_107, %mul3A_122 : f32
    %mul3A_124 = arith.constant 4.000000e+00 : f32
    %mul3A_125 = arith.mulf %mul3A_124, %div3A_100 : f32
    %mul3A_126 = arith.mulf %mul3A_125, %div3A_114 : f32
    %sub3A_127 = arith.subf %div3A_121, %mul3A_126 : f32
    %mul3A_128 = arith.constant 6.000000e+00 : f32
    %mul3A_129 = arith.mulf %mul3A_128, %mul3A_122 : f32
    %mul3A_130 = arith.mulf %mul3A_129, %div3A_107 : f32
    %add3A_131 = arith.addf %sub3A_127, %mul3A_130 : f32
    %mul3A_132 = arith.constant 3.000000e+00 : f32
    %mul3A_133 = arith.mulf %mul3A_132, %mul3A_122 : f32
    %mul3A_134 = arith.mulf %mul3A_133, %mul3A_122 : f32
    %sub3A_135 = arith.subf %add3A_131, %mul3A_134 : f32
    %mul3A_136 = arith.mulf %sub3A_123, %sub3A_123 : f32
    %div3A_137 = arith.divf %sub3A_135, %mul3A_136 : f32
    %sub3A_138 = arith.subf %div3A_85, %div3A_137 : f32
    %abs3A_139 = math.absf %sub3A_138 : f32
    %add3A_140 = arith.constant 0.000000e+00 : f32
    %add3A_141 = arith.addf %add3A_140, %abs3A_139 : f32
    %slice3A_142 = vector.extract_strided_slice %div3A_8 {offsets = [1, 0, 0], sizes = [1, 224, 224], strides = [1, 1, 1]} : vector<4x224x224xf32> to vector<1x224x224xf32>
    %squeeze3A_143 = vector.shape_cast %slice3A_142 : vector<1x224x224xf32> to vector<224x224xf32>
    %sub3A_144 = arith.constant 5.000000e-01 : f32
    %sub3A_145 = vector.broadcast %sub3A_144 : f32 to vector<224x224xf32>
    %sub3A_146 = arith.subf %squeeze3A_143, %sub3A_145 : vector<224x224xf32>
    %mul3A_147 = arith.mulf %sub3A_146, %sub3A_146 : vector<224x224xf32>
    %mul3A_148 = arith.mulf %mul3A_147, %sub3A_146 : vector<224x224xf32>
    %mul3A_149 = arith.mulf %mul3A_147, %mul3A_147 : vector<224x224xf32>
    %reduce_sum3A_150 = vector.shape_cast %sub3A_146 : vector<224x224xf32> to vector<1x224x224xf32>
    %reduce_sum3A_151 = arith.constant dense<0.000000e+00> : vector<1xf32>
    %reduce_sum3A_152 = vector.multi_reduction <add>, %reduce_sum3A_150, %reduce_sum3A_151 [1, 2] : vector<1x224x224xf32> to vector<1xf32>
    %reduce_sum3A_153 = vector.shape_cast %reduce_sum3A_152 : vector<1xf32> to vector<1x1x1xf32>
    %reduce_sum3A_154 = vector.extract %reduce_sum3A_153[0, 0, 0] : f32 from vector<1x1x1xf32>
    %div3A_155 = arith.constant 5.017600e+04 : f32
    %div3A_156 = arith.divf %reduce_sum3A_154, %div3A_155 : f32
    %reduce_sum3A_157 = vector.shape_cast %mul3A_147 : vector<224x224xf32> to vector<1x224x224xf32>
    %reduce_sum3A_158 = arith.constant dense<0.000000e+00> : vector<1xf32>
    %reduce_sum3A_159 = vector.multi_reduction <add>, %reduce_sum3A_157, %reduce_sum3A_158 [1, 2] : vector<1x224x224xf32> to vector<1xf32>
    %reduce_sum3A_160 = vector.shape_cast %reduce_sum3A_159 : vector<1xf32> to vector<1x1x1xf32>
    %reduce_sum3A_161 = vector.extract %reduce_sum3A_160[0, 0, 0] : f32 from vector<1x1x1xf32>
    %div3A_162 = arith.constant 5.017600e+04 : f32
    %div3A_163 = arith.divf %reduce_sum3A_161, %div3A_162 : f32
    %reduce_sum3A_164 = vector.shape_cast %mul3A_148 : vector<224x224xf32> to vector<1x224x224xf32>
    %reduce_sum3A_165 = arith.constant dense<0.000000e+00> : vector<1xf32>
    %reduce_sum3A_166 = vector.multi_reduction <add>, %reduce_sum3A_164, %reduce_sum3A_165 [1, 2] : vector<1x224x224xf32> to vector<1xf32>
    %reduce_sum3A_167 = vector.shape_cast %reduce_sum3A_166 : vector<1xf32> to vector<1x1x1xf32>
    %reduce_sum3A_168 = vector.extract %reduce_sum3A_167[0, 0, 0] : f32 from vector<1x1x1xf32>
    %div3A_169 = arith.constant 5.017600e+04 : f32
    %div3A_170 = arith.divf %reduce_sum3A_168, %div3A_169 : f32
    %reduce_sum3A_171 = vector.shape_cast %mul3A_149 : vector<224x224xf32> to vector<1x224x224xf32>
    %reduce_sum3A_172 = arith.constant dense<0.000000e+00> : vector<1xf32>
    %reduce_sum3A_173 = vector.multi_reduction <add>, %reduce_sum3A_171, %reduce_sum3A_172 [1, 2] : vector<1x224x224xf32> to vector<1xf32>
    %reduce_sum3A_174 = vector.shape_cast %reduce_sum3A_173 : vector<1xf32> to vector<1x1x1xf32>
    %reduce_sum3A_175 = vector.extract %reduce_sum3A_174[0, 0, 0] : f32 from vector<1x1x1xf32>
    %div3A_176 = arith.constant 5.017600e+04 : f32
    %div3A_177 = arith.divf %reduce_sum3A_175, %div3A_176 : f32
    %mul3A_178 = arith.mulf %div3A_156, %div3A_156 : f32
    %sub3A_179 = arith.subf %div3A_163, %mul3A_178 : f32
    %mul3A_180 = arith.constant 4.000000e+00 : f32
    %mul3A_181 = arith.mulf %mul3A_180, %div3A_156 : f32
    %mul3A_182 = arith.mulf %mul3A_181, %div3A_170 : f32
    %sub3A_183 = arith.subf %div3A_177, %mul3A_182 : f32
    %mul3A_184 = arith.constant 6.000000e+00 : f32
    %mul3A_185 = arith.mulf %mul3A_184, %mul3A_178 : f32
    %mul3A_186 = arith.mulf %mul3A_185, %div3A_163 : f32
    %add3A_187 = arith.addf %sub3A_183, %mul3A_186 : f32
    %mul3A_188 = arith.constant 3.000000e+00 : f32
    %mul3A_189 = arith.mulf %mul3A_188, %mul3A_178 : f32
    %mul3A_190 = arith.mulf %mul3A_189, %mul3A_178 : f32
    %sub3A_191 = arith.subf %add3A_187, %mul3A_190 : f32
    %mul3A_192 = arith.mulf %sub3A_179, %sub3A_179 : f32
    %div3A_193 = arith.divf %sub3A_191, %mul3A_192 : f32
    %slice3A_194 = vector.extract_strided_slice %div3A_22 {offsets = [1, 0, 0], sizes = [1, 224, 224], strides = [1, 1, 1]} : vector<4x224x224xf32> to vector<1x224x224xf32>
    %squeeze3A_195 = vector.shape_cast %slice3A_194 : vector<1x224x224xf32> to vector<224x224xf32>
    %sub3A_196 = arith.constant 5.000000e-01 : f32
    %sub3A_197 = vector.broadcast %sub3A_196 : f32 to vector<224x224xf32>
    %sub3A_198 = arith.subf %squeeze3A_195, %sub3A_197 : vector<224x224xf32>
    %mul3A_199 = arith.mulf %sub3A_198, %sub3A_198 : vector<224x224xf32>
    %mul3A_200 = arith.mulf %mul3A_199, %sub3A_198 : vector<224x224xf32>
    %mul3A_201 = arith.mulf %mul3A_199, %mul3A_199 : vector<224x224xf32>
    %reduce_sum3A_202 = vector.shape_cast %sub3A_198 : vector<224x224xf32> to vector<1x224x224xf32>
    %reduce_sum3A_203 = arith.constant dense<0.000000e+00> : vector<1xf32>
    %reduce_sum3A_204 = vector.multi_reduction <add>, %reduce_sum3A_202, %reduce_sum3A_203 [1, 2] : vector<1x224x224xf32> to vector<1xf32>
    %reduce_sum3A_205 = vector.shape_cast %reduce_sum3A_204 : vector<1xf32> to vector<1x1x1xf32>
    %reduce_sum3A_206 = vector.extract %reduce_sum3A_205[0, 0, 0] : f32 from vector<1x1x1xf32>
    %div3A_207 = arith.constant 5.017600e+04 : f32
    %div3A_208 = arith.divf %reduce_sum3A_206, %div3A_207 : f32
    %reduce_sum3A_209 = vector.shape_cast %mul3A_199 : vector<224x224xf32> to vector<1x224x224xf32>
    %reduce_sum3A_210 = arith.constant dense<0.000000e+00> : vector<1xf32>
    %reduce_sum3A_211 = vector.multi_reduction <add>, %reduce_sum3A_209, %reduce_sum3A_210 [1, 2] : vector<1x224x224xf32> to vector<1xf32>
    %reduce_sum3A_212 = vector.shape_cast %reduce_sum3A_211 : vector<1xf32> to vector<1x1x1xf32>
    %reduce_sum3A_213 = vector.extract %reduce_sum3A_212[0, 0, 0] : f32 from vector<1x1x1xf32>
    %div3A_214 = arith.constant 5.017600e+04 : f32
    %div3A_215 = arith.divf %reduce_sum3A_213, %div3A_214 : f32
    %reduce_sum3A_216 = vector.shape_cast %mul3A_200 : vector<224x224xf32> to vector<1x224x224xf32>
    %reduce_sum3A_217 = arith.constant dense<0.000000e+00> : vector<1xf32>
    %reduce_sum3A_218 = vector.multi_reduction <add>, %reduce_sum3A_216, %reduce_sum3A_217 [1, 2] : vector<1x224x224xf32> to vector<1xf32>
    %reduce_sum3A_219 = vector.shape_cast %reduce_sum3A_218 : vector<1xf32> to vector<1x1x1xf32>
    %reduce_sum3A_220 = vector.extract %reduce_sum3A_219[0, 0, 0] : f32 from vector<1x1x1xf32>
    %div3A_221 = arith.constant 5.017600e+04 : f32
    %div3A_222 = arith.divf %reduce_sum3A_220, %div3A_221 : f32
    %reduce_sum3A_223 = vector.shape_cast %mul3A_201 : vector<224x224xf32> to vector<1x224x224xf32>
    %reduce_sum3A_224 = arith.constant dense<0.000000e+00> : vector<1xf32>
    %reduce_sum3A_225 = vector.multi_reduction <add>, %reduce_sum3A_223, %reduce_sum3A_224 [1, 2] : vector<1x224x224xf32> to vector<1xf32>
    %reduce_sum3A_226 = vector.shape_cast %reduce_sum3A_225 : vector<1xf32> to vector<1x1x1xf32>
    %reduce_sum3A_227 = vector.extract %reduce_sum3A_226[0, 0, 0] : f32 from vector<1x1x1xf32>
    %div3A_228 = arith.constant 5.017600e+04 : f32
    %div3A_229 = arith.divf %reduce_sum3A_227, %div3A_228 : f32
    %mul3A_230 = arith.mulf %div3A_208, %div3A_208 : f32
    %sub3A_231 = arith.subf %div3A_215, %mul3A_230 : f32
    %mul3A_232 = arith.constant 4.000000e+00 : f32
    %mul3A_233 = arith.mulf %mul3A_232, %div3A_208 : f32
    %mul3A_234 = arith.mulf %mul3A_233, %div3A_222 : f32
    %sub3A_235 = arith.subf %div3A_229, %mul3A_234 : f32
    %mul3A_236 = arith.constant 6.000000e+00 : f32
    %mul3A_237 = arith.mulf %mul3A_236, %mul3A_230 : f32
    %mul3A_238 = arith.mulf %mul3A_237, %div3A_215 : f32
    %add3A_239 = arith.addf %sub3A_235, %mul3A_238 : f32
    %mul3A_240 = arith.constant 3.000000e+00 : f32
    %mul3A_241 = arith.mulf %mul3A_240, %mul3A_230 : f32
    %mul3A_242 = arith.mulf %mul3A_241, %mul3A_230 : f32
    %sub3A_243 = arith.subf %add3A_239, %mul3A_242 : f32
    %mul3A_244 = arith.mulf %sub3A_231, %sub3A_231 : f32
    %div3A_245 = arith.divf %sub3A_243, %mul3A_244 : f32
    %sub3A_246 = arith.subf %div3A_193, %div3A_245 : f32
    %abs3A_247 = math.absf %sub3A_246 : f32
    %add3A_248 = arith.addf %add3A_141, %abs3A_247 : f32
    %slice3A_249 = vector.extract_strided_slice %div3A_8 {offsets = [2, 0, 0], sizes = [1, 224, 224], strides = [1, 1, 1]} : vector<4x224x224xf32> to vector<1x224x224xf32>
    %squeeze3A_250 = vector.shape_cast %slice3A_249 : vector<1x224x224xf32> to vector<224x224xf32>
    %sub3A_251 = arith.constant 5.000000e-01 : f32
    %sub3A_252 = vector.broadcast %sub3A_251 : f32 to vector<224x224xf32>
    %sub3A_253 = arith.subf %squeeze3A_250, %sub3A_252 : vector<224x224xf32>
    %mul3A_254 = arith.mulf %sub3A_253, %sub3A_253 : vector<224x224xf32>
    %mul3A_255 = arith.mulf %mul3A_254, %sub3A_253 : vector<224x224xf32>
    %mul3A_256 = arith.mulf %mul3A_254, %mul3A_254 : vector<224x224xf32>
    %reduce_sum3A_257 = vector.shape_cast %sub3A_253 : vector<224x224xf32> to vector<1x224x224xf32>
    %reduce_sum3A_258 = arith.constant dense<0.000000e+00> : vector<1xf32>
    %reduce_sum3A_259 = vector.multi_reduction <add>, %reduce_sum3A_257, %reduce_sum3A_258 [1, 2] : vector<1x224x224xf32> to vector<1xf32>
    %reduce_sum3A_260 = vector.shape_cast %reduce_sum3A_259 : vector<1xf32> to vector<1x1x1xf32>
    %reduce_sum3A_261 = vector.extract %reduce_sum3A_260[0, 0, 0] : f32 from vector<1x1x1xf32>
    %div3A_262 = arith.constant 5.017600e+04 : f32
    %div3A_263 = arith.divf %reduce_sum3A_261, %div3A_262 : f32
    %reduce_sum3A_264 = vector.shape_cast %mul3A_254 : vector<224x224xf32> to vector<1x224x224xf32>
    %reduce_sum3A_265 = arith.constant dense<0.000000e+00> : vector<1xf32>
    %reduce_sum3A_266 = vector.multi_reduction <add>, %reduce_sum3A_264, %reduce_sum3A_265 [1, 2] : vector<1x224x224xf32> to vector<1xf32>
    %reduce_sum3A_267 = vector.shape_cast %reduce_sum3A_266 : vector<1xf32> to vector<1x1x1xf32>
    %reduce_sum3A_268 = vector.extract %reduce_sum3A_267[0, 0, 0] : f32 from vector<1x1x1xf32>
    %div3A_269 = arith.constant 5.017600e+04 : f32
    %div3A_270 = arith.divf %reduce_sum3A_268, %div3A_269 : f32
    %reduce_sum3A_271 = vector.shape_cast %mul3A_255 : vector<224x224xf32> to vector<1x224x224xf32>
    %reduce_sum3A_272 = arith.constant dense<0.000000e+00> : vector<1xf32>
    %reduce_sum3A_273 = vector.multi_reduction <add>, %reduce_sum3A_271, %reduce_sum3A_272 [1, 2] : vector<1x224x224xf32> to vector<1xf32>
    %reduce_sum3A_274 = vector.shape_cast %reduce_sum3A_273 : vector<1xf32> to vector<1x1x1xf32>
    %reduce_sum3A_275 = vector.extract %reduce_sum3A_274[0, 0, 0] : f32 from vector<1x1x1xf32>
    %div3A_276 = arith.constant 5.017600e+04 : f32
    %div3A_277 = arith.divf %reduce_sum3A_275, %div3A_276 : f32
    %reduce_sum3A_278 = vector.shape_cast %mul3A_256 : vector<224x224xf32> to vector<1x224x224xf32>
    %reduce_sum3A_279 = arith.constant dense<0.000000e+00> : vector<1xf32>
    %reduce_sum3A_280 = vector.multi_reduction <add>, %reduce_sum3A_278, %reduce_sum3A_279 [1, 2] : vector<1x224x224xf32> to vector<1xf32>
    %reduce_sum3A_281 = vector.shape_cast %reduce_sum3A_280 : vector<1xf32> to vector<1x1x1xf32>
    %reduce_sum3A_282 = vector.extract %reduce_sum3A_281[0, 0, 0] : f32 from vector<1x1x1xf32>
    %div3A_283 = arith.constant 5.017600e+04 : f32
    %div3A_284 = arith.divf %reduce_sum3A_282, %div3A_283 : f32
    %mul3A_285 = arith.mulf %div3A_263, %div3A_263 : f32
    %sub3A_286 = arith.subf %div3A_270, %mul3A_285 : f32
    %mul3A_287 = arith.constant 4.000000e+00 : f32
    %mul3A_288 = arith.mulf %mul3A_287, %div3A_263 : f32
    %mul3A_289 = arith.mulf %mul3A_288, %div3A_277 : f32
    %sub3A_290 = arith.subf %div3A_284, %mul3A_289 : f32
    %mul3A_291 = arith.constant 6.000000e+00 : f32
    %mul3A_292 = arith.mulf %mul3A_291, %mul3A_285 : f32
    %mul3A_293 = arith.mulf %mul3A_292, %div3A_270 : f32
    %add3A_294 = arith.addf %sub3A_290, %mul3A_293 : f32
    %mul3A_295 = arith.constant 3.000000e+00 : f32
    %mul3A_296 = arith.mulf %mul3A_295, %mul3A_285 : f32
    %mul3A_297 = arith.mulf %mul3A_296, %mul3A_285 : f32
    %sub3A_298 = arith.subf %add3A_294, %mul3A_297 : f32
    %mul3A_299 = arith.mulf %sub3A_286, %sub3A_286 : f32
    %div3A_300 = arith.divf %sub3A_298, %mul3A_299 : f32
    %slice3A_301 = vector.extract_strided_slice %div3A_22 {offsets = [2, 0, 0], sizes = [1, 224, 224], strides = [1, 1, 1]} : vector<4x224x224xf32> to vector<1x224x224xf32>
    %squeeze3A_302 = vector.shape_cast %slice3A_301 : vector<1x224x224xf32> to vector<224x224xf32>
    %sub3A_303 = arith.constant 5.000000e-01 : f32
    %sub3A_304 = vector.broadcast %sub3A_303 : f32 to vector<224x224xf32>
    %sub3A_305 = arith.subf %squeeze3A_302, %sub3A_304 : vector<224x224xf32>
    %mul3A_306 = arith.mulf %sub3A_305, %sub3A_305 : vector<224x224xf32>
    %mul3A_307 = arith.mulf %mul3A_306, %sub3A_305 : vector<224x224xf32>
    %mul3A_308 = arith.mulf %mul3A_306, %mul3A_306 : vector<224x224xf32>
    %reduce_sum3A_309 = vector.shape_cast %sub3A_305 : vector<224x224xf32> to vector<1x224x224xf32>
    %reduce_sum3A_310 = arith.constant dense<0.000000e+00> : vector<1xf32>
    %reduce_sum3A_311 = vector.multi_reduction <add>, %reduce_sum3A_309, %reduce_sum3A_310 [1, 2] : vector<1x224x224xf32> to vector<1xf32>
    %reduce_sum3A_312 = vector.shape_cast %reduce_sum3A_311 : vector<1xf32> to vector<1x1x1xf32>
    %reduce_sum3A_313 = vector.extract %reduce_sum3A_312[0, 0, 0] : f32 from vector<1x1x1xf32>
    %div3A_314 = arith.constant 5.017600e+04 : f32
    %div3A_315 = arith.divf %reduce_sum3A_313, %div3A_314 : f32
    %reduce_sum3A_316 = vector.shape_cast %mul3A_306 : vector<224x224xf32> to vector<1x224x224xf32>
    %reduce_sum3A_317 = arith.constant dense<0.000000e+00> : vector<1xf32>
    %reduce_sum3A_318 = vector.multi_reduction <add>, %reduce_sum3A_316, %reduce_sum3A_317 [1, 2] : vector<1x224x224xf32> to vector<1xf32>
    %reduce_sum3A_319 = vector.shape_cast %reduce_sum3A_318 : vector<1xf32> to vector<1x1x1xf32>
    %reduce_sum3A_320 = vector.extract %reduce_sum3A_319[0, 0, 0] : f32 from vector<1x1x1xf32>
    %div3A_321 = arith.constant 5.017600e+04 : f32
    %div3A_322 = arith.divf %reduce_sum3A_320, %div3A_321 : f32
    %reduce_sum3A_323 = vector.shape_cast %mul3A_307 : vector<224x224xf32> to vector<1x224x224xf32>
    %reduce_sum3A_324 = arith.constant dense<0.000000e+00> : vector<1xf32>
    %reduce_sum3A_325 = vector.multi_reduction <add>, %reduce_sum3A_323, %reduce_sum3A_324 [1, 2] : vector<1x224x224xf32> to vector<1xf32>
    %reduce_sum3A_326 = vector.shape_cast %reduce_sum3A_325 : vector<1xf32> to vector<1x1x1xf32>
    %reduce_sum3A_327 = vector.extract %reduce_sum3A_326[0, 0, 0] : f32 from vector<1x1x1xf32>
    %div3A_328 = arith.constant 5.017600e+04 : f32
    %div3A_329 = arith.divf %reduce_sum3A_327, %div3A_328 : f32
    %reduce_sum3A_330 = vector.shape_cast %mul3A_308 : vector<224x224xf32> to vector<1x224x224xf32>
    %reduce_sum3A_331 = arith.constant dense<0.000000e+00> : vector<1xf32>
    %reduce_sum3A_332 = vector.multi_reduction <add>, %reduce_sum3A_330, %reduce_sum3A_331 [1, 2] : vector<1x224x224xf32> to vector<1xf32>
    %reduce_sum3A_333 = vector.shape_cast %reduce_sum3A_332 : vector<1xf32> to vector<1x1x1xf32>
    %reduce_sum3A_334 = vector.extract %reduce_sum3A_333[0, 0, 0] : f32 from vector<1x1x1xf32>
    %div3A_335 = arith.constant 5.017600e+04 : f32
    %div3A_336 = arith.divf %reduce_sum3A_334, %div3A_335 : f32
    %mul3A_337 = arith.mulf %div3A_315, %div3A_315 : f32
    %sub3A_338 = arith.subf %div3A_322, %mul3A_337 : f32
    %mul3A_339 = arith.constant 4.000000e+00 : f32
    %mul3A_340 = arith.mulf %mul3A_339, %div3A_315 : f32
    %mul3A_341 = arith.mulf %mul3A_340, %div3A_329 : f32
    %sub3A_342 = arith.subf %div3A_336, %mul3A_341 : f32
    %mul3A_343 = arith.constant 6.000000e+00 : f32
    %mul3A_344 = arith.mulf %mul3A_343, %mul3A_337 : f32
    %mul3A_345 = arith.mulf %mul3A_344, %div3A_322 : f32
    %add3A_346 = arith.addf %sub3A_342, %mul3A_345 : f32
    %mul3A_347 = arith.constant 3.000000e+00 : f32
    %mul3A_348 = arith.mulf %mul3A_347, %mul3A_337 : f32
    %mul3A_349 = arith.mulf %mul3A_348, %mul3A_337 : f32
    %sub3A_350 = arith.subf %add3A_346, %mul3A_349 : f32
    %mul3A_351 = arith.mulf %sub3A_338, %sub3A_338 : f32
    %div3A_352 = arith.divf %sub3A_350, %mul3A_351 : f32
    %sub3A_353 = arith.subf %div3A_300, %div3A_352 : f32
    %abs3A_354 = math.absf %sub3A_353 : f32
    %add3A_355 = arith.addf %add3A_248, %abs3A_354 : f32
    %slice3A_356 = vector.extract_strided_slice %div3A_8 {offsets = [3, 0, 0], sizes = [1, 224, 224], strides = [1, 1, 1]} : vector<4x224x224xf32> to vector<1x224x224xf32>
    %squeeze3A_357 = vector.shape_cast %slice3A_356 : vector<1x224x224xf32> to vector<224x224xf32>
    %sub3A_358 = arith.constant 5.000000e-01 : f32
    %sub3A_359 = vector.broadcast %sub3A_358 : f32 to vector<224x224xf32>
    %sub3A_360 = arith.subf %squeeze3A_357, %sub3A_359 : vector<224x224xf32>
    %mul3A_361 = arith.mulf %sub3A_360, %sub3A_360 : vector<224x224xf32>
    %mul3A_362 = arith.mulf %mul3A_361, %sub3A_360 : vector<224x224xf32>
    %mul3A_363 = arith.mulf %mul3A_361, %mul3A_361 : vector<224x224xf32>
    %reduce_sum3A_364 = vector.shape_cast %sub3A_360 : vector<224x224xf32> to vector<1x224x224xf32>
    %reduce_sum3A_365 = arith.constant dense<0.000000e+00> : vector<1xf32>
    %reduce_sum3A_366 = vector.multi_reduction <add>, %reduce_sum3A_364, %reduce_sum3A_365 [1, 2] : vector<1x224x224xf32> to vector<1xf32>
    %reduce_sum3A_367 = vector.shape_cast %reduce_sum3A_366 : vector<1xf32> to vector<1x1x1xf32>
    %reduce_sum3A_368 = vector.extract %reduce_sum3A_367[0, 0, 0] : f32 from vector<1x1x1xf32>
    %div3A_369 = arith.constant 5.017600e+04 : f32
    %div3A_370 = arith.divf %reduce_sum3A_368, %div3A_369 : f32
    %reduce_sum3A_371 = vector.shape_cast %mul3A_361 : vector<224x224xf32> to vector<1x224x224xf32>
    %reduce_sum3A_372 = arith.constant dense<0.000000e+00> : vector<1xf32>
    %reduce_sum3A_373 = vector.multi_reduction <add>, %reduce_sum3A_371, %reduce_sum3A_372 [1, 2] : vector<1x224x224xf32> to vector<1xf32>
    %reduce_sum3A_374 = vector.shape_cast %reduce_sum3A_373 : vector<1xf32> to vector<1x1x1xf32>
    %reduce_sum3A_375 = vector.extract %reduce_sum3A_374[0, 0, 0] : f32 from vector<1x1x1xf32>
    %div3A_376 = arith.constant 5.017600e+04 : f32
    %div3A_377 = arith.divf %reduce_sum3A_375, %div3A_376 : f32
    %reduce_sum3A_378 = vector.shape_cast %mul3A_362 : vector<224x224xf32> to vector<1x224x224xf32>
    %reduce_sum3A_379 = arith.constant dense<0.000000e+00> : vector<1xf32>
    %reduce_sum3A_380 = vector.multi_reduction <add>, %reduce_sum3A_378, %reduce_sum3A_379 [1, 2] : vector<1x224x224xf32> to vector<1xf32>
    %reduce_sum3A_381 = vector.shape_cast %reduce_sum3A_380 : vector<1xf32> to vector<1x1x1xf32>
    %reduce_sum3A_382 = vector.extract %reduce_sum3A_381[0, 0, 0] : f32 from vector<1x1x1xf32>
    %div3A_383 = arith.constant 5.017600e+04 : f32
    %div3A_384 = arith.divf %reduce_sum3A_382, %div3A_383 : f32
    %reduce_sum3A_385 = vector.shape_cast %mul3A_363 : vector<224x224xf32> to vector<1x224x224xf32>
    %reduce_sum3A_386 = arith.constant dense<0.000000e+00> : vector<1xf32>
    %reduce_sum3A_387 = vector.multi_reduction <add>, %reduce_sum3A_385, %reduce_sum3A_386 [1, 2] : vector<1x224x224xf32> to vector<1xf32>
    %reduce_sum3A_388 = vector.shape_cast %reduce_sum3A_387 : vector<1xf32> to vector<1x1x1xf32>
    %reduce_sum3A_389 = vector.extract %reduce_sum3A_388[0, 0, 0] : f32 from vector<1x1x1xf32>
    %div3A_390 = arith.constant 5.017600e+04 : f32
    %div3A_391 = arith.divf %reduce_sum3A_389, %div3A_390 : f32
    %mul3A_392 = arith.mulf %div3A_370, %div3A_370 : f32
    %sub3A_393 = arith.subf %div3A_377, %mul3A_392 : f32
    %mul3A_394 = arith.constant 4.000000e+00 : f32
    %mul3A_395 = arith.mulf %mul3A_394, %div3A_370 : f32
    %mul3A_396 = arith.mulf %mul3A_395, %div3A_384 : f32
    %sub3A_397 = arith.subf %div3A_391, %mul3A_396 : f32
    %mul3A_398 = arith.constant 6.000000e+00 : f32
    %mul3A_399 = arith.mulf %mul3A_398, %mul3A_392 : f32
    %mul3A_400 = arith.mulf %mul3A_399, %div3A_377 : f32
    %add3A_401 = arith.addf %sub3A_397, %mul3A_400 : f32
    %mul3A_402 = arith.constant 3.000000e+00 : f32
    %mul3A_403 = arith.mulf %mul3A_402, %mul3A_392 : f32
    %mul3A_404 = arith.mulf %mul3A_403, %mul3A_392 : f32
    %sub3A_405 = arith.subf %add3A_401, %mul3A_404 : f32
    %mul3A_406 = arith.mulf %sub3A_393, %sub3A_393 : f32
    %div3A_407 = arith.divf %sub3A_405, %mul3A_406 : f32
    %slice3A_408 = vector.extract_strided_slice %div3A_22 {offsets = [3, 0, 0], sizes = [1, 224, 224], strides = [1, 1, 1]} : vector<4x224x224xf32> to vector<1x224x224xf32>
    %squeeze3A_409 = vector.shape_cast %slice3A_408 : vector<1x224x224xf32> to vector<224x224xf32>
    %sub3A_410 = arith.constant 5.000000e-01 : f32
    %sub3A_411 = vector.broadcast %sub3A_410 : f32 to vector<224x224xf32>
    %sub3A_412 = arith.subf %squeeze3A_409, %sub3A_411 : vector<224x224xf32>
    %mul3A_413 = arith.mulf %sub3A_412, %sub3A_412 : vector<224x224xf32>
    %mul3A_414 = arith.mulf %mul3A_413, %sub3A_412 : vector<224x224xf32>
    %mul3A_415 = arith.mulf %mul3A_413, %mul3A_413 : vector<224x224xf32>
    %reduce_sum3A_416 = vector.shape_cast %sub3A_412 : vector<224x224xf32> to vector<1x224x224xf32>
    %reduce_sum3A_417 = arith.constant dense<0.000000e+00> : vector<1xf32>
    %reduce_sum3A_418 = vector.multi_reduction <add>, %reduce_sum3A_416, %reduce_sum3A_417 [1, 2] : vector<1x224x224xf32> to vector<1xf32>
    %reduce_sum3A_419 = vector.shape_cast %reduce_sum3A_418 : vector<1xf32> to vector<1x1x1xf32>
    %reduce_sum3A_420 = vector.extract %reduce_sum3A_419[0, 0, 0] : f32 from vector<1x1x1xf32>
    %div3A_421 = arith.constant 5.017600e+04 : f32
    %div3A_422 = arith.divf %reduce_sum3A_420, %div3A_421 : f32
    %reduce_sum3A_423 = vector.shape_cast %mul3A_413 : vector<224x224xf32> to vector<1x224x224xf32>
    %reduce_sum3A_424 = arith.constant dense<0.000000e+00> : vector<1xf32>
    %reduce_sum3A_425 = vector.multi_reduction <add>, %reduce_sum3A_423, %reduce_sum3A_424 [1, 2] : vector<1x224x224xf32> to vector<1xf32>
    %reduce_sum3A_426 = vector.shape_cast %reduce_sum3A_425 : vector<1xf32> to vector<1x1x1xf32>
    %reduce_sum3A_427 = vector.extract %reduce_sum3A_426[0, 0, 0] : f32 from vector<1x1x1xf32>
    %div3A_428 = arith.constant 5.017600e+04 : f32
    %div3A_429 = arith.divf %reduce_sum3A_427, %div3A_428 : f32
    %reduce_sum3A_430 = vector.shape_cast %mul3A_414 : vector<224x224xf32> to vector<1x224x224xf32>
    %reduce_sum3A_431 = arith.constant dense<0.000000e+00> : vector<1xf32>
    %reduce_sum3A_432 = vector.multi_reduction <add>, %reduce_sum3A_430, %reduce_sum3A_431 [1, 2] : vector<1x224x224xf32> to vector<1xf32>
    %reduce_sum3A_433 = vector.shape_cast %reduce_sum3A_432 : vector<1xf32> to vector<1x1x1xf32>
    %reduce_sum3A_434 = vector.extract %reduce_sum3A_433[0, 0, 0] : f32 from vector<1x1x1xf32>
    %div3A_435 = arith.constant 5.017600e+04 : f32
    %div3A_436 = arith.divf %reduce_sum3A_434, %div3A_435 : f32
    %reduce_sum3A_437 = vector.shape_cast %mul3A_415 : vector<224x224xf32> to vector<1x224x224xf32>
    %reduce_sum3A_438 = arith.constant dense<0.000000e+00> : vector<1xf32>
    %reduce_sum3A_439 = vector.multi_reduction <add>, %reduce_sum3A_437, %reduce_sum3A_438 [1, 2] : vector<1x224x224xf32> to vector<1xf32>
    %reduce_sum3A_440 = vector.shape_cast %reduce_sum3A_439 : vector<1xf32> to vector<1x1x1xf32>
    %reduce_sum3A_441 = vector.extract %reduce_sum3A_440[0, 0, 0] : f32 from vector<1x1x1xf32>
    %div3A_442 = arith.constant 5.017600e+04 : f32
    %div3A_443 = arith.divf %reduce_sum3A_441, %div3A_442 : f32
    %mul3A_444 = arith.mulf %div3A_422, %div3A_422 : f32
    %sub3A_445 = arith.subf %div3A_429, %mul3A_444 : f32
    %mul3A_446 = arith.constant 4.000000e+00 : f32
    %mul3A_447 = arith.mulf %mul3A_446, %div3A_422 : f32
    %mul3A_448 = arith.mulf %mul3A_447, %div3A_436 : f32
    %sub3A_449 = arith.subf %div3A_443, %mul3A_448 : f32
    %mul3A_450 = arith.constant 6.000000e+00 : f32
    %mul3A_451 = arith.mulf %mul3A_450, %mul3A_444 : f32
    %mul3A_452 = arith.mulf %mul3A_451, %div3A_429 : f32
    %add3A_453 = arith.addf %sub3A_449, %mul3A_452 : f32
    %mul3A_454 = arith.constant 3.000000e+00 : f32
    %mul3A_455 = arith.mulf %mul3A_454, %mul3A_444 : f32
    %mul3A_456 = arith.mulf %mul3A_455, %mul3A_444 : f32
    %sub3A_457 = arith.subf %add3A_453, %mul3A_456 : f32
    %mul3A_458 = arith.mulf %sub3A_445, %sub3A_445 : f32
    %div3A_459 = arith.divf %sub3A_457, %mul3A_458 : f32
    %sub3A_460 = arith.subf %div3A_407, %div3A_459 : f32
    %abs3A_461 = math.absf %sub3A_460 : f32
    %add3A_462 = arith.addf %add3A_355, %abs3A_461 : f32
    %eq3A = arith.constant 0 : i32
    %eq3A_463 = arith.cmpi eq, %arg0, %eq3A : i32
    %get3A_464 = arith.constant 0 : index
    %get3A_465 = arith.constant 0 : index
    %get3A_466 = memref.load %arg4[%get3A_464, %get3A_465] : memref<1x1xf32, #tpu.memory_space<smem>>
    %jit3A = arith.constant 0.000000e+00 : f32
    %select_n3A = arith.select %eq3A_463, %jit3A, %get3A_466 : f32
    %add3A_467 = arith.addf %select_n3A, %add3A_462 : f32
    %swap3A_468 = arith.constant 0 : index
    %swap3A_469 = arith.constant 0 : index
    %swap3A_470 = memref.load %arg4[%swap3A_468, %swap3A_469] : memref<1x1xf32, #tpu.memory_space<smem>>
    memref.store %add3A_467, %arg4[%swap3A_468, %swap3A_469] : memref<1x1xf32, #tpu.memory_space<smem>>
    return
  }
  func.func @transform_0(%arg0: i32) -> (i32, i32, i32) {
    %add3A = arith.constant 48 : i32
    %add3A_0 = arith.addi %arg0, %add3A : i32
    %c0_i32 = arith.constant 0 : i32
    %c0_i32_1 = arith.constant 0 : i32
    %c0_i32_2 = arith.constant 0 : i32
    return %add3A_0, %c0_i32, %c0_i32_1 : i32, i32, i32
  }
  func.func @transform_1(%arg0: i32) -> (i32, i32, i32) {
    %add3A = arith.constant 48 : i32
    %add3A_0 = arith.addi %arg0, %add3A : i32
    %c0_i32 = arith.constant 0 : i32
    %c0_i32_1 = arith.constant 0 : i32
    %c0_i32_2 = arith.constant 0 : i32
    return %add3A_0, %c0_i32, %c0_i32_1 : i32, i32, i32
  }
  func.func @transform_2(%arg0: i32) -> (i32, i32, i32) {
    %c0_i32 = arith.constant 0 : i32
    %c0_i32_0 = arith.constant 0 : i32
    %c0_i32_1 = arith.constant 0 : i32
    return %arg0, %c0_i32, %c0_i32_0 : i32, i32, i32
  }
  func.func @transform_3(%arg0: i32) -> (i32, i32) {
    %c0_i32 = arith.constant 0 : i32
    %c0_i32_0 = arith.constant 0 : i32
    %c0_i32_1 = arith.constant 0 : i32
    return %c0_i32, %c0_i32_0 : i32, i32
  }
}

module attributes {stable_mosaic.version = 14 : i64} {
  func.func @_phase_a_body(%arg0: i32, %arg1: memref<4x224x224xf32, #tpu.memory_space<vmem>>, %arg2: memref<4x224x224xf32, #tpu.memory_space<vmem>>, %arg3: memref<4x224x128xi32, #tpu.memory_space<vmem>>, %arg4: memref<1x1xf32, #tpu.memory_space<smem>>) attributes {dimension_semantics = [#tpu.dimension_semantics<arbitrary>], iteration_bounds = array<i64: 24>, scalar_prefetch = 0 : i64, scratch_operands = 0 : i64, tpu.core_type = #tpu.core_type<tc>, window_params = [{transform_indices = @transform_0, window_bounds = array<i64: 4, 224, 224>}, {transform_indices = @transform_1, window_bounds = array<i64: 4, 224, 224>}, {transform_indices = @transform_2, window_bounds = array<i64: 4, 224, 128>}, {transform_indices = @transform_3, window_bounds = array<i64: 1, 1>}]} {
    %get3A = arith.constant 0 : index
    %get3A_0 = arith.constant 0 : index
    %get3A_1 = arith.constant 0 : index
    %get3A_2 = vector.load %arg1[%get3A, %get3A_0, %get3A_1] : memref<4x224x224xf32, #tpu.memory_space<vmem>>, vector<4x224x224xf32>
    %neg3A = arith.constant 0.000000e+00 : f32
    %neg3A_3 = vector.broadcast %neg3A : f32 to vector<4x224x224xf32>
    %neg3A_4 = arith.subf %neg3A_3, %get3A_2 : vector<4x224x224xf32>
    %exp3A = math.exp %neg3A_4 : vector<4x224x224xf32>
    %add3A = arith.constant 1.000000e+00 : f32
    %add3A_5 = vector.broadcast %add3A : f32 to vector<4x224x224xf32>
    %add3A_6 = arith.addf %add3A_5, %exp3A : vector<4x224x224xf32>
    %div3A = arith.constant 1.000000e+00 : f32
    %div3A_7 = vector.broadcast %div3A : f32 to vector<4x224x224xf32>
    %div3A_8 = arith.divf %div3A_7, %add3A_6 : vector<4x224x224xf32>
    %get3A_9 = arith.constant 0 : index
    %get3A_10 = arith.constant 0 : index
    %get3A_11 = arith.constant 0 : index
    %get3A_12 = vector.load %arg2[%get3A_9, %get3A_10, %get3A_11] : memref<4x224x224xf32, #tpu.memory_space<vmem>>, vector<4x224x224xf32>
    %neg3A_13 = arith.constant 0.000000e+00 : f32
    %neg3A_14 = vector.broadcast %neg3A_13 : f32 to vector<4x224x224xf32>
    %neg3A_15 = arith.subf %neg3A_14, %get3A_12 : vector<4x224x224xf32>
    %exp3A_16 = math.exp %neg3A_15 : vector<4x224x224xf32>
    %add3A_17 = arith.constant 1.000000e+00 : f32
    %add3A_18 = vector.broadcast %add3A_17 : f32 to vector<4x224x224xf32>
    %add3A_19 = arith.addf %add3A_18, %exp3A_16 : vector<4x224x224xf32>
    %div3A_20 = arith.constant 1.000000e+00 : f32
    %div3A_21 = vector.broadcast %div3A_20 : f32 to vector<4x224x224xf32>
    %div3A_22 = arith.divf %div3A_21, %add3A_19 : vector<4x224x224xf32>
    %sub3A = arith.subf %div3A_8, %div3A_22 : vector<4x224x224xf32>
    %abs3A = math.absf %sub3A : vector<4x224x224xf32>
    %mul3A = arith.constant 4.096000e+03 : f32
    %mul3A_23 = vector.broadcast %mul3A : f32 to vector<4x224x224xf32>
    %mul3A_24 = arith.mulf %abs3A, %mul3A_23 : vector<4x224x224xf32>
    %convert_element_type3A = arith.fptosi %mul3A_24 : vector<4x224x224xf32> to vector<4x224x224xi32>
    %min3A = arith.constant 4095 : i32
    %min3A_25 = vector.broadcast %min3A : i32 to vector<4x224x224xi32>
    %min3A_26 = arith.minsi %convert_element_type3A, %min3A_25 : vector<4x224x224xi32>
    %max3A = arith.constant 0 : i32
    %max3A_27 = vector.broadcast %max3A : i32 to vector<4x224x224xi32>
    %max3A_28 = arith.maxsi %min3A_26, %max3A_27 : vector<4x224x224xi32>
    %broadcast_in_dim3A = arith.constant 0 : i32
    %broadcast_in_dim3A_29 = vector.broadcast %broadcast_in_dim3A : i32 to vector<4x224x32xi32>
    %concatenate3A = tpu.concatenate %max3A_28, %broadcast_in_dim3A_29 in 2 : vector<4x224x224xi32>, vector<4x224x32xi32> -> vector<4x224x256xi32>
    %slice3A = vector.extract_strided_slice %concatenate3A {offsets = [0, 0, 0], sizes = [4, 224, 128], strides = [1, 1, 1]} : vector<4x224x256xi32> to vector<4x224x128xi32>
    %slice3A_30 = vector.extract_strided_slice %concatenate3A {offsets = [0, 0, 128], sizes = [4, 224, 128], strides = [1, 1, 1]} : vector<4x224x256xi32> to vector<4x224x128xi32>
    %shift_left3A = arith.constant 16 : i32
    %shift_left3A_31 = vector.broadcast %shift_left3A : i32 to vector<4x224x128xi32>
    %shift_left3A_32 = arith.shli %slice3A_30, %shift_left3A_31 : vector<4x224x128xi32>
    %or3A = arith.ori %slice3A, %shift_left3A_32 : vector<4x224x128xi32>
    %swap3A = arith.constant 0 : index
    %swap3A_33 = arith.constant 0 : index
    %swap3A_34 = arith.constant 0 : index
    %swap3A_35 = vector.load %arg3[%swap3A, %swap3A_33, %swap3A_34] : memref<4x224x128xi32, #tpu.memory_space<vmem>>, vector<4x224x128xi32>
    tpu.vector_store %arg3[%swap3A, %swap3A_33, %swap3A_34], %or3A {strides = array<i32>} : memref<4x224x128xi32, #tpu.memory_space<vmem>>, vector<4x224x128xi32>,
    %slice3A_36 = vector.extract_strided_slice %div3A_8 {offsets = [0, 0, 0], sizes = [1, 224, 224], strides = [1, 1, 1]} : vector<4x224x224xf32> to vector<1x224x224xf32>
    %squeeze3A = vector.shape_cast %slice3A_36 : vector<1x224x224xf32> to vector<224x224xf32>
    %sub3A_37 = arith.constant 5.000000e-01 : f32
    %sub3A_38 = vector.broadcast %sub3A_37 : f32 to vector<224x224xf32>
    %sub3A_39 = arith.subf %squeeze3A, %sub3A_38 : vector<224x224xf32>
    %mul3A_40 = arith.mulf %sub3A_39, %sub3A_39 : vector<224x224xf32>
    %mul3A_41 = arith.mulf %mul3A_40, %sub3A_39 : vector<224x224xf32>
    %mul3A_42 = arith.mulf %mul3A_40, %mul3A_40 : vector<224x224xf32>
    %reduce_sum3A = vector.shape_cast %sub3A_39 : vector<224x224xf32> to vector<1x224x224xf32>
    %reduce_sum3A_43 = arith.constant dense<0.000000e+00> : vector<1xf32>
    %reduce_sum3A_44 = vector.multi_reduction <add>, %reduce_sum3A, %reduce_sum3A_43 [1, 2] : vector<1x224x224xf32> to vector<1xf32>
    %reduce_sum3A_45 = vector.shape_cast %reduce_sum3A_44 : vector<1xf32> to vector<1x1x1xf32>
    %reduce_sum3A_46 = vector.extract %reduce_sum3A_45[0, 0, 0] : f32 from vector<1x1x1xf32>
    %div3A_47 = arith.constant 5.017600e+04 : f32
    %div3A_48 = arith.divf %reduce_sum3A_46, %div3A_47 : f32
    %reduce_sum3A_49 = vector.shape_cast %mul3A_40 : vector<224x224xf32> to vector<1x224x224xf32>
    %reduce_sum3A_50 = arith.constant dense<0.000000e+00> : vector<1xf32>
    %reduce_sum3A_51 = vector.multi_reduction <add>, %reduce_sum3A_49, %reduce_sum3A_50 [1, 2] : vector<1x224x224xf32> to vector<1xf32>
    %reduce_sum3A_52 = vector.shape_cast %reduce_sum3A_51 : vector<1xf32> to vector<1x1x1xf32>
    %reduce_sum3A_53 = vector.extract %reduce_sum3A_52[0, 0, 0] : f32 from vector<1x1x1xf32>
    %div3A_54 = arith.constant 5.017600e+04 : f32
    %div3A_55 = arith.divf %reduce_sum3A_53, %div3A_54 : f32
    %reduce_sum3A_56 = vector.shape_cast %mul3A_41 : vector<224x224xf32> to vector<1x224x224xf32>
    %reduce_sum3A_57 = arith.constant dense<0.000000e+00> : vector<1xf32>
    %reduce_sum3A_58 = vector.multi_reduction <add>, %reduce_sum3A_56, %reduce_sum3A_57 [1, 2] : vector<1x224x224xf32> to vector<1xf32>
    %reduce_sum3A_59 = vector.shape_cast %reduce_sum3A_58 : vector<1xf32> to vector<1x1x1xf32>
    %reduce_sum3A_60 = vector.extract %reduce_sum3A_59[0, 0, 0] : f32 from vector<1x1x1xf32>
    %div3A_61 = arith.constant 5.017600e+04 : f32
    %div3A_62 = arith.divf %reduce_sum3A_60, %div3A_61 : f32
    %reduce_sum3A_63 = vector.shape_cast %mul3A_42 : vector<224x224xf32> to vector<1x224x224xf32>
    %reduce_sum3A_64 = arith.constant dense<0.000000e+00> : vector<1xf32>
    %reduce_sum3A_65 = vector.multi_reduction <add>, %reduce_sum3A_63, %reduce_sum3A_64 [1, 2] : vector<1x224x224xf32> to vector<1xf32>
    %reduce_sum3A_66 = vector.shape_cast %reduce_sum3A_65 : vector<1xf32> to vector<1x1x1xf32>
    %reduce_sum3A_67 = vector.extract %reduce_sum3A_66[0, 0, 0] : f32 from vector<1x1x1xf32>
    %div3A_68 = arith.constant 5.017600e+04 : f32
    %div3A_69 = arith.divf %reduce_sum3A_67, %div3A_68 : f32
    %mul3A_70 = arith.mulf %div3A_48, %div3A_48 : f32
    %sub3A_71 = arith.subf %div3A_55, %mul3A_70 : f32
    %mul3A_72 = arith.constant 4.000000e+00 : f32
    %mul3A_73 = arith.mulf %mul3A_72, %div3A_48 : f32
    %mul3A_74 = arith.mulf %mul3A_73, %div3A_62 : f32
    %sub3A_75 = arith.subf %div3A_69, %mul3A_74 : f32
    %mul3A_76 = arith.constant 6.000000e+00 : f32
    %mul3A_77 = arith.mulf %mul3A_76, %mul3A_70 : f32
    %mul3A_78 = arith.mulf %mul3A_77, %div3A_55 : f32
    %add3A_79 = arith.addf %sub3A_75, %mul3A_78 : f32
    %mul3A_80 = arith.constant 3.000000e+00 : f32
    %mul3A_81 = arith.mulf %mul3A_80, %mul3A_70 : f32
    %mul3A_82 = arith.mulf %mul3A_81, %mul3A_70 : f32
    %sub3A_83 = arith.subf %add3A_79, %mul3A_82 : f32
    %mul3A_84 = arith.mulf %sub3A_71, %sub3A_71 : f32
    %div3A_85 = arith.divf %sub3A_83, %mul3A_84 : f32
    %slice3A_86 = vector.extract_strided_slice %div3A_22 {offsets = [0, 0, 0], sizes = [1, 224, 224], strides = [1, 1, 1]} : vector<4x224x224xf32> to vector<1x224x224xf32>
    %squeeze3A_87 = vector.shape_cast %slice3A_86 : vector<1x224x224xf32> to vector<224x224xf32>
    %sub3A_88 = arith.constant 5.000000e-01 : f32
    %sub3A_89 = vector.broadcast %sub3A_88 : f32 to vector<224x224xf32>
    %sub3A_90 = arith.subf %squeeze3A_87, %sub3A_89 : vector<224x224xf32>
    %mul3A_91 = arith.mulf %sub3A_90, %sub3A_90 : vector<224x224xf32>
    %mul3A_92 = arith.mulf %mul3A_91, %sub3A_90 : vector<224x224xf32>
    %mul3A_93 = arith.mulf %mul3A_91, %mul3A_91 : vector<224x224xf32>
    %reduce_sum3A_94 = vector.shape_cast %sub3A_90 : vector<224x224xf32> to vector<1x224x224xf32>
    %reduce_sum3A_95 = arith.constant dense<0.000000e+00> : vector<1xf32>
    %reduce_sum3A_96 = vector.multi_reduction <add>, %reduce_sum3A_94, %reduce_sum3A_95 [1, 2] : vector<1x224x224xf32> to vector<1xf32>
    %reduce_sum3A_97 = vector.shape_cast %reduce_sum3A_96 : vector<1xf32> to vector<1x1x1xf32>
    %reduce_sum3A_98 = vector.extract %reduce_sum3A_97[0, 0, 0] : f32 from vector<1x1x1xf32>
    %div3A_99 = arith.constant 5.017600e+04 : f32
    %div3A_100 = arith.divf %reduce_sum3A_98, %div3A_99 : f32
    %reduce_sum3A_101 = vector.shape_cast %mul3A_91 : vector<224x224xf32> to vector<1x224x224xf32>
    %reduce_sum3A_102 = arith.constant dense<0.000000e+00> : vector<1xf32>
    %reduce_sum3A_103 = vector.multi_reduction <add>, %reduce_sum3A_101, %reduce_sum3A_102 [1, 2] : vector<1x224x224xf32> to vector<1xf32>
    %reduce_sum3A_104 = vector.shape_cast %reduce_sum3A_103 : vector<1xf32> to vector<1x1x1xf32>
    %reduce_sum3A_105 = vector.extract %reduce_sum3A_104[0, 0, 0] : f32 from vector<1x1x1xf32>
    %div3A_106 = arith.constant 5.017600e+04 : f32
    %div3A_107 = arith.divf %reduce_sum3A_105, %div3A_106 : f32
    %reduce_sum3A_108 = vector.shape_cast %mul3A_92 : vector<224x224xf32> to vector<1x224x224xf32>
    %reduce_sum3A_109 = arith.constant dense<0.000000e+00> : vector<1xf32>
    %reduce_sum3A_110 = vector.multi_reduction <add>, %reduce_sum3A_108, %reduce_sum3A_109 [1, 2] : vector<1x224x224xf32> to vector<1xf32>
    %reduce_sum3A_111 = vector.shape_cast %reduce_sum3A_110 : vector<1xf32> to vector<1x1x1xf32>
    %reduce_sum3A_112 = vector.extract %reduce_sum3A_111[0, 0, 0] : f32 from vector<1x1x1xf32>
    %div3A_113 = arith.constant 5.017600e+04 : f32
    %div3A_114 = arith.divf %reduce_sum3A_112, %div3A_113 : f32
    %reduce_sum3A_115 = vector.shape_cast %mul3A_93 : vector<224x224xf32> to vector<1x224x224xf32>
    %reduce_sum3A_116 = arith.constant dense<0.000000e+00> : vector<1xf32>
    %reduce_sum3A_117 = vector.multi_reduction <add>, %reduce_sum3A_115, %reduce_sum3A_116 [1, 2] : vector<1x224x224xf32> to vector<1xf32>
    %reduce_sum3A_118 = vector.shape_cast %reduce_sum3A_117 : vector<1xf32> to vector<1x1x1xf32>
    %reduce_sum3A_119 = vector.extract %reduce_sum3A_118[0, 0, 0] : f32 from vector<1x1x1xf32>
    %div3A_120 = arith.constant 5.017600e+04 : f32
    %div3A_121 = arith.divf %reduce_sum3A_119, %div3A_120 : f32
    %mul3A_122 = arith.mulf %div3A_100, %div3A_100 : f32
    %sub3A_123 = arith.subf %div3A_107, %mul3A_122 : f32
    %mul3A_124 = arith.constant 4.000000e+00 : f32
    %mul3A_125 = arith.mulf %mul3A_124, %div3A_100 : f32
    %mul3A_126 = arith.mulf %mul3A_125, %div3A_114 : f32
    %sub3A_127 = arith.subf %div3A_121, %mul3A_126 : f32
    %mul3A_128 = arith.constant 6.000000e+00 : f32
    %mul3A_129 = arith.mulf %mul3A_128, %mul3A_122 : f32
    %mul3A_130 = arith.mulf %mul3A_129, %div3A_107 : f32
    %add3A_131 = arith.addf %sub3A_127, %mul3A_130 : f32
    %mul3A_132 = arith.constant 3.000000e+00 : f32
    %mul3A_133 = arith.mulf %mul3A_132, %mul3A_122 : f32
    %mul3A_134 = arith.mulf %mul3A_133, %mul3A_122 : f32
    %sub3A_135 = arith.subf %add3A_131, %mul3A_134 : f32
    %mul3A_136 = arith.mulf %sub3A_123, %sub3A_123 : f32
    %div3A_137 = arith.divf %sub3A_135, %mul3A_136 : f32
    %sub3A_138 = arith.subf %div3A_85, %div3A_137 : f32
    %abs3A_139 = math.absf %sub3A_138 : f32
    %add3A_140 = arith.constant 0.000000e+00 : f32
    %add3A_141 = arith.addf %add3A_140, %abs3A_139 : f32
    %slice3A_142 = vector.extract_strided_slice %div3A_8 {offsets = [1, 0, 0], sizes = [1, 224, 224], strides = [1, 1, 1]} : vector<4x224x224xf32> to vector<1x224x224xf32>
    %squeeze3A_143 = vector.shape_cast %slice3A_142 : vector<1x224x224xf32> to vector<224x224xf32>
    %sub3A_144 = arith.constant 5.000000e-01 : f32
    %sub3A_145 = vector.broadcast %sub3A_144 : f32 to vector<224x224xf32>
    %sub3A_146 = arith.subf %squeeze3A_143, %sub3A_145 : vector<224x224xf32>
    %mul3A_147 = arith.mulf %sub3A_146, %sub3A_146 : vector<224x224xf32>
    %mul3A_148 = arith.mulf %mul3A_147, %sub3A_146 : vector<224x224xf32>
    %mul3A_149 = arith.mulf %mul3A_147, %mul3A_147 : vector<224x224xf32>
    %reduce_sum3A_150 = vector.shape_cast %sub3A_146 : vector<224x224xf32> to vector<1x224x224xf32>
    %reduce_sum3A_151 = arith.constant dense<0.000000e+00> : vector<1xf32>
    %reduce_sum3A_152 = vector.multi_reduction <add>, %reduce_sum3A_150, %reduce_sum3A_151 [1, 2] : vector<1x224x224xf32> to vector<1xf32>
    %reduce_sum3A_153 = vector.shape_cast %reduce_sum3A_152 : vector<1xf32> to vector<1x1x1xf32>
    %reduce_sum3A_154 = vector.extract %reduce_sum3A_153[0, 0, 0] : f32 from vector<1x1x1xf32>
    %div3A_155 = arith.constant 5.017600e+04 : f32
    %div3A_156 = arith.divf %reduce_sum3A_154, %div3A_155 : f32
    %reduce_sum3A_157 = vector.shape_cast %mul3A_147 : vector<224x224xf32> to vector<1x224x224xf32>
    %reduce_sum3A_158 = arith.constant dense<0.000000e+00> : vector<1xf32>
    %reduce_sum3A_159 = vector.multi_reduction <add>, %reduce_sum3A_157, %reduce_sum3A_158 [1, 2] : vector<1x224x224xf32> to vector<1xf32>
    %reduce_sum3A_160 = vector.shape_cast %reduce_sum3A_159 : vector<1xf32> to vector<1x1x1xf32>
    %reduce_sum3A_161 = vector.extract %reduce_sum3A_160[0, 0, 0] : f32 from vector<1x1x1xf32>
    %div3A_162 = arith.constant 5.017600e+04 : f32
    %div3A_163 = arith.divf %reduce_sum3A_161, %div3A_162 : f32
    %reduce_sum3A_164 = vector.shape_cast %mul3A_148 : vector<224x224xf32> to vector<1x224x224xf32>
    %reduce_sum3A_165 = arith.constant dense<0.000000e+00> : vector<1xf32>
    %reduce_sum3A_166 = vector.multi_reduction <add>, %reduce_sum3A_164, %reduce_sum3A_165 [1, 2] : vector<1x224x224xf32> to vector<1xf32>
    %reduce_sum3A_167 = vector.shape_cast %reduce_sum3A_166 : vector<1xf32> to vector<1x1x1xf32>
    %reduce_sum3A_168 = vector.extract %reduce_sum3A_167[0, 0, 0] : f32 from vector<1x1x1xf32>
    %div3A_169 = arith.constant 5.017600e+04 : f32
    %div3A_170 = arith.divf %reduce_sum3A_168, %div3A_169 : f32
    %reduce_sum3A_171 = vector.shape_cast %mul3A_149 : vector<224x224xf32> to vector<1x224x224xf32>
    %reduce_sum3A_172 = arith.constant dense<0.000000e+00> : vector<1xf32>
    %reduce_sum3A_173 = vector.multi_reduction <add>, %reduce_sum3A_171, %reduce_sum3A_172 [1, 2] : vector<1x224x224xf32> to vector<1xf32>
    %reduce_sum3A_174 = vector.shape_cast %reduce_sum3A_173 : vector<1xf32> to vector<1x1x1xf32>
    %reduce_sum3A_175 = vector.extract %reduce_sum3A_174[0, 0, 0] : f32 from vector<1x1x1xf32>
    %div3A_176 = arith.constant 5.017600e+04 : f32
    %div3A_177 = arith.divf %reduce_sum3A_175, %div3A_176 : f32
    %mul3A_178 = arith.mulf %div3A_156, %div3A_156 : f32
    %sub3A_179 = arith.subf %div3A_163, %mul3A_178 : f32
    %mul3A_180 = arith.constant 4.000000e+00 : f32
    %mul3A_181 = arith.mulf %mul3A_180, %div3A_156 : f32
    %mul3A_182 = arith.mulf %mul3A_181, %div3A_170 : f32
    %sub3A_183 = arith.subf %div3A_177, %mul3A_182 : f32
    %mul3A_184 = arith.constant 6.000000e+00 : f32
    %mul3A_185 = arith.mulf %mul3A_184, %mul3A_178 : f32
    %mul3A_186 = arith.mulf %mul3A_185, %div3A_163 : f32
    %add3A_187 = arith.addf %sub3A_183, %mul3A_186 : f32
    %mul3A_188 = arith.constant 3.000000e+00 : f32
    %mul3A_189 = arith.mulf %mul3A_188, %mul3A_178 : f32
    %mul3A_190 = arith.mulf %mul3A_189, %mul3A_178 : f32
    %sub3A_191 = arith.subf %add3A_187, %mul3A_190 : f32
    %mul3A_192 = arith.mulf %sub3A_179, %sub3A_179 : f32
    %div3A_193 = arith.divf %sub3A_191, %mul3A_192 : f32
    %slice3A_194 = vector.extract_strided_slice %div3A_22 {offsets = [1, 0, 0], sizes = [1, 224, 224], strides = [1, 1, 1]} : vector<4x224x224xf32> to vector<1x224x224xf32>
    %squeeze3A_195 = vector.shape_cast %slice3A_194 : vector<1x224x224xf32> to vector<224x224xf32>
    %sub3A_196 = arith.constant 5.000000e-01 : f32
    %sub3A_197 = vector.broadcast %sub3A_196 : f32 to vector<224x224xf32>
    %sub3A_198 = arith.subf %squeeze3A_195, %sub3A_197 : vector<224x224xf32>
    %mul3A_199 = arith.mulf %sub3A_198, %sub3A_198 : vector<224x224xf32>
    %mul3A_200 = arith.mulf %mul3A_199, %sub3A_198 : vector<224x224xf32>
    %mul3A_201 = arith.mulf %mul3A_199, %mul3A_199 : vector<224x224xf32>
    %reduce_sum3A_202 = vector.shape_cast %sub3A_198 : vector<224x224xf32> to vector<1x224x224xf32>
    %reduce_sum3A_203 = arith.constant dense<0.000000e+00> : vector<1xf32>
    %reduce_sum3A_204 = vector.multi_reduction <add>, %reduce_sum3A_202, %reduce_sum3A_203 [1, 2] : vector<1x224x224xf32> to vector<1xf32>
    %reduce_sum3A_205 = vector.shape_cast %reduce_sum3A_204 : vector<1xf32> to vector<1x1x1xf32>
    %reduce_sum3A_206 = vector.extract %reduce_sum3A_205[0, 0, 0] : f32 from vector<1x1x1xf32>
    %div3A_207 = arith.constant 5.017600e+04 : f32
    %div3A_208 = arith.divf %reduce_sum3A_206, %div3A_207 : f32
    %reduce_sum3A_209 = vector.shape_cast %mul3A_199 : vector<224x224xf32> to vector<1x224x224xf32>
    %reduce_sum3A_210 = arith.constant dense<0.000000e+00> : vector<1xf32>
    %reduce_sum3A_211 = vector.multi_reduction <add>, %reduce_sum3A_209, %reduce_sum3A_210 [1, 2] : vector<1x224x224xf32> to vector<1xf32>
    %reduce_sum3A_212 = vector.shape_cast %reduce_sum3A_211 : vector<1xf32> to vector<1x1x1xf32>
    %reduce_sum3A_213 = vector.extract %reduce_sum3A_212[0, 0, 0] : f32 from vector<1x1x1xf32>
    %div3A_214 = arith.constant 5.017600e+04 : f32
    %div3A_215 = arith.divf %reduce_sum3A_213, %div3A_214 : f32
    %reduce_sum3A_216 = vector.shape_cast %mul3A_200 : vector<224x224xf32> to vector<1x224x224xf32>
    %reduce_sum3A_217 = arith.constant dense<0.000000e+00> : vector<1xf32>
    %reduce_sum3A_218 = vector.multi_reduction <add>, %reduce_sum3A_216, %reduce_sum3A_217 [1, 2] : vector<1x224x224xf32> to vector<1xf32>
    %reduce_sum3A_219 = vector.shape_cast %reduce_sum3A_218 : vector<1xf32> to vector<1x1x1xf32>
    %reduce_sum3A_220 = vector.extract %reduce_sum3A_219[0, 0, 0] : f32 from vector<1x1x1xf32>
    %div3A_221 = arith.constant 5.017600e+04 : f32
    %div3A_222 = arith.divf %reduce_sum3A_220, %div3A_221 : f32
    %reduce_sum3A_223 = vector.shape_cast %mul3A_201 : vector<224x224xf32> to vector<1x224x224xf32>
    %reduce_sum3A_224 = arith.constant dense<0.000000e+00> : vector<1xf32>
    %reduce_sum3A_225 = vector.multi_reduction <add>, %reduce_sum3A_223, %reduce_sum3A_224 [1, 2] : vector<1x224x224xf32> to vector<1xf32>
    %reduce_sum3A_226 = vector.shape_cast %reduce_sum3A_225 : vector<1xf32> to vector<1x1x1xf32>
    %reduce_sum3A_227 = vector.extract %reduce_sum3A_226[0, 0, 0] : f32 from vector<1x1x1xf32>
    %div3A_228 = arith.constant 5.017600e+04 : f32
    %div3A_229 = arith.divf %reduce_sum3A_227, %div3A_228 : f32
    %mul3A_230 = arith.mulf %div3A_208, %div3A_208 : f32
    %sub3A_231 = arith.subf %div3A_215, %mul3A_230 : f32
    %mul3A_232 = arith.constant 4.000000e+00 : f32
    %mul3A_233 = arith.mulf %mul3A_232, %div3A_208 : f32
    %mul3A_234 = arith.mulf %mul3A_233, %div3A_222 : f32
    %sub3A_235 = arith.subf %div3A_229, %mul3A_234 : f32
    %mul3A_236 = arith.constant 6.000000e+00 : f32
    %mul3A_237 = arith.mulf %mul3A_236, %mul3A_230 : f32
    %mul3A_238 = arith.mulf %mul3A_237, %div3A_215 : f32
    %add3A_239 = arith.addf %sub3A_235, %mul3A_238 : f32
    %mul3A_240 = arith.constant 3.000000e+00 : f32
    %mul3A_241 = arith.mulf %mul3A_240, %mul3A_230 : f32
    %mul3A_242 = arith.mulf %mul3A_241, %mul3A_230 : f32
    %sub3A_243 = arith.subf %add3A_239, %mul3A_242 : f32
    %mul3A_244 = arith.mulf %sub3A_231, %sub3A_231 : f32
    %div3A_245 = arith.divf %sub3A_243, %mul3A_244 : f32
    %sub3A_246 = arith.subf %div3A_193, %div3A_245 : f32
    %abs3A_247 = math.absf %sub3A_246 : f32
    %add3A_248 = arith.addf %add3A_141, %abs3A_247 : f32
    %slice3A_249 = vector.extract_strided_slice %div3A_8 {offsets = [2, 0, 0], sizes = [1, 224, 224], strides = [1, 1, 1]} : vector<4x224x224xf32> to vector<1x224x224xf32>
    %squeeze3A_250 = vector.shape_cast %slice3A_249 : vector<1x224x224xf32> to vector<224x224xf32>
    %sub3A_251 = arith.constant 5.000000e-01 : f32
    %sub3A_252 = vector.broadcast %sub3A_251 : f32 to vector<224x224xf32>
    %sub3A_253 = arith.subf %squeeze3A_250, %sub3A_252 : vector<224x224xf32>
    %mul3A_254 = arith.mulf %sub3A_253, %sub3A_253 : vector<224x224xf32>
    %mul3A_255 = arith.mulf %mul3A_254, %sub3A_253 : vector<224x224xf32>
    %mul3A_256 = arith.mulf %mul3A_254, %mul3A_254 : vector<224x224xf32>
    %reduce_sum3A_257 = vector.shape_cast %sub3A_253 : vector<224x224xf32> to vector<1x224x224xf32>
    %reduce_sum3A_258 = arith.constant dense<0.000000e+00> : vector<1xf32>
    %reduce_sum3A_259 = vector.multi_reduction <add>, %reduce_sum3A_257, %reduce_sum3A_258 [1, 2] : vector<1x224x224xf32> to vector<1xf32>
    %reduce_sum3A_260 = vector.shape_cast %reduce_sum3A_259 : vector<1xf32> to vector<1x1x1xf32>
    %reduce_sum3A_261 = vector.extract %reduce_sum3A_260[0, 0, 0] : f32 from vector<1x1x1xf32>
    %div3A_262 = arith.constant 5.017600e+04 : f32
    %div3A_263 = arith.divf %reduce_sum3A_261, %div3A_262 : f32
    %reduce_sum3A_264 = vector.shape_cast %mul3A_254 : vector<224x224xf32> to vector<1x224x224xf32>
    %reduce_sum3A_265 = arith.constant dense<0.000000e+00> : vector<1xf32>
    %reduce_sum3A_266 = vector.multi_reduction <add>, %reduce_sum3A_264, %reduce_sum3A_265 [1, 2] : vector<1x224x224xf32> to vector<1xf32>
    %reduce_sum3A_267 = vector.shape_cast %reduce_sum3A_266 : vector<1xf32> to vector<1x1x1xf32>
    %reduce_sum3A_268 = vector.extract %reduce_sum3A_267[0, 0, 0] : f32 from vector<1x1x1xf32>
    %div3A_269 = arith.constant 5.017600e+04 : f32
    %div3A_270 = arith.divf %reduce_sum3A_268, %div3A_269 : f32
    %reduce_sum3A_271 = vector.shape_cast %mul3A_255 : vector<224x224xf32> to vector<1x224x224xf32>
    %reduce_sum3A_272 = arith.constant dense<0.000000e+00> : vector<1xf32>
    %reduce_sum3A_273 = vector.multi_reduction <add>, %reduce_sum3A_271, %reduce_sum3A_272 [1, 2] : vector<1x224x224xf32> to vector<1xf32>
    %reduce_sum3A_274 = vector.shape_cast %reduce_sum3A_273 : vector<1xf32> to vector<1x1x1xf32>
    %reduce_sum3A_275 = vector.extract %reduce_sum3A_274[0, 0, 0] : f32 from vector<1x1x1xf32>
    %div3A_276 = arith.constant 5.017600e+04 : f32
    %div3A_277 = arith.divf %reduce_sum3A_275, %div3A_276 : f32
    %reduce_sum3A_278 = vector.shape_cast %mul3A_256 : vector<224x224xf32> to vector<1x224x224xf32>
    %reduce_sum3A_279 = arith.constant dense<0.000000e+00> : vector<1xf32>
    %reduce_sum3A_280 = vector.multi_reduction <add>, %reduce_sum3A_278, %reduce_sum3A_279 [1, 2] : vector<1x224x224xf32> to vector<1xf32>
    %reduce_sum3A_281 = vector.shape_cast %reduce_sum3A_280 : vector<1xf32> to vector<1x1x1xf32>
    %reduce_sum3A_282 = vector.extract %reduce_sum3A_281[0, 0, 0] : f32 from vector<1x1x1xf32>
    %div3A_283 = arith.constant 5.017600e+04 : f32
    %div3A_284 = arith.divf %reduce_sum3A_282, %div3A_283 : f32
    %mul3A_285 = arith.mulf %div3A_263, %div3A_263 : f32
    %sub3A_286 = arith.subf %div3A_270, %mul3A_285 : f32
    %mul3A_287 = arith.constant 4.000000e+00 : f32
    %mul3A_288 = arith.mulf %mul3A_287, %div3A_263 : f32
    %mul3A_289 = arith.mulf %mul3A_288, %div3A_277 : f32
    %sub3A_290 = arith.subf %div3A_284, %mul3A_289 : f32
    %mul3A_291 = arith.constant 6.000000e+00 : f32
    %mul3A_292 = arith.mulf %mul3A_291, %mul3A_285 : f32
    %mul3A_293 = arith.mulf %mul3A_292, %div3A_270 : f32
    %add3A_294 = arith.addf %sub3A_290, %mul3A_293 : f32
    %mul3A_295 = arith.constant 3.000000e+00 : f32
    %mul3A_296 = arith.mulf %mul3A_295, %mul3A_285 : f32
    %mul3A_297 = arith.mulf %mul3A_296, %mul3A_285 : f32
    %sub3A_298 = arith.subf %add3A_294, %mul3A_297 : f32
    %mul3A_299 = arith.mulf %sub3A_286, %sub3A_286 : f32
    %div3A_300 = arith.divf %sub3A_298, %mul3A_299 : f32
    %slice3A_301 = vector.extract_strided_slice %div3A_22 {offsets = [2, 0, 0], sizes = [1, 224, 224], strides = [1, 1, 1]} : vector<4x224x224xf32> to vector<1x224x224xf32>
    %squeeze3A_302 = vector.shape_cast %slice3A_301 : vector<1x224x224xf32> to vector<224x224xf32>
    %sub3A_303 = arith.constant 5.000000e-01 : f32
    %sub3A_304 = vector.broadcast %sub3A_303 : f32 to vector<224x224xf32>
    %sub3A_305 = arith.subf %squeeze3A_302, %sub3A_304 : vector<224x224xf32>
    %mul3A_306 = arith.mulf %sub3A_305, %sub3A_305 : vector<224x224xf32>
    %mul3A_307 = arith.mulf %mul3A_306, %sub3A_305 : vector<224x224xf32>
    %mul3A_308 = arith.mulf %mul3A_306, %mul3A_306 : vector<224x224xf32>
    %reduce_sum3A_309 = vector.shape_cast %sub3A_305 : vector<224x224xf32> to vector<1x224x224xf32>
    %reduce_sum3A_310 = arith.constant dense<0.000000e+00> : vector<1xf32>
    %reduce_sum3A_311 = vector.multi_reduction <add>, %reduce_sum3A_309, %reduce_sum3A_310 [1, 2] : vector<1x224x224xf32> to vector<1xf32>
    %reduce_sum3A_312 = vector.shape_cast %reduce_sum3A_311 : vector<1xf32> to vector<1x1x1xf32>
    %reduce_sum3A_313 = vector.extract %reduce_sum3A_312[0, 0, 0] : f32 from vector<1x1x1xf32>
    %div3A_314 = arith.constant 5.017600e+04 : f32
    %div3A_315 = arith.divf %reduce_sum3A_313, %div3A_314 : f32
    %reduce_sum3A_316 = vector.shape_cast %mul3A_306 : vector<224x224xf32> to vector<1x224x224xf32>
    %reduce_sum3A_317 = arith.constant dense<0.000000e+00> : vector<1xf32>
    %reduce_sum3A_318 = vector.multi_reduction <add>, %reduce_sum3A_316, %reduce_sum3A_317 [1, 2] : vector<1x224x224xf32> to vector<1xf32>
    %reduce_sum3A_319 = vector.shape_cast %reduce_sum3A_318 : vector<1xf32> to vector<1x1x1xf32>
    %reduce_sum3A_320 = vector.extract %reduce_sum3A_319[0, 0, 0] : f32 from vector<1x1x1xf32>
    %div3A_321 = arith.constant 5.017600e+04 : f32
    %div3A_322 = arith.divf %reduce_sum3A_320, %div3A_321 : f32
    %reduce_sum3A_323 = vector.shape_cast %mul3A_307 : vector<224x224xf32> to vector<1x224x224xf32>
    %reduce_sum3A_324 = arith.constant dense<0.000000e+00> : vector<1xf32>
    %reduce_sum3A_325 = vector.multi_reduction <add>, %reduce_sum3A_323, %reduce_sum3A_324 [1, 2] : vector<1x224x224xf32> to vector<1xf32>
    %reduce_sum3A_326 = vector.shape_cast %reduce_sum3A_325 : vector<1xf32> to vector<1x1x1xf32>
    %reduce_sum3A_327 = vector.extract %reduce_sum3A_326[0, 0, 0] : f32 from vector<1x1x1xf32>
    %div3A_328 = arith.constant 5.017600e+04 : f32
    %div3A_329 = arith.divf %reduce_sum3A_327, %div3A_328 : f32
    %reduce_sum3A_330 = vector.shape_cast %mul3A_308 : vector<224x224xf32> to vector<1x224x224xf32>
    %reduce_sum3A_331 = arith.constant dense<0.000000e+00> : vector<1xf32>
    %reduce_sum3A_332 = vector.multi_reduction <add>, %reduce_sum3A_330, %reduce_sum3A_331 [1, 2] : vector<1x224x224xf32> to vector<1xf32>
    %reduce_sum3A_333 = vector.shape_cast %reduce_sum3A_332 : vector<1xf32> to vector<1x1x1xf32>
    %reduce_sum3A_334 = vector.extract %reduce_sum3A_333[0, 0, 0] : f32 from vector<1x1x1xf32>
    %div3A_335 = arith.constant 5.017600e+04 : f32
    %div3A_336 = arith.divf %reduce_sum3A_334, %div3A_335 : f32
    %mul3A_337 = arith.mulf %div3A_315, %div3A_315 : f32
    %sub3A_338 = arith.subf %div3A_322, %mul3A_337 : f32
    %mul3A_339 = arith.constant 4.000000e+00 : f32
    %mul3A_340 = arith.mulf %mul3A_339, %div3A_315 : f32
    %mul3A_341 = arith.mulf %mul3A_340, %div3A_329 : f32
    %sub3A_342 = arith.subf %div3A_336, %mul3A_341 : f32
    %mul3A_343 = arith.constant 6.000000e+00 : f32
    %mul3A_344 = arith.mulf %mul3A_343, %mul3A_337 : f32
    %mul3A_345 = arith.mulf %mul3A_344, %div3A_322 : f32
    %add3A_346 = arith.addf %sub3A_342, %mul3A_345 : f32
    %mul3A_347 = arith.constant 3.000000e+00 : f32
    %mul3A_348 = arith.mulf %mul3A_347, %mul3A_337 : f32
    %mul3A_349 = arith.mulf %mul3A_348, %mul3A_337 : f32
    %sub3A_350 = arith.subf %add3A_346, %mul3A_349 : f32
    %mul3A_351 = arith.mulf %sub3A_338, %sub3A_338 : f32
    %div3A_352 = arith.divf %sub3A_350, %mul3A_351 : f32
    %sub3A_353 = arith.subf %div3A_300, %div3A_352 : f32
    %abs3A_354 = math.absf %sub3A_353 : f32
    %add3A_355 = arith.addf %add3A_248, %abs3A_354 : f32
    %slice3A_356 = vector.extract_strided_slice %div3A_8 {offsets = [3, 0, 0], sizes = [1, 224, 224], strides = [1, 1, 1]} : vector<4x224x224xf32> to vector<1x224x224xf32>
    %squeeze3A_357 = vector.shape_cast %slice3A_356 : vector<1x224x224xf32> to vector<224x224xf32>
    %sub3A_358 = arith.constant 5.000000e-01 : f32
    %sub3A_359 = vector.broadcast %sub3A_358 : f32 to vector<224x224xf32>
    %sub3A_360 = arith.subf %squeeze3A_357, %sub3A_359 : vector<224x224xf32>
    %mul3A_361 = arith.mulf %sub3A_360, %sub3A_360 : vector<224x224xf32>
    %mul3A_362 = arith.mulf %mul3A_361, %sub3A_360 : vector<224x224xf32>
    %mul3A_363 = arith.mulf %mul3A_361, %mul3A_361 : vector<224x224xf32>
    %reduce_sum3A_364 = vector.shape_cast %sub3A_360 : vector<224x224xf32> to vector<1x224x224xf32>
    %reduce_sum3A_365 = arith.constant dense<0.000000e+00> : vector<1xf32>
    %reduce_sum3A_366 = vector.multi_reduction <add>, %reduce_sum3A_364, %reduce_sum3A_365 [1, 2] : vector<1x224x224xf32> to vector<1xf32>
    %reduce_sum3A_367 = vector.shape_cast %reduce_sum3A_366 : vector<1xf32> to vector<1x1x1xf32>
    %reduce_sum3A_368 = vector.extract %reduce_sum3A_367[0, 0, 0] : f32 from vector<1x1x1xf32>
    %div3A_369 = arith.constant 5.017600e+04 : f32
    %div3A_370 = arith.divf %reduce_sum3A_368, %div3A_369 : f32
    %reduce_sum3A_371 = vector.shape_cast %mul3A_361 : vector<224x224xf32> to vector<1x224x224xf32>
    %reduce_sum3A_372 = arith.constant dense<0.000000e+00> : vector<1xf32>
    %reduce_sum3A_373 = vector.multi_reduction <add>, %reduce_sum3A_371, %reduce_sum3A_372 [1, 2] : vector<1x224x224xf32> to vector<1xf32>
    %reduce_sum3A_374 = vector.shape_cast %reduce_sum3A_373 : vector<1xf32> to vector<1x1x1xf32>
    %reduce_sum3A_375 = vector.extract %reduce_sum3A_374[0, 0, 0] : f32 from vector<1x1x1xf32>
    %div3A_376 = arith.constant 5.017600e+04 : f32
    %div3A_377 = arith.divf %reduce_sum3A_375, %div3A_376 : f32
    %reduce_sum3A_378 = vector.shape_cast %mul3A_362 : vector<224x224xf32> to vector<1x224x224xf32>
    %reduce_sum3A_379 = arith.constant dense<0.000000e+00> : vector<1xf32>
    %reduce_sum3A_380 = vector.multi_reduction <add>, %reduce_sum3A_378, %reduce_sum3A_379 [1, 2] : vector<1x224x224xf32> to vector<1xf32>
    %reduce_sum3A_381 = vector.shape_cast %reduce_sum3A_380 : vector<1xf32> to vector<1x1x1xf32>
    %reduce_sum3A_382 = vector.extract %reduce_sum3A_381[0, 0, 0] : f32 from vector<1x1x1xf32>
    %div3A_383 = arith.constant 5.017600e+04 : f32
    %div3A_384 = arith.divf %reduce_sum3A_382, %div3A_383 : f32
    %reduce_sum3A_385 = vector.shape_cast %mul3A_363 : vector<224x224xf32> to vector<1x224x224xf32>
    %reduce_sum3A_386 = arith.constant dense<0.000000e+00> : vector<1xf32>
    %reduce_sum3A_387 = vector.multi_reduction <add>, %reduce_sum3A_385, %reduce_sum3A_386 [1, 2] : vector<1x224x224xf32> to vector<1xf32>
    %reduce_sum3A_388 = vector.shape_cast %reduce_sum3A_387 : vector<1xf32> to vector<1x1x1xf32>
    %reduce_sum3A_389 = vector.extract %reduce_sum3A_388[0, 0, 0] : f32 from vector<1x1x1xf32>
    %div3A_390 = arith.constant 5.017600e+04 : f32
    %div3A_391 = arith.divf %reduce_sum3A_389, %div3A_390 : f32
    %mul3A_392 = arith.mulf %div3A_370, %div3A_370 : f32
    %sub3A_393 = arith.subf %div3A_377, %mul3A_392 : f32
    %mul3A_394 = arith.constant 4.000000e+00 : f32
    %mul3A_395 = arith.mulf %mul3A_394, %div3A_370 : f32
    %mul3A_396 = arith.mulf %mul3A_395, %div3A_384 : f32
    %sub3A_397 = arith.subf %div3A_391, %mul3A_396 : f32
    %mul3A_398 = arith.constant 6.000000e+00 : f32
    %mul3A_399 = arith.mulf %mul3A_398, %mul3A_392 : f32
    %mul3A_400 = arith.mulf %mul3A_399, %div3A_377 : f32
    %add3A_401 = arith.addf %sub3A_397, %mul3A_400 : f32
    %mul3A_402 = arith.constant 3.000000e+00 : f32
    %mul3A_403 = arith.mulf %mul3A_402, %mul3A_392 : f32
    %mul3A_404 = arith.mulf %mul3A_403, %mul3A_392 : f32
    %sub3A_405 = arith.subf %add3A_401, %mul3A_404 : f32
    %mul3A_406 = arith.mulf %sub3A_393, %sub3A_393 : f32
    %div3A_407 = arith.divf %sub3A_405, %mul3A_406 : f32
    %slice3A_408 = vector.extract_strided_slice %div3A_22 {offsets = [3, 0, 0], sizes = [1, 224, 224], strides = [1, 1, 1]} : vector<4x224x224xf32> to vector<1x224x224xf32>
    %squeeze3A_409 = vector.shape_cast %slice3A_408 : vector<1x224x224xf32> to vector<224x224xf32>
    %sub3A_410 = arith.constant 5.000000e-01 : f32
    %sub3A_411 = vector.broadcast %sub3A_410 : f32 to vector<224x224xf32>
    %sub3A_412 = arith.subf %squeeze3A_409, %sub3A_411 : vector<224x224xf32>
    %mul3A_413 = arith.mulf %sub3A_412, %sub3A_412 : vector<224x224xf32>
    %mul3A_414 = arith.mulf %mul3A_413, %sub3A_412 : vector<224x224xf32>
    %mul3A_415 = arith.mulf %mul3A_413, %mul3A_413 : vector<224x224xf32>
    %reduce_sum3A_416 = vector.shape_cast %sub3A_412 : vector<224x224xf32> to vector<1x224x224xf32>
    %reduce_sum3A_417 = arith.constant dense<0.000000e+00> : vector<1xf32>
    %reduce_sum3A_418 = vector.multi_reduction <add>, %reduce_sum3A_416, %reduce_sum3A_417 [1, 2] : vector<1x224x224xf32> to vector<1xf32>
    %reduce_sum3A_419 = vector.shape_cast %reduce_sum3A_418 : vector<1xf32> to vector<1x1x1xf32>
    %reduce_sum3A_420 = vector.extract %reduce_sum3A_419[0, 0, 0] : f32 from vector<1x1x1xf32>
    %div3A_421 = arith.constant 5.017600e+04 : f32
    %div3A_422 = arith.divf %reduce_sum3A_420, %div3A_421 : f32
    %reduce_sum3A_423 = vector.shape_cast %mul3A_413 : vector<224x224xf32> to vector<1x224x224xf32>
    %reduce_sum3A_424 = arith.constant dense<0.000000e+00> : vector<1xf32>
    %reduce_sum3A_425 = vector.multi_reduction <add>, %reduce_sum3A_423, %reduce_sum3A_424 [1, 2] : vector<1x224x224xf32> to vector<1xf32>
    %reduce_sum3A_426 = vector.shape_cast %reduce_sum3A_425 : vector<1xf32> to vector<1x1x1xf32>
    %reduce_sum3A_427 = vector.extract %reduce_sum3A_426[0, 0, 0] : f32 from vector<1x1x1xf32>
    %div3A_428 = arith.constant 5.017600e+04 : f32
    %div3A_429 = arith.divf %reduce_sum3A_427, %div3A_428 : f32
    %reduce_sum3A_430 = vector.shape_cast %mul3A_414 : vector<224x224xf32> to vector<1x224x224xf32>
    %reduce_sum3A_431 = arith.constant dense<0.000000e+00> : vector<1xf32>
    %reduce_sum3A_432 = vector.multi_reduction <add>, %reduce_sum3A_430, %reduce_sum3A_431 [1, 2] : vector<1x224x224xf32> to vector<1xf32>
    %reduce_sum3A_433 = vector.shape_cast %reduce_sum3A_432 : vector<1xf32> to vector<1x1x1xf32>
    %reduce_sum3A_434 = vector.extract %reduce_sum3A_433[0, 0, 0] : f32 from vector<1x1x1xf32>
    %div3A_435 = arith.constant 5.017600e+04 : f32
    %div3A_436 = arith.divf %reduce_sum3A_434, %div3A_435 : f32
    %reduce_sum3A_437 = vector.shape_cast %mul3A_415 : vector<224x224xf32> to vector<1x224x224xf32>
    %reduce_sum3A_438 = arith.constant dense<0.000000e+00> : vector<1xf32>
    %reduce_sum3A_439 = vector.multi_reduction <add>, %reduce_sum3A_437, %reduce_sum3A_438 [1, 2] : vector<1x224x224xf32> to vector<1xf32>
    %reduce_sum3A_440 = vector.shape_cast %reduce_sum3A_439 : vector<1xf32> to vector<1x1x1xf32>
    %reduce_sum3A_441 = vector.extract %reduce_sum3A_440[0, 0, 0] : f32 from vector<1x1x1xf32>
    %div3A_442 = arith.constant 5.017600e+04 : f32
    %div3A_443 = arith.divf %reduce_sum3A_441, %div3A_442 : f32
    %mul3A_444 = arith.mulf %div3A_422, %div3A_422 : f32
    %sub3A_445 = arith.subf %div3A_429, %mul3A_444 : f32
    %mul3A_446 = arith.constant 4.000000e+00 : f32
    %mul3A_447 = arith.mulf %mul3A_446, %div3A_422 : f32
    %mul3A_448 = arith.mulf %mul3A_447, %div3A_436 : f32
    %sub3A_449 = arith.subf %div3A_443, %mul3A_448 : f32
    %mul3A_450 = arith.constant 6.000000e+00 : f32
    %mul3A_451 = arith.mulf %mul3A_450, %mul3A_444 : f32
    %mul3A_452 = arith.mulf %mul3A_451, %div3A_429 : f32
    %add3A_453 = arith.addf %sub3A_449, %mul3A_452 : f32
    %mul3A_454 = arith.constant 3.000000e+00 : f32
    %mul3A_455 = arith.mulf %mul3A_454, %mul3A_444 : f32
    %mul3A_456 = arith.mulf %mul3A_455, %mul3A_444 : f32
    %sub3A_457 = arith.subf %add3A_453, %mul3A_456 : f32
    %mul3A_458 = arith.mulf %sub3A_445, %sub3A_445 : f32
    %div3A_459 = arith.divf %sub3A_457, %mul3A_458 : f32
    %sub3A_460 = arith.subf %div3A_407, %div3A_459 : f32
    %abs3A_461 = math.absf %sub3A_460 : f32
    %add3A_462 = arith.addf %add3A_355, %abs3A_461 : f32
    %eq3A = arith.constant 0 : i32
    %eq3A_463 = arith.cmpi eq, %arg0, %eq3A : i32
    %get3A_464 = arith.constant 0 : index
    %get3A_465 = arith.constant 0 : index
    %get3A_466 = memref.load %arg4[%get3A_464, %get3A_465] : memref<1x1xf32, #tpu.memory_space<smem>>
    %jit3A = arith.constant 0.000000e+00 : f32
    %select_n3A = arith.select %eq3A_463, %jit3A, %get3A_466 : f32
    %add3A_467 = arith.addf %select_n3A, %add3A_462 : f32
    %swap3A_468 = arith.constant 0 : index
    %swap3A_469 = arith.constant 0 : index
    %swap3A_470 = memref.load %arg4[%swap3A_468, %swap3A_469] : memref<1x1xf32, #tpu.memory_space<smem>>
    memref.store %add3A_467, %arg4[%swap3A_468, %swap3A_469] : memref<1x1xf32, #tpu.memory_space<smem>>
    return
  }
  func.func @transform_0(%arg0: i32) -> (i32, i32, i32) {
    %add3A = arith.constant 72 : i32
    %add3A_0 = arith.addi %arg0, %add3A : i32
    %c0_i32 = arith.constant 0 : i32
    %c0_i32_1 = arith.constant 0 : i32
    %c0_i32_2 = arith.constant 0 : i32
    return %add3A_0, %c0_i32, %c0_i32_1 : i32, i32, i32
  }
  func.func @transform_1(%arg0: i32) -> (i32, i32, i32) {
    %add3A = arith.constant 72 : i32
    %add3A_0 = arith.addi %arg0, %add3A : i32
    %c0_i32 = arith.constant 0 : i32
    %c0_i32_1 = arith.constant 0 : i32
    %c0_i32_2 = arith.constant 0 : i32
    return %add3A_0, %c0_i32, %c0_i32_1 : i32, i32, i32
  }
  func.func @transform_2(%arg0: i32) -> (i32, i32, i32) {
    %c0_i32 = arith.constant 0 : i32
    %c0_i32_0 = arith.constant 0 : i32
    %c0_i32_1 = arith.constant 0 : i32
    return %arg0, %c0_i32, %c0_i32_0 : i32, i32, i32
  }
  func.func @transform_3(%arg0: i32) -> (i32, i32) {
    %c0_i32 = arith.constant 0 : i32
    %c0_i32_0 = arith.constant 0 : i32
    %c0_i32_1 = arith.constant 0 : i32
    return %c0_i32, %c0_i32_0 : i32, i32
  }
}

module attributes {stable_mosaic.version = 14 : i64} {
  func.func @_phase_a_body(%arg0: i32, %arg1: memref<4x224x224xf32, #tpu.memory_space<vmem>>, %arg2: memref<4x224x224xf32, #tpu.memory_space<vmem>>, %arg3: memref<4x224x128xi32, #tpu.memory_space<vmem>>, %arg4: memref<1x1xf32, #tpu.memory_space<smem>>) attributes {dimension_semantics = [#tpu.dimension_semantics<arbitrary>], iteration_bounds = array<i64: 24>, scalar_prefetch = 0 : i64, scratch_operands = 0 : i64, tpu.core_type = #tpu.core_type<tc>, window_params = [{transform_indices = @transform_0, window_bounds = array<i64: 4, 224, 224>}, {transform_indices = @transform_1, window_bounds = array<i64: 4, 224, 224>}, {transform_indices = @transform_2, window_bounds = array<i64: 4, 224, 128>}, {transform_indices = @transform_3, window_bounds = array<i64: 1, 1>}]} {
    %get3A = arith.constant 0 : index
    %get3A_0 = arith.constant 0 : index
    %get3A_1 = arith.constant 0 : index
    %get3A_2 = vector.load %arg1[%get3A, %get3A_0, %get3A_1] : memref<4x224x224xf32, #tpu.memory_space<vmem>>, vector<4x224x224xf32>
    %neg3A = arith.constant 0.000000e+00 : f32
    %neg3A_3 = vector.broadcast %neg3A : f32 to vector<4x224x224xf32>
    %neg3A_4 = arith.subf %neg3A_3, %get3A_2 : vector<4x224x224xf32>
    %exp3A = math.exp %neg3A_4 : vector<4x224x224xf32>
    %add3A = arith.constant 1.000000e+00 : f32
    %add3A_5 = vector.broadcast %add3A : f32 to vector<4x224x224xf32>
    %add3A_6 = arith.addf %add3A_5, %exp3A : vector<4x224x224xf32>
    %div3A = arith.constant 1.000000e+00 : f32
    %div3A_7 = vector.broadcast %div3A : f32 to vector<4x224x224xf32>
    %div3A_8 = arith.divf %div3A_7, %add3A_6 : vector<4x224x224xf32>
    %get3A_9 = arith.constant 0 : index
    %get3A_10 = arith.constant 0 : index
    %get3A_11 = arith.constant 0 : index
    %get3A_12 = vector.load %arg2[%get3A_9, %get3A_10, %get3A_11] : memref<4x224x224xf32, #tpu.memory_space<vmem>>, vector<4x224x224xf32>
    %neg3A_13 = arith.constant 0.000000e+00 : f32
    %neg3A_14 = vector.broadcast %neg3A_13 : f32 to vector<4x224x224xf32>
    %neg3A_15 = arith.subf %neg3A_14, %get3A_12 : vector<4x224x224xf32>
    %exp3A_16 = math.exp %neg3A_15 : vector<4x224x224xf32>
    %add3A_17 = arith.constant 1.000000e+00 : f32
    %add3A_18 = vector.broadcast %add3A_17 : f32 to vector<4x224x224xf32>
    %add3A_19 = arith.addf %add3A_18, %exp3A_16 : vector<4x224x224xf32>
    %div3A_20 = arith.constant 1.000000e+00 : f32
    %div3A_21 = vector.broadcast %div3A_20 : f32 to vector<4x224x224xf32>
    %div3A_22 = arith.divf %div3A_21, %add3A_19 : vector<4x224x224xf32>
    %sub3A = arith.subf %div3A_8, %div3A_22 : vector<4x224x224xf32>
    %abs3A = math.absf %sub3A : vector<4x224x224xf32>
    %mul3A = arith.constant 4.096000e+03 : f32
    %mul3A_23 = vector.broadcast %mul3A : f32 to vector<4x224x224xf32>
    %mul3A_24 = arith.mulf %abs3A, %mul3A_23 : vector<4x224x224xf32>
    %convert_element_type3A = arith.fptosi %mul3A_24 : vector<4x224x224xf32> to vector<4x224x224xi32>
    %min3A = arith.constant 4095 : i32
    %min3A_25 = vector.broadcast %min3A : i32 to vector<4x224x224xi32>
    %min3A_26 = arith.minsi %convert_element_type3A, %min3A_25 : vector<4x224x224xi32>
    %max3A = arith.constant 0 : i32
    %max3A_27 = vector.broadcast %max3A : i32 to vector<4x224x224xi32>
    %max3A_28 = arith.maxsi %min3A_26, %max3A_27 : vector<4x224x224xi32>
    %broadcast_in_dim3A = arith.constant 0 : i32
    %broadcast_in_dim3A_29 = vector.broadcast %broadcast_in_dim3A : i32 to vector<4x224x32xi32>
    %concatenate3A = tpu.concatenate %max3A_28, %broadcast_in_dim3A_29 in 2 : vector<4x224x224xi32>, vector<4x224x32xi32> -> vector<4x224x256xi32>
    %slice3A = vector.extract_strided_slice %concatenate3A {offsets = [0, 0, 0], sizes = [4, 224, 128], strides = [1, 1, 1]} : vector<4x224x256xi32> to vector<4x224x128xi32>
    %slice3A_30 = vector.extract_strided_slice %concatenate3A {offsets = [0, 0, 128], sizes = [4, 224, 128], strides = [1, 1, 1]} : vector<4x224x256xi32> to vector<4x224x128xi32>
    %shift_left3A = arith.constant 16 : i32
    %shift_left3A_31 = vector.broadcast %shift_left3A : i32 to vector<4x224x128xi32>
    %shift_left3A_32 = arith.shli %slice3A_30, %shift_left3A_31 : vector<4x224x128xi32>
    %or3A = arith.ori %slice3A, %shift_left3A_32 : vector<4x224x128xi32>
    %swap3A = arith.constant 0 : index
    %swap3A_33 = arith.constant 0 : index
    %swap3A_34 = arith.constant 0 : index
    %swap3A_35 = vector.load %arg3[%swap3A, %swap3A_33, %swap3A_34] : memref<4x224x128xi32, #tpu.memory_space<vmem>>, vector<4x224x128xi32>
    tpu.vector_store %arg3[%swap3A, %swap3A_33, %swap3A_34], %or3A {strides = array<i32>} : memref<4x224x128xi32, #tpu.memory_space<vmem>>, vector<4x224x128xi32>,
    %slice3A_36 = vector.extract_strided_slice %div3A_8 {offsets = [0, 0, 0], sizes = [1, 224, 224], strides = [1, 1, 1]} : vector<4x224x224xf32> to vector<1x224x224xf32>
    %squeeze3A = vector.shape_cast %slice3A_36 : vector<1x224x224xf32> to vector<224x224xf32>
    %sub3A_37 = arith.constant 5.000000e-01 : f32
    %sub3A_38 = vector.broadcast %sub3A_37 : f32 to vector<224x224xf32>
    %sub3A_39 = arith.subf %squeeze3A, %sub3A_38 : vector<224x224xf32>
    %mul3A_40 = arith.mulf %sub3A_39, %sub3A_39 : vector<224x224xf32>
    %mul3A_41 = arith.mulf %mul3A_40, %sub3A_39 : vector<224x224xf32>
    %mul3A_42 = arith.mulf %mul3A_40, %mul3A_40 : vector<224x224xf32>
    %reduce_sum3A = vector.shape_cast %sub3A_39 : vector<224x224xf32> to vector<1x224x224xf32>
    %reduce_sum3A_43 = arith.constant dense<0.000000e+00> : vector<1xf32>
    %reduce_sum3A_44 = vector.multi_reduction <add>, %reduce_sum3A, %reduce_sum3A_43 [1, 2] : vector<1x224x224xf32> to vector<1xf32>
    %reduce_sum3A_45 = vector.shape_cast %reduce_sum3A_44 : vector<1xf32> to vector<1x1x1xf32>
    %reduce_sum3A_46 = vector.extract %reduce_sum3A_45[0, 0, 0] : f32 from vector<1x1x1xf32>
    %div3A_47 = arith.constant 5.017600e+04 : f32
    %div3A_48 = arith.divf %reduce_sum3A_46, %div3A_47 : f32
    %reduce_sum3A_49 = vector.shape_cast %mul3A_40 : vector<224x224xf32> to vector<1x224x224xf32>
    %reduce_sum3A_50 = arith.constant dense<0.000000e+00> : vector<1xf32>
    %reduce_sum3A_51 = vector.multi_reduction <add>, %reduce_sum3A_49, %reduce_sum3A_50 [1, 2] : vector<1x224x224xf32> to vector<1xf32>
    %reduce_sum3A_52 = vector.shape_cast %reduce_sum3A_51 : vector<1xf32> to vector<1x1x1xf32>
    %reduce_sum3A_53 = vector.extract %reduce_sum3A_52[0, 0, 0] : f32 from vector<1x1x1xf32>
    %div3A_54 = arith.constant 5.017600e+04 : f32
    %div3A_55 = arith.divf %reduce_sum3A_53, %div3A_54 : f32
    %reduce_sum3A_56 = vector.shape_cast %mul3A_41 : vector<224x224xf32> to vector<1x224x224xf32>
    %reduce_sum3A_57 = arith.constant dense<0.000000e+00> : vector<1xf32>
    %reduce_sum3A_58 = vector.multi_reduction <add>, %reduce_sum3A_56, %reduce_sum3A_57 [1, 2] : vector<1x224x224xf32> to vector<1xf32>
    %reduce_sum3A_59 = vector.shape_cast %reduce_sum3A_58 : vector<1xf32> to vector<1x1x1xf32>
    %reduce_sum3A_60 = vector.extract %reduce_sum3A_59[0, 0, 0] : f32 from vector<1x1x1xf32>
    %div3A_61 = arith.constant 5.017600e+04 : f32
    %div3A_62 = arith.divf %reduce_sum3A_60, %div3A_61 : f32
    %reduce_sum3A_63 = vector.shape_cast %mul3A_42 : vector<224x224xf32> to vector<1x224x224xf32>
    %reduce_sum3A_64 = arith.constant dense<0.000000e+00> : vector<1xf32>
    %reduce_sum3A_65 = vector.multi_reduction <add>, %reduce_sum3A_63, %reduce_sum3A_64 [1, 2] : vector<1x224x224xf32> to vector<1xf32>
    %reduce_sum3A_66 = vector.shape_cast %reduce_sum3A_65 : vector<1xf32> to vector<1x1x1xf32>
    %reduce_sum3A_67 = vector.extract %reduce_sum3A_66[0, 0, 0] : f32 from vector<1x1x1xf32>
    %div3A_68 = arith.constant 5.017600e+04 : f32
    %div3A_69 = arith.divf %reduce_sum3A_67, %div3A_68 : f32
    %mul3A_70 = arith.mulf %div3A_48, %div3A_48 : f32
    %sub3A_71 = arith.subf %div3A_55, %mul3A_70 : f32
    %mul3A_72 = arith.constant 4.000000e+00 : f32
    %mul3A_73 = arith.mulf %mul3A_72, %div3A_48 : f32
    %mul3A_74 = arith.mulf %mul3A_73, %div3A_62 : f32
    %sub3A_75 = arith.subf %div3A_69, %mul3A_74 : f32
    %mul3A_76 = arith.constant 6.000000e+00 : f32
    %mul3A_77 = arith.mulf %mul3A_76, %mul3A_70 : f32
    %mul3A_78 = arith.mulf %mul3A_77, %div3A_55 : f32
    %add3A_79 = arith.addf %sub3A_75, %mul3A_78 : f32
    %mul3A_80 = arith.constant 3.000000e+00 : f32
    %mul3A_81 = arith.mulf %mul3A_80, %mul3A_70 : f32
    %mul3A_82 = arith.mulf %mul3A_81, %mul3A_70 : f32
    %sub3A_83 = arith.subf %add3A_79, %mul3A_82 : f32
    %mul3A_84 = arith.mulf %sub3A_71, %sub3A_71 : f32
    %div3A_85 = arith.divf %sub3A_83, %mul3A_84 : f32
    %slice3A_86 = vector.extract_strided_slice %div3A_22 {offsets = [0, 0, 0], sizes = [1, 224, 224], strides = [1, 1, 1]} : vector<4x224x224xf32> to vector<1x224x224xf32>
    %squeeze3A_87 = vector.shape_cast %slice3A_86 : vector<1x224x224xf32> to vector<224x224xf32>
    %sub3A_88 = arith.constant 5.000000e-01 : f32
    %sub3A_89 = vector.broadcast %sub3A_88 : f32 to vector<224x224xf32>
    %sub3A_90 = arith.subf %squeeze3A_87, %sub3A_89 : vector<224x224xf32>
    %mul3A_91 = arith.mulf %sub3A_90, %sub3A_90 : vector<224x224xf32>
    %mul3A_92 = arith.mulf %mul3A_91, %sub3A_90 : vector<224x224xf32>
    %mul3A_93 = arith.mulf %mul3A_91, %mul3A_91 : vector<224x224xf32>
    %reduce_sum3A_94 = vector.shape_cast %sub3A_90 : vector<224x224xf32> to vector<1x224x224xf32>
    %reduce_sum3A_95 = arith.constant dense<0.000000e+00> : vector<1xf32>
    %reduce_sum3A_96 = vector.multi_reduction <add>, %reduce_sum3A_94, %reduce_sum3A_95 [1, 2] : vector<1x224x224xf32> to vector<1xf32>
    %reduce_sum3A_97 = vector.shape_cast %reduce_sum3A_96 : vector<1xf32> to vector<1x1x1xf32>
    %reduce_sum3A_98 = vector.extract %reduce_sum3A_97[0, 0, 0] : f32 from vector<1x1x1xf32>
    %div3A_99 = arith.constant 5.017600e+04 : f32
    %div3A_100 = arith.divf %reduce_sum3A_98, %div3A_99 : f32
    %reduce_sum3A_101 = vector.shape_cast %mul3A_91 : vector<224x224xf32> to vector<1x224x224xf32>
    %reduce_sum3A_102 = arith.constant dense<0.000000e+00> : vector<1xf32>
    %reduce_sum3A_103 = vector.multi_reduction <add>, %reduce_sum3A_101, %reduce_sum3A_102 [1, 2] : vector<1x224x224xf32> to vector<1xf32>
    %reduce_sum3A_104 = vector.shape_cast %reduce_sum3A_103 : vector<1xf32> to vector<1x1x1xf32>
    %reduce_sum3A_105 = vector.extract %reduce_sum3A_104[0, 0, 0] : f32 from vector<1x1x1xf32>
    %div3A_106 = arith.constant 5.017600e+04 : f32
    %div3A_107 = arith.divf %reduce_sum3A_105, %div3A_106 : f32
    %reduce_sum3A_108 = vector.shape_cast %mul3A_92 : vector<224x224xf32> to vector<1x224x224xf32>
    %reduce_sum3A_109 = arith.constant dense<0.000000e+00> : vector<1xf32>
    %reduce_sum3A_110 = vector.multi_reduction <add>, %reduce_sum3A_108, %reduce_sum3A_109 [1, 2] : vector<1x224x224xf32> to vector<1xf32>
    %reduce_sum3A_111 = vector.shape_cast %reduce_sum3A_110 : vector<1xf32> to vector<1x1x1xf32>
    %reduce_sum3A_112 = vector.extract %reduce_sum3A_111[0, 0, 0] : f32 from vector<1x1x1xf32>
    %div3A_113 = arith.constant 5.017600e+04 : f32
    %div3A_114 = arith.divf %reduce_sum3A_112, %div3A_113 : f32
    %reduce_sum3A_115 = vector.shape_cast %mul3A_93 : vector<224x224xf32> to vector<1x224x224xf32>
    %reduce_sum3A_116 = arith.constant dense<0.000000e+00> : vector<1xf32>
    %reduce_sum3A_117 = vector.multi_reduction <add>, %reduce_sum3A_115, %reduce_sum3A_116 [1, 2] : vector<1x224x224xf32> to vector<1xf32>
    %reduce_sum3A_118 = vector.shape_cast %reduce_sum3A_117 : vector<1xf32> to vector<1x1x1xf32>
    %reduce_sum3A_119 = vector.extract %reduce_sum3A_118[0, 0, 0] : f32 from vector<1x1x1xf32>
    %div3A_120 = arith.constant 5.017600e+04 : f32
    %div3A_121 = arith.divf %reduce_sum3A_119, %div3A_120 : f32
    %mul3A_122 = arith.mulf %div3A_100, %div3A_100 : f32
    %sub3A_123 = arith.subf %div3A_107, %mul3A_122 : f32
    %mul3A_124 = arith.constant 4.000000e+00 : f32
    %mul3A_125 = arith.mulf %mul3A_124, %div3A_100 : f32
    %mul3A_126 = arith.mulf %mul3A_125, %div3A_114 : f32
    %sub3A_127 = arith.subf %div3A_121, %mul3A_126 : f32
    %mul3A_128 = arith.constant 6.000000e+00 : f32
    %mul3A_129 = arith.mulf %mul3A_128, %mul3A_122 : f32
    %mul3A_130 = arith.mulf %mul3A_129, %div3A_107 : f32
    %add3A_131 = arith.addf %sub3A_127, %mul3A_130 : f32
    %mul3A_132 = arith.constant 3.000000e+00 : f32
    %mul3A_133 = arith.mulf %mul3A_132, %mul3A_122 : f32
    %mul3A_134 = arith.mulf %mul3A_133, %mul3A_122 : f32
    %sub3A_135 = arith.subf %add3A_131, %mul3A_134 : f32
    %mul3A_136 = arith.mulf %sub3A_123, %sub3A_123 : f32
    %div3A_137 = arith.divf %sub3A_135, %mul3A_136 : f32
    %sub3A_138 = arith.subf %div3A_85, %div3A_137 : f32
    %abs3A_139 = math.absf %sub3A_138 : f32
    %add3A_140 = arith.constant 0.000000e+00 : f32
    %add3A_141 = arith.addf %add3A_140, %abs3A_139 : f32
    %slice3A_142 = vector.extract_strided_slice %div3A_8 {offsets = [1, 0, 0], sizes = [1, 224, 224], strides = [1, 1, 1]} : vector<4x224x224xf32> to vector<1x224x224xf32>
    %squeeze3A_143 = vector.shape_cast %slice3A_142 : vector<1x224x224xf32> to vector<224x224xf32>
    %sub3A_144 = arith.constant 5.000000e-01 : f32
    %sub3A_145 = vector.broadcast %sub3A_144 : f32 to vector<224x224xf32>
    %sub3A_146 = arith.subf %squeeze3A_143, %sub3A_145 : vector<224x224xf32>
    %mul3A_147 = arith.mulf %sub3A_146, %sub3A_146 : vector<224x224xf32>
    %mul3A_148 = arith.mulf %mul3A_147, %sub3A_146 : vector<224x224xf32>
    %mul3A_149 = arith.mulf %mul3A_147, %mul3A_147 : vector<224x224xf32>
    %reduce_sum3A_150 = vector.shape_cast %sub3A_146 : vector<224x224xf32> to vector<1x224x224xf32>
    %reduce_sum3A_151 = arith.constant dense<0.000000e+00> : vector<1xf32>
    %reduce_sum3A_152 = vector.multi_reduction <add>, %reduce_sum3A_150, %reduce_sum3A_151 [1, 2] : vector<1x224x224xf32> to vector<1xf32>
    %reduce_sum3A_153 = vector.shape_cast %reduce_sum3A_152 : vector<1xf32> to vector<1x1x1xf32>
    %reduce_sum3A_154 = vector.extract %reduce_sum3A_153[0, 0, 0] : f32 from vector<1x1x1xf32>
    %div3A_155 = arith.constant 5.017600e+04 : f32
    %div3A_156 = arith.divf %reduce_sum3A_154, %div3A_155 : f32
    %reduce_sum3A_157 = vector.shape_cast %mul3A_147 : vector<224x224xf32> to vector<1x224x224xf32>
    %reduce_sum3A_158 = arith.constant dense<0.000000e+00> : vector<1xf32>
    %reduce_sum3A_159 = vector.multi_reduction <add>, %reduce_sum3A_157, %reduce_sum3A_158 [1, 2] : vector<1x224x224xf32> to vector<1xf32>
    %reduce_sum3A_160 = vector.shape_cast %reduce_sum3A_159 : vector<1xf32> to vector<1x1x1xf32>
    %reduce_sum3A_161 = vector.extract %reduce_sum3A_160[0, 0, 0] : f32 from vector<1x1x1xf32>
    %div3A_162 = arith.constant 5.017600e+04 : f32
    %div3A_163 = arith.divf %reduce_sum3A_161, %div3A_162 : f32
    %reduce_sum3A_164 = vector.shape_cast %mul3A_148 : vector<224x224xf32> to vector<1x224x224xf32>
    %reduce_sum3A_165 = arith.constant dense<0.000000e+00> : vector<1xf32>
    %reduce_sum3A_166 = vector.multi_reduction <add>, %reduce_sum3A_164, %reduce_sum3A_165 [1, 2] : vector<1x224x224xf32> to vector<1xf32>
    %reduce_sum3A_167 = vector.shape_cast %reduce_sum3A_166 : vector<1xf32> to vector<1x1x1xf32>
    %reduce_sum3A_168 = vector.extract %reduce_sum3A_167[0, 0, 0] : f32 from vector<1x1x1xf32>
    %div3A_169 = arith.constant 5.017600e+04 : f32
    %div3A_170 = arith.divf %reduce_sum3A_168, %div3A_169 : f32
    %reduce_sum3A_171 = vector.shape_cast %mul3A_149 : vector<224x224xf32> to vector<1x224x224xf32>
    %reduce_sum3A_172 = arith.constant dense<0.000000e+00> : vector<1xf32>
    %reduce_sum3A_173 = vector.multi_reduction <add>, %reduce_sum3A_171, %reduce_sum3A_172 [1, 2] : vector<1x224x224xf32> to vector<1xf32>
    %reduce_sum3A_174 = vector.shape_cast %reduce_sum3A_173 : vector<1xf32> to vector<1x1x1xf32>
    %reduce_sum3A_175 = vector.extract %reduce_sum3A_174[0, 0, 0] : f32 from vector<1x1x1xf32>
    %div3A_176 = arith.constant 5.017600e+04 : f32
    %div3A_177 = arith.divf %reduce_sum3A_175, %div3A_176 : f32
    %mul3A_178 = arith.mulf %div3A_156, %div3A_156 : f32
    %sub3A_179 = arith.subf %div3A_163, %mul3A_178 : f32
    %mul3A_180 = arith.constant 4.000000e+00 : f32
    %mul3A_181 = arith.mulf %mul3A_180, %div3A_156 : f32
    %mul3A_182 = arith.mulf %mul3A_181, %div3A_170 : f32
    %sub3A_183 = arith.subf %div3A_177, %mul3A_182 : f32
    %mul3A_184 = arith.constant 6.000000e+00 : f32
    %mul3A_185 = arith.mulf %mul3A_184, %mul3A_178 : f32
    %mul3A_186 = arith.mulf %mul3A_185, %div3A_163 : f32
    %add3A_187 = arith.addf %sub3A_183, %mul3A_186 : f32
    %mul3A_188 = arith.constant 3.000000e+00 : f32
    %mul3A_189 = arith.mulf %mul3A_188, %mul3A_178 : f32
    %mul3A_190 = arith.mulf %mul3A_189, %mul3A_178 : f32
    %sub3A_191 = arith.subf %add3A_187, %mul3A_190 : f32
    %mul3A_192 = arith.mulf %sub3A_179, %sub3A_179 : f32
    %div3A_193 = arith.divf %sub3A_191, %mul3A_192 : f32
    %slice3A_194 = vector.extract_strided_slice %div3A_22 {offsets = [1, 0, 0], sizes = [1, 224, 224], strides = [1, 1, 1]} : vector<4x224x224xf32> to vector<1x224x224xf32>
    %squeeze3A_195 = vector.shape_cast %slice3A_194 : vector<1x224x224xf32> to vector<224x224xf32>
    %sub3A_196 = arith.constant 5.000000e-01 : f32
    %sub3A_197 = vector.broadcast %sub3A_196 : f32 to vector<224x224xf32>
    %sub3A_198 = arith.subf %squeeze3A_195, %sub3A_197 : vector<224x224xf32>
    %mul3A_199 = arith.mulf %sub3A_198, %sub3A_198 : vector<224x224xf32>
    %mul3A_200 = arith.mulf %mul3A_199, %sub3A_198 : vector<224x224xf32>
    %mul3A_201 = arith.mulf %mul3A_199, %mul3A_199 : vector<224x224xf32>
    %reduce_sum3A_202 = vector.shape_cast %sub3A_198 : vector<224x224xf32> to vector<1x224x224xf32>
    %reduce_sum3A_203 = arith.constant dense<0.000000e+00> : vector<1xf32>
    %reduce_sum3A_204 = vector.multi_reduction <add>, %reduce_sum3A_202, %reduce_sum3A_203 [1, 2] : vector<1x224x224xf32> to vector<1xf32>
    %reduce_sum3A_205 = vector.shape_cast %reduce_sum3A_204 : vector<1xf32> to vector<1x1x1xf32>
    %reduce_sum3A_206 = vector.extract %reduce_sum3A_205[0, 0, 0] : f32 from vector<1x1x1xf32>
    %div3A_207 = arith.constant 5.017600e+04 : f32
    %div3A_208 = arith.divf %reduce_sum3A_206, %div3A_207 : f32
    %reduce_sum3A_209 = vector.shape_cast %mul3A_199 : vector<224x224xf32> to vector<1x224x224xf32>
    %reduce_sum3A_210 = arith.constant dense<0.000000e+00> : vector<1xf32>
    %reduce_sum3A_211 = vector.multi_reduction <add>, %reduce_sum3A_209, %reduce_sum3A_210 [1, 2] : vector<1x224x224xf32> to vector<1xf32>
    %reduce_sum3A_212 = vector.shape_cast %reduce_sum3A_211 : vector<1xf32> to vector<1x1x1xf32>
    %reduce_sum3A_213 = vector.extract %reduce_sum3A_212[0, 0, 0] : f32 from vector<1x1x1xf32>
    %div3A_214 = arith.constant 5.017600e+04 : f32
    %div3A_215 = arith.divf %reduce_sum3A_213, %div3A_214 : f32
    %reduce_sum3A_216 = vector.shape_cast %mul3A_200 : vector<224x224xf32> to vector<1x224x224xf32>
    %reduce_sum3A_217 = arith.constant dense<0.000000e+00> : vector<1xf32>
    %reduce_sum3A_218 = vector.multi_reduction <add>, %reduce_sum3A_216, %reduce_sum3A_217 [1, 2] : vector<1x224x224xf32> to vector<1xf32>
    %reduce_sum3A_219 = vector.shape_cast %reduce_sum3A_218 : vector<1xf32> to vector<1x1x1xf32>
    %reduce_sum3A_220 = vector.extract %reduce_sum3A_219[0, 0, 0] : f32 from vector<1x1x1xf32>
    %div3A_221 = arith.constant 5.017600e+04 : f32
    %div3A_222 = arith.divf %reduce_sum3A_220, %div3A_221 : f32
    %reduce_sum3A_223 = vector.shape_cast %mul3A_201 : vector<224x224xf32> to vector<1x224x224xf32>
    %reduce_sum3A_224 = arith.constant dense<0.000000e+00> : vector<1xf32>
    %reduce_sum3A_225 = vector.multi_reduction <add>, %reduce_sum3A_223, %reduce_sum3A_224 [1, 2] : vector<1x224x224xf32> to vector<1xf32>
    %reduce_sum3A_226 = vector.shape_cast %reduce_sum3A_225 : vector<1xf32> to vector<1x1x1xf32>
    %reduce_sum3A_227 = vector.extract %reduce_sum3A_226[0, 0, 0] : f32 from vector<1x1x1xf32>
    %div3A_228 = arith.constant 5.017600e+04 : f32
    %div3A_229 = arith.divf %reduce_sum3A_227, %div3A_228 : f32
    %mul3A_230 = arith.mulf %div3A_208, %div3A_208 : f32
    %sub3A_231 = arith.subf %div3A_215, %mul3A_230 : f32
    %mul3A_232 = arith.constant 4.000000e+00 : f32
    %mul3A_233 = arith.mulf %mul3A_232, %div3A_208 : f32
    %mul3A_234 = arith.mulf %mul3A_233, %div3A_222 : f32
    %sub3A_235 = arith.subf %div3A_229, %mul3A_234 : f32
    %mul3A_236 = arith.constant 6.000000e+00 : f32
    %mul3A_237 = arith.mulf %mul3A_236, %mul3A_230 : f32
    %mul3A_238 = arith.mulf %mul3A_237, %div3A_215 : f32
    %add3A_239 = arith.addf %sub3A_235, %mul3A_238 : f32
    %mul3A_240 = arith.constant 3.000000e+00 : f32
    %mul3A_241 = arith.mulf %mul3A_240, %mul3A_230 : f32
    %mul3A_242 = arith.mulf %mul3A_241, %mul3A_230 : f32
    %sub3A_243 = arith.subf %add3A_239, %mul3A_242 : f32
    %mul3A_244 = arith.mulf %sub3A_231, %sub3A_231 : f32
    %div3A_245 = arith.divf %sub3A_243, %mul3A_244 : f32
    %sub3A_246 = arith.subf %div3A_193, %div3A_245 : f32
    %abs3A_247 = math.absf %sub3A_246 : f32
    %add3A_248 = arith.addf %add3A_141, %abs3A_247 : f32
    %slice3A_249 = vector.extract_strided_slice %div3A_8 {offsets = [2, 0, 0], sizes = [1, 224, 224], strides = [1, 1, 1]} : vector<4x224x224xf32> to vector<1x224x224xf32>
    %squeeze3A_250 = vector.shape_cast %slice3A_249 : vector<1x224x224xf32> to vector<224x224xf32>
    %sub3A_251 = arith.constant 5.000000e-01 : f32
    %sub3A_252 = vector.broadcast %sub3A_251 : f32 to vector<224x224xf32>
    %sub3A_253 = arith.subf %squeeze3A_250, %sub3A_252 : vector<224x224xf32>
    %mul3A_254 = arith.mulf %sub3A_253, %sub3A_253 : vector<224x224xf32>
    %mul3A_255 = arith.mulf %mul3A_254, %sub3A_253 : vector<224x224xf32>
    %mul3A_256 = arith.mulf %mul3A_254, %mul3A_254 : vector<224x224xf32>
    %reduce_sum3A_257 = vector.shape_cast %sub3A_253 : vector<224x224xf32> to vector<1x224x224xf32>
    %reduce_sum3A_258 = arith.constant dense<0.000000e+00> : vector<1xf32>
    %reduce_sum3A_259 = vector.multi_reduction <add>, %reduce_sum3A_257, %reduce_sum3A_258 [1, 2] : vector<1x224x224xf32> to vector<1xf32>
    %reduce_sum3A_260 = vector.shape_cast %reduce_sum3A_259 : vector<1xf32> to vector<1x1x1xf32>
    %reduce_sum3A_261 = vector.extract %reduce_sum3A_260[0, 0, 0] : f32 from vector<1x1x1xf32>
    %div3A_262 = arith.constant 5.017600e+04 : f32
    %div3A_263 = arith.divf %reduce_sum3A_261, %div3A_262 : f32
    %reduce_sum3A_264 = vector.shape_cast %mul3A_254 : vector<224x224xf32> to vector<1x224x224xf32>
    %reduce_sum3A_265 = arith.constant dense<0.000000e+00> : vector<1xf32>
    %reduce_sum3A_266 = vector.multi_reduction <add>, %reduce_sum3A_264, %reduce_sum3A_265 [1, 2] : vector<1x224x224xf32> to vector<1xf32>
    %reduce_sum3A_267 = vector.shape_cast %reduce_sum3A_266 : vector<1xf32> to vector<1x1x1xf32>
    %reduce_sum3A_268 = vector.extract %reduce_sum3A_267[0, 0, 0] : f32 from vector<1x1x1xf32>
    %div3A_269 = arith.constant 5.017600e+04 : f32
    %div3A_270 = arith.divf %reduce_sum3A_268, %div3A_269 : f32
    %reduce_sum3A_271 = vector.shape_cast %mul3A_255 : vector<224x224xf32> to vector<1x224x224xf32>
    %reduce_sum3A_272 = arith.constant dense<0.000000e+00> : vector<1xf32>
    %reduce_sum3A_273 = vector.multi_reduction <add>, %reduce_sum3A_271, %reduce_sum3A_272 [1, 2] : vector<1x224x224xf32> to vector<1xf32>
    %reduce_sum3A_274 = vector.shape_cast %reduce_sum3A_273 : vector<1xf32> to vector<1x1x1xf32>
    %reduce_sum3A_275 = vector.extract %reduce_sum3A_274[0, 0, 0] : f32 from vector<1x1x1xf32>
    %div3A_276 = arith.constant 5.017600e+04 : f32
    %div3A_277 = arith.divf %reduce_sum3A_275, %div3A_276 : f32
    %reduce_sum3A_278 = vector.shape_cast %mul3A_256 : vector<224x224xf32> to vector<1x224x224xf32>
    %reduce_sum3A_279 = arith.constant dense<0.000000e+00> : vector<1xf32>
    %reduce_sum3A_280 = vector.multi_reduction <add>, %reduce_sum3A_278, %reduce_sum3A_279 [1, 2] : vector<1x224x224xf32> to vector<1xf32>
    %reduce_sum3A_281 = vector.shape_cast %reduce_sum3A_280 : vector<1xf32> to vector<1x1x1xf32>
    %reduce_sum3A_282 = vector.extract %reduce_sum3A_281[0, 0, 0] : f32 from vector<1x1x1xf32>
    %div3A_283 = arith.constant 5.017600e+04 : f32
    %div3A_284 = arith.divf %reduce_sum3A_282, %div3A_283 : f32
    %mul3A_285 = arith.mulf %div3A_263, %div3A_263 : f32
    %sub3A_286 = arith.subf %div3A_270, %mul3A_285 : f32
    %mul3A_287 = arith.constant 4.000000e+00 : f32
    %mul3A_288 = arith.mulf %mul3A_287, %div3A_263 : f32
    %mul3A_289 = arith.mulf %mul3A_288, %div3A_277 : f32
    %sub3A_290 = arith.subf %div3A_284, %mul3A_289 : f32
    %mul3A_291 = arith.constant 6.000000e+00 : f32
    %mul3A_292 = arith.mulf %mul3A_291, %mul3A_285 : f32
    %mul3A_293 = arith.mulf %mul3A_292, %div3A_270 : f32
    %add3A_294 = arith.addf %sub3A_290, %mul3A_293 : f32
    %mul3A_295 = arith.constant 3.000000e+00 : f32
    %mul3A_296 = arith.mulf %mul3A_295, %mul3A_285 : f32
    %mul3A_297 = arith.mulf %mul3A_296, %mul3A_285 : f32
    %sub3A_298 = arith.subf %add3A_294, %mul3A_297 : f32
    %mul3A_299 = arith.mulf %sub3A_286, %sub3A_286 : f32
    %div3A_300 = arith.divf %sub3A_298, %mul3A_299 : f32
    %slice3A_301 = vector.extract_strided_slice %div3A_22 {offsets = [2, 0, 0], sizes = [1, 224, 224], strides = [1, 1, 1]} : vector<4x224x224xf32> to vector<1x224x224xf32>
    %squeeze3A_302 = vector.shape_cast %slice3A_301 : vector<1x224x224xf32> to vector<224x224xf32>
    %sub3A_303 = arith.constant 5.000000e-01 : f32
    %sub3A_304 = vector.broadcast %sub3A_303 : f32 to vector<224x224xf32>
    %sub3A_305 = arith.subf %squeeze3A_302, %sub3A_304 : vector<224x224xf32>
    %mul3A_306 = arith.mulf %sub3A_305, %sub3A_305 : vector<224x224xf32>
    %mul3A_307 = arith.mulf %mul3A_306, %sub3A_305 : vector<224x224xf32>
    %mul3A_308 = arith.mulf %mul3A_306, %mul3A_306 : vector<224x224xf32>
    %reduce_sum3A_309 = vector.shape_cast %sub3A_305 : vector<224x224xf32> to vector<1x224x224xf32>
    %reduce_sum3A_310 = arith.constant dense<0.000000e+00> : vector<1xf32>
    %reduce_sum3A_311 = vector.multi_reduction <add>, %reduce_sum3A_309, %reduce_sum3A_310 [1, 2] : vector<1x224x224xf32> to vector<1xf32>
    %reduce_sum3A_312 = vector.shape_cast %reduce_sum3A_311 : vector<1xf32> to vector<1x1x1xf32>
    %reduce_sum3A_313 = vector.extract %reduce_sum3A_312[0, 0, 0] : f32 from vector<1x1x1xf32>
    %div3A_314 = arith.constant 5.017600e+04 : f32
    %div3A_315 = arith.divf %reduce_sum3A_313, %div3A_314 : f32
    %reduce_sum3A_316 = vector.shape_cast %mul3A_306 : vector<224x224xf32> to vector<1x224x224xf32>
    %reduce_sum3A_317 = arith.constant dense<0.000000e+00> : vector<1xf32>
    %reduce_sum3A_318 = vector.multi_reduction <add>, %reduce_sum3A_316, %reduce_sum3A_317 [1, 2] : vector<1x224x224xf32> to vector<1xf32>
    %reduce_sum3A_319 = vector.shape_cast %reduce_sum3A_318 : vector<1xf32> to vector<1x1x1xf32>
    %reduce_sum3A_320 = vector.extract %reduce_sum3A_319[0, 0, 0] : f32 from vector<1x1x1xf32>
    %div3A_321 = arith.constant 5.017600e+04 : f32
    %div3A_322 = arith.divf %reduce_sum3A_320, %div3A_321 : f32
    %reduce_sum3A_323 = vector.shape_cast %mul3A_307 : vector<224x224xf32> to vector<1x224x224xf32>
    %reduce_sum3A_324 = arith.constant dense<0.000000e+00> : vector<1xf32>
    %reduce_sum3A_325 = vector.multi_reduction <add>, %reduce_sum3A_323, %reduce_sum3A_324 [1, 2] : vector<1x224x224xf32> to vector<1xf32>
    %reduce_sum3A_326 = vector.shape_cast %reduce_sum3A_325 : vector<1xf32> to vector<1x1x1xf32>
    %reduce_sum3A_327 = vector.extract %reduce_sum3A_326[0, 0, 0] : f32 from vector<1x1x1xf32>
    %div3A_328 = arith.constant 5.017600e+04 : f32
    %div3A_329 = arith.divf %reduce_sum3A_327, %div3A_328 : f32
    %reduce_sum3A_330 = vector.shape_cast %mul3A_308 : vector<224x224xf32> to vector<1x224x224xf32>
    %reduce_sum3A_331 = arith.constant dense<0.000000e+00> : vector<1xf32>
    %reduce_sum3A_332 = vector.multi_reduction <add>, %reduce_sum3A_330, %reduce_sum3A_331 [1, 2] : vector<1x224x224xf32> to vector<1xf32>
    %reduce_sum3A_333 = vector.shape_cast %reduce_sum3A_332 : vector<1xf32> to vector<1x1x1xf32>
    %reduce_sum3A_334 = vector.extract %reduce_sum3A_333[0, 0, 0] : f32 from vector<1x1x1xf32>
    %div3A_335 = arith.constant 5.017600e+04 : f32
    %div3A_336 = arith.divf %reduce_sum3A_334, %div3A_335 : f32
    %mul3A_337 = arith.mulf %div3A_315, %div3A_315 : f32
    %sub3A_338 = arith.subf %div3A_322, %mul3A_337 : f32
    %mul3A_339 = arith.constant 4.000000e+00 : f32
    %mul3A_340 = arith.mulf %mul3A_339, %div3A_315 : f32
    %mul3A_341 = arith.mulf %mul3A_340, %div3A_329 : f32
    %sub3A_342 = arith.subf %div3A_336, %mul3A_341 : f32
    %mul3A_343 = arith.constant 6.000000e+00 : f32
    %mul3A_344 = arith.mulf %mul3A_343, %mul3A_337 : f32
    %mul3A_345 = arith.mulf %mul3A_344, %div3A_322 : f32
    %add3A_346 = arith.addf %sub3A_342, %mul3A_345 : f32
    %mul3A_347 = arith.constant 3.000000e+00 : f32
    %mul3A_348 = arith.mulf %mul3A_347, %mul3A_337 : f32
    %mul3A_349 = arith.mulf %mul3A_348, %mul3A_337 : f32
    %sub3A_350 = arith.subf %add3A_346, %mul3A_349 : f32
    %mul3A_351 = arith.mulf %sub3A_338, %sub3A_338 : f32
    %div3A_352 = arith.divf %sub3A_350, %mul3A_351 : f32
    %sub3A_353 = arith.subf %div3A_300, %div3A_352 : f32
    %abs3A_354 = math.absf %sub3A_353 : f32
    %add3A_355 = arith.addf %add3A_248, %abs3A_354 : f32
    %slice3A_356 = vector.extract_strided_slice %div3A_8 {offsets = [3, 0, 0], sizes = [1, 224, 224], strides = [1, 1, 1]} : vector<4x224x224xf32> to vector<1x224x224xf32>
    %squeeze3A_357 = vector.shape_cast %slice3A_356 : vector<1x224x224xf32> to vector<224x224xf32>
    %sub3A_358 = arith.constant 5.000000e-01 : f32
    %sub3A_359 = vector.broadcast %sub3A_358 : f32 to vector<224x224xf32>
    %sub3A_360 = arith.subf %squeeze3A_357, %sub3A_359 : vector<224x224xf32>
    %mul3A_361 = arith.mulf %sub3A_360, %sub3A_360 : vector<224x224xf32>
    %mul3A_362 = arith.mulf %mul3A_361, %sub3A_360 : vector<224x224xf32>
    %mul3A_363 = arith.mulf %mul3A_361, %mul3A_361 : vector<224x224xf32>
    %reduce_sum3A_364 = vector.shape_cast %sub3A_360 : vector<224x224xf32> to vector<1x224x224xf32>
    %reduce_sum3A_365 = arith.constant dense<0.000000e+00> : vector<1xf32>
    %reduce_sum3A_366 = vector.multi_reduction <add>, %reduce_sum3A_364, %reduce_sum3A_365 [1, 2] : vector<1x224x224xf32> to vector<1xf32>
    %reduce_sum3A_367 = vector.shape_cast %reduce_sum3A_366 : vector<1xf32> to vector<1x1x1xf32>
    %reduce_sum3A_368 = vector.extract %reduce_sum3A_367[0, 0, 0] : f32 from vector<1x1x1xf32>
    %div3A_369 = arith.constant 5.017600e+04 : f32
    %div3A_370 = arith.divf %reduce_sum3A_368, %div3A_369 : f32
    %reduce_sum3A_371 = vector.shape_cast %mul3A_361 : vector<224x224xf32> to vector<1x224x224xf32>
    %reduce_sum3A_372 = arith.constant dense<0.000000e+00> : vector<1xf32>
    %reduce_sum3A_373 = vector.multi_reduction <add>, %reduce_sum3A_371, %reduce_sum3A_372 [1, 2] : vector<1x224x224xf32> to vector<1xf32>
    %reduce_sum3A_374 = vector.shape_cast %reduce_sum3A_373 : vector<1xf32> to vector<1x1x1xf32>
    %reduce_sum3A_375 = vector.extract %reduce_sum3A_374[0, 0, 0] : f32 from vector<1x1x1xf32>
    %div3A_376 = arith.constant 5.017600e+04 : f32
    %div3A_377 = arith.divf %reduce_sum3A_375, %div3A_376 : f32
    %reduce_sum3A_378 = vector.shape_cast %mul3A_362 : vector<224x224xf32> to vector<1x224x224xf32>
    %reduce_sum3A_379 = arith.constant dense<0.000000e+00> : vector<1xf32>
    %reduce_sum3A_380 = vector.multi_reduction <add>, %reduce_sum3A_378, %reduce_sum3A_379 [1, 2] : vector<1x224x224xf32> to vector<1xf32>
    %reduce_sum3A_381 = vector.shape_cast %reduce_sum3A_380 : vector<1xf32> to vector<1x1x1xf32>
    %reduce_sum3A_382 = vector.extract %reduce_sum3A_381[0, 0, 0] : f32 from vector<1x1x1xf32>
    %div3A_383 = arith.constant 5.017600e+04 : f32
    %div3A_384 = arith.divf %reduce_sum3A_382, %div3A_383 : f32
    %reduce_sum3A_385 = vector.shape_cast %mul3A_363 : vector<224x224xf32> to vector<1x224x224xf32>
    %reduce_sum3A_386 = arith.constant dense<0.000000e+00> : vector<1xf32>
    %reduce_sum3A_387 = vector.multi_reduction <add>, %reduce_sum3A_385, %reduce_sum3A_386 [1, 2] : vector<1x224x224xf32> to vector<1xf32>
    %reduce_sum3A_388 = vector.shape_cast %reduce_sum3A_387 : vector<1xf32> to vector<1x1x1xf32>
    %reduce_sum3A_389 = vector.extract %reduce_sum3A_388[0, 0, 0] : f32 from vector<1x1x1xf32>
    %div3A_390 = arith.constant 5.017600e+04 : f32
    %div3A_391 = arith.divf %reduce_sum3A_389, %div3A_390 : f32
    %mul3A_392 = arith.mulf %div3A_370, %div3A_370 : f32
    %sub3A_393 = arith.subf %div3A_377, %mul3A_392 : f32
    %mul3A_394 = arith.constant 4.000000e+00 : f32
    %mul3A_395 = arith.mulf %mul3A_394, %div3A_370 : f32
    %mul3A_396 = arith.mulf %mul3A_395, %div3A_384 : f32
    %sub3A_397 = arith.subf %div3A_391, %mul3A_396 : f32
    %mul3A_398 = arith.constant 6.000000e+00 : f32
    %mul3A_399 = arith.mulf %mul3A_398, %mul3A_392 : f32
    %mul3A_400 = arith.mulf %mul3A_399, %div3A_377 : f32
    %add3A_401 = arith.addf %sub3A_397, %mul3A_400 : f32
    %mul3A_402 = arith.constant 3.000000e+00 : f32
    %mul3A_403 = arith.mulf %mul3A_402, %mul3A_392 : f32
    %mul3A_404 = arith.mulf %mul3A_403, %mul3A_392 : f32
    %sub3A_405 = arith.subf %add3A_401, %mul3A_404 : f32
    %mul3A_406 = arith.mulf %sub3A_393, %sub3A_393 : f32
    %div3A_407 = arith.divf %sub3A_405, %mul3A_406 : f32
    %slice3A_408 = vector.extract_strided_slice %div3A_22 {offsets = [3, 0, 0], sizes = [1, 224, 224], strides = [1, 1, 1]} : vector<4x224x224xf32> to vector<1x224x224xf32>
    %squeeze3A_409 = vector.shape_cast %slice3A_408 : vector<1x224x224xf32> to vector<224x224xf32>
    %sub3A_410 = arith.constant 5.000000e-01 : f32
    %sub3A_411 = vector.broadcast %sub3A_410 : f32 to vector<224x224xf32>
    %sub3A_412 = arith.subf %squeeze3A_409, %sub3A_411 : vector<224x224xf32>
    %mul3A_413 = arith.mulf %sub3A_412, %sub3A_412 : vector<224x224xf32>
    %mul3A_414 = arith.mulf %mul3A_413, %sub3A_412 : vector<224x224xf32>
    %mul3A_415 = arith.mulf %mul3A_413, %mul3A_413 : vector<224x224xf32>
    %reduce_sum3A_416 = vector.shape_cast %sub3A_412 : vector<224x224xf32> to vector<1x224x224xf32>
    %reduce_sum3A_417 = arith.constant dense<0.000000e+00> : vector<1xf32>
    %reduce_sum3A_418 = vector.multi_reduction <add>, %reduce_sum3A_416, %reduce_sum3A_417 [1, 2] : vector<1x224x224xf32> to vector<1xf32>
    %reduce_sum3A_419 = vector.shape_cast %reduce_sum3A_418 : vector<1xf32> to vector<1x1x1xf32>
    %reduce_sum3A_420 = vector.extract %reduce_sum3A_419[0, 0, 0] : f32 from vector<1x1x1xf32>
    %div3A_421 = arith.constant 5.017600e+04 : f32
    %div3A_422 = arith.divf %reduce_sum3A_420, %div3A_421 : f32
    %reduce_sum3A_423 = vector.shape_cast %mul3A_413 : vector<224x224xf32> to vector<1x224x224xf32>
    %reduce_sum3A_424 = arith.constant dense<0.000000e+00> : vector<1xf32>
    %reduce_sum3A_425 = vector.multi_reduction <add>, %reduce_sum3A_423, %reduce_sum3A_424 [1, 2] : vector<1x224x224xf32> to vector<1xf32>
    %reduce_sum3A_426 = vector.shape_cast %reduce_sum3A_425 : vector<1xf32> to vector<1x1x1xf32>
    %reduce_sum3A_427 = vector.extract %reduce_sum3A_426[0, 0, 0] : f32 from vector<1x1x1xf32>
    %div3A_428 = arith.constant 5.017600e+04 : f32
    %div3A_429 = arith.divf %reduce_sum3A_427, %div3A_428 : f32
    %reduce_sum3A_430 = vector.shape_cast %mul3A_414 : vector<224x224xf32> to vector<1x224x224xf32>
    %reduce_sum3A_431 = arith.constant dense<0.000000e+00> : vector<1xf32>
    %reduce_sum3A_432 = vector.multi_reduction <add>, %reduce_sum3A_430, %reduce_sum3A_431 [1, 2] : vector<1x224x224xf32> to vector<1xf32>
    %reduce_sum3A_433 = vector.shape_cast %reduce_sum3A_432 : vector<1xf32> to vector<1x1x1xf32>
    %reduce_sum3A_434 = vector.extract %reduce_sum3A_433[0, 0, 0] : f32 from vector<1x1x1xf32>
    %div3A_435 = arith.constant 5.017600e+04 : f32
    %div3A_436 = arith.divf %reduce_sum3A_434, %div3A_435 : f32
    %reduce_sum3A_437 = vector.shape_cast %mul3A_415 : vector<224x224xf32> to vector<1x224x224xf32>
    %reduce_sum3A_438 = arith.constant dense<0.000000e+00> : vector<1xf32>
    %reduce_sum3A_439 = vector.multi_reduction <add>, %reduce_sum3A_437, %reduce_sum3A_438 [1, 2] : vector<1x224x224xf32> to vector<1xf32>
    %reduce_sum3A_440 = vector.shape_cast %reduce_sum3A_439 : vector<1xf32> to vector<1x1x1xf32>
    %reduce_sum3A_441 = vector.extract %reduce_sum3A_440[0, 0, 0] : f32 from vector<1x1x1xf32>
    %div3A_442 = arith.constant 5.017600e+04 : f32
    %div3A_443 = arith.divf %reduce_sum3A_441, %div3A_442 : f32
    %mul3A_444 = arith.mulf %div3A_422, %div3A_422 : f32
    %sub3A_445 = arith.subf %div3A_429, %mul3A_444 : f32
    %mul3A_446 = arith.constant 4.000000e+00 : f32
    %mul3A_447 = arith.mulf %mul3A_446, %div3A_422 : f32
    %mul3A_448 = arith.mulf %mul3A_447, %div3A_436 : f32
    %sub3A_449 = arith.subf %div3A_443, %mul3A_448 : f32
    %mul3A_450 = arith.constant 6.000000e+00 : f32
    %mul3A_451 = arith.mulf %mul3A_450, %mul3A_444 : f32
    %mul3A_452 = arith.mulf %mul3A_451, %div3A_429 : f32
    %add3A_453 = arith.addf %sub3A_449, %mul3A_452 : f32
    %mul3A_454 = arith.constant 3.000000e+00 : f32
    %mul3A_455 = arith.mulf %mul3A_454, %mul3A_444 : f32
    %mul3A_456 = arith.mulf %mul3A_455, %mul3A_444 : f32
    %sub3A_457 = arith.subf %add3A_453, %mul3A_456 : f32
    %mul3A_458 = arith.mulf %sub3A_445, %sub3A_445 : f32
    %div3A_459 = arith.divf %sub3A_457, %mul3A_458 : f32
    %sub3A_460 = arith.subf %div3A_407, %div3A_459 : f32
    %abs3A_461 = math.absf %sub3A_460 : f32
    %add3A_462 = arith.addf %add3A_355, %abs3A_461 : f32
    %eq3A = arith.constant 0 : i32
    %eq3A_463 = arith.cmpi eq, %arg0, %eq3A : i32
    %get3A_464 = arith.constant 0 : index
    %get3A_465 = arith.constant 0 : index
    %get3A_466 = memref.load %arg4[%get3A_464, %get3A_465] : memref<1x1xf32, #tpu.memory_space<smem>>
    %jit3A = arith.constant 0.000000e+00 : f32
    %select_n3A = arith.select %eq3A_463, %jit3A, %get3A_466 : f32
    %add3A_467 = arith.addf %select_n3A, %add3A_462 : f32
    %swap3A_468 = arith.constant 0 : index
    %swap3A_469 = arith.constant 0 : index
    %swap3A_470 = memref.load %arg4[%swap3A_468, %swap3A_469] : memref<1x1xf32, #tpu.memory_space<smem>>
    memref.store %add3A_467, %arg4[%swap3A_468, %swap3A_469] : memref<1x1xf32, #tpu.memory_space<smem>>
    return
  }
  func.func @transform_0(%arg0: i32) -> (i32, i32, i32) {
    %add3A = arith.constant 24 : i32
    %add3A_0 = arith.addi %arg0, %add3A : i32
    %c0_i32 = arith.constant 0 : i32
    %c0_i32_1 = arith.constant 0 : i32
    %c0_i32_2 = arith.constant 0 : i32
    return %add3A_0, %c0_i32, %c0_i32_1 : i32, i32, i32
  }
  func.func @transform_1(%arg0: i32) -> (i32, i32, i32) {
    %add3A = arith.constant 24 : i32
    %add3A_0 = arith.addi %arg0, %add3A : i32
    %c0_i32 = arith.constant 0 : i32
    %c0_i32_1 = arith.constant 0 : i32
    %c0_i32_2 = arith.constant 0 : i32
    return %add3A_0, %c0_i32, %c0_i32_1 : i32, i32, i32
  }
  func.func @transform_2(%arg0: i32) -> (i32, i32, i32) {
    %c0_i32 = arith.constant 0 : i32
    %c0_i32_0 = arith.constant 0 : i32
    %c0_i32_1 = arith.constant 0 : i32
    return %arg0, %c0_i32, %c0_i32_0 : i32, i32, i32
  }
  func.func @transform_3(%arg0: i32) -> (i32, i32) {
    %c0_i32 = arith.constant 0 : i32
    %c0_i32_0 = arith.constant 0 : i32
    %c0_i32_1 = arith.constant 0 : i32
    return %c0_i32, %c0_i32_0 : i32, i32
  }
}

module attributes {stable_mosaic.version = 14 : i64} {
  func.func @_phase_a_body(%arg0: i32, %arg1: memref<4x224x224xf32, #tpu.memory_space<vmem>>, %arg2: memref<4x224x224xf32, #tpu.memory_space<vmem>>, %arg3: memref<4x224x128xi32, #tpu.memory_space<vmem>>, %arg4: memref<1x1xf32, #tpu.memory_space<smem>>) attributes {dimension_semantics = [#tpu.dimension_semantics<arbitrary>], iteration_bounds = array<i64: 24>, scalar_prefetch = 0 : i64, scratch_operands = 0 : i64, tpu.core_type = #tpu.core_type<tc>, window_params = [{transform_indices = @transform_0, window_bounds = array<i64: 4, 224, 224>}, {transform_indices = @transform_1, window_bounds = array<i64: 4, 224, 224>}, {transform_indices = @transform_2, window_bounds = array<i64: 4, 224, 128>}, {transform_indices = @transform_3, window_bounds = array<i64: 1, 1>}]} {
    %get3A = arith.constant 0 : index
    %get3A_0 = arith.constant 0 : index
    %get3A_1 = arith.constant 0 : index
    %get3A_2 = vector.load %arg1[%get3A, %get3A_0, %get3A_1] : memref<4x224x224xf32, #tpu.memory_space<vmem>>, vector<4x224x224xf32>
    %neg3A = arith.constant 0.000000e+00 : f32
    %neg3A_3 = vector.broadcast %neg3A : f32 to vector<4x224x224xf32>
    %neg3A_4 = arith.subf %neg3A_3, %get3A_2 : vector<4x224x224xf32>
    %exp3A = math.exp %neg3A_4 : vector<4x224x224xf32>
    %add3A = arith.constant 1.000000e+00 : f32
    %add3A_5 = vector.broadcast %add3A : f32 to vector<4x224x224xf32>
    %add3A_6 = arith.addf %add3A_5, %exp3A : vector<4x224x224xf32>
    %div3A = arith.constant 1.000000e+00 : f32
    %div3A_7 = vector.broadcast %div3A : f32 to vector<4x224x224xf32>
    %div3A_8 = arith.divf %div3A_7, %add3A_6 : vector<4x224x224xf32>
    %get3A_9 = arith.constant 0 : index
    %get3A_10 = arith.constant 0 : index
    %get3A_11 = arith.constant 0 : index
    %get3A_12 = vector.load %arg2[%get3A_9, %get3A_10, %get3A_11] : memref<4x224x224xf32, #tpu.memory_space<vmem>>, vector<4x224x224xf32>
    %neg3A_13 = arith.constant 0.000000e+00 : f32
    %neg3A_14 = vector.broadcast %neg3A_13 : f32 to vector<4x224x224xf32>
    %neg3A_15 = arith.subf %neg3A_14, %get3A_12 : vector<4x224x224xf32>
    %exp3A_16 = math.exp %neg3A_15 : vector<4x224x224xf32>
    %add3A_17 = arith.constant 1.000000e+00 : f32
    %add3A_18 = vector.broadcast %add3A_17 : f32 to vector<4x224x224xf32>
    %add3A_19 = arith.addf %add3A_18, %exp3A_16 : vector<4x224x224xf32>
    %div3A_20 = arith.constant 1.000000e+00 : f32
    %div3A_21 = vector.broadcast %div3A_20 : f32 to vector<4x224x224xf32>
    %div3A_22 = arith.divf %div3A_21, %add3A_19 : vector<4x224x224xf32>
    %sub3A = arith.subf %div3A_8, %div3A_22 : vector<4x224x224xf32>
    %abs3A = math.absf %sub3A : vector<4x224x224xf32>
    %mul3A = arith.constant 4.096000e+03 : f32
    %mul3A_23 = vector.broadcast %mul3A : f32 to vector<4x224x224xf32>
    %mul3A_24 = arith.mulf %abs3A, %mul3A_23 : vector<4x224x224xf32>
    %convert_element_type3A = arith.fptosi %mul3A_24 : vector<4x224x224xf32> to vector<4x224x224xi32>
    %min3A = arith.constant 4095 : i32
    %min3A_25 = vector.broadcast %min3A : i32 to vector<4x224x224xi32>
    %min3A_26 = arith.minsi %convert_element_type3A, %min3A_25 : vector<4x224x224xi32>
    %max3A = arith.constant 0 : i32
    %max3A_27 = vector.broadcast %max3A : i32 to vector<4x224x224xi32>
    %max3A_28 = arith.maxsi %min3A_26, %max3A_27 : vector<4x224x224xi32>
    %broadcast_in_dim3A = arith.constant 0 : i32
    %broadcast_in_dim3A_29 = vector.broadcast %broadcast_in_dim3A : i32 to vector<4x224x32xi32>
    %concatenate3A = tpu.concatenate %max3A_28, %broadcast_in_dim3A_29 in 2 : vector<4x224x224xi32>, vector<4x224x32xi32> -> vector<4x224x256xi32>
    %slice3A = vector.extract_strided_slice %concatenate3A {offsets = [0, 0, 0], sizes = [4, 224, 128], strides = [1, 1, 1]} : vector<4x224x256xi32> to vector<4x224x128xi32>
    %slice3A_30 = vector.extract_strided_slice %concatenate3A {offsets = [0, 0, 128], sizes = [4, 224, 128], strides = [1, 1, 1]} : vector<4x224x256xi32> to vector<4x224x128xi32>
    %shift_left3A = arith.constant 16 : i32
    %shift_left3A_31 = vector.broadcast %shift_left3A : i32 to vector<4x224x128xi32>
    %shift_left3A_32 = arith.shli %slice3A_30, %shift_left3A_31 : vector<4x224x128xi32>
    %or3A = arith.ori %slice3A, %shift_left3A_32 : vector<4x224x128xi32>
    %swap3A = arith.constant 0 : index
    %swap3A_33 = arith.constant 0 : index
    %swap3A_34 = arith.constant 0 : index
    %swap3A_35 = vector.load %arg3[%swap3A, %swap3A_33, %swap3A_34] : memref<4x224x128xi32, #tpu.memory_space<vmem>>, vector<4x224x128xi32>
    tpu.vector_store %arg3[%swap3A, %swap3A_33, %swap3A_34], %or3A {strides = array<i32>} : memref<4x224x128xi32, #tpu.memory_space<vmem>>, vector<4x224x128xi32>,
    %slice3A_36 = vector.extract_strided_slice %div3A_8 {offsets = [0, 0, 0], sizes = [1, 224, 224], strides = [1, 1, 1]} : vector<4x224x224xf32> to vector<1x224x224xf32>
    %squeeze3A = vector.shape_cast %slice3A_36 : vector<1x224x224xf32> to vector<224x224xf32>
    %sub3A_37 = arith.constant 5.000000e-01 : f32
    %sub3A_38 = vector.broadcast %sub3A_37 : f32 to vector<224x224xf32>
    %sub3A_39 = arith.subf %squeeze3A, %sub3A_38 : vector<224x224xf32>
    %mul3A_40 = arith.mulf %sub3A_39, %sub3A_39 : vector<224x224xf32>
    %mul3A_41 = arith.mulf %mul3A_40, %sub3A_39 : vector<224x224xf32>
    %mul3A_42 = arith.mulf %mul3A_40, %mul3A_40 : vector<224x224xf32>
    %reduce_sum3A = vector.shape_cast %sub3A_39 : vector<224x224xf32> to vector<1x224x224xf32>
    %reduce_sum3A_43 = arith.constant dense<0.000000e+00> : vector<1xf32>
    %reduce_sum3A_44 = vector.multi_reduction <add>, %reduce_sum3A, %reduce_sum3A_43 [1, 2] : vector<1x224x224xf32> to vector<1xf32>
    %reduce_sum3A_45 = vector.shape_cast %reduce_sum3A_44 : vector<1xf32> to vector<1x1x1xf32>
    %reduce_sum3A_46 = vector.extract %reduce_sum3A_45[0, 0, 0] : f32 from vector<1x1x1xf32>
    %div3A_47 = arith.constant 5.017600e+04 : f32
    %div3A_48 = arith.divf %reduce_sum3A_46, %div3A_47 : f32
    %reduce_sum3A_49 = vector.shape_cast %mul3A_40 : vector<224x224xf32> to vector<1x224x224xf32>
    %reduce_sum3A_50 = arith.constant dense<0.000000e+00> : vector<1xf32>
    %reduce_sum3A_51 = vector.multi_reduction <add>, %reduce_sum3A_49, %reduce_sum3A_50 [1, 2] : vector<1x224x224xf32> to vector<1xf32>
    %reduce_sum3A_52 = vector.shape_cast %reduce_sum3A_51 : vector<1xf32> to vector<1x1x1xf32>
    %reduce_sum3A_53 = vector.extract %reduce_sum3A_52[0, 0, 0] : f32 from vector<1x1x1xf32>
    %div3A_54 = arith.constant 5.017600e+04 : f32
    %div3A_55 = arith.divf %reduce_sum3A_53, %div3A_54 : f32
    %reduce_sum3A_56 = vector.shape_cast %mul3A_41 : vector<224x224xf32> to vector<1x224x224xf32>
    %reduce_sum3A_57 = arith.constant dense<0.000000e+00> : vector<1xf32>
    %reduce_sum3A_58 = vector.multi_reduction <add>, %reduce_sum3A_56, %reduce_sum3A_57 [1, 2] : vector<1x224x224xf32> to vector<1xf32>
    %reduce_sum3A_59 = vector.shape_cast %reduce_sum3A_58 : vector<1xf32> to vector<1x1x1xf32>
    %reduce_sum3A_60 = vector.extract %reduce_sum3A_59[0, 0, 0] : f32 from vector<1x1x1xf32>
    %div3A_61 = arith.constant 5.017600e+04 : f32
    %div3A_62 = arith.divf %reduce_sum3A_60, %div3A_61 : f32
    %reduce_sum3A_63 = vector.shape_cast %mul3A_42 : vector<224x224xf32> to vector<1x224x224xf32>
    %reduce_sum3A_64 = arith.constant dense<0.000000e+00> : vector<1xf32>
    %reduce_sum3A_65 = vector.multi_reduction <add>, %reduce_sum3A_63, %reduce_sum3A_64 [1, 2] : vector<1x224x224xf32> to vector<1xf32>
    %reduce_sum3A_66 = vector.shape_cast %reduce_sum3A_65 : vector<1xf32> to vector<1x1x1xf32>
    %reduce_sum3A_67 = vector.extract %reduce_sum3A_66[0, 0, 0] : f32 from vector<1x1x1xf32>
    %div3A_68 = arith.constant 5.017600e+04 : f32
    %div3A_69 = arith.divf %reduce_sum3A_67, %div3A_68 : f32
    %mul3A_70 = arith.mulf %div3A_48, %div3A_48 : f32
    %sub3A_71 = arith.subf %div3A_55, %mul3A_70 : f32
    %mul3A_72 = arith.constant 4.000000e+00 : f32
    %mul3A_73 = arith.mulf %mul3A_72, %div3A_48 : f32
    %mul3A_74 = arith.mulf %mul3A_73, %div3A_62 : f32
    %sub3A_75 = arith.subf %div3A_69, %mul3A_74 : f32
    %mul3A_76 = arith.constant 6.000000e+00 : f32
    %mul3A_77 = arith.mulf %mul3A_76, %mul3A_70 : f32
    %mul3A_78 = arith.mulf %mul3A_77, %div3A_55 : f32
    %add3A_79 = arith.addf %sub3A_75, %mul3A_78 : f32
    %mul3A_80 = arith.constant 3.000000e+00 : f32
    %mul3A_81 = arith.mulf %mul3A_80, %mul3A_70 : f32
    %mul3A_82 = arith.mulf %mul3A_81, %mul3A_70 : f32
    %sub3A_83 = arith.subf %add3A_79, %mul3A_82 : f32
    %mul3A_84 = arith.mulf %sub3A_71, %sub3A_71 : f32
    %div3A_85 = arith.divf %sub3A_83, %mul3A_84 : f32
    %slice3A_86 = vector.extract_strided_slice %div3A_22 {offsets = [0, 0, 0], sizes = [1, 224, 224], strides = [1, 1, 1]} : vector<4x224x224xf32> to vector<1x224x224xf32>
    %squeeze3A_87 = vector.shape_cast %slice3A_86 : vector<1x224x224xf32> to vector<224x224xf32>
    %sub3A_88 = arith.constant 5.000000e-01 : f32
    %sub3A_89 = vector.broadcast %sub3A_88 : f32 to vector<224x224xf32>
    %sub3A_90 = arith.subf %squeeze3A_87, %sub3A_89 : vector<224x224xf32>
    %mul3A_91 = arith.mulf %sub3A_90, %sub3A_90 : vector<224x224xf32>
    %mul3A_92 = arith.mulf %mul3A_91, %sub3A_90 : vector<224x224xf32>
    %mul3A_93 = arith.mulf %mul3A_91, %mul3A_91 : vector<224x224xf32>
    %reduce_sum3A_94 = vector.shape_cast %sub3A_90 : vector<224x224xf32> to vector<1x224x224xf32>
    %reduce_sum3A_95 = arith.constant dense<0.000000e+00> : vector<1xf32>
    %reduce_sum3A_96 = vector.multi_reduction <add>, %reduce_sum3A_94, %reduce_sum3A_95 [1, 2] : vector<1x224x224xf32> to vector<1xf32>
    %reduce_sum3A_97 = vector.shape_cast %reduce_sum3A_96 : vector<1xf32> to vector<1x1x1xf32>
    %reduce_sum3A_98 = vector.extract %reduce_sum3A_97[0, 0, 0] : f32 from vector<1x1x1xf32>
    %div3A_99 = arith.constant 5.017600e+04 : f32
    %div3A_100 = arith.divf %reduce_sum3A_98, %div3A_99 : f32
    %reduce_sum3A_101 = vector.shape_cast %mul3A_91 : vector<224x224xf32> to vector<1x224x224xf32>
    %reduce_sum3A_102 = arith.constant dense<0.000000e+00> : vector<1xf32>
    %reduce_sum3A_103 = vector.multi_reduction <add>, %reduce_sum3A_101, %reduce_sum3A_102 [1, 2] : vector<1x224x224xf32> to vector<1xf32>
    %reduce_sum3A_104 = vector.shape_cast %reduce_sum3A_103 : vector<1xf32> to vector<1x1x1xf32>
    %reduce_sum3A_105 = vector.extract %reduce_sum3A_104[0, 0, 0] : f32 from vector<1x1x1xf32>
    %div3A_106 = arith.constant 5.017600e+04 : f32
    %div3A_107 = arith.divf %reduce_sum3A_105, %div3A_106 : f32
    %reduce_sum3A_108 = vector.shape_cast %mul3A_92 : vector<224x224xf32> to vector<1x224x224xf32>
    %reduce_sum3A_109 = arith.constant dense<0.000000e+00> : vector<1xf32>
    %reduce_sum3A_110 = vector.multi_reduction <add>, %reduce_sum3A_108, %reduce_sum3A_109 [1, 2] : vector<1x224x224xf32> to vector<1xf32>
    %reduce_sum3A_111 = vector.shape_cast %reduce_sum3A_110 : vector<1xf32> to vector<1x1x1xf32>
    %reduce_sum3A_112 = vector.extract %reduce_sum3A_111[0, 0, 0] : f32 from vector<1x1x1xf32>
    %div3A_113 = arith.constant 5.017600e+04 : f32
    %div3A_114 = arith.divf %reduce_sum3A_112, %div3A_113 : f32
    %reduce_sum3A_115 = vector.shape_cast %mul3A_93 : vector<224x224xf32> to vector<1x224x224xf32>
    %reduce_sum3A_116 = arith.constant dense<0.000000e+00> : vector<1xf32>
    %reduce_sum3A_117 = vector.multi_reduction <add>, %reduce_sum3A_115, %reduce_sum3A_116 [1, 2] : vector<1x224x224xf32> to vector<1xf32>
    %reduce_sum3A_118 = vector.shape_cast %reduce_sum3A_117 : vector<1xf32> to vector<1x1x1xf32>
    %reduce_sum3A_119 = vector.extract %reduce_sum3A_118[0, 0, 0] : f32 from vector<1x1x1xf32>
    %div3A_120 = arith.constant 5.017600e+04 : f32
    %div3A_121 = arith.divf %reduce_sum3A_119, %div3A_120 : f32
    %mul3A_122 = arith.mulf %div3A_100, %div3A_100 : f32
    %sub3A_123 = arith.subf %div3A_107, %mul3A_122 : f32
    %mul3A_124 = arith.constant 4.000000e+00 : f32
    %mul3A_125 = arith.mulf %mul3A_124, %div3A_100 : f32
    %mul3A_126 = arith.mulf %mul3A_125, %div3A_114 : f32
    %sub3A_127 = arith.subf %div3A_121, %mul3A_126 : f32
    %mul3A_128 = arith.constant 6.000000e+00 : f32
    %mul3A_129 = arith.mulf %mul3A_128, %mul3A_122 : f32
    %mul3A_130 = arith.mulf %mul3A_129, %div3A_107 : f32
    %add3A_131 = arith.addf %sub3A_127, %mul3A_130 : f32
    %mul3A_132 = arith.constant 3.000000e+00 : f32
    %mul3A_133 = arith.mulf %mul3A_132, %mul3A_122 : f32
    %mul3A_134 = arith.mulf %mul3A_133, %mul3A_122 : f32
    %sub3A_135 = arith.subf %add3A_131, %mul3A_134 : f32
    %mul3A_136 = arith.mulf %sub3A_123, %sub3A_123 : f32
    %div3A_137 = arith.divf %sub3A_135, %mul3A_136 : f32
    %sub3A_138 = arith.subf %div3A_85, %div3A_137 : f32
    %abs3A_139 = math.absf %sub3A_138 : f32
    %add3A_140 = arith.constant 0.000000e+00 : f32
    %add3A_141 = arith.addf %add3A_140, %abs3A_139 : f32
    %slice3A_142 = vector.extract_strided_slice %div3A_8 {offsets = [1, 0, 0], sizes = [1, 224, 224], strides = [1, 1, 1]} : vector<4x224x224xf32> to vector<1x224x224xf32>
    %squeeze3A_143 = vector.shape_cast %slice3A_142 : vector<1x224x224xf32> to vector<224x224xf32>
    %sub3A_144 = arith.constant 5.000000e-01 : f32
    %sub3A_145 = vector.broadcast %sub3A_144 : f32 to vector<224x224xf32>
    %sub3A_146 = arith.subf %squeeze3A_143, %sub3A_145 : vector<224x224xf32>
    %mul3A_147 = arith.mulf %sub3A_146, %sub3A_146 : vector<224x224xf32>
    %mul3A_148 = arith.mulf %mul3A_147, %sub3A_146 : vector<224x224xf32>
    %mul3A_149 = arith.mulf %mul3A_147, %mul3A_147 : vector<224x224xf32>
    %reduce_sum3A_150 = vector.shape_cast %sub3A_146 : vector<224x224xf32> to vector<1x224x224xf32>
    %reduce_sum3A_151 = arith.constant dense<0.000000e+00> : vector<1xf32>
    %reduce_sum3A_152 = vector.multi_reduction <add>, %reduce_sum3A_150, %reduce_sum3A_151 [1, 2] : vector<1x224x224xf32> to vector<1xf32>
    %reduce_sum3A_153 = vector.shape_cast %reduce_sum3A_152 : vector<1xf32> to vector<1x1x1xf32>
    %reduce_sum3A_154 = vector.extract %reduce_sum3A_153[0, 0, 0] : f32 from vector<1x1x1xf32>
    %div3A_155 = arith.constant 5.017600e+04 : f32
    %div3A_156 = arith.divf %reduce_sum3A_154, %div3A_155 : f32
    %reduce_sum3A_157 = vector.shape_cast %mul3A_147 : vector<224x224xf32> to vector<1x224x224xf32>
    %reduce_sum3A_158 = arith.constant dense<0.000000e+00> : vector<1xf32>
    %reduce_sum3A_159 = vector.multi_reduction <add>, %reduce_sum3A_157, %reduce_sum3A_158 [1, 2] : vector<1x224x224xf32> to vector<1xf32>
    %reduce_sum3A_160 = vector.shape_cast %reduce_sum3A_159 : vector<1xf32> to vector<1x1x1xf32>
    %reduce_sum3A_161 = vector.extract %reduce_sum3A_160[0, 0, 0] : f32 from vector<1x1x1xf32>
    %div3A_162 = arith.constant 5.017600e+04 : f32
    %div3A_163 = arith.divf %reduce_sum3A_161, %div3A_162 : f32
    %reduce_sum3A_164 = vector.shape_cast %mul3A_148 : vector<224x224xf32> to vector<1x224x224xf32>
    %reduce_sum3A_165 = arith.constant dense<0.000000e+00> : vector<1xf32>
    %reduce_sum3A_166 = vector.multi_reduction <add>, %reduce_sum3A_164, %reduce_sum3A_165 [1, 2] : vector<1x224x224xf32> to vector<1xf32>
    %reduce_sum3A_167 = vector.shape_cast %reduce_sum3A_166 : vector<1xf32> to vector<1x1x1xf32>
    %reduce_sum3A_168 = vector.extract %reduce_sum3A_167[0, 0, 0] : f32 from vector<1x1x1xf32>
    %div3A_169 = arith.constant 5.017600e+04 : f32
    %div3A_170 = arith.divf %reduce_sum3A_168, %div3A_169 : f32
    %reduce_sum3A_171 = vector.shape_cast %mul3A_149 : vector<224x224xf32> to vector<1x224x224xf32>
    %reduce_sum3A_172 = arith.constant dense<0.000000e+00> : vector<1xf32>
    %reduce_sum3A_173 = vector.multi_reduction <add>, %reduce_sum3A_171, %reduce_sum3A_172 [1, 2] : vector<1x224x224xf32> to vector<1xf32>
    %reduce_sum3A_174 = vector.shape_cast %reduce_sum3A_173 : vector<1xf32> to vector<1x1x1xf32>
    %reduce_sum3A_175 = vector.extract %reduce_sum3A_174[0, 0, 0] : f32 from vector<1x1x1xf32>
    %div3A_176 = arith.constant 5.017600e+04 : f32
    %div3A_177 = arith.divf %reduce_sum3A_175, %div3A_176 : f32
    %mul3A_178 = arith.mulf %div3A_156, %div3A_156 : f32
    %sub3A_179 = arith.subf %div3A_163, %mul3A_178 : f32
    %mul3A_180 = arith.constant 4.000000e+00 : f32
    %mul3A_181 = arith.mulf %mul3A_180, %div3A_156 : f32
    %mul3A_182 = arith.mulf %mul3A_181, %div3A_170 : f32
    %sub3A_183 = arith.subf %div3A_177, %mul3A_182 : f32
    %mul3A_184 = arith.constant 6.000000e+00 : f32
    %mul3A_185 = arith.mulf %mul3A_184, %mul3A_178 : f32
    %mul3A_186 = arith.mulf %mul3A_185, %div3A_163 : f32
    %add3A_187 = arith.addf %sub3A_183, %mul3A_186 : f32
    %mul3A_188 = arith.constant 3.000000e+00 : f32
    %mul3A_189 = arith.mulf %mul3A_188, %mul3A_178 : f32
    %mul3A_190 = arith.mulf %mul3A_189, %mul3A_178 : f32
    %sub3A_191 = arith.subf %add3A_187, %mul3A_190 : f32
    %mul3A_192 = arith.mulf %sub3A_179, %sub3A_179 : f32
    %div3A_193 = arith.divf %sub3A_191, %mul3A_192 : f32
    %slice3A_194 = vector.extract_strided_slice %div3A_22 {offsets = [1, 0, 0], sizes = [1, 224, 224], strides = [1, 1, 1]} : vector<4x224x224xf32> to vector<1x224x224xf32>
    %squeeze3A_195 = vector.shape_cast %slice3A_194 : vector<1x224x224xf32> to vector<224x224xf32>
    %sub3A_196 = arith.constant 5.000000e-01 : f32
    %sub3A_197 = vector.broadcast %sub3A_196 : f32 to vector<224x224xf32>
    %sub3A_198 = arith.subf %squeeze3A_195, %sub3A_197 : vector<224x224xf32>
    %mul3A_199 = arith.mulf %sub3A_198, %sub3A_198 : vector<224x224xf32>
    %mul3A_200 = arith.mulf %mul3A_199, %sub3A_198 : vector<224x224xf32>
    %mul3A_201 = arith.mulf %mul3A_199, %mul3A_199 : vector<224x224xf32>
    %reduce_sum3A_202 = vector.shape_cast %sub3A_198 : vector<224x224xf32> to vector<1x224x224xf32>
    %reduce_sum3A_203 = arith.constant dense<0.000000e+00> : vector<1xf32>
    %reduce_sum3A_204 = vector.multi_reduction <add>, %reduce_sum3A_202, %reduce_sum3A_203 [1, 2] : vector<1x224x224xf32> to vector<1xf32>
    %reduce_sum3A_205 = vector.shape_cast %reduce_sum3A_204 : vector<1xf32> to vector<1x1x1xf32>
    %reduce_sum3A_206 = vector.extract %reduce_sum3A_205[0, 0, 0] : f32 from vector<1x1x1xf32>
    %div3A_207 = arith.constant 5.017600e+04 : f32
    %div3A_208 = arith.divf %reduce_sum3A_206, %div3A_207 : f32
    %reduce_sum3A_209 = vector.shape_cast %mul3A_199 : vector<224x224xf32> to vector<1x224x224xf32>
    %reduce_sum3A_210 = arith.constant dense<0.000000e+00> : vector<1xf32>
    %reduce_sum3A_211 = vector.multi_reduction <add>, %reduce_sum3A_209, %reduce_sum3A_210 [1, 2] : vector<1x224x224xf32> to vector<1xf32>
    %reduce_sum3A_212 = vector.shape_cast %reduce_sum3A_211 : vector<1xf32> to vector<1x1x1xf32>
    %reduce_sum3A_213 = vector.extract %reduce_sum3A_212[0, 0, 0] : f32 from vector<1x1x1xf32>
    %div3A_214 = arith.constant 5.017600e+04 : f32
    %div3A_215 = arith.divf %reduce_sum3A_213, %div3A_214 : f32
    %reduce_sum3A_216 = vector.shape_cast %mul3A_200 : vector<224x224xf32> to vector<1x224x224xf32>
    %reduce_sum3A_217 = arith.constant dense<0.000000e+00> : vector<1xf32>
    %reduce_sum3A_218 = vector.multi_reduction <add>, %reduce_sum3A_216, %reduce_sum3A_217 [1, 2] : vector<1x224x224xf32> to vector<1xf32>
    %reduce_sum3A_219 = vector.shape_cast %reduce_sum3A_218 : vector<1xf32> to vector<1x1x1xf32>
    %reduce_sum3A_220 = vector.extract %reduce_sum3A_219[0, 0, 0] : f32 from vector<1x1x1xf32>
    %div3A_221 = arith.constant 5.017600e+04 : f32
    %div3A_222 = arith.divf %reduce_sum3A_220, %div3A_221 : f32
    %reduce_sum3A_223 = vector.shape_cast %mul3A_201 : vector<224x224xf32> to vector<1x224x224xf32>
    %reduce_sum3A_224 = arith.constant dense<0.000000e+00> : vector<1xf32>
    %reduce_sum3A_225 = vector.multi_reduction <add>, %reduce_sum3A_223, %reduce_sum3A_224 [1, 2] : vector<1x224x224xf32> to vector<1xf32>
    %reduce_sum3A_226 = vector.shape_cast %reduce_sum3A_225 : vector<1xf32> to vector<1x1x1xf32>
    %reduce_sum3A_227 = vector.extract %reduce_sum3A_226[0, 0, 0] : f32 from vector<1x1x1xf32>
    %div3A_228 = arith.constant 5.017600e+04 : f32
    %div3A_229 = arith.divf %reduce_sum3A_227, %div3A_228 : f32
    %mul3A_230 = arith.mulf %div3A_208, %div3A_208 : f32
    %sub3A_231 = arith.subf %div3A_215, %mul3A_230 : f32
    %mul3A_232 = arith.constant 4.000000e+00 : f32
    %mul3A_233 = arith.mulf %mul3A_232, %div3A_208 : f32
    %mul3A_234 = arith.mulf %mul3A_233, %div3A_222 : f32
    %sub3A_235 = arith.subf %div3A_229, %mul3A_234 : f32
    %mul3A_236 = arith.constant 6.000000e+00 : f32
    %mul3A_237 = arith.mulf %mul3A_236, %mul3A_230 : f32
    %mul3A_238 = arith.mulf %mul3A_237, %div3A_215 : f32
    %add3A_239 = arith.addf %sub3A_235, %mul3A_238 : f32
    %mul3A_240 = arith.constant 3.000000e+00 : f32
    %mul3A_241 = arith.mulf %mul3A_240, %mul3A_230 : f32
    %mul3A_242 = arith.mulf %mul3A_241, %mul3A_230 : f32
    %sub3A_243 = arith.subf %add3A_239, %mul3A_242 : f32
    %mul3A_244 = arith.mulf %sub3A_231, %sub3A_231 : f32
    %div3A_245 = arith.divf %sub3A_243, %mul3A_244 : f32
    %sub3A_246 = arith.subf %div3A_193, %div3A_245 : f32
    %abs3A_247 = math.absf %sub3A_246 : f32
    %add3A_248 = arith.addf %add3A_141, %abs3A_247 : f32
    %slice3A_249 = vector.extract_strided_slice %div3A_8 {offsets = [2, 0, 0], sizes = [1, 224, 224], strides = [1, 1, 1]} : vector<4x224x224xf32> to vector<1x224x224xf32>
    %squeeze3A_250 = vector.shape_cast %slice3A_249 : vector<1x224x224xf32> to vector<224x224xf32>
    %sub3A_251 = arith.constant 5.000000e-01 : f32
    %sub3A_252 = vector.broadcast %sub3A_251 : f32 to vector<224x224xf32>
    %sub3A_253 = arith.subf %squeeze3A_250, %sub3A_252 : vector<224x224xf32>
    %mul3A_254 = arith.mulf %sub3A_253, %sub3A_253 : vector<224x224xf32>
    %mul3A_255 = arith.mulf %mul3A_254, %sub3A_253 : vector<224x224xf32>
    %mul3A_256 = arith.mulf %mul3A_254, %mul3A_254 : vector<224x224xf32>
    %reduce_sum3A_257 = vector.shape_cast %sub3A_253 : vector<224x224xf32> to vector<1x224x224xf32>
    %reduce_sum3A_258 = arith.constant dense<0.000000e+00> : vector<1xf32>
    %reduce_sum3A_259 = vector.multi_reduction <add>, %reduce_sum3A_257, %reduce_sum3A_258 [1, 2] : vector<1x224x224xf32> to vector<1xf32>
    %reduce_sum3A_260 = vector.shape_cast %reduce_sum3A_259 : vector<1xf32> to vector<1x1x1xf32>
    %reduce_sum3A_261 = vector.extract %reduce_sum3A_260[0, 0, 0] : f32 from vector<1x1x1xf32>
    %div3A_262 = arith.constant 5.017600e+04 : f32
    %div3A_263 = arith.divf %reduce_sum3A_261, %div3A_262 : f32
    %reduce_sum3A_264 = vector.shape_cast %mul3A_254 : vector<224x224xf32> to vector<1x224x224xf32>
    %reduce_sum3A_265 = arith.constant dense<0.000000e+00> : vector<1xf32>
    %reduce_sum3A_266 = vector.multi_reduction <add>, %reduce_sum3A_264, %reduce_sum3A_265 [1, 2] : vector<1x224x224xf32> to vector<1xf32>
    %reduce_sum3A_267 = vector.shape_cast %reduce_sum3A_266 : vector<1xf32> to vector<1x1x1xf32>
    %reduce_sum3A_268 = vector.extract %reduce_sum3A_267[0, 0, 0] : f32 from vector<1x1x1xf32>
    %div3A_269 = arith.constant 5.017600e+04 : f32
    %div3A_270 = arith.divf %reduce_sum3A_268, %div3A_269 : f32
    %reduce_sum3A_271 = vector.shape_cast %mul3A_255 : vector<224x224xf32> to vector<1x224x224xf32>
    %reduce_sum3A_272 = arith.constant dense<0.000000e+00> : vector<1xf32>
    %reduce_sum3A_273 = vector.multi_reduction <add>, %reduce_sum3A_271, %reduce_sum3A_272 [1, 2] : vector<1x224x224xf32> to vector<1xf32>
    %reduce_sum3A_274 = vector.shape_cast %reduce_sum3A_273 : vector<1xf32> to vector<1x1x1xf32>
    %reduce_sum3A_275 = vector.extract %reduce_sum3A_274[0, 0, 0] : f32 from vector<1x1x1xf32>
    %div3A_276 = arith.constant 5.017600e+04 : f32
    %div3A_277 = arith.divf %reduce_sum3A_275, %div3A_276 : f32
    %reduce_sum3A_278 = vector.shape_cast %mul3A_256 : vector<224x224xf32> to vector<1x224x224xf32>
    %reduce_sum3A_279 = arith.constant dense<0.000000e+00> : vector<1xf32>
    %reduce_sum3A_280 = vector.multi_reduction <add>, %reduce_sum3A_278, %reduce_sum3A_279 [1, 2] : vector<1x224x224xf32> to vector<1xf32>
    %reduce_sum3A_281 = vector.shape_cast %reduce_sum3A_280 : vector<1xf32> to vector<1x1x1xf32>
    %reduce_sum3A_282 = vector.extract %reduce_sum3A_281[0, 0, 0] : f32 from vector<1x1x1xf32>
    %div3A_283 = arith.constant 5.017600e+04 : f32
    %div3A_284 = arith.divf %reduce_sum3A_282, %div3A_283 : f32
    %mul3A_285 = arith.mulf %div3A_263, %div3A_263 : f32
    %sub3A_286 = arith.subf %div3A_270, %mul3A_285 : f32
    %mul3A_287 = arith.constant 4.000000e+00 : f32
    %mul3A_288 = arith.mulf %mul3A_287, %div3A_263 : f32
    %mul3A_289 = arith.mulf %mul3A_288, %div3A_277 : f32
    %sub3A_290 = arith.subf %div3A_284, %mul3A_289 : f32
    %mul3A_291 = arith.constant 6.000000e+00 : f32
    %mul3A_292 = arith.mulf %mul3A_291, %mul3A_285 : f32
    %mul3A_293 = arith.mulf %mul3A_292, %div3A_270 : f32
    %add3A_294 = arith.addf %sub3A_290, %mul3A_293 : f32
    %mul3A_295 = arith.constant 3.000000e+00 : f32
    %mul3A_296 = arith.mulf %mul3A_295, %mul3A_285 : f32
    %mul3A_297 = arith.mulf %mul3A_296, %mul3A_285 : f32
    %sub3A_298 = arith.subf %add3A_294, %mul3A_297 : f32
    %mul3A_299 = arith.mulf %sub3A_286, %sub3A_286 : f32
    %div3A_300 = arith.divf %sub3A_298, %mul3A_299 : f32
    %slice3A_301 = vector.extract_strided_slice %div3A_22 {offsets = [2, 0, 0], sizes = [1, 224, 224], strides = [1, 1, 1]} : vector<4x224x224xf32> to vector<1x224x224xf32>
    %squeeze3A_302 = vector.shape_cast %slice3A_301 : vector<1x224x224xf32> to vector<224x224xf32>
    %sub3A_303 = arith.constant 5.000000e-01 : f32
    %sub3A_304 = vector.broadcast %sub3A_303 : f32 to vector<224x224xf32>
    %sub3A_305 = arith.subf %squeeze3A_302, %sub3A_304 : vector<224x224xf32>
    %mul3A_306 = arith.mulf %sub3A_305, %sub3A_305 : vector<224x224xf32>
    %mul3A_307 = arith.mulf %mul3A_306, %sub3A_305 : vector<224x224xf32>
    %mul3A_308 = arith.mulf %mul3A_306, %mul3A_306 : vector<224x224xf32>
    %reduce_sum3A_309 = vector.shape_cast %sub3A_305 : vector<224x224xf32> to vector<1x224x224xf32>
    %reduce_sum3A_310 = arith.constant dense<0.000000e+00> : vector<1xf32>
    %reduce_sum3A_311 = vector.multi_reduction <add>, %reduce_sum3A_309, %reduce_sum3A_310 [1, 2] : vector<1x224x224xf32> to vector<1xf32>
    %reduce_sum3A_312 = vector.shape_cast %reduce_sum3A_311 : vector<1xf32> to vector<1x1x1xf32>
    %reduce_sum3A_313 = vector.extract %reduce_sum3A_312[0, 0, 0] : f32 from vector<1x1x1xf32>
    %div3A_314 = arith.constant 5.017600e+04 : f32
    %div3A_315 = arith.divf %reduce_sum3A_313, %div3A_314 : f32
    %reduce_sum3A_316 = vector.shape_cast %mul3A_306 : vector<224x224xf32> to vector<1x224x224xf32>
    %reduce_sum3A_317 = arith.constant dense<0.000000e+00> : vector<1xf32>
    %reduce_sum3A_318 = vector.multi_reduction <add>, %reduce_sum3A_316, %reduce_sum3A_317 [1, 2] : vector<1x224x224xf32> to vector<1xf32>
    %reduce_sum3A_319 = vector.shape_cast %reduce_sum3A_318 : vector<1xf32> to vector<1x1x1xf32>
    %reduce_sum3A_320 = vector.extract %reduce_sum3A_319[0, 0, 0] : f32 from vector<1x1x1xf32>
    %div3A_321 = arith.constant 5.017600e+04 : f32
    %div3A_322 = arith.divf %reduce_sum3A_320, %div3A_321 : f32
    %reduce_sum3A_323 = vector.shape_cast %mul3A_307 : vector<224x224xf32> to vector<1x224x224xf32>
    %reduce_sum3A_324 = arith.constant dense<0.000000e+00> : vector<1xf32>
    %reduce_sum3A_325 = vector.multi_reduction <add>, %reduce_sum3A_323, %reduce_sum3A_324 [1, 2] : vector<1x224x224xf32> to vector<1xf32>
    %reduce_sum3A_326 = vector.shape_cast %reduce_sum3A_325 : vector<1xf32> to vector<1x1x1xf32>
    %reduce_sum3A_327 = vector.extract %reduce_sum3A_326[0, 0, 0] : f32 from vector<1x1x1xf32>
    %div3A_328 = arith.constant 5.017600e+04 : f32
    %div3A_329 = arith.divf %reduce_sum3A_327, %div3A_328 : f32
    %reduce_sum3A_330 = vector.shape_cast %mul3A_308 : vector<224x224xf32> to vector<1x224x224xf32>
    %reduce_sum3A_331 = arith.constant dense<0.000000e+00> : vector<1xf32>
    %reduce_sum3A_332 = vector.multi_reduction <add>, %reduce_sum3A_330, %reduce_sum3A_331 [1, 2] : vector<1x224x224xf32> to vector<1xf32>
    %reduce_sum3A_333 = vector.shape_cast %reduce_sum3A_332 : vector<1xf32> to vector<1x1x1xf32>
    %reduce_sum3A_334 = vector.extract %reduce_sum3A_333[0, 0, 0] : f32 from vector<1x1x1xf32>
    %div3A_335 = arith.constant 5.017600e+04 : f32
    %div3A_336 = arith.divf %reduce_sum3A_334, %div3A_335 : f32
    %mul3A_337 = arith.mulf %div3A_315, %div3A_315 : f32
    %sub3A_338 = arith.subf %div3A_322, %mul3A_337 : f32
    %mul3A_339 = arith.constant 4.000000e+00 : f32
    %mul3A_340 = arith.mulf %mul3A_339, %div3A_315 : f32
    %mul3A_341 = arith.mulf %mul3A_340, %div3A_329 : f32
    %sub3A_342 = arith.subf %div3A_336, %mul3A_341 : f32
    %mul3A_343 = arith.constant 6.000000e+00 : f32
    %mul3A_344 = arith.mulf %mul3A_343, %mul3A_337 : f32
    %mul3A_345 = arith.mulf %mul3A_344, %div3A_322 : f32
    %add3A_346 = arith.addf %sub3A_342, %mul3A_345 : f32
    %mul3A_347 = arith.constant 3.000000e+00 : f32
    %mul3A_348 = arith.mulf %mul3A_347, %mul3A_337 : f32
    %mul3A_349 = arith.mulf %mul3A_348, %mul3A_337 : f32
    %sub3A_350 = arith.subf %add3A_346, %mul3A_349 : f32
    %mul3A_351 = arith.mulf %sub3A_338, %sub3A_338 : f32
    %div3A_352 = arith.divf %sub3A_350, %mul3A_351 : f32
    %sub3A_353 = arith.subf %div3A_300, %div3A_352 : f32
    %abs3A_354 = math.absf %sub3A_353 : f32
    %add3A_355 = arith.addf %add3A_248, %abs3A_354 : f32
    %slice3A_356 = vector.extract_strided_slice %div3A_8 {offsets = [3, 0, 0], sizes = [1, 224, 224], strides = [1, 1, 1]} : vector<4x224x224xf32> to vector<1x224x224xf32>
    %squeeze3A_357 = vector.shape_cast %slice3A_356 : vector<1x224x224xf32> to vector<224x224xf32>
    %sub3A_358 = arith.constant 5.000000e-01 : f32
    %sub3A_359 = vector.broadcast %sub3A_358 : f32 to vector<224x224xf32>
    %sub3A_360 = arith.subf %squeeze3A_357, %sub3A_359 : vector<224x224xf32>
    %mul3A_361 = arith.mulf %sub3A_360, %sub3A_360 : vector<224x224xf32>
    %mul3A_362 = arith.mulf %mul3A_361, %sub3A_360 : vector<224x224xf32>
    %mul3A_363 = arith.mulf %mul3A_361, %mul3A_361 : vector<224x224xf32>
    %reduce_sum3A_364 = vector.shape_cast %sub3A_360 : vector<224x224xf32> to vector<1x224x224xf32>
    %reduce_sum3A_365 = arith.constant dense<0.000000e+00> : vector<1xf32>
    %reduce_sum3A_366 = vector.multi_reduction <add>, %reduce_sum3A_364, %reduce_sum3A_365 [1, 2] : vector<1x224x224xf32> to vector<1xf32>
    %reduce_sum3A_367 = vector.shape_cast %reduce_sum3A_366 : vector<1xf32> to vector<1x1x1xf32>
    %reduce_sum3A_368 = vector.extract %reduce_sum3A_367[0, 0, 0] : f32 from vector<1x1x1xf32>
    %div3A_369 = arith.constant 5.017600e+04 : f32
    %div3A_370 = arith.divf %reduce_sum3A_368, %div3A_369 : f32
    %reduce_sum3A_371 = vector.shape_cast %mul3A_361 : vector<224x224xf32> to vector<1x224x224xf32>
    %reduce_sum3A_372 = arith.constant dense<0.000000e+00> : vector<1xf32>
    %reduce_sum3A_373 = vector.multi_reduction <add>, %reduce_sum3A_371, %reduce_sum3A_372 [1, 2] : vector<1x224x224xf32> to vector<1xf32>
    %reduce_sum3A_374 = vector.shape_cast %reduce_sum3A_373 : vector<1xf32> to vector<1x1x1xf32>
    %reduce_sum3A_375 = vector.extract %reduce_sum3A_374[0, 0, 0] : f32 from vector<1x1x1xf32>
    %div3A_376 = arith.constant 5.017600e+04 : f32
    %div3A_377 = arith.divf %reduce_sum3A_375, %div3A_376 : f32
    %reduce_sum3A_378 = vector.shape_cast %mul3A_362 : vector<224x224xf32> to vector<1x224x224xf32>
    %reduce_sum3A_379 = arith.constant dense<0.000000e+00> : vector<1xf32>
    %reduce_sum3A_380 = vector.multi_reduction <add>, %reduce_sum3A_378, %reduce_sum3A_379 [1, 2] : vector<1x224x224xf32> to vector<1xf32>
    %reduce_sum3A_381 = vector.shape_cast %reduce_sum3A_380 : vector<1xf32> to vector<1x1x1xf32>
    %reduce_sum3A_382 = vector.extract %reduce_sum3A_381[0, 0, 0] : f32 from vector<1x1x1xf32>
    %div3A_383 = arith.constant 5.017600e+04 : f32
    %div3A_384 = arith.divf %reduce_sum3A_382, %div3A_383 : f32
    %reduce_sum3A_385 = vector.shape_cast %mul3A_363 : vector<224x224xf32> to vector<1x224x224xf32>
    %reduce_sum3A_386 = arith.constant dense<0.000000e+00> : vector<1xf32>
    %reduce_sum3A_387 = vector.multi_reduction <add>, %reduce_sum3A_385, %reduce_sum3A_386 [1, 2] : vector<1x224x224xf32> to vector<1xf32>
    %reduce_sum3A_388 = vector.shape_cast %reduce_sum3A_387 : vector<1xf32> to vector<1x1x1xf32>
    %reduce_sum3A_389 = vector.extract %reduce_sum3A_388[0, 0, 0] : f32 from vector<1x1x1xf32>
    %div3A_390 = arith.constant 5.017600e+04 : f32
    %div3A_391 = arith.divf %reduce_sum3A_389, %div3A_390 : f32
    %mul3A_392 = arith.mulf %div3A_370, %div3A_370 : f32
    %sub3A_393 = arith.subf %div3A_377, %mul3A_392 : f32
    %mul3A_394 = arith.constant 4.000000e+00 : f32
    %mul3A_395 = arith.mulf %mul3A_394, %div3A_370 : f32
    %mul3A_396 = arith.mulf %mul3A_395, %div3A_384 : f32
    %sub3A_397 = arith.subf %div3A_391, %mul3A_396 : f32
    %mul3A_398 = arith.constant 6.000000e+00 : f32
    %mul3A_399 = arith.mulf %mul3A_398, %mul3A_392 : f32
    %mul3A_400 = arith.mulf %mul3A_399, %div3A_377 : f32
    %add3A_401 = arith.addf %sub3A_397, %mul3A_400 : f32
    %mul3A_402 = arith.constant 3.000000e+00 : f32
    %mul3A_403 = arith.mulf %mul3A_402, %mul3A_392 : f32
    %mul3A_404 = arith.mulf %mul3A_403, %mul3A_392 : f32
    %sub3A_405 = arith.subf %add3A_401, %mul3A_404 : f32
    %mul3A_406 = arith.mulf %sub3A_393, %sub3A_393 : f32
    %div3A_407 = arith.divf %sub3A_405, %mul3A_406 : f32
    %slice3A_408 = vector.extract_strided_slice %div3A_22 {offsets = [3, 0, 0], sizes = [1, 224, 224], strides = [1, 1, 1]} : vector<4x224x224xf32> to vector<1x224x224xf32>
    %squeeze3A_409 = vector.shape_cast %slice3A_408 : vector<1x224x224xf32> to vector<224x224xf32>
    %sub3A_410 = arith.constant 5.000000e-01 : f32
    %sub3A_411 = vector.broadcast %sub3A_410 : f32 to vector<224x224xf32>
    %sub3A_412 = arith.subf %squeeze3A_409, %sub3A_411 : vector<224x224xf32>
    %mul3A_413 = arith.mulf %sub3A_412, %sub3A_412 : vector<224x224xf32>
    %mul3A_414 = arith.mulf %mul3A_413, %sub3A_412 : vector<224x224xf32>
    %mul3A_415 = arith.mulf %mul3A_413, %mul3A_413 : vector<224x224xf32>
    %reduce_sum3A_416 = vector.shape_cast %sub3A_412 : vector<224x224xf32> to vector<1x224x224xf32>
    %reduce_sum3A_417 = arith.constant dense<0.000000e+00> : vector<1xf32>
    %reduce_sum3A_418 = vector.multi_reduction <add>, %reduce_sum3A_416, %reduce_sum3A_417 [1, 2] : vector<1x224x224xf32> to vector<1xf32>
    %reduce_sum3A_419 = vector.shape_cast %reduce_sum3A_418 : vector<1xf32> to vector<1x1x1xf32>
    %reduce_sum3A_420 = vector.extract %reduce_sum3A_419[0, 0, 0] : f32 from vector<1x1x1xf32>
    %div3A_421 = arith.constant 5.017600e+04 : f32
    %div3A_422 = arith.divf %reduce_sum3A_420, %div3A_421 : f32
    %reduce_sum3A_423 = vector.shape_cast %mul3A_413 : vector<224x224xf32> to vector<1x224x224xf32>
    %reduce_sum3A_424 = arith.constant dense<0.000000e+00> : vector<1xf32>
    %reduce_sum3A_425 = vector.multi_reduction <add>, %reduce_sum3A_423, %reduce_sum3A_424 [1, 2] : vector<1x224x224xf32> to vector<1xf32>
    %reduce_sum3A_426 = vector.shape_cast %reduce_sum3A_425 : vector<1xf32> to vector<1x1x1xf32>
    %reduce_sum3A_427 = vector.extract %reduce_sum3A_426[0, 0, 0] : f32 from vector<1x1x1xf32>
    %div3A_428 = arith.constant 5.017600e+04 : f32
    %div3A_429 = arith.divf %reduce_sum3A_427, %div3A_428 : f32
    %reduce_sum3A_430 = vector.shape_cast %mul3A_414 : vector<224x224xf32> to vector<1x224x224xf32>
    %reduce_sum3A_431 = arith.constant dense<0.000000e+00> : vector<1xf32>
    %reduce_sum3A_432 = vector.multi_reduction <add>, %reduce_sum3A_430, %reduce_sum3A_431 [1, 2] : vector<1x224x224xf32> to vector<1xf32>
    %reduce_sum3A_433 = vector.shape_cast %reduce_sum3A_432 : vector<1xf32> to vector<1x1x1xf32>
    %reduce_sum3A_434 = vector.extract %reduce_sum3A_433[0, 0, 0] : f32 from vector<1x1x1xf32>
    %div3A_435 = arith.constant 5.017600e+04 : f32
    %div3A_436 = arith.divf %reduce_sum3A_434, %div3A_435 : f32
    %reduce_sum3A_437 = vector.shape_cast %mul3A_415 : vector<224x224xf32> to vector<1x224x224xf32>
    %reduce_sum3A_438 = arith.constant dense<0.000000e+00> : vector<1xf32>
    %reduce_sum3A_439 = vector.multi_reduction <add>, %reduce_sum3A_437, %reduce_sum3A_438 [1, 2] : vector<1x224x224xf32> to vector<1xf32>
    %reduce_sum3A_440 = vector.shape_cast %reduce_sum3A_439 : vector<1xf32> to vector<1x1x1xf32>
    %reduce_sum3A_441 = vector.extract %reduce_sum3A_440[0, 0, 0] : f32 from vector<1x1x1xf32>
    %div3A_442 = arith.constant 5.017600e+04 : f32
    %div3A_443 = arith.divf %reduce_sum3A_441, %div3A_442 : f32
    %mul3A_444 = arith.mulf %div3A_422, %div3A_422 : f32
    %sub3A_445 = arith.subf %div3A_429, %mul3A_444 : f32
    %mul3A_446 = arith.constant 4.000000e+00 : f32
    %mul3A_447 = arith.mulf %mul3A_446, %div3A_422 : f32
    %mul3A_448 = arith.mulf %mul3A_447, %div3A_436 : f32
    %sub3A_449 = arith.subf %div3A_443, %mul3A_448 : f32
    %mul3A_450 = arith.constant 6.000000e+00 : f32
    %mul3A_451 = arith.mulf %mul3A_450, %mul3A_444 : f32
    %mul3A_452 = arith.mulf %mul3A_451, %div3A_429 : f32
    %add3A_453 = arith.addf %sub3A_449, %mul3A_452 : f32
    %mul3A_454 = arith.constant 3.000000e+00 : f32
    %mul3A_455 = arith.mulf %mul3A_454, %mul3A_444 : f32
    %mul3A_456 = arith.mulf %mul3A_455, %mul3A_444 : f32
    %sub3A_457 = arith.subf %add3A_453, %mul3A_456 : f32
    %mul3A_458 = arith.mulf %sub3A_445, %sub3A_445 : f32
    %div3A_459 = arith.divf %sub3A_457, %mul3A_458 : f32
    %sub3A_460 = arith.subf %div3A_407, %div3A_459 : f32
    %abs3A_461 = math.absf %sub3A_460 : f32
    %add3A_462 = arith.addf %add3A_355, %abs3A_461 : f32
    %eq3A = arith.constant 0 : i32
    %eq3A_463 = arith.cmpi eq, %arg0, %eq3A : i32
    %get3A_464 = arith.constant 0 : index
    %get3A_465 = arith.constant 0 : index
    %get3A_466 = memref.load %arg4[%get3A_464, %get3A_465] : memref<1x1xf32, #tpu.memory_space<smem>>
    %jit3A = arith.constant 0.000000e+00 : f32
    %select_n3A = arith.select %eq3A_463, %jit3A, %get3A_466 : f32
    %add3A_467 = arith.addf %select_n3A, %add3A_462 : f32
    %swap3A_468 = arith.constant 0 : index
    %swap3A_469 = arith.constant 0 : index
    %swap3A_470 = memref.load %arg4[%swap3A_468, %swap3A_469] : memref<1x1xf32, #tpu.memory_space<smem>>
    memref.store %add3A_467, %arg4[%swap3A_468, %swap3A_469] : memref<1x1xf32, #tpu.memory_space<smem>>
    return
  }
  func.func @transform_0(%arg0: i32) -> (i32, i32, i32) {
    %add3A = arith.constant 0 : i32
    %add3A_0 = arith.addi %arg0, %add3A : i32
    %c0_i32 = arith.constant 0 : i32
    %c0_i32_1 = arith.constant 0 : i32
    %c0_i32_2 = arith.constant 0 : i32
    return %add3A_0, %c0_i32, %c0_i32_1 : i32, i32, i32
  }
  func.func @transform_1(%arg0: i32) -> (i32, i32, i32) {
    %add3A = arith.constant 0 : i32
    %add3A_0 = arith.addi %arg0, %add3A : i32
    %c0_i32 = arith.constant 0 : i32
    %c0_i32_1 = arith.constant 0 : i32
    %c0_i32_2 = arith.constant 0 : i32
    return %add3A_0, %c0_i32, %c0_i32_1 : i32, i32, i32
  }
  func.func @transform_2(%arg0: i32) -> (i32, i32, i32) {
    %c0_i32 = arith.constant 0 : i32
    %c0_i32_0 = arith.constant 0 : i32
    %c0_i32_1 = arith.constant 0 : i32
    return %arg0, %c0_i32, %c0_i32_0 : i32, i32, i32
  }
  func.func @transform_3(%arg0: i32) -> (i32, i32) {
    %c0_i32 = arith.constant 0 : i32
    %c0_i32_0 = arith.constant 0 : i32
    %c0_i32_1 = arith.constant 0 : i32
    return %c0_i32, %c0_i32_0 : i32, i32
  }
}

module attributes {stable_mosaic.version = 14 : i64} {
  func.func @_combine_body(%arg0: memref<1024x128xf32, #tpu.memory_space<vmem>>, %arg1: memref<1024x128xf32, #tpu.memory_space<vmem>>, %arg2: memref<1024x128xf32, #tpu.memory_space<vmem>>, %arg3: memref<1024x128xf32, #tpu.memory_space<vmem>>, %arg4: memref<1x1xf32, #tpu.memory_space<smem>>, %arg5: memref<1x1xf32, #tpu.memory_space<smem>>, %arg6: memref<1x1xf32, #tpu.memory_space<smem>>, %arg7: memref<1x1xf32, #tpu.memory_space<smem>>, %arg8: memref<1x1xf32, #tpu.memory_space<smem>>) attributes {dimension_semantics = [], scalar_prefetch = 0 : i64, scratch_operands = 0 : i64, tpu.core_type = #tpu.core_type<tc>} {
    %iota3A = tpu.iota {dimensions = array<i32: 1>} : vector<128x1024xi32>
    %iota3A_0 = tpu.iota {dimensions = array<i32: 0>} : vector<128x1024xi32>
    %and3A = arith.constant 31 : i32
    %and3A_1 = vector.broadcast %and3A : i32 to vector<128x1024xi32>
    %and3A_2 = arith.andi %iota3A, %and3A_1 : vector<128x1024xi32>
    %and3A_3 = arith.constant 31 : i32
    %and3A_4 = vector.broadcast %and3A_3 : i32 to vector<128x1024xi32>
    %and3A_5 = arith.andi %iota3A_0, %and3A_4 : vector<128x1024xi32>
    %eq3A = arith.cmpi eq, %and3A_2, %and3A_5 : vector<128x1024xi32>
    %shift_right_arithmetic3A = arith.constant 5 : i32
    %shift_right_arithmetic3A_6 = vector.broadcast %shift_right_arithmetic3A : i32 to vector<128x1024xi32>
    %shift_right_arithmetic3A_7 = arith.shrsi %iota3A_0, %shift_right_arithmetic3A_6 : vector<128x1024xi32>
    %eq3A_8 = arith.constant 0 : i32
    %eq3A_9 = vector.broadcast %eq3A_8 : i32 to vector<128x1024xi32>
    %eq3A_10 = arith.cmpi eq, %shift_right_arithmetic3A_7, %eq3A_9 : vector<128x1024xi32>
    %and3A_11 = arith.andi %eq3A, %eq3A_10 : vector<128x1024xi1>
    %convert_element_type3A = arith.extui %and3A_11 : vector<128x1024xi1> to vector<128x1024xi32>
    %convert_element_type3A_12 = arith.sitofp %convert_element_type3A : vector<128x1024xi32> to vector<128x1024xf32>
    %get3A = arith.constant 0 : index
    %get3A_13 = arith.constant 0 : index
    %get3A_14 = vector.load %arg0[%get3A, %get3A_13] : memref<1024x128xf32, #tpu.memory_space<vmem>>, vector<1024x128xf32>
    %dot_general3A = arith.constant dense<0.000000e+00> : vector<128x128xf32>
    %dot_general3A_15 = tpu.matmul %convert_element_type3A_12, %get3A_14, %dot_general3A {dimension_numbers = #tpu.dot_dimension_numbers<[1], [0], [0], [1], [0, 0, 1, 1], [], []>, precision = #tpu.contract_precision<fp32>, transpose_lhs_hint = false} : vector<128x1024xf32>, vector<1024x128xf32>, vector<128x128xf32> -> vector<128x128xf32>
    %add3A = arith.constant 0.000000e+00 : f32
    %add3A_16 = vector.broadcast %add3A : f32 to vector<128x128xf32>
    %add3A_17 = arith.addf %add3A_16, %dot_general3A_15 : vector<128x128xf32>
    %shift_right_arithmetic3A_18 = arith.constant 5 : i32
    %shift_right_arithmetic3A_19 = vector.broadcast %shift_right_arithmetic3A_18 : i32 to vector<128x1024xi32>
    %shift_right_arithmetic3A_20 = arith.shrsi %iota3A_0, %shift_right_arithmetic3A_19 : vector<128x1024xi32>
    %eq3A_21 = arith.constant 1 : i32
    %eq3A_22 = vector.broadcast %eq3A_21 : i32 to vector<128x1024xi32>
    %eq3A_23 = arith.cmpi eq, %shift_right_arithmetic3A_20, %eq3A_22 : vector<128x1024xi32>
    %and3A_24 = arith.andi %eq3A, %eq3A_23 : vector<128x1024xi1>
    %convert_element_type3A_25 = arith.extui %and3A_24 : vector<128x1024xi1> to vector<128x1024xi32>
    %convert_element_type3A_26 = arith.sitofp %convert_element_type3A_25 : vector<128x1024xi32> to vector<128x1024xf32>
    %get3A_27 = arith.constant 0 : index
    %get3A_28 = arith.constant 0 : index
    %get3A_29 = vector.load %arg1[%get3A_27, %get3A_28] : memref<1024x128xf32, #tpu.memory_space<vmem>>, vector<1024x128xf32>
    %dot_general3A_30 = arith.constant dense<0.000000e+00> : vector<128x128xf32>
    %dot_general3A_31 = tpu.matmul %convert_element_type3A_26, %get3A_29, %dot_general3A_30 {dimension_numbers = #tpu.dot_dimension_numbers<[1], [0], [0], [1], [0, 0, 1, 1], [], []>, precision = #tpu.contract_precision<fp32>, transpose_lhs_hint = false} : vector<128x1024xf32>, vector<1024x128xf32>, vector<128x128xf32> -> vector<128x128xf32>
    %add3A_32 = arith.addf %add3A_17, %dot_general3A_31 : vector<128x128xf32>
    %shift_right_arithmetic3A_33 = arith.constant 5 : i32
    %shift_right_arithmetic3A_34 = vector.broadcast %shift_right_arithmetic3A_33 : i32 to vector<128x1024xi32>
    %shift_right_arithmetic3A_35 = arith.shrsi %iota3A_0, %shift_right_arithmetic3A_34 : vector<128x1024xi32>
    %eq3A_36 = arith.constant 2 : i32
    %eq3A_37 = vector.broadcast %eq3A_36 : i32 to vector<128x1024xi32>
    %eq3A_38 = arith.cmpi eq, %shift_right_arithmetic3A_35, %eq3A_37 : vector<128x1024xi32>
    %and3A_39 = arith.andi %eq3A, %eq3A_38 : vector<128x1024xi1>
    %convert_element_type3A_40 = arith.extui %and3A_39 : vector<128x1024xi1> to vector<128x1024xi32>
    %convert_element_type3A_41 = arith.sitofp %convert_element_type3A_40 : vector<128x1024xi32> to vector<128x1024xf32>
    %get3A_42 = arith.constant 0 : index
    %get3A_43 = arith.constant 0 : index
    %get3A_44 = vector.load %arg2[%get3A_42, %get3A_43] : memref<1024x128xf32, #tpu.memory_space<vmem>>, vector<1024x128xf32>
    %dot_general3A_45 = arith.constant dense<0.000000e+00> : vector<128x128xf32>
    %dot_general3A_46 = tpu.matmul %convert_element_type3A_41, %get3A_44, %dot_general3A_45 {dimension_numbers = #tpu.dot_dimension_numbers<[1], [0], [0], [1], [0, 0, 1, 1], [], []>, precision = #tpu.contract_precision<fp32>, transpose_lhs_hint = false} : vector<128x1024xf32>, vector<1024x128xf32>, vector<128x128xf32> -> vector<128x128xf32>
    %add3A_47 = arith.addf %add3A_32, %dot_general3A_46 : vector<128x128xf32>
    %shift_right_arithmetic3A_48 = arith.constant 5 : i32
    %shift_right_arithmetic3A_49 = vector.broadcast %shift_right_arithmetic3A_48 : i32 to vector<128x1024xi32>
    %shift_right_arithmetic3A_50 = arith.shrsi %iota3A_0, %shift_right_arithmetic3A_49 : vector<128x1024xi32>
    %eq3A_51 = arith.constant 3 : i32
    %eq3A_52 = vector.broadcast %eq3A_51 : i32 to vector<128x1024xi32>
    %eq3A_53 = arith.cmpi eq, %shift_right_arithmetic3A_50, %eq3A_52 : vector<128x1024xi32>
    %and3A_54 = arith.andi %eq3A, %eq3A_53 : vector<128x1024xi1>
    %convert_element_type3A_55 = arith.extui %and3A_54 : vector<128x1024xi1> to vector<128x1024xi32>
    %convert_element_type3A_56 = arith.sitofp %convert_element_type3A_55 : vector<128x1024xi32> to vector<128x1024xf32>
    %get3A_57 = arith.constant 0 : index
    %get3A_58 = arith.constant 0 : index
    %get3A_59 = vector.load %arg3[%get3A_57, %get3A_58] : memref<1024x128xf32, #tpu.memory_space<vmem>>, vector<1024x128xf32>
    %dot_general3A_60 = arith.constant dense<0.000000e+00> : vector<128x128xf32>
    %dot_general3A_61 = tpu.matmul %convert_element_type3A_56, %get3A_59, %dot_general3A_60 {dimension_numbers = #tpu.dot_dimension_numbers<[1], [0], [0], [1], [0, 0, 1, 1], [], []>, precision = #tpu.contract_precision<fp32>, transpose_lhs_hint = false} : vector<128x1024xf32>, vector<1024x128xf32>, vector<128x128xf32> -> vector<128x128xf32>
    %add3A_62 = arith.addf %add3A_47, %dot_general3A_61 : vector<128x128xf32>
    %iota3A_63 = tpu.iota {dimensions = array<i32: 0>} : vector<128x128xi32>
    %iota3A_64 = tpu.iota {dimensions = array<i32: 1>} : vector<128x128xi32>
    %and3A_65 = arith.constant 31 : i32
    %and3A_66 = vector.broadcast %and3A_65 : i32 to vector<128x128xi32>
    %and3A_67 = arith.andi %iota3A_63, %and3A_66 : vector<128x128xi32>
    %mul3A = arith.constant 128 : i32
    %mul3A_68 = vector.broadcast %mul3A : i32 to vector<128x128xi32>
    %mul3A_69 = arith.muli %and3A_67, %mul3A_68 : vector<128x128xi32>
    %add3A_70 = arith.addi %mul3A_69, %iota3A_64 : vector<128x128xi32>
    %convert_element_type3A_71 = arith.sitofp %add3A_70 : vector<128x128xi32> to vector<128x128xf32>
    %add3A_72 = arith.constant 5.000000e-01 : f32
    %add3A_73 = vector.broadcast %add3A_72 : f32 to vector<128x128xf32>
    %add3A_74 = arith.addf %convert_element_type3A_71, %add3A_73 : vector<128x128xf32>
    %mul3A_75 = arith.constant 2.44140625E-4 : f32
    %mul3A_76 = vector.broadcast %mul3A_75 : f32 to vector<128x128xf32>
    %mul3A_77 = arith.mulf %add3A_74, %mul3A_76 : vector<128x128xf32>
    %mul3A_78 = arith.mulf %add3A_62, %mul3A_77 : vector<128x128xf32>
    %ge3A = arith.cmpi sge, %iota3A_63, %iota3A_64 : vector<128x128xi32>
    %convert_element_type3A_79 = arith.extui %ge3A : vector<128x128xi1> to vector<128x128xi32>
    %convert_element_type3A_80 = arith.sitofp %convert_element_type3A_79 : vector<128x128xi32> to vector<128x128xf32>
    %gt3A = arith.cmpi sgt, %iota3A_64, %iota3A_63 : vector<128x128xi32>
    %shift_right_arithmetic3A_81 = arith.constant 5 : i32
    %shift_right_arithmetic3A_82 = vector.broadcast %shift_right_arithmetic3A_81 : i32 to vector<128x128xi32>
    %shift_right_arithmetic3A_83 = arith.shrsi %iota3A_64, %shift_right_arithmetic3A_82 : vector<128x128xi32>
    %shift_right_arithmetic3A_84 = arith.constant 5 : i32
    %shift_right_arithmetic3A_85 = vector.broadcast %shift_right_arithmetic3A_84 : i32 to vector<128x128xi32>
    %shift_right_arithmetic3A_86 = arith.shrsi %iota3A_63, %shift_right_arithmetic3A_85 : vector<128x128xi32>
    %eq3A_87 = arith.cmpi eq, %shift_right_arithmetic3A_83, %shift_right_arithmetic3A_86 : vector<128x128xi32>
    %and3A_88 = arith.andi %gt3A, %eq3A_87 : vector<128x128xi1>
    %convert_element_type3A_89 = arith.extui %and3A_88 : vector<128x128xi1> to vector<128x128xi32>
    %convert_element_type3A_90 = arith.sitofp %convert_element_type3A_89 : vector<128x128xi32> to vector<128x128xf32>
    %dot_general3A_91 = arith.constant dense<0.000000e+00> : vector<128x128xf32>
    %dot_general3A_92 = tpu.matmul %add3A_62, %convert_element_type3A_80, %dot_general3A_91 {dimension_numbers = #tpu.dot_dimension_numbers<[1], [0], [0], [1], [0, 0, 1, 1], [], []>, precision = #tpu.contract_precision<fp32>, transpose_lhs_hint = false} : vector<128x128xf32>, vector<128x128xf32>, vector<128x128xf32> -> vector<128x128xf32>
    %dot_general3A_93 = arith.constant dense<0.000000e+00> : vector<128x128xf32>
    %dot_general3A_94 = tpu.matmul %mul3A_78, %convert_element_type3A_80, %dot_general3A_93 {dimension_numbers = #tpu.dot_dimension_numbers<[1], [0], [0], [1], [0, 0, 1, 1], [], []>, precision = #tpu.contract_precision<fp32>, transpose_lhs_hint = false} : vector<128x128xf32>, vector<128x128xf32>, vector<128x128xf32> -> vector<128x128xf32>
    %slice3A = vector.extract_strided_slice %dot_general3A_92 {offsets = [0, 0], sizes = [128, 1], strides = [1, 1]} : vector<128x128xf32> to vector<128x1xf32>
    %dot_general3A_95 = arith.constant dense<0.000000e+00> : vector<128x1xf32>
    %dot_general3A_96 = tpu.matmul %convert_element_type3A_90, %slice3A, %dot_general3A_95 {dimension_numbers = #tpu.dot_dimension_numbers<[1], [0], [0], [1], [0, 0, 1, 1], [], []>, precision = #tpu.contract_precision<fp32>, transpose_lhs_hint = false} : vector<128x128xf32>, vector<128x1xf32>, vector<128x1xf32> -> vector<128x1xf32>
    %add3A_97 = vector.broadcast %dot_general3A_96 : vector<128x1xf32> to vector<128x128xf32>
    %add3A_98 = arith.addf %dot_general3A_92, %add3A_97 : vector<128x128xf32>
    %slice3A_99 = vector.extract_strided_slice %dot_general3A_94 {offsets = [0, 0], sizes = [128, 1], strides = [1, 1]} : vector<128x128xf32> to vector<128x1xf32>
    %dot_general3A_100 = arith.constant dense<0.000000e+00> : vector<128x1xf32>
    %dot_general3A_101 = tpu.matmul %convert_element_type3A_90, %slice3A_99, %dot_general3A_100 {dimension_numbers = #tpu.dot_dimension_numbers<[1], [0], [0], [1], [0, 0, 1, 1], [], []>, precision = #tpu.contract_precision<fp32>, transpose_lhs_hint = false} : vector<128x128xf32>, vector<128x1xf32>, vector<128x1xf32> -> vector<128x1xf32>
    %add3A_102 = vector.broadcast %dot_general3A_101 : vector<128x1xf32> to vector<128x128xf32>
    %add3A_103 = arith.addf %dot_general3A_94, %add3A_102 : vector<128x128xf32>
    %iota3A_104 = tpu.iota {dimensions = array<i32: 0>} : vector<128x4xi32>
    %iota3A_105 = tpu.iota {dimensions = array<i32: 1>} : vector<128x4xi32>
    %shift_right_arithmetic3A_106 = arith.constant 5 : i32
    %shift_right_arithmetic3A_107 = vector.broadcast %shift_right_arithmetic3A_106 : i32 to vector<128x4xi32>
    %shift_right_arithmetic3A_108 = arith.shrsi %iota3A_104, %shift_right_arithmetic3A_107 : vector<128x4xi32>
    %eq3A_109 = arith.cmpi eq, %shift_right_arithmetic3A_108, %iota3A_105 : vector<128x4xi32>
    %convert_element_type3A_110 = arith.extui %eq3A_109 : vector<128x4xi1> to vector<128x4xi32>
    %convert_element_type3A_111 = arith.sitofp %convert_element_type3A_110 : vector<128x4xi32> to vector<128x4xf32>
    %iota3A_112 = tpu.iota {dimensions = array<i32: 1>} : vector<4x128xi32>
    %iota3A_113 = tpu.iota {dimensions = array<i32: 0>} : vector<4x128xi32>
    %shift_right_arithmetic3A_114 = arith.constant 5 : i32
    %shift_right_arithmetic3A_115 = vector.broadcast %shift_right_arithmetic3A_114 : i32 to vector<4x128xi32>
    %shift_right_arithmetic3A_116 = arith.shrsi %iota3A_112, %shift_right_arithmetic3A_115 : vector<4x128xi32>
    %eq3A_117 = arith.cmpi eq, %shift_right_arithmetic3A_116, %iota3A_113 : vector<4x128xi32>
    %convert_element_type3A_118 = arith.extui %eq3A_117 : vector<4x128xi1> to vector<4x128xi32>
    %convert_element_type3A_119 = arith.sitofp %convert_element_type3A_118 : vector<4x128xi32> to vector<4x128xf32>
    %ge3A_120 = arith.constant 1.003500e+04 : f32
    %ge3A_121 = vector.broadcast %ge3A_120 : f32 to vector<128x128xf32>
    %ge3A_122 = arith.cmpf oge, %add3A_98, %ge3A_121 : vector<128x128xf32>
    %convert_element_type3A_123 = arith.extui %ge3A_122 : vector<128x128xi1> to vector<128x128xi32>
    %convert_element_type3A_124 = arith.sitofp %convert_element_type3A_123 : vector<128x128xi32> to vector<128x128xf32>
    %reduce_sum3A = arith.constant dense<0.000000e+00> : vector<128xf32>
    %reduce_sum3A_125 = vector.multi_reduction <add>, %convert_element_type3A_124, %reduce_sum3A [1] : vector<128x128xf32> to vector<128xf32>
    %broadcast_in_dim3A = vector.shape_cast %reduce_sum3A_125 : vector<128xf32> to vector<128x1xf32>
    %dot_general3A_126 = arith.constant dense<0.000000e+00> : vector<4x1xf32>
    %dot_general3A_127 = tpu.matmul %convert_element_type3A_119, %broadcast_in_dim3A, %dot_general3A_126 {dimension_numbers = #tpu.dot_dimension_numbers<[1], [0], [0], [1], [0, 0, 1, 1], [], []>, precision = #tpu.contract_precision<fp32>, transpose_lhs_hint = false} : vector<4x128xf32>, vector<128x1xf32>, vector<4x1xf32> -> vector<4x1xf32>
    %sub3A = arith.constant 1.000000e+00 : f32
    %sub3A_128 = vector.broadcast %sub3A : f32 to vector<4x1xf32>
    %sub3A_129 = arith.subf %dot_general3A_127, %sub3A_128 : vector<4x1xf32>
    %dot_general3A_130 = arith.constant dense<0.000000e+00> : vector<128x1xf32>
    %dot_general3A_131 = tpu.matmul %convert_element_type3A_111, %sub3A_129, %dot_general3A_130 {dimension_numbers = #tpu.dot_dimension_numbers<[1], [0], [0], [1], [0, 0, 1, 1], [], []>, precision = #tpu.contract_precision<fp32>, transpose_lhs_hint = false} : vector<128x4xf32>, vector<4x1xf32>, vector<128x1xf32> -> vector<128x1xf32>
    %convert_element_type3A_132 = arith.sitofp %add3A_70 : vector<128x128xi32> to vector<128x128xf32>
    %eq3A_133 = vector.broadcast %dot_general3A_131 : vector<128x1xf32> to vector<128x128xf32>
    %eq3A_134 = arith.cmpf oeq, %convert_element_type3A_132, %eq3A_133 : vector<128x128xf32>
    %convert_element_type3A_135 = arith.extui %eq3A_134 : vector<128x128xi1> to vector<128x128xi32>
    %convert_element_type3A_136 = arith.sitofp %convert_element_type3A_135 : vector<128x128xi32> to vector<128x128xf32>
    %mul3A_137 = arith.mulf %convert_element_type3A_136, %add3A_62 : vector<128x128xf32>
    %reduce_sum3A_138 = arith.constant dense<0.000000e+00> : vector<128xf32>
    %reduce_sum3A_139 = vector.multi_reduction <add>, %mul3A_137, %reduce_sum3A_138 [1] : vector<128x128xf32> to vector<128xf32>
    %broadcast_in_dim3A_140 = vector.shape_cast %reduce_sum3A_139 : vector<128xf32> to vector<128x1xf32>
    %dot_general3A_141 = arith.constant dense<0.000000e+00> : vector<4x1xf32>
    %dot_general3A_142 = tpu.matmul %convert_element_type3A_119, %broadcast_in_dim3A_140, %dot_general3A_141 {dimension_numbers = #tpu.dot_dimension_numbers<[1], [0], [0], [1], [0, 0, 1, 1], [], []>, precision = #tpu.contract_precision<fp32>, transpose_lhs_hint = false} : vector<4x128xf32>, vector<128x1xf32>, vector<4x1xf32> -> vector<4x1xf32>
    %mul3A_143 = arith.mulf %convert_element_type3A_136, %mul3A_78 : vector<128x128xf32>
    %reduce_sum3A_144 = arith.constant dense<0.000000e+00> : vector<128xf32>
    %reduce_sum3A_145 = vector.multi_reduction <add>, %mul3A_143, %reduce_sum3A_144 [1] : vector<128x128xf32> to vector<128xf32>
    %broadcast_in_dim3A_146 = vector.shape_cast %reduce_sum3A_145 : vector<128xf32> to vector<128x1xf32>
    %dot_general3A_147 = arith.constant dense<0.000000e+00> : vector<4x1xf32>
    %dot_general3A_148 = tpu.matmul %convert_element_type3A_119, %broadcast_in_dim3A_146, %dot_general3A_147 {dimension_numbers = #tpu.dot_dimension_numbers<[1], [0], [0], [1], [0, 0, 1, 1], [], []>, precision = #tpu.contract_precision<fp32>, transpose_lhs_hint = false} : vector<4x128xf32>, vector<128x1xf32>, vector<4x1xf32> -> vector<4x1xf32>
    %mul3A_149 = arith.mulf %convert_element_type3A_136, %add3A_98 : vector<128x128xf32>
    %reduce_sum3A_150 = arith.constant dense<0.000000e+00> : vector<128xf32>
    %reduce_sum3A_151 = vector.multi_reduction <add>, %mul3A_149, %reduce_sum3A_150 [1] : vector<128x128xf32> to vector<128xf32>
    %broadcast_in_dim3A_152 = vector.shape_cast %reduce_sum3A_151 : vector<128xf32> to vector<128x1xf32>
    %dot_general3A_153 = arith.constant dense<0.000000e+00> : vector<4x1xf32>
    %dot_general3A_154 = tpu.matmul %convert_element_type3A_119, %broadcast_in_dim3A_152, %dot_general3A_153 {dimension_numbers = #tpu.dot_dimension_numbers<[1], [0], [0], [1], [0, 0, 1, 1], [], []>, precision = #tpu.contract_precision<fp32>, transpose_lhs_hint = false} : vector<4x128xf32>, vector<128x1xf32>, vector<4x1xf32> -> vector<4x1xf32>
    %mul3A_155 = arith.mulf %convert_element_type3A_136, %add3A_103 : vector<128x128xf32>
    %reduce_sum3A_156 = arith.constant dense<0.000000e+00> : vector<128xf32>
    %reduce_sum3A_157 = vector.multi_reduction <add>, %mul3A_155, %reduce_sum3A_156 [1] : vector<128x128xf32> to vector<128xf32>
    %broadcast_in_dim3A_158 = vector.shape_cast %reduce_sum3A_157 : vector<128xf32> to vector<128x1xf32>
    %dot_general3A_159 = arith.constant dense<0.000000e+00> : vector<4x1xf32>
    %dot_general3A_160 = tpu.matmul %convert_element_type3A_119, %broadcast_in_dim3A_158, %dot_general3A_159 {dimension_numbers = #tpu.dot_dimension_numbers<[1], [0], [0], [1], [0, 0, 1, 1], [], []>, precision = #tpu.contract_precision<fp32>, transpose_lhs_hint = false} : vector<4x128xf32>, vector<128x1xf32>, vector<4x1xf32> -> vector<4x1xf32>
    %sub3A_161 = arith.subf %dot_general3A_154, %dot_general3A_142 : vector<4x1xf32>
    %sub3A_162 = arith.subf %dot_general3A_160, %dot_general3A_148 : vector<4x1xf32>
    %sub3A_163 = arith.constant 1.003500e+04 : f32
    %sub3A_164 = vector.broadcast %sub3A_163 : f32 to vector<4x1xf32>
    %sub3A_165 = arith.subf %sub3A_164, %sub3A_161 : vector<4x1xf32>
    %mul3A_166 = arith.mulf %sub3A_165, %dot_general3A_148 : vector<4x1xf32>
    %max3A = arith.constant 1.000000e+00 : f32
    %max3A_167 = vector.broadcast %max3A : f32 to vector<4x1xf32>
    %max3A_168 = arith.maximumf %dot_general3A_142, %max3A_167 : vector<4x1xf32>
    %div3A = arith.divf %mul3A_166, %max3A_168 : vector<4x1xf32>
    %add3A_169 = arith.addf %sub3A_162, %div3A : vector<4x1xf32>
    %reduce_sum3A_170 = vector.shape_cast %add3A_169 : vector<4x1xf32> to vector<1x4x1xf32>
    %reduce_sum3A_171 = arith.constant dense<0.000000e+00> : vector<1xf32>
    %reduce_sum3A_172 = vector.multi_reduction <add>, %reduce_sum3A_170, %reduce_sum3A_171 [1, 2] : vector<1x4x1xf32> to vector<1xf32>
    %reduce_sum3A_173 = vector.shape_cast %reduce_sum3A_172 : vector<1xf32> to vector<1x1x1xf32>
    %reduce_sum3A_174 = vector.extract %reduce_sum3A_173[0, 0, 0] : f32 from vector<1x1x1xf32>
    %div3A_175 = arith.constant 4.014000e+04 : f32
    %div3A_176 = arith.divf %reduce_sum3A_174, %div3A_175 : f32
    %get3A_177 = arith.constant 0 : index
    %get3A_178 = arith.constant 0 : index
    %get3A_179 = memref.load %arg4[%get3A_177, %get3A_178] : memref<1x1xf32, #tpu.memory_space<smem>>
    %get3A_180 = arith.constant 0 : index
    %get3A_181 = arith.constant 0 : index
    %get3A_182 = memref.load %arg5[%get3A_180, %get3A_181] : memref<1x1xf32, #tpu.memory_space<smem>>
    %add3A_183 = arith.addf %get3A_179, %get3A_182 : f32
    %get3A_184 = arith.constant 0 : index
    %get3A_185 = arith.constant 0 : index
    %get3A_186 = memref.load %arg6[%get3A_184, %get3A_185] : memref<1x1xf32, #tpu.memory_space<smem>>
    %add3A_187 = arith.addf %add3A_183, %get3A_186 : f32
    %get3A_188 = arith.constant 0 : index
    %get3A_189 = arith.constant 0 : index
    %get3A_190 = memref.load %arg7[%get3A_188, %get3A_189] : memref<1x1xf32, #tpu.memory_space<smem>>
    %add3A_191 = arith.addf %add3A_187, %get3A_190 : f32
    %mul3A_192 = arith.constant 2.000000e+00 : f32
    %mul3A_193 = arith.mulf %mul3A_192, %div3A_176 : f32
    %div3A_194 = arith.constant 3.840000e+02 : f32
    %div3A_195 = arith.divf %add3A_191, %div3A_194 : f32
    %add3A_196 = arith.addf %mul3A_193, %div3A_195 : f32
    %swap3A = arith.constant 0 : index
    %swap3A_197 = arith.constant 0 : index
    %swap3A_198 = memref.load %arg8[%swap3A, %swap3A_197] : memref<1x1xf32, #tpu.memory_space<smem>>
    memref.store %add3A_196, %arg8[%swap3A, %swap3A_197] : memref<1x1xf32, #tpu.memory_space<smem>>
    return
  }
}

</mosaic_0001>

<sc_bundles>
// kernel: kernel.11.cloned.1.call-start
scs
__scs_entry_jumppad:
0x0: {  	(pc) =	sbr.rel $0x88, $3  }
0x1: {  	(tag) =	ssettag $0x0;
	lr =	simm.s32 $0x1  }
0x2: {  	[smem:$0x3F9F] =	sst lr;
	_ =	strace $0xD0000000  }
0x3: {  	_ = 	snop  }
0x4: {  	_ = 	snop  }
0x5: {  	_ = 	snop  }
0x6: {  	_ = 	snop  }
0x7: {  	_ = 	snop  }
__scs_overlays_trampoline_lowered:
0x8: {  	[smem:$0x3FAE] =	sst s0  }
0x9: {  	[smem:$0x3FAF] =	sst s1  }
0xa: {  	[smem:$0x3FB0] =	sst s2  }
0xb: {  	[smem:$0x3FB1] =	sst s3  }
0xc: {  	[smem:$0x3FB2] =	sst s4  }
0xd: {  	[smem:$0x3FB3] =	sst s5  }
0xe: {  	[smem:$0x3FB4] =	sst s6  }
0xf: {  	[smem:$0x3FB5] =	sst s7  }
0x10: {  	[smem:$0x3FB6] =	sst s8  }
0x11: {  	[smem:$0x3FB7] =	sst s9;
	s0 =	simm.s32 @!p0 $0x0  }
0x12: {  	s1 =	sld [smem:$0x3F9D];
	s0 =	simm.s32 @p0 $0x1  }
0x13: {  	[smem:$0x3FB8] =	sst s0;
	s0 =	simm.s32 @!p1 $0x0  }
0x14: {  	s2 =	sld [smem:$0x3F9C];
	s0 =	simm.s32 @p1 $0x1  }
0x15: {  	[smem:$0x3FB9] =	sst s0;
	s0 =	simm.s32 @!p2 $0x0  }
0x16: {  	s3 =	sld [smem:$0x3FDB];
	s0 =	simm.s32 @p2 $0x1  }
0x17: {  	s4 =	simm.s32 $0x1BF5;
	[smem:$0x3FBB] =	sst s0  }
0x18: {  	s0 =	sld [smem:$0x3F9E];
	_ =	swait.ge [sflag:s4], $0x0  }
0x19: {  	s7 =	sld [smem:$0x3F9F]  }
0x1a: {  	s8 =	sadd.s32 $0xFFFFE003, lr  }
0x1b: {  	s9 =	sadd.s32 $0xFFFFFEF7, lr;
	s5 =	simm.s32 $0xFFFFFFFF;
	p2 =	slt.u32 s8, $0xFFFFF086  }
0x1c: {  	p1 =	slt.u32 s9, $0xF7A;
	s5 =	simm.s32 @!p2 $0x0  }
0x1d: {  	s5 =	simm.s32 @p1 $0x1;
	p0 =	seq.s32 s7, s2  }
0x1e: {  	s7 =	smul.u32 @!p0 $0xF7A, s2;
	p2 =	seq.s32 @!p0 s5, $0x0  }
0x1f: {  	s9 =	smul.u32 $0xF7A, s1;
	s8 =	simm.s32 @!p0 $0x1BF5;
	p2 =	por !p2, p0  }
0x20: {  	[sflag:s8] =	ssyncset.s32 @!p0 $0xFFFFF086;
	s6 =	sadd.s32 @!p0 s3, s7;
	s7 =	simm.s32 @!p0 $0x108  }
0x21: {  	s3 =	sadd.s32 s3, s9;
	s6 =	sadd.s32 @!p0 $0x88, s6;
	s7 =	simm.s32 @p2 $0x1082  }
0x22: {  	[simem:s7], [sflag:s8] =	dma.local @!p0 [hbm:s6], $0xF7A  }
0x23: {  	s9 =	sor.u32 $0xD0000000, s2;
	s6 =	simm.s32 $0x108;
	_ =	swait.ge @!p0 [sflag:s8], $0x0  }
0x24: {  	s3 =	sadd.s32 $0x88, s3;
	s6 =	simm.s32 @!p1 $0x1082;
	[sflag:s4] =	ssyncset.s32 $0xFFFFF086  }
0x25: {  	[simem:s6], [sflag:s4] =	dma.local [hbm:s3], $0xF7A  }
0x26: {  	[smem:$0x3F9F] =	sst s1;
	(tag) =	ssettag s2;
	_ =	strace s9  }
0x27: {  	s1 =	sld [smem:$0x3FAF]  }
0x28: {  	s2 =	sld [smem:$0x3FB0]  }
0x29: {  	s4 =	sld [smem:$0x3FB2]  }
0x2a: {  	p0 =	seq.s32 s5, $0x0;
	s5 =	sld [smem:$0x3FB3]  }
0x2b: {  	s6 =	sld [smem:$0x3FB4]  }
0x2c: {  	s7 =	sld [smem:$0x3FB5]  }
0x2d: {  	s3 =	simm.s32 $0x108;
	s8 =	sld [smem:$0x3FB6]  }
0x2e: {  	s3 =	simm.s32 @!p0 $0x1082;
	s9 =	sld [smem:$0x3FB7]  }
0x2f: {  	lr =	sadd.s32 s0, s3;
	s0 =	sld [smem:$0x3FAE]  }
0x30: {  	s3 =	sld [smem:$0x3FB1]  }
0x31: {  	[smem:$0x3FBA] =	sst s10  }
0x32: {  	s10 =	sld [smem:$0x3FB8];
	_ =	sdelay $0x3  }
0x33: {  	p0 =	seq.s32 s10, $0x1;
	s10 =	sld [smem:$0x3FBA];
	_ =	sdelay $0x3  }
0x34: {  	[smem:$0x3FBA] =	sst s10  }
0x35: {  	s10 =	sld [smem:$0x3FB9];
	_ =	sdelay $0x3  }
0x36: {  	p1 =	seq.s32 s10, $0x1;
	s10 =	sld [smem:$0x3FBA];
	_ =	sdelay $0x3  }
0x37: {  	[smem:$0x3FBA] =	sst s10  }
0x38: {  	s10 =	sld [smem:$0x3FBB]  }
0x39: {  	_ = 	snop;
	(pc) =	sbr.ind lr, $3  }
0x3a: {  	_ = 	snop  }
0x3b: {  	_ = 	snop  }
0x3c: {  	p2 =	seq.s32 s10, $0x1;
	s10 =	sld [smem:$0x3FBA]  }
0x3d: {  	_ =	shalt  }
0x3e: {  	_ =	shalt  }
0x3f: {  	_ =	shalt  }
0x40: {  	_ =	shalt  }
0x41: {  	_ =	shalt  }
0x42: {  	_ =	shalt  }
0x43: {  	_ =	shalt  }
0x44: {  	_ =	shalt  }
0x45: {  	_ =	shalt  }
0x46: {  	_ =	shalt  }
0x47: {  	_ =	shalt  }
0x48: {  	_ =	shalt  }
0x49: {  	_ =	shalt  }
0x4a: {  	_ =	shalt  }
0x4b: {  	_ =	shalt  }
0x4c: {  	_ =	shalt  }
0x4d: {  	_ =	shalt  }
0x4e: {  	_ =	shalt  }
0x4f: {  	_ =	shalt  }
0x50: {  	_ =	shalt  }
0x51: {  	_ =	shalt  }
0x52: {  	_ =	shalt  }
0x53: {  	_ =	shalt  }
0x54: {  	_ =	shalt  }
0x55: {  	_ =	shalt  }
0x56: {  	_ =	shalt  }
0x57: {  	_ =	shalt  }
0x58: {  	_ =	shalt  }
0x59: {  	_ =	shalt  }
0x5a: {  	_ =	shalt  }
0x5b: {  	_ =	shalt  }
0x5c: {  	_ =	shalt  }
0x5d: {  	_ =	shalt  }
0x5e: {  	_ =	shalt  }
0x5f: {  	_ =	shalt  }
0x60: {  	_ =	shalt  }
0x61: {  	_ =	shalt  }
0x62: {  	_ =	shalt  }
0x63: {  	_ =	shalt  }
0x64: {  	_ =	shalt  }
0x65: {  	_ =	shalt  }
0x66: {  	_ =	shalt  }
0x67: {  	_ =	shalt  }
0x68: {  	_ =	shalt  }
0x69: {  	_ =	shalt  }
0x6a: {  	_ =	shalt  }
0x6b: {  	_ =	shalt  }
0x6c: {  	_ =	shalt  }
0x6d: {  	_ =	shalt  }
0x6e: {  	_ =	shalt  }
0x6f: {  	_ =	shalt  }
0x70: {  	_ =	shalt  }
0x71: {  	_ =	shalt  }
0x72: {  	_ =	shalt  }
0x73: {  	_ =	shalt  }
0x74: {  	_ =	shalt  }
0x75: {  	_ =	shalt  }
0x76: {  	_ =	shalt  }
0x77: {  	_ =	shalt  }
0x78: {  	_ =	shalt  }
0x79: {  	_ =	shalt  }
0x7a: {  	_ =	shalt  }
0x7b: {  	_ =	shalt  }
0x7c: {  	_ =	shalt  }
0x7d: {  	_ =	shalt  }
0x7e: {  	_ =	shalt  }
0x7f: {  	_ =	shalt  }
0x80: {  	_ =	shalt  }
0x81: {  	_ =	shalt  }
0x82: {  	_ =	shalt  }
0x83: {  	_ =	shalt  }
0x84: {  	_ =	shalt  }
0x85: {  	_ =	shalt  }
0x86: {  	_ =	shalt  }
0x87: {  	_ =	shalt  }
.Lfunc_end0:
.L_simem_size_0:
called_computation_lowered:
.L_overlay_start_0:
0x88: {  	s2 =	sld [smem:$0x3FD9]  }
0x89: {  	s3 =	sld [smem:$0x3FFE];
	_ =	sdelay $0x1  }
0x8a: {  	s1 =	srdreg.scid  }
0x8b: {  	s0 =	sand.u32 $0x1, s1  }
0x8c: {  	s17 =	sshll.u32 s0, $0xA;
	s2 =	sadd.s32 s3, s2  }
0x8d: {  	s2 =	sadd.s32 s2, s17  }
0x8e: {  	[smem:$0x3FC6] =	sst s2  }
0x8f: {  	_ = 	snop  }
0x90: {  	(tm) =	ssettm $0x1  }
0x91: {  	s18 =	sld [smem:$0x3FFB];
	_ =	sdelay $0x3  }
0x92: {  	_ =	strace s18  }
0x93: {  	s2 =	sld [smem:$0x3FFC];
	_ =	sdelay $0x3  }
0x94: {  	_ =	strace s2  }
0x95: {  	s2 =	sld [smem:$0x3FFD];
	_ =	sdelay $0x3  }
0x96: {  	_ =	strace s2  }
0x97: {  	_ =	strace $0x8FFFFFFF  }
0x98: {  	s19 =	sld [smem:$0x3FDB];
	_ =	sdelay $0x1  }
0x99: {  	s20 =	simm.s32 $_scs_section_size  }
0x9a: {  	s4 =	simm.s32 $_size__tile_overlayer_lowered;
	s5 =	simm.s32 $_tile_overlayer_lowered  }
0x9b: {  	s6 =	simm.s32 $0x1BFF;
	s21 =	sshll.u32 s5, $0x1;
	s3 =	sadd.s32 s20, s19  }
0x9c: {  	s22 =	simm.s32 $0x0;
	s4 =	sshll.u32 s4, $0x1;
	s5 =	sadd.s32 s21, s3  }
0x9d: {  	[timem:s22], [sflag:s6] =	dma.local [hbm:s5], s4  }
0x9e: {  	_ =	swait.ge [sflag:s6], s4  }
0x9f: {  	s4 =	ssub.s32 $0x0, s4;
	[sflag:s6] =	ssyncset.done $0x0  }
0xa0: {  	[sflag:s6] =	ssyncadd.s32 s4;
	_ =	sdelay $0x1  }
0xa1: {  	s23 =	simm.s32 $0x1B8B  }
0xa2: {  	_ =	swait.ge [sflag:s23], $0x1  }
0xa3: {  	[sflag:s23] =	ssyncset.done $0x0  }
0xa4: {  	[sflag:s23] =	ssyncadd.s32 $0xFFFFFFFF  }
0xa5: {  	s4 =	sld [smem:$0x0]  }
0xa6: {  	s5 =	sand.u32 $0xFFFFFFFE, s1  }
0xa7: {  	p0 =	sne.s32 s1, s5  }
0xa8: {  	s5 =	sshll.u32 @p0 s5, $0xE  }
0xa9: {  	s5 =	sadd.s32 @p0 $0x11B8D, s5;
	s6 =	sshll.u32 @p0 s4, $0x11  }
0xaa: {  	s5 =	sor.u32 @p0 s6, s5  }
0xab: {  	[sflag:s5] =	ssyncadd.remote.s32 @p0 $0x1;
	_ =	sdelay $0x1  }
0xac: {  	s5 =	simm.s32 @p0 $0x1B8D  }
0xad: {  	_ =	swait.eq @p0 [sflag:s5], $0x1  }
0xae: {  	[sflag:s5] =	ssyncadd.s32 @p0 $0xFFFFFFFF  }
0xaf: {  	s6 =	sshll.u32 @!p0 s1, $0xE  }
0xb0: {  	s6 =	sor.u32 @!p0 $0x4000, s6;
	s5 =	simm.s32 @!p0 $0x1B8D  }
0xb1: {  	s4 =	sshll.u32 @!p0 s4, $0x11;
	s6 =	sadd.s32 @!p0 $0x11B8D, s6;
	_ =	swait.eq @!p0 [sflag:s5], $0x1  }
0xb2: {  	s4 =	sor.u32 @!p0 s4, s6;
	[sflag:s5] =	ssyncadd.s32 @!p0 $0xFFFFFFFF  }
0xb3: {  	s25 =	simm.s32 $0x1B8E;
	s24 =	sld [smem:$0x3FFE];
	[sflag:s4] =	ssyncadd.remote.s32 @!p0 $0x1  }
0xb4: {  	s26 =	simm.s32 $execute0_lowered;
	[smem:$0x3FD2] =	sst s25  }
0xb5: {  	s5 =	sshll.u32 s26, $0x1;
	_ =	strace $0x8000004F;
	[dreg:$0x1] =	wrdreg $0xFFFFFFFF  }
0xb6: {  	s28 =	simm.s32 $_size_execute0_lowered;
	s3 =	sadd.s32 s3, s5;
	[dreg:$0x0] =	wrdreg $0x0  }
0xb7: {  	s5 =	sshll.u32 s28, $0x1;
	[dreg:$0x2] =	wrdreg s3  }
0xb8: {  	[dreg:$0x3] =	wrdreg s5  }
0xb9: {  	[dreg:$0x4] =	wrdreg $0xC0  }
0xba: {  	_ =	task [dreg:s22], $0x5FFFF  }
0xbb: {  	[dreg:$0x1] =	wrdreg $0xFFFFFFFF  }
0xbc: {  	[dreg:$0x0] =	wrdreg $0x60  }
0xbd: {  	[dreg:$0x2] =	wrdreg s24  }
0xbe: {  	[dreg:$0x3] =	wrdreg $0x9  }
0xbf: {  	_ =	task.clear_ibuf [dreg:s22], $0x4FFFF;
	_ =	strace $0x9000004F  }
0xc0: {  	s29 =	simm.s32 $0x9;
	_ =	strace $0x80000051  }
0xc1: {  	_ =	swait.ge [sflag:s29], $0x1  }
0xc2: {  	[sflag:s29] =	ssyncadd.s32 $0xFFFFFFFF  }
0xc3: {  	_ =	strace $0x90000051  }
0xc4: {  	_ =	sfence  }
0xc5: {  	s30 =	sld [smem:$0x0];
	_ =	sdelay $0x2  }
0xc6: {  	s31 =	sshll.u32 s1, $0xD;
	s1 =	sshrl.u32 s1, $0x2  }
0xc7: {  	s4 =	sand.u32 $0x4000, s31;
	s1 =	sadd.s32 s1, s30  }
0xc8: {  	s0 =	sor.u32 s4, s0;
	s1 =	sshll.u32 s1, $0x11  }
0xc9: {  	s0 =	sor.u32 s1, s0  }
0xca: {  	s0 =	sadd.s32 $0x8F2B, s0  }
0xcb: {  	[sflag:s0] =	ssyncadd.remote.s32 $0x1  }
0xcc: {  	_ =	sfence.sel $0xFFFF  }
0xcd: {  	[dreg:$0x0] =	wrdreg $0xFFFFFFFF;
	(pc) =	sbr.abs _section_cstart, $3  }
0xce: {  	[dreg:$0x1] =	wrdreg $0xFFFFFFFF  }
0xcf: {  	_ =	task.clear_ibuf [dreg:s22], $0x2FFFF;
	_ =	strace $0x9FFFFFFF  }
0xd0: {  	(tm) =	ssettm $0x7FFFFFFF  }
0xd1: {  	_ =	shalt  }
tec
execute0_lowered:
.L_overlay_start_1:
0x0: {  	(tag) =	ssettag $0x1  }
0x1: {  	s1 =	srdreg.scid  }
0x2: {  	s0 =	stileid.u32;
	s4 =	rddreg [dreg:$0x0];
	s2 =	simm.s32 $0x0  }
0x3: {  	s11 =	simm.s32 $0x1;
	s12 =	simm.s32 $0x7000;
	s13 =	simm.s32 $0x2  }
0x4: {  	s14 =	simm.s32 $0x3;
	s5 =	sand.u32 $0x1, s1;
	s3 =	sshll.u32 s0, $0x1  }
0x5: {  	s15 =	simm.s32 $0x0;
	[smem:$0x7FF] =	sst s2;
	s6 =	sor.u32 s5, s3  }
0x6: {  	s1 =	rddreg [dreg:$0x1];
	_ =	strace $0x80000050;
	s7 =	smul.u32 $0x15000, s6  }
.Ltmp0:
0x7: {  	s5 =	ssub.s32 $0x2, s5;
	s6 =	sshll.u32 s6, $0x9;
	(pc) =	sbr.rel .LBB2_1-.Ltmp0, $4  }
0x8: {  	s3 =	sadd.s32 $0x10B000, s4;
	s31 =	sshrl.u32 s5, $0x1;
	s9 =	sadd.s32 s6, s4  }
0x9: {  	s10 =	ssub.s32 s5, s31;
	s8 =	sshrl.u32 s7, $0x3;
	s6 =	sadd.s32 $0x7000, s7  }
0xa: {  	s7 =	sadd.s32 $0xA800, s7;
	s4 =	sadd.s32 s3, s8;
	s8 =	sadd.s32 $0x15F000, s9  }
0xb: {  	v0 =	vimm.f32 $0.0e+00;
	v1 =	vimm.f32 $1.000000000e+00;
	s9 =	smax.u32 s10, $0x1;
	s10 =	simm.s32 $0x3800;
	s5 =	sadd.s32 $0x700, s4  }
.LBB2_10:
0xc: {  	s15 =	sadd.s32 $0x1, s15  }
0xd: {  	p0 =	sne.s32 s15, s9  }
.Ltmp1:
0xe: {  	_ = 	snop;
	(pc) =	sbr.rel @!p0 .LBB2_11-.Ltmp1, $4  }
0xf: {  	[hbm4b:s8+s2] =	stream.linear.scatter [tilespmem:s12], [sflag:$0x3], $0x1000, $0x38;
	[tilespmem:$0x8000] =	vst v63  }
0x10: {  	_ =	swait.ge [sflag:s14], $0x1000  }
0x11: {  	[sflag:s14] =	ssyncset.done $0x0  }
0x12: {  	[sflag:s14] =	ssyncadd.s32 $0xFFFFF000  }
.LBB2_1:
0x13: {  	s16 =	simm.s32 $0x40;
	s17 =	simm.s32 $0x0  }
.LBB2_2:
0x14: {  	p0 =	sne.s32 s16, $0x3FC0;
	[tilespmem:s17+$0x7000] =	vst v0;
	s17 =	smov.u32 s16;
	s16 =	sadd.s32 $0x40, s16  }
.Ltmp2:
0x15: {  	(pc) =	sbr.rel @p0 .LBB2_2-.Ltmp2, $2  }
0x16: {  	_ =	sdelay $0x2  }
0x17: {  	s17 =	sshra.s32 s17, $0x2  }
0x18: {  	[tilespmem:s17+$0x7000] =	vst v0;
	s16 =	simm.s32 $0x0  }
0x19: {  	[tilespmem:s16], [sflag:$0x1] =	stream.linear.gather [hbm4b:s4+s16], $0x3800, $0x38;
	[tilespmem:$0x8000] =	vst v63  }
0x1a: {  	_ = 	snop  }
0x1b: {  	[tilespmem:s10], [sflag:$0x2] =	stream.linear.gather [hbm4b:s5+s16], $0x3800, $0x38;
	[tilespmem:$0x8000] =	vst v63  }
.LBB2_4:
0x1c: {  	_ =	swait.ge [sflag:s11], $0x3800  }
0x1d: {  	[sflag:s11] =	ssyncset.done $0x0  }
0x1e: {  	s17 =	simm.s32 $0x80;
	[sflag:s11] =	ssyncadd.s32 $0xFFFFC800  }
0x1f: {  	v2 =	vld [tilespmem:s17+$0x0];
	_ =	sdelay $0x4  }
0x20: {  	v3 =	vand.u32 $0xFFFF, v2  }
0x21: {  	v2 =	vshra.s32 v2, $0x10;
	_ =	sdelay $0x3  }
0x22: {  	[tilespmem:v3+s12+$0x0] =	vst.idx.add.f32.msk $0xffff, v1  }
0x23: {  	[tilespmem:v2+s12+$0x0] =	vst.idx.add.f32.msk $0xffff, v1  }
0x24: {  	v2 =	vld [tilespmem:s17+$0x10];
	_ =	sdelay $0x4  }
0x25: {  	v3 =	vand.u32 $0xFFFF, v2  }
0x26: {  	v4 =	vld [tilespmem:s17+$0xFFFFFF80];
	v2 =	vshra.s32 v2, $0x10;
	_ =	sdelay $0x3  }
0x27: {  	[tilespmem:v3+s12+$0x0] =	vst.idx.add.f32.msk $0xffff, v1  }
0x28: {  	v3 =	vand.u32 $0xFFFF, v4;
	[tilespmem:v2+s12+$0x0] =	vst.idx.add.f32.msk $0xffff, v1  }
0x29: {  	v2 =	vshra.s32 v4, $0x10;
	v4 =	vld [tilespmem:s17+$0x20];
	_ =	sdelay $0x3  }
0x2a: {  	[tilespmem:v3+s12+$0x0] =	vst.idx.add.f32.msk $0xffff, v1  }
0x2b: {  	[tilespmem:v2+s12+$0x0] =	vst.idx.add.f32.msk $0xffff, v1;
	v2 =	vand.u32 $0xFFFF, v4  }
0x2c: {  	v4 =	vshra.s32 v4, $0x10  }
0x2d: {  	v3 =	vld [tilespmem:s17+$0xFFFFFF90]  }
0x2e: {  	s18 =	simm.s32 $0x180  }
0x2f: {  	v5 =	vld [tilespmem:s18+$0x0]  }
0x30: {  	[tilespmem:v2+s12+$0x0] =	vst.idx.add.f32.msk $0xffff, v1  }
0x31: {  	[tilespmem:v4+s12+$0x0] =	vst.idx.add.f32.msk $0xffff, v1  }
0x32: {  	v2 =	vand.u32 $0xFFFF, v3;
	v4 =	vld [tilespmem:s17+$0x30]  }
0x33: {  	v3 =	vshra.s32 v3, $0x10;
	_ =	sdelay $0x2  }
0x34: {  	v7 =	vld [tilespmem:s18+$0xFFFFFF80];
	v6 =	vand.u32 $0xFFFF, v5  }
0x35: {  	[tilespmem:v2+s12+$0x0] =	vst.idx.add.f32.msk $0xffff, v1;
	v2 =	vand.u32 $0xFFFF, v4  }
0x36: {  	[tilespmem:v3+s12+$0x0] =	vst.idx.add.f32.msk $0xffff, v1;
	v4 =	vshra.s32 v4, $0x10  }
0x37: {  	v3 =	vld [tilespmem:s17+$0xFFFFFFA0];
	_ =	sdelay $0x1  }
0x38: {  	v5 =	vshra.s32 v5, $0x10;
	[tilespmem:v6+s12+$0x0] =	vst.idx.add.f32.msk $0xffff, v1  }
0x39: {  	[tilespmem:v2+s12+$0x0] =	vst.idx.add.f32.msk $0xffff, v1  }
0x3a: {  	v6 =	vand.u32 $0xFFFF, v7;
	[tilespmem:v4+s12+$0x0] =	vst.idx.add.f32.msk $0xffff, v1  }
0x3b: {  	v2 =	vand.u32 $0xFFFF, v3;
	v4 =	vld [tilespmem:s17+$0x40]  }
0x3c: {  	v3 =	vshra.s32 v3, $0x10  }
0x3d: {  	[tilespmem:v5+s12+$0x0] =	vst.idx.add.f32.msk $0xffff, v1  }
0x3e: {  	v5 =	vshra.s32 v7, $0x10;
	v7 =	vld [tilespmem:s18+$0x10]  }
0x3f: {  	[tilespmem:v6+s12+$0x0] =	vst.idx.add.f32.msk $0xffff, v1  }
0x40: {  	[tilespmem:v2+s12+$0x0] =	vst.idx.add.f32.msk $0xffff, v1;
	v2 =	vand.u32 $0xFFFF, v4  }
0x41: {  	[tilespmem:v3+s12+$0x0] =	vst.idx.add.f32.msk $0xffff, v1;
	v4 =	vshra.s32 v4, $0x10  }
0x42: {  	v3 =	vld [tilespmem:s17+$0xFFFFFFB0]  }
0x43: {  	[tilespmem:v5+s12+$0x0] =	vst.idx.add.f32.msk $0xffff, v1  }
0x44: {  	v5 =	vand.u32 $0xFFFF, v7;
	v6 =	vld [tilespmem:s18+$0xFFFFFF90]  }
0x45: {  	v7 =	vshra.s32 v7, $0x10;
	[tilespmem:v2+s12+$0x0] =	vst.idx.add.f32.msk $0xffff, v1  }
0x46: {  	[tilespmem:v4+s12+$0x0] =	vst.idx.add.f32.msk $0xffff, v1  }
0x47: {  	v2 =	vand.u32 $0xFFFF, v3;
	v4 =	vld [tilespmem:s17+$0x50]  }
0x48: {  	v3 =	vshra.s32 v3, $0x10  }
0x49: {  	[tilespmem:v5+s12+$0x0] =	vst.idx.add.f32.msk $0xffff, v1  }
0x4a: {  	[tilespmem:v7+s12+$0x0] =	vst.idx.add.f32.msk $0xffff, v1  }
0x4b: {  	v5 =	vand.u32 $0xFFFF, v6;
	v7 =	vld [tilespmem:s18+$0x20]  }
0x4c: {  	[tilespmem:v2+s12+$0x0] =	vst.idx.add.f32.msk $0xffff, v1;
	v2 =	vand.u32 $0xFFFF, v4  }
0x4d: {  	[tilespmem:v3+s12+$0x0] =	vst.idx.add.f32.msk $0xffff, v1;
	v4 =	vshra.s32 v4, $0x10  }
0x4e: {  	v3 =	vld [tilespmem:s17+$0xFFFFFFC0]  }
0x4f: {  	v6 =	vshra.s32 v6, $0x10  }
0x50: {  	[tilespmem:v5+s12+$0x0] =	vst.idx.add.f32.msk $0xffff, v1  }
0x51: {  	[tilespmem:v2+s12+$0x0] =	vst.idx.add.f32.msk $0xffff, v1  }
0x52: {  	v5 =	vand.u32 $0xFFFF, v7;
	[tilespmem:v4+s12+$0x0] =	vst.idx.add.f32.msk $0xffff, v1  }
0x53: {  	v2 =	vand.u32 $0xFFFF, v3;
	v4 =	vld [tilespmem:s17+$0x60]  }
0x54: {  	[tilespmem:v6+s12+$0x0] =	vst.idx.add.f32.msk $0xffff, v1;
	v6 =	vshra.s32 v7, $0x10;
	_ =	sdelay $0x1  }
0x55: {  	v7 =	vld [tilespmem:s18+$0xFFFFFFA0];
	v3 =	vshra.s32 v3, $0x10  }
0x56: {  	[tilespmem:v5+s12+$0x0] =	vst.idx.add.f32.msk $0xffff, v1  }
0x57: {  	[tilespmem:v2+s12+$0x0] =	vst.idx.add.f32.msk $0xffff, v1;
	v2 =	vand.u32 $0xFFFF, v4  }
0x58: {  	[tilespmem:v6+s12+$0x0] =	vst.idx.add.f32.msk $0xffff, v1  }
0x59: {  	v6 =	vld [tilespmem:s18+$0x30]  }
0x5a: {  	[tilespmem:v3+s12+$0x0] =	vst.idx.add.f32.msk $0xffff, v1;
	v3 =	vand.u32 $0xFFFF, v7  }
0x5b: {  	v4 =	vshra.s32 v7, $0x10;
	v7 =	vld [tilespmem:s17+$0xFFFFFFD0]  }
0x5c: {  	[tilespmem:v2+s12+$0x0] =	vst.idx.add.f32.msk $0xffff, v1  }
0x5d: {  	v2 =	vld [tilespmem:s17+$0x70];
	_ =	sdelay $0x1  }
0x5e: {  	v5 =	vand.u32 $0xFFFF, v6;
	[tilespmem:v3+s12+$0x0] =	vst.idx.add.f32.msk $0xffff, v1  }
0x5f: {  	v6 =	vshra.s32 v6, $0x10;
	[tilespmem:v4+s12+$0x0] =	vst.idx.add.f32.msk $0xffff, v1  }
0x60: {  	s19 =	simm.s32 $0x2;
	s20 =	simm.s32 $0x280;
	v4 =	vand.u32 $0xFFFF, v7;
	v3 =	vshra.s32 v7, $0x10;
	v7 =	vld [tilespmem:s18+$0xFFFFFFB0]  }
.LBB2_5:
0x61: {  	v8 =	vld [tilespmem:s20+$0x0];
	v2 =	vand.u32 $0xFFFF, v2  }
0x62: {  	v9 =	vld [tilespmem:s20+$0xFFFFFF80]  }
0x63: {  	[tilespmem:v5+s12+$0x0] =	vst.idx.add.f32.msk $0xffff, v1  }
0x64: {  	[tilespmem:v6+s12+$0x0] =	vst.idx.add.f32.msk $0xffff, v1  }
0x65: {  	v5 =	vand.u32 $0xFFFF, v7;
	v6 =	vshra.s32 v7, $0x10;
	v7 =	vld [tilespmem:s18+$0x40]  }
0x66: {  	v10 =	vand.u32 $0xFFFF, v8;
	[tilespmem:v2+s12+$0x0] =	vst.idx.add.f32.msk $0xffff, v1  }
0x67: {  	s19 =	sadd.s32 $0x2, s19;
	v8 =	vshra.s32 v8, $0x10;
	v2 =	vand.u32 $0xFFFF, v9;
	v9 =	vshra.s32 v9, $0x10;
	[tilespmem:v4+s12+$0x0] =	vst.idx.add.f32.msk $0xffff, v1  }
0x68: {  	p0 =	slt.u32 s19, $0x6E;
	[tilespmem:v3+s12+$0x0] =	vst.idx.add.f32.msk $0xffff, v1  }
0x69: {  	v3 =	vld [tilespmem:s17+$0xFFFFFFE0]  }
0x6a: {  	[tilespmem:v5+s12+$0x0] =	vst.idx.add.f32.msk $0xffff, v1;
	v4 =	vand.u32 $0xFFFF, v7  }
0x6b: {  	v5 =	vshra.s32 v7, $0x10;
	[tilespmem:v10+s12+$0x0] =	vst.idx.add.f32.msk $0xffff, v1  }
0x6c: {  	[tilespmem:v8+s12+$0x0] =	vst.idx.add.f32.msk $0xffff, v1  }
0x6d: {  	v7 =	vld [tilespmem:s20+$0x10]  }
0x6e: {  	[tilespmem:v2+s12+$0x0] =	vst.idx.add.f32.msk $0xffff, v1;
	v2 =	vand.u32 $0xFFFF, v3  }
0x6f: {  	[tilespmem:v4+s12+$0x0] =	vst.idx.add.f32.msk $0xffff, v1  }
0x70: {  	[tilespmem:v5+s12+$0x0] =	vst.idx.add.f32.msk $0xffff, v1  }
0x71: {  	v3 =	vld [tilespmem:s18+$0x50]  }
0x72: {  	[tilespmem:v9+s12+$0x0] =	vst.idx.add.f32.msk $0xffff, v1;
	v4 =	vand.u32 $0xFFFF, v7  }
0x73: {  	v7 =	vshra.s32 v7, $0x10;
	v5 =	vld [tilespmem:s20+$0xFFFFFF90]  }
0x74: {  	[tilespmem:v6+s12+$0x0] =	vst.idx.add.f32.msk $0xffff, v1  }
0x75: {  	v6 =	vld [tilespmem:s18+$0xFFFFFFC0]  }
0x76: {  	v8 =	vand.u32 $0xFFFF, v3;
	[tilespmem:v2+s12+$0x0] =	vst.idx.add.f32.msk $0xffff, v1  }
0x77: {  	v2 =	vshra.s32 v3, $0x10;
	[tilespmem:v4+s12+$0x0] =	vst.idx.add.f32.msk $0xffff, v1  }
0x78: {  	v3 =	vand.u32 $0xFFFF, v5;
	v4 =	vshra.s32 v5, $0x10;
	[tilespmem:v7+s12+$0x0] =	vst.idx.add.f32.msk $0xffff, v1  }
0x79: {  	v5 =	vld [tilespmem:s20+$0x20]  }
0x7a: {  	v7 =	vand.u32 $0xFFFF, v6;
	v6 =	vshra.s32 v6, $0x10;
	v9 =	vld [tilespmem:s17+$0xFFFFFFF0];
	s17 =	smov.u32 s18;
	s18 =	smov.u32 s20  }
0x7b: {  	[tilespmem:v8+s12+$0x0] =	vst.idx.add.f32.msk $0xffff, v1  }
0x7c: {  	[tilespmem:v2+s12+$0x0] =	vst.idx.add.f32.msk $0xffff, v1  }
0x7d: {  	v2 =	vld [tilespmem:s17+$0x60]  }
0x7e: {  	[tilespmem:v3+s12+$0x0] =	vst.idx.add.f32.msk $0xffff, v1;
	v3 =	vand.u32 $0xFFFF, v5  }
0x7f: {  	[tilespmem:v4+s12+$0x0] =	vst.idx.add.f32.msk $0xffff, v1;
	v4 =	vshra.s32 v5, $0x10;
	v5 =	vand.u32 $0xFFFF, v9  }
0x80: {  	v8 =	vld [tilespmem:s20+$0xFFFFFFA0]  }
0x81: {  	[tilespmem:v7+s12+$0x0] =	vst.idx.add.f32.msk $0xffff, v1  }
0x82: {  	[tilespmem:v6+s12+$0x0] =	vst.idx.add.f32.msk $0xffff, v1;
	v2 =	vand.u32 $0xFFFF, v2  }
0x83: {  	[tilespmem:v3+s12+$0x0] =	vst.idx.add.f32.msk $0xffff, v1  }
0x84: {  	[tilespmem:v4+s12+$0x0] =	vst.idx.add.f32.msk $0xffff, v1  }
0x85: {  	v3 =	vand.u32 $0xFFFF, v8;
	v4 =	vshra.s32 v8, $0x10;
	v6 =	vld [tilespmem:s20+$0x30]  }
0x86: {  	v7 =	vld [tilespmem:s17+$0xFFFFFFD0]  }
0x87: {  	[tilespmem:v2+s12+$0x0] =	vst.idx.add.f32.msk $0xffff, v1  }
.Ltmp3:
0x88: {  	v2 =	vld [tilespmem:s17+$0x70];
	(pc) =	sbr.rel @p0 .LBB2_5-.Ltmp3, $4  }
0x89: {  	[tilespmem:v5+s12+$0x0] =	vst.idx.add.f32.msk $0xffff, v1  }
0x8a: {  	[tilespmem:v3+s12+$0x0] =	vst.idx.add.f32.msk $0xffff, v1;
	v5 =	vand.u32 $0xFFFF, v6  }
0x8b: {  	v6 =	vshra.s32 v6, $0x10;
	[tilespmem:v4+s12+$0x0] =	vst.idx.add.f32.msk $0xffff, v1;
	v4 =	vand.u32 $0xFFFF, v7;
	v3 =	vshra.s32 v7, $0x10  }
0x8c: {  	s20 =	sadd.s32 $0x100, s20;
	v7 =	vld [tilespmem:s18+$0xFFFFFFB0]  }
0x8d: {  	_ =	sdelay $0x3  }
0x8e: {  	v8 =	vand.u32 $0xFFFF, v7  }
0x8f: {  	v7 =	vshra.s32 v7, $0x10  }
0x90: {  	[tilespmem:v5+s12+$0x0] =	vst.idx.add.f32.msk $0xffff, v1  }
0x91: {  	[tilespmem:v6+s12+$0x0] =	vst.idx.add.f32.msk $0xffff, v1  }
0x92: {  	v5 =	vld [tilespmem:s18+$0x40]  }
0x93: {  	[tilespmem:v8+s12+$0x0] =	vst.idx.add.f32.msk $0xffff, v1  }
0x94: {  	[tilespmem:v7+s12+$0x0] =	vst.idx.add.f32.msk $0xffff, v1  }
0x95: {  	v6 =	vld [tilespmem:s18+$0xFFFFFFC0];
	_ =	sdelay $0x1  }
0x96: {  	v7 =	vand.u32 $0xFFFF, v5  }
0x97: {  	v5 =	vshra.s32 v5, $0x10;
	_ =	sdelay $0x1  }
0x98: {  	v8 =	vand.u32 $0xFFFF, v6  }
0x99: {  	v6 =	vshra.s32 v6, $0x10  }
0x9a: {  	[tilespmem:v7+s12+$0x0] =	vst.idx.add.f32.msk $0xffff, v1  }
0x9b: {  	[tilespmem:v5+s12+$0x0] =	vst.idx.add.f32.msk $0xffff, v1  }
0x9c: {  	v5 =	vld [tilespmem:s18+$0x50]  }
0x9d: {  	[tilespmem:v8+s12+$0x0] =	vst.idx.add.f32.msk $0xffff, v1  }
0x9e: {  	[tilespmem:v6+s12+$0x0] =	vst.idx.add.f32.msk $0xffff, v1  }
0x9f: {  	v6 =	vld [tilespmem:s18+$0xFFFFFFD0];
	_ =	sdelay $0x1  }
0xa0: {  	v7 =	vand.u32 $0xFFFF, v5  }
0xa1: {  	v5 =	vshra.s32 v5, $0x10  }
0xa2: {  	[tilespmem:v4+s12+$0x0] =	vst.idx.add.f32.msk $0xffff, v1  }
0xa3: {  	[tilespmem:v3+s12+$0x0] =	vst.idx.add.f32.msk $0xffff, v1;
	v3 =	vand.u32 $0xFFFF, v6  }
0xa4: {  	v4 =	vld [tilespmem:s17+$0xFFFFFFE0];
	v6 =	vshra.s32 v6, $0x10  }
0xa5: {  	[tilespmem:v7+s12+$0x0] =	vst.idx.add.f32.msk $0xffff, v1  }
0xa6: {  	[tilespmem:v5+s12+$0x0] =	vst.idx.add.f32.msk $0xffff, v1  }
0xa7: {  	v5 =	vld [tilespmem:s18+$0x60]  }
0xa8: {  	[tilespmem:v3+s12+$0x0] =	vst.idx.add.f32.msk $0xffff, v1  }
0xa9: {  	[tilespmem:v6+s12+$0x0] =	vst.idx.add.f32.msk $0xffff, v1  }
0xaa: {  	v3 =	vld [tilespmem:s18+$0xFFFFFFE0]  }
0xab: {  	v4 =	vand.u32 $0xFFFF, v4;
	_ =	sdelay $0x1  }
0xac: {  	v5 =	vand.u32 $0xFFFF, v5;
	_ =	sdelay $0x1  }
0xad: {  	v3 =	vand.u32 $0xFFFF, v3  }
0xae: {  	[tilespmem:v4+s12+$0x0] =	vst.idx.add.f32.msk $0xffff, v1  }
0xaf: {  	v4 =	vld [tilespmem:s17+$0xFFFFFFF0]  }
0xb0: {  	[tilespmem:v5+s12+$0x0] =	vst.idx.add.f32.msk $0xffff, v1  }
0xb1: {  	v5 =	vld [tilespmem:s18+$0x70]  }
0xb2: {  	[tilespmem:v3+s12+$0x0] =	vst.idx.add.f32.msk $0xffff, v1  }
0xb3: {  	v3 =	vld [tilespmem:s18+$0xFFFFFFF0];
	_ =	sdelay $0x1  }
0xb4: {  	v2 =	vand.u32 $0xFFFF, v2  }
0xb5: {  	v4 =	vand.u32 $0xFFFF, v4  }
0xb6: {  	v5 =	vand.u32 $0xFFFF, v5  }
0xb7: {  	p0 =	seq.s32 s16, $0x2;
	v3 =	vand.u32 $0xFFFF, v3  }
0xb8: {  	s17 =	smul.u32 @!p0 $0x7000, s16  }
0xb9: {  	[tilespmem:v2+s12+$0x0] =	vst.idx.add.f32.msk $0xffff, v1  }
0xba: {  	s17 =	sadd.s32 @!p0 s17, s6;
	[tilespmem:v4+s12+$0x0] =	vst.idx.add.f32.msk $0xffff, v1  }
0xbb: {  	s17 =	sshrl.u32 @!p0 s17, $0x3;
	[tilespmem:v5+s12+$0x0] =	vst.idx.add.f32.msk $0xffff, v1  }
0xbc: {  	s17 =	sadd.s32 @!p0 s3, s17;
	s18 =	simm.s32 @!p0 $0x0;
	[tilespmem:v3+s12+$0x0] =	vst.idx.add.f32.msk $0xffff, v1  }
0xbd: {  	[tilespmem:s18], [sflag:$0x1] =	stream.linear.gather @!p0 [hbm4b:s17+s18], $0x3800, $0x38;
	[tilespmem:$0x8000] =	vst v63  }
0xbe: {  	_ =	swait.ge [sflag:s13], $0x3800  }
0xbf: {  	[sflag:s13] =	ssyncset.done $0x0  }
0xc0: {  	s17 =	simm.s32 $0x3880;
	[sflag:s13] =	ssyncadd.s32 $0xFFFFC800  }
0xc1: {  	v2 =	vld [tilespmem:s17+$0x0];
	_ =	sdelay $0x4  }
0xc2: {  	v3 =	vand.u32 $0xFFFF, v2  }
0xc3: {  	v2 =	vshra.s32 v2, $0x10;
	_ =	sdelay $0x3  }
0xc4: {  	[tilespmem:v3+s12+$0x0] =	vst.idx.add.f32.msk $0xffff, v1  }
0xc5: {  	[tilespmem:v2+s12+$0x0] =	vst.idx.add.f32.msk $0xffff, v1  }
0xc6: {  	v2 =	vld [tilespmem:s17+$0x10];
	_ =	sdelay $0x4  }
0xc7: {  	v3 =	vand.u32 $0xFFFF, v2  }
0xc8: {  	v4 =	vld [tilespmem:s17+$0xFFFFFF80];
	v2 =	vshra.s32 v2, $0x10;
	_ =	sdelay $0x3  }
0xc9: {  	[tilespmem:v3+s12+$0x0] =	vst.idx.add.f32.msk $0xffff, v1  }
0xca: {  	v3 =	vand.u32 $0xFFFF, v4;
	[tilespmem:v2+s12+$0x0] =	vst.idx.add.f32.msk $0xffff, v1  }
0xcb: {  	v2 =	vshra.s32 v4, $0x10;
	v4 =	vld [tilespmem:s17+$0x20];
	_ =	sdelay $0x3  }
0xcc: {  	[tilespmem:v3+s12+$0x0] =	vst.idx.add.f32.msk $0xffff, v1  }
0xcd: {  	[tilespmem:v2+s12+$0x0] =	vst.idx.add.f32.msk $0xffff, v1;
	v2 =	vand.u32 $0xFFFF, v4  }
0xce: {  	v4 =	vshra.s32 v4, $0x10  }
0xcf: {  	v3 =	vld [tilespmem:s17+$0xFFFFFF90]  }
0xd0: {  	s18 =	simm.s32 $0x3980  }
0xd1: {  	v5 =	vld [tilespmem:s18+$0x0]  }
0xd2: {  	[tilespmem:v2+s12+$0x0] =	vst.idx.add.f32.msk $0xffff, v1  }
0xd3: {  	[tilespmem:v4+s12+$0x0] =	vst.idx.add.f32.msk $0xffff, v1  }
0xd4: {  	v2 =	vand.u32 $0xFFFF, v3;
	v4 =	vld [tilespmem:s17+$0x30]  }
0xd5: {  	v3 =	vshra.s32 v3, $0x10;
	_ =	sdelay $0x2  }
0xd6: {  	v7 =	vld [tilespmem:s18+$0xFFFFFF80];
	v6 =	vand.u32 $0xFFFF, v5  }
0xd7: {  	[tilespmem:v2+s12+$0x0] =	vst.idx.add.f32.msk $0xffff, v1;
	v2 =	vand.u32 $0xFFFF, v4  }
0xd8: {  	[tilespmem:v3+s12+$0x0] =	vst.idx.add.f32.msk $0xffff, v1;
	v4 =	vshra.s32 v4, $0x10  }
0xd9: {  	v3 =	vld [tilespmem:s17+$0xFFFFFFA0];
	_ =	sdelay $0x1  }
0xda: {  	v5 =	vshra.s32 v5, $0x10;
	[tilespmem:v6+s12+$0x0] =	vst.idx.add.f32.msk $0xffff, v1  }
0xdb: {  	[tilespmem:v2+s12+$0x0] =	vst.idx.add.f32.msk $0xffff, v1  }
0xdc: {  	v6 =	vand.u32 $0xFFFF, v7;
	[tilespmem:v4+s12+$0x0] =	vst.idx.add.f32.msk $0xffff, v1  }
0xdd: {  	v2 =	vand.u32 $0xFFFF, v3;
	v4 =	vld [tilespmem:s17+$0x40]  }
0xde: {  	v3 =	vshra.s32 v3, $0x10  }
0xdf: {  	[tilespmem:v5+s12+$0x0] =	vst.idx.add.f32.msk $0xffff, v1  }
0xe0: {  	v5 =	vshra.s32 v7, $0x10;
	v7 =	vld [tilespmem:s18+$0x10]  }
0xe1: {  	[tilespmem:v6+s12+$0x0] =	vst.idx.add.f32.msk $0xffff, v1  }
0xe2: {  	[tilespmem:v2+s12+$0x0] =	vst.idx.add.f32.msk $0xffff, v1;
	v2 =	vand.u32 $0xFFFF, v4  }
0xe3: {  	[tilespmem:v3+s12+$0x0] =	vst.idx.add.f32.msk $0xffff, v1;
	v4 =	vshra.s32 v4, $0x10  }
0xe4: {  	v3 =	vld [tilespmem:s17+$0xFFFFFFB0]  }
0xe5: {  	[tilespmem:v5+s12+$0x0] =	vst.idx.add.f32.msk $0xffff, v1  }
0xe6: {  	v5 =	vand.u32 $0xFFFF, v7;
	v6 =	vld [tilespmem:s18+$0xFFFFFF90]  }
0xe7: {  	v7 =	vshra.s32 v7, $0x10;
	[tilespmem:v2+s12+$0x0] =	vst.idx.add.f32.msk $0xffff, v1  }
0xe8: {  	[tilespmem:v4+s12+$0x0] =	vst.idx.add.f32.msk $0xffff, v1  }
0xe9: {  	v2 =	vand.u32 $0xFFFF, v3;
	v4 =	vld [tilespmem:s17+$0x50]  }
0xea: {  	v3 =	vshra.s32 v3, $0x10  }
0xeb: {  	[tilespmem:v5+s12+$0x0] =	vst.idx.add.f32.msk $0xffff, v1  }
0xec: {  	[tilespmem:v7+s12+$0x0] =	vst.idx.add.f32.msk $0xffff, v1  }
0xed: {  	v5 =	vand.u32 $0xFFFF, v6;
	v7 =	vld [tilespmem:s18+$0x20]  }
0xee: {  	[tilespmem:v2+s12+$0x0] =	vst.idx.add.f32.msk $0xffff, v1;
	v2 =	vand.u32 $0xFFFF, v4  }
0xef: {  	[tilespmem:v3+s12+$0x0] =	vst.idx.add.f32.msk $0xffff, v1;
	v4 =	vshra.s32 v4, $0x10  }
0xf0: {  	v3 =	vld [tilespmem:s17+$0xFFFFFFC0]  }
0xf1: {  	v6 =	vshra.s32 v6, $0x10  }
0xf2: {  	[tilespmem:v5+s12+$0x0] =	vst.idx.add.f32.msk $0xffff, v1  }
0xf3: {  	[tilespmem:v2+s12+$0x0] =	vst.idx.add.f32.msk $0xffff, v1  }
0xf4: {  	v5 =	vand.u32 $0xFFFF, v7;
	[tilespmem:v4+s12+$0x0] =	vst.idx.add.f32.msk $0xffff, v1  }
0xf5: {  	v2 =	vand.u32 $0xFFFF, v3;
	v4 =	vld [tilespmem:s17+$0x60]  }
0xf6: {  	[tilespmem:v6+s12+$0x0] =	vst.idx.add.f32.msk $0xffff, v1;
	v6 =	vshra.s32 v7, $0x10;
	_ =	sdelay $0x1  }
0xf7: {  	v7 =	vld [tilespmem:s18+$0xFFFFFFA0];
	v3 =	vshra.s32 v3, $0x10  }
0xf8: {  	[tilespmem:v5+s12+$0x0] =	vst.idx.add.f32.msk $0xffff, v1  }
0xf9: {  	[tilespmem:v2+s12+$0x0] =	vst.idx.add.f32.msk $0xffff, v1;
	v2 =	vand.u32 $0xFFFF, v4  }
0xfa: {  	[tilespmem:v6+s12+$0x0] =	vst.idx.add.f32.msk $0xffff, v1  }
0xfb: {  	v6 =	vld [tilespmem:s18+$0x30]  }
0xfc: {  	[tilespmem:v3+s12+$0x0] =	vst.idx.add.f32.msk $0xffff, v1;
	v3 =	vand.u32 $0xFFFF, v7  }
0xfd: {  	v4 =	vshra.s32 v7, $0x10;
	v7 =	vld [tilespmem:s17+$0xFFFFFFD0]  }
0xfe: {  	[tilespmem:v2+s12+$0x0] =	vst.idx.add.f32.msk $0xffff, v1  }
0xff: {  	v2 =	vld [tilespmem:s17+$0x70];
	_ =	sdelay $0x1  }
0x100: {  	v5 =	vand.u32 $0xFFFF, v6;
	[tilespmem:v3+s12+$0x0] =	vst.idx.add.f32.msk $0xffff, v1  }
0x101: {  	v6 =	vshra.s32 v6, $0x10;
	[tilespmem:v4+s12+$0x0] =	vst.idx.add.f32.msk $0xffff, v1  }
0x102: {  	s19 =	simm.s32 $0x2;
	s20 =	simm.s32 $0x3A80;
	v4 =	vand.u32 $0xFFFF, v7;
	v3 =	vshra.s32 v7, $0x10;
	v7 =	vld [tilespmem:s18+$0xFFFFFFB0]  }
.LBB2_7:
0x103: {  	v8 =	vld [tilespmem:s20+$0x0];
	v2 =	vand.u32 $0xFFFF, v2  }
0x104: {  	v9 =	vld [tilespmem:s20+$0xFFFFFF80]  }
0x105: {  	[tilespmem:v5+s12+$0x0] =	vst.idx.add.f32.msk $0xffff, v1  }
0x106: {  	[tilespmem:v6+s12+$0x0] =	vst.idx.add.f32.msk $0xffff, v1  }
0x107: {  	v5 =	vand.u32 $0xFFFF, v7;
	v6 =	vshra.s32 v7, $0x10;
	v7 =	vld [tilespmem:s18+$0x40]  }
0x108: {  	v10 =	vand.u32 $0xFFFF, v8;
	[tilespmem:v2+s12+$0x0] =	vst.idx.add.f32.msk $0xffff, v1  }
0x109: {  	s19 =	sadd.s32 $0x2, s19;
	v8 =	vshra.s32 v8, $0x10;
	v2 =	vand.u32 $0xFFFF, v9;
	v9 =	vshra.s32 v9, $0x10;
	[tilespmem:v4+s12+$0x0] =	vst.idx.add.f32.msk $0xffff, v1  }
0x10a: {  	p1 =	slt.u32 s19, $0x6E;
	[tilespmem:v3+s12+$0x0] =	vst.idx.add.f32.msk $0xffff, v1  }
0x10b: {  	v3 =	vld [tilespmem:s17+$0xFFFFFFE0]  }
0x10c: {  	[tilespmem:v5+s12+$0x0] =	vst.idx.add.f32.msk $0xffff, v1;
	v4 =	vand.u32 $0xFFFF, v7  }
0x10d: {  	v5 =	vshra.s32 v7, $0x10;
	[tilespmem:v10+s12+$0x0] =	vst.idx.add.f32.msk $0xffff, v1  }
0x10e: {  	[tilespmem:v8+s12+$0x0] =	vst.idx.add.f32.msk $0xffff, v1  }
0x10f: {  	v7 =	vld [tilespmem:s20+$0x10]  }
0x110: {  	[tilespmem:v2+s12+$0x0] =	vst.idx.add.f32.msk $0xffff, v1;
	v2 =	vand.u32 $0xFFFF, v3  }
0x111: {  	[tilespmem:v4+s12+$0x0] =	vst.idx.add.f32.msk $0xffff, v1  }
0x112: {  	[tilespmem:v5+s12+$0x0] =	vst.idx.add.f32.msk $0xffff, v1  }
0x113: {  	v3 =	vld [tilespmem:s18+$0x50]  }
0x114: {  	[tilespmem:v9+s12+$0x0] =	vst.idx.add.f32.msk $0xffff, v1;
	v4 =	vand.u32 $0xFFFF, v7  }
0x115: {  	v7 =	vshra.s32 v7, $0x10;
	v5 =	vld [tilespmem:s20+$0xFFFFFF90]  }
0x116: {  	[tilespmem:v6+s12+$0x0] =	vst.idx.add.f32.msk $0xffff, v1  }
0x117: {  	v6 =	vld [tilespmem:s18+$0xFFFFFFC0]  }
0x118: {  	v8 =	vand.u32 $0xFFFF, v3;
	[tilespmem:v2+s12+$0x0] =	vst.idx.add.f32.msk $0xffff, v1  }
0x119: {  	v2 =	vshra.s32 v3, $0x10;
	[tilespmem:v4+s12+$0x0] =	vst.idx.add.f32.msk $0xffff, v1  }
0x11a: {  	v3 =	vand.u32 $0xFFFF, v5;
	v4 =	vshra.s32 v5, $0x10;
	[tilespmem:v7+s12+$0x0] =	vst.idx.add.f32.msk $0xffff, v1  }
0x11b: {  	v5 =	vld [tilespmem:s20+$0x20]  }
0x11c: {  	v7 =	vand.u32 $0xFFFF, v6;
	v6 =	vshra.s32 v6, $0x10;
	v9 =	vld [tilespmem:s17+$0xFFFFFFF0];
	s17 =	smov.u32 s18;
	s18 =	smov.u32 s20  }
0x11d: {  	[tilespmem:v8+s12+$0x0] =	vst.idx.add.f32.msk $0xffff, v1  }
0x11e: {  	[tilespmem:v2+s12+$0x0] =	vst.idx.add.f32.msk $0xffff, v1  }
0x11f: {  	v2 =	vld [tilespmem:s17+$0x60]  }
0x120: {  	[tilespmem:v3+s12+$0x0] =	vst.idx.add.f32.msk $0xffff, v1;
	v3 =	vand.u32 $0xFFFF, v5  }
0x121: {  	[tilespmem:v4+s12+$0x0] =	vst.idx.add.f32.msk $0xffff, v1;
	v4 =	vshra.s32 v5, $0x10;
	v5 =	vand.u32 $0xFFFF, v9  }
0x122: {  	v8 =	vld [tilespmem:s20+$0xFFFFFFA0]  }
0x123: {  	[tilespmem:v7+s12+$0x0] =	vst.idx.add.f32.msk $0xffff, v1  }
0x124: {  	[tilespmem:v6+s12+$0x0] =	vst.idx.add.f32.msk $0xffff, v1;
	v2 =	vand.u32 $0xFFFF, v2  }
0x125: {  	[tilespmem:v3+s12+$0x0] =	vst.idx.add.f32.msk $0xffff, v1  }
0x126: {  	[tilespmem:v4+s12+$0x0] =	vst.idx.add.f32.msk $0xffff, v1  }
0x127: {  	v3 =	vand.u32 $0xFFFF, v8;
	v4 =	vshra.s32 v8, $0x10;
	v6 =	vld [tilespmem:s20+$0x30]  }
0x128: {  	v7 =	vld [tilespmem:s17+$0xFFFFFFD0]  }
0x129: {  	[tilespmem:v2+s12+$0x0] =	vst.idx.add.f32.msk $0xffff, v1  }
.Ltmp4:
0x12a: {  	v2 =	vld [tilespmem:s17+$0x70];
	(pc) =	sbr.rel @p1 .LBB2_7-.Ltmp4, $4  }
0x12b: {  	[tilespmem:v5+s12+$0x0] =	vst.idx.add.f32.msk $0xffff, v1  }
0x12c: {  	[tilespmem:v3+s12+$0x0] =	vst.idx.add.f32.msk $0xffff, v1;
	v5 =	vand.u32 $0xFFFF, v6  }
0x12d: {  	v6 =	vshra.s32 v6, $0x10;
	[tilespmem:v4+s12+$0x0] =	vst.idx.add.f32.msk $0xffff, v1;
	v4 =	vand.u32 $0xFFFF, v7;
	v3 =	vshra.s32 v7, $0x10  }
0x12e: {  	s20 =	sadd.s32 $0x100, s20;
	v7 =	vld [tilespmem:s18+$0xFFFFFFB0]  }
0x12f: {  	_ =	sdelay $0x3  }
0x130: {  	v8 =	vand.u32 $0xFFFF, v7  }
0x131: {  	v59 =	vshra.s32 v7, $0x10  }
0x132: {  	[tilespmem:v5+s12+$0x0] =	vst.idx.add.f32.msk $0xffff, v1  }
0x133: {  	[tilespmem:v6+s12+$0x0] =	vst.idx.add.f32.msk $0xffff, v1  }
0x134: {  	v5 =	vld [tilespmem:s18+$0x40]  }
0x135: {  	[tilespmem:v8+s12+$0x0] =	vst.idx.add.f32.msk $0xffff, v1  }
0x136: {  	[tilespmem:v59+s12+$0x0] =	vst.idx.add.f32.msk $0xffff, v1  }
0x137: {  	v60 =	vld [tilespmem:s18+$0xFFFFFFC0];
	_ =	sdelay $0x1  }
0x138: {  	v61 =	vand.u32 $0xFFFF, v5  }
0x139: {  	v5 =	vshra.s32 v5, $0x10;
	_ =	sdelay $0x1  }
0x13a: {  	v62 =	vand.u32 $0xFFFF, v60  }
0x13b: {  	v6 =	vshra.s32 v60, $0x10  }
0x13c: {  	[tilespmem:v61+s12+$0x0] =	vst.idx.add.f32.msk $0xffff, v1  }
0x13d: {  	[tilespmem:v5+s12+$0x0] =	vst.idx.add.f32.msk $0xffff, v1  }
0x13e: {  	v5 =	vld [tilespmem:s18+$0x50]  }
0x13f: {  	[tilespmem:v62+s12+$0x0] =	vst.idx.add.f32.msk $0xffff, v1  }
0x140: {  	[tilespmem:v6+s12+$0x0] =	vst.idx.add.f32.msk $0xffff, v1  }
0x141: {  	v6 =	vld [tilespmem:s18+$0xFFFFFFD0];
	_ =	sdelay $0x1  }
0x142: {  	v63 =	vand.u32 $0xFFFF, v5  }
0x143: {  	v5 =	vshra.s32 v5, $0x10  }
0x144: {  	[tilespmem:v4+s12+$0x0] =	vst.idx.add.f32.msk $0xffff, v1  }
0x145: {  	[tilespmem:v3+s12+$0x0] =	vst.idx.add.f32.msk $0xffff, v1;
	v3 =	vand.u32 $0xFFFF, v6  }
0x146: {  	v4 =	vld [tilespmem:s17+$0xFFFFFFE0];
	v6 =	vshra.s32 v6, $0x10  }
0x147: {  	[tilespmem:v63+s12+$0x0] =	vst.idx.add.f32.msk $0xffff, v1  }
0x148: {  	[tilespmem:v5+s12+$0x0] =	vst.idx.add.f32.msk $0xffff, v1  }
0x149: {  	v5 =	vld [tilespmem:s18+$0x60]  }
0x14a: {  	[tilespmem:v3+s12+$0x0] =	vst.idx.add.f32.msk $0xffff, v1  }
0x14b: {  	[tilespmem:v6+s12+$0x0] =	vst.idx.add.f32.msk $0xffff, v1  }
0x14c: {  	v3 =	vld [tilespmem:s18+$0xFFFFFFE0]  }
0x14d: {  	v4 =	vand.u32 $0xFFFF, v4;
	_ =	sdelay $0x1  }
0x14e: {  	v5 =	vand.u32 $0xFFFF, v5;
	_ =	sdelay $0x1  }
0x14f: {  	v3 =	vand.u32 $0xFFFF, v3  }
0x150: {  	[tilespmem:v4+s12+$0x0] =	vst.idx.add.f32.msk $0xffff, v1  }
0x151: {  	v4 =	vld [tilespmem:s17+$0xFFFFFFF0]  }
0x152: {  	[tilespmem:v5+s12+$0x0] =	vst.idx.add.f32.msk $0xffff, v1  }
0x153: {  	v5 =	vld [tilespmem:s18+$0x70]  }
0x154: {  	[tilespmem:v3+s12+$0x0] =	vst.idx.add.f32.msk $0xffff, v1  }
0x155: {  	v3 =	vld [tilespmem:s18+$0xFFFFFFF0];
	_ =	sdelay $0x1  }
0x156: {  	v2 =	vand.u32 $0xFFFF, v2  }
0x157: {  	v4 =	vand.u32 $0xFFFF, v4  }
0x158: {  	v5 =	vand.u32 $0xFFFF, v5  }
0x159: {  	v3 =	vand.u32 $0xFFFF, v3  }
.Ltmp5:
0x15a: {  	_ = 	snop;
	(pc) =	sbr.rel @p0 .LBB2_10-.Ltmp5, $4  }
0x15b: {  	[tilespmem:v2+s12+$0x0] =	vst.idx.add.f32.msk $0xffff, v1  }
0x15c: {  	[tilespmem:v4+s12+$0x0] =	vst.idx.add.f32.msk $0xffff, v1  }
0x15d: {  	[tilespmem:v5+s12+$0x0] =	vst.idx.add.f32.msk $0xffff, v1  }
0x15e: {  	[tilespmem:v3+s12+$0x0] =	vst.idx.add.f32.msk $0xffff, v1  }
0x15f: {  	s17 =	smul.u32 $0x7000, s16  }
.Ltmp6:
0x160: {  	_ = 	snop;
	(pc) =	sbr.rel .LBB2_4-.Ltmp6, $4  }
0x161: {  	s17 =	sadd.s32 s17, s7  }
0x162: {  	s17 =	sshrl.u32 s17, $0x3  }
0x163: {  	s16 =	sadd.s32 $0x1, s16;
	s17 =	sadd.s32 s3, s17  }
0x164: {  	[tilespmem:s10], [sflag:$0x2] =	stream.linear.gather [hbm4b:s17+s2], $0x3800, $0x38;
	[tilespmem:$0x8000] =	vst v63  }
.LBB2_11:
0x165: {  	_ =	sfence.sel $0x180000  }
0x166: {  	[bflag:$0x0] =	sbarrier.arrive $0xFFFF  }
0x167: {  	p0 =	sne.s32 s0, $0x0;
	_ =	strace $0x90000050  }
0x168: {  	s0 =	sadd.s32 @!p0 $0x100000, s1;
	[bflag:$0x2] =	sbarrier.arrive $0xFFFF  }
0x169: {  	[sflag:s0] =	ssyncadd.tile.s32 @!p0 $0x1;
	_ =	shalt  }
.Lfunc_end2:
_tile_overlayer_lowered:
.L_overlay_start_2:
0x16a: {  	(tag) =	ssettag $0x2  }
0x16b: {  	s0 =	rddreg [dreg:$0x0];
	s2 =	stileid.u32  }
0x16c: {  	s1 =	rddreg [dreg:$0x1];
	p0 =	sne.s32 s2, $0x0  }
0x16d: {  	s3 =	rddreg [dreg:$0x2];
	[bflag:$0x3] =	sbarrier.arrive $0xFFFF;
	s2 =	simm.s32 @!p0 $0x1C03  }
0x16e: {  	[timem:s3], [sflag:s2] =	dma.local @!p0 [hbm:s0], s1  }
0x16f: {  	s0 =	simm.s32 @!p0 $0x3  }
0x170: {  	_ =	swait.ge @!p0 [sflag:s0], s1  }
0x171: {  	s1 =	ssub.s32 @!p0 $0x0, s1;
	[sflag:s0] =	ssyncset.done @!p0 $0x0  }
0x172: {  	[sflag:s0] =	ssyncadd.s32 @!p0 s1  }
0x173: {  	[bflag:$0x3] =	sbarrier.arrive $0xFFFF  }
0x174: {  	_ =	shalt  }

// kernel: kernel.14.cloned.1.call-start
scs
__scs_entry_jumppad:
0x0: {  	(pc) =	sbr.rel $0x88, $3  }
0x1: {  	(tag) =	ssettag $0x0;
	lr =	simm.s32 $0x1  }
0x2: {  	[smem:$0x3F9F] =	sst lr;
	_ =	strace $0xD0000000  }
0x3: {  	_ = 	snop  }
0x4: {  	_ = 	snop  }
0x5: {  	_ = 	snop  }
0x6: {  	_ = 	snop  }
0x7: {  	_ = 	snop  }
__scs_overlays_trampoline_lowered:
0x8: {  	[smem:$0x3FAE] =	sst s0  }
0x9: {  	[smem:$0x3FAF] =	sst s1  }
0xa: {  	[smem:$0x3FB0] =	sst s2  }
0xb: {  	[smem:$0x3FB1] =	sst s3  }
0xc: {  	[smem:$0x3FB2] =	sst s4  }
0xd: {  	[smem:$0x3FB3] =	sst s5  }
0xe: {  	[smem:$0x3FB4] =	sst s6  }
0xf: {  	[smem:$0x3FB5] =	sst s7  }
0x10: {  	[smem:$0x3FB6] =	sst s8  }
0x11: {  	[smem:$0x3FB7] =	sst s9;
	s0 =	simm.s32 @!p0 $0x0  }
0x12: {  	s1 =	sld [smem:$0x3F9D];
	s0 =	simm.s32 @p0 $0x1  }
0x13: {  	[smem:$0x3FB8] =	sst s0;
	s0 =	simm.s32 @!p1 $0x0  }
0x14: {  	s2 =	sld [smem:$0x3F9C];
	s0 =	simm.s32 @p1 $0x1  }
0x15: {  	[smem:$0x3FB9] =	sst s0;
	s0 =	simm.s32 @!p2 $0x0  }
0x16: {  	s3 =	sld [smem:$0x3FDB];
	s0 =	simm.s32 @p2 $0x1  }
0x17: {  	s4 =	simm.s32 $0x1BF5;
	[smem:$0x3FBB] =	sst s0  }
0x18: {  	s0 =	sld [smem:$0x3F9E];
	_ =	swait.ge [sflag:s4], $0x0  }
0x19: {  	s7 =	sld [smem:$0x3F9F]  }
0x1a: {  	s8 =	sadd.s32 $0xFFFFE003, lr  }
0x1b: {  	s9 =	sadd.s32 $0xFFFFFEF7, lr;
	s5 =	simm.s32 $0xFFFFFFFF;
	p2 =	slt.u32 s8, $0xFFFFF086  }
0x1c: {  	p1 =	slt.u32 s9, $0xF7A;
	s5 =	simm.s32 @!p2 $0x0  }
0x1d: {  	s5 =	simm.s32 @p1 $0x1;
	p0 =	seq.s32 s7, s2  }
0x1e: {  	s7 =	smul.u32 @!p0 $0xF7A, s2;
	p2 =	seq.s32 @!p0 s5, $0x0  }
0x1f: {  	s9 =	smul.u32 $0xF7A, s1;
	s8 =	simm.s32 @!p0 $0x1BF5;
	p2 =	por !p2, p0  }
0x20: {  	[sflag:s8] =	ssyncset.s32 @!p0 $0xFFFFF086;
	s6 =	sadd.s32 @!p0 s3, s7;
	s7 =	simm.s32 @!p0 $0x108  }
0x21: {  	s3 =	sadd.s32 s3, s9;
	s6 =	sadd.s32 @!p0 $0x88, s6;
	s7 =	simm.s32 @p2 $0x1082  }
0x22: {  	[simem:s7], [sflag:s8] =	dma.local @!p0 [hbm:s6], $0xF7A  }
0x23: {  	s9 =	sor.u32 $0xD0000000, s2;
	s6 =	simm.s32 $0x108;
	_ =	swait.ge @!p0 [sflag:s8], $0x0  }
0x24: {  	s3 =	sadd.s32 $0x88, s3;
	s6 =	simm.s32 @!p1 $0x1082;
	[sflag:s4] =	ssyncset.s32 $0xFFFFF086  }
0x25: {  	[simem:s6], [sflag:s4] =	dma.local [hbm:s3], $0xF7A  }
0x26: {  	[smem:$0x3F9F] =	sst s1;
	(tag) =	ssettag s2;
	_ =	strace s9  }
0x27: {  	s1 =	sld [smem:$0x3FAF]  }
0x28: {  	s2 =	sld [smem:$0x3FB0]  }
0x29: {  	s4 =	sld [smem:$0x3FB2]  }
0x2a: {  	p0 =	seq.s32 s5, $0x0;
	s5 =	sld [smem:$0x3FB3]  }
0x2b: {  	s6 =	sld [smem:$0x3FB4]  }
0x2c: {  	s7 =	sld [smem:$0x3FB5]  }
0x2d: {  	s3 =	simm.s32 $0x108;
	s8 =	sld [smem:$0x3FB6]  }
0x2e: {  	s3 =	simm.s32 @!p0 $0x1082;
	s9 =	sld [smem:$0x3FB7]  }
0x2f: {  	lr =	sadd.s32 s0, s3;
	s0 =	sld [smem:$0x3FAE]  }
0x30: {  	s3 =	sld [smem:$0x3FB1]  }
0x31: {  	[smem:$0x3FBA] =	sst s10  }
0x32: {  	s10 =	sld [smem:$0x3FB8];
	_ =	sdelay $0x3  }
0x33: {  	p0 =	seq.s32 s10, $0x1;
	s10 =	sld [smem:$0x3FBA];
	_ =	sdelay $0x3  }
0x34: {  	[smem:$0x3FBA] =	sst s10  }
0x35: {  	s10 =	sld [smem:$0x3FB9];
	_ =	sdelay $0x3  }
0x36: {  	p1 =	seq.s32 s10, $0x1;
	s10 =	sld [smem:$0x3FBA];
	_ =	sdelay $0x3  }
0x37: {  	[smem:$0x3FBA] =	sst s10  }
0x38: {  	s10 =	sld [smem:$0x3FBB]  }
0x39: {  	_ = 	snop;
	(pc) =	sbr.ind lr, $3  }
0x3a: {  	_ = 	snop  }
0x3b: {  	_ = 	snop  }
0x3c: {  	p2 =	seq.s32 s10, $0x1;
	s10 =	sld [smem:$0x3FBA]  }
0x3d: {  	_ =	shalt  }
0x3e: {  	_ =	shalt  }
0x3f: {  	_ =	shalt  }
0x40: {  	_ =	shalt  }
0x41: {  	_ =	shalt  }
0x42: {  	_ =	shalt  }
0x43: {  	_ =	shalt  }
0x44: {  	_ =	shalt  }
0x45: {  	_ =	shalt  }
0x46: {  	_ =	shalt  }
0x47: {  	_ =	shalt  }
0x48: {  	_ =	shalt  }
0x49: {  	_ =	shalt  }
0x4a: {  	_ =	shalt  }
0x4b: {  	_ =	shalt  }
0x4c: {  	_ =	shalt  }
0x4d: {  	_ =	shalt  }
0x4e: {  	_ =	shalt  }
0x4f: {  	_ =	shalt  }
0x50: {  	_ =	shalt  }
0x51: {  	_ =	shalt  }
0x52: {  	_ =	shalt  }
0x53: {  	_ =	shalt  }
0x54: {  	_ =	shalt  }
0x55: {  	_ =	shalt  }
0x56: {  	_ =	shalt  }
0x57: {  	_ =	shalt  }
0x58: {  	_ =	shalt  }
0x59: {  	_ =	shalt  }
0x5a: {  	_ =	shalt  }
0x5b: {  	_ =	shalt  }
0x5c: {  	_ =	shalt  }
0x5d: {  	_ =	shalt  }
0x5e: {  	_ =	shalt  }
0x5f: {  	_ =	shalt  }
0x60: {  	_ =	shalt  }
0x61: {  	_ =	shalt  }
0x62: {  	_ =	shalt  }
0x63: {  	_ =	shalt  }
0x64: {  	_ =	shalt  }
0x65: {  	_ =	shalt  }
0x66: {  	_ =	shalt  }
0x67: {  	_ =	shalt  }
0x68: {  	_ =	shalt  }
0x69: {  	_ =	shalt  }
0x6a: {  	_ =	shalt  }
0x6b: {  	_ =	shalt  }
0x6c: {  	_ =	shalt  }
0x6d: {  	_ =	shalt  }
0x6e: {  	_ =	shalt  }
0x6f: {  	_ =	shalt  }
0x70: {  	_ =	shalt  }
0x71: {  	_ =	shalt  }
0x72: {  	_ =	shalt  }
0x73: {  	_ =	shalt  }
0x74: {  	_ =	shalt  }
0x75: {  	_ =	shalt  }
0x76: {  	_ =	shalt  }
0x77: {  	_ =	shalt  }
0x78: {  	_ =	shalt  }
0x79: {  	_ =	shalt  }
0x7a: {  	_ =	shalt  }
0x7b: {  	_ =	shalt  }
0x7c: {  	_ =	shalt  }
0x7d: {  	_ =	shalt  }
0x7e: {  	_ =	shalt  }
0x7f: {  	_ =	shalt  }
0x80: {  	_ =	shalt  }
0x81: {  	_ =	shalt  }
0x82: {  	_ =	shalt  }
0x83: {  	_ =	shalt  }
0x84: {  	_ =	shalt  }
0x85: {  	_ =	shalt  }
0x86: {  	_ =	shalt  }
0x87: {  	_ =	shalt  }
.Lfunc_end0:
.L_simem_size_0:
called_computation.1_lowered:
.L_overlay_start_0:
0x88: {  	s2 =	sld [smem:$0x3FD9]  }
0x89: {  	s3 =	sld [smem:$0x3FFE];
	_ =	sdelay $0x1  }
0x8a: {  	s1 =	srdreg.scid  }
0x8b: {  	s0 =	sand.u32 $0x1, s1  }
0x8c: {  	s17 =	sshll.u32 s0, $0xA;
	s2 =	sadd.s32 s3, s2  }
0x8d: {  	s2 =	sadd.s32 s2, s17  }
0x8e: {  	[smem:$0x3FC6] =	sst s2  }
0x8f: {  	_ = 	snop  }
0x90: {  	(tm) =	ssettm $0x1  }
0x91: {  	s18 =	sld [smem:$0x3FFB];
	_ =	sdelay $0x3  }
0x92: {  	_ =	strace s18  }
0x93: {  	s2 =	sld [smem:$0x3FFC];
	_ =	sdelay $0x3  }
0x94: {  	_ =	strace s2  }
0x95: {  	s2 =	sld [smem:$0x3FFD];
	_ =	sdelay $0x3  }
0x96: {  	_ =	strace s2  }
0x97: {  	_ =	strace $0x8FFFFFFF  }
0x98: {  	s19 =	sld [smem:$0x3FDB];
	_ =	sdelay $0x1  }
0x99: {  	s20 =	simm.s32 $_scs_section_size  }
0x9a: {  	s4 =	simm.s32 $_size__tile_overlayer_lowered;
	s5 =	simm.s32 $_tile_overlayer_lowered  }
0x9b: {  	s6 =	simm.s32 $0x1BFF;
	s21 =	sshll.u32 s5, $0x1;
	s3 =	sadd.s32 s20, s19  }
0x9c: {  	s22 =	simm.s32 $0x0;
	s4 =	sshll.u32 s4, $0x1;
	s5 =	sadd.s32 s21, s3  }
0x9d: {  	[timem:s22], [sflag:s6] =	dma.local [hbm:s5], s4  }
0x9e: {  	_ =	swait.ge [sflag:s6], s4  }
0x9f: {  	s4 =	ssub.s32 $0x0, s4;
	[sflag:s6] =	ssyncset.done $0x0  }
0xa0: {  	[sflag:s6] =	ssyncadd.s32 s4;
	_ =	sdelay $0x1  }
0xa1: {  	s23 =	simm.s32 $0x1B8B  }
0xa2: {  	_ =	swait.ge [sflag:s23], $0x1  }
0xa3: {  	[sflag:s23] =	ssyncset.done $0x0  }
0xa4: {  	[sflag:s23] =	ssyncadd.s32 $0xFFFFFFFF  }
0xa5: {  	s4 =	sld [smem:$0x0]  }
0xa6: {  	s5 =	sand.u32 $0xFFFFFFFE, s1  }
0xa7: {  	p0 =	sne.s32 s1, s5  }
0xa8: {  	s5 =	sshll.u32 @p0 s5, $0xE  }
0xa9: {  	s5 =	sadd.s32 @p0 $0x11B8D, s5;
	s6 =	sshll.u32 @p0 s4, $0x11  }
0xaa: {  	s5 =	sor.u32 @p0 s6, s5  }
0xab: {  	[sflag:s5] =	ssyncadd.remote.s32 @p0 $0x1;
	_ =	sdelay $0x1  }
0xac: {  	s5 =	simm.s32 @p0 $0x1B8D  }
0xad: {  	_ =	swait.eq @p0 [sflag:s5], $0x1  }
0xae: {  	[sflag:s5] =	ssyncadd.s32 @p0 $0xFFFFFFFF  }
0xaf: {  	s6 =	sshll.u32 @!p0 s1, $0xE  }
0xb0: {  	s6 =	sor.u32 @!p0 $0x4000, s6;
	s5 =	simm.s32 @!p0 $0x1B8D  }
0xb1: {  	s4 =	sshll.u32 @!p0 s4, $0x11;
	s6 =	sadd.s32 @!p0 $0x11B8D, s6;
	_ =	swait.eq @!p0 [sflag:s5], $0x1  }
0xb2: {  	s4 =	sor.u32 @!p0 s4, s6;
	[sflag:s5] =	ssyncadd.s32 @!p0 $0xFFFFFFFF  }
0xb3: {  	s25 =	simm.s32 $0x1B8E;
	s24 =	sld [smem:$0x3FFE];
	[sflag:s4] =	ssyncadd.remote.s32 @!p0 $0x1  }
0xb4: {  	s26 =	simm.s32 $execute0_lowered;
	[smem:$0x3FD2] =	sst s25  }
0xb5: {  	s5 =	sshll.u32 s26, $0x1;
	_ =	strace $0x8000004C;
	[dreg:$0x1] =	wrdreg $0xFFFFFFFF  }
0xb6: {  	s28 =	simm.s32 $_size_execute0_lowered;
	s3 =	sadd.s32 s3, s5;
	[dreg:$0x0] =	wrdreg $0x0  }
0xb7: {  	s5 =	sshll.u32 s28, $0x1;
	[dreg:$0x2] =	wrdreg s3  }
0xb8: {  	[dreg:$0x3] =	wrdreg s5  }
0xb9: {  	[dreg:$0x4] =	wrdreg $0xC0  }
0xba: {  	_ =	task [dreg:s22], $0x5FFFF  }
0xbb: {  	[dreg:$0x1] =	wrdreg $0xFFFFFFFF  }
0xbc: {  	[dreg:$0x0] =	wrdreg $0x60  }
0xbd: {  	[dreg:$0x2] =	wrdreg s24  }
0xbe: {  	[dreg:$0x3] =	wrdreg $0xA  }
0xbf: {  	_ =	task.clear_ibuf [dreg:s22], $0x4FFFF;
	_ =	strace $0x9000004C  }
0xc0: {  	s29 =	simm.s32 $0xA;
	_ =	strace $0x8000004E  }
0xc1: {  	_ =	swait.ge [sflag:s29], $0x1  }
0xc2: {  	[sflag:s29] =	ssyncadd.s32 $0xFFFFFFFF  }
0xc3: {  	_ =	strace $0x9000004E  }
0xc4: {  	_ =	sfence  }
0xc5: {  	s30 =	sld [smem:$0x0];
	_ =	sdelay $0x2  }
0xc6: {  	s31 =	sshll.u32 s1, $0xD;
	s1 =	sshrl.u32 s1, $0x2  }
0xc7: {  	s4 =	sand.u32 $0x4000, s31;
	s1 =	sadd.s32 s1, s30  }
0xc8: {  	s0 =	sor.u32 s4, s0;
	s1 =	sshll.u32 s1, $0x11  }
0xc9: {  	s0 =	sor.u32 s1, s0  }
0xca: {  	s0 =	sadd.s32 $0x8F2B, s0  }
0xcb: {  	[sflag:s0] =	ssyncadd.remote.s32 $0x1  }
0xcc: {  	_ =	sfence.sel $0xFFFF  }
0xcd: {  	[dreg:$0x0] =	wrdreg $0xFFFFFFFF;
	(pc) =	sbr.abs _section_cstart, $3  }
0xce: {  	[dreg:$0x1] =	wrdreg $0xFFFFFFFF  }
0xcf: {  	_ =	task.clear_ibuf [dreg:s22], $0x2FFFF;
	_ =	strace $0x9FFFFFFF  }
0xd0: {  	(tm) =	ssettm $0x7FFFFFFF  }
0xd1: {  	_ =	shalt  }
tec
execute0_lowered:
.L_overlay_start_1:
0x0: {  	(tag) =	ssettag $0x1  }
0x1: {  	s1 =	srdreg.scid  }
0x2: {  	s0 =	stileid.u32;
	s4 =	rddreg [dreg:$0x0];
	s2 =	simm.s32 $0x0  }
0x3: {  	s11 =	simm.s32 $0x1;
	s12 =	simm.s32 $0x7000;
	s13 =	simm.s32 $0x2  }
0x4: {  	s14 =	simm.s32 $0x3;
	s5 =	sand.u32 $0x1, s1;
	s3 =	sshll.u32 s0, $0x1  }
0x5: {  	s15 =	simm.s32 $0x0;
	[smem:$0x7FF] =	sst s2;
	s6 =	sor.u32 s5, s3  }
0x6: {  	s1 =	rddreg [dreg:$0x1];
	_ =	strace $0x8000004D;
	s7 =	smul.u32 $0x15000, s6  }
.Ltmp0:
0x7: {  	s5 =	ssub.s32 $0x2, s5;
	s6 =	sshll.u32 s6, $0x9;
	(pc) =	sbr.rel .LBB2_1-.Ltmp0, $4  }
0x8: {  	s3 =	sadd.s32 $0xB2E00, s4;
	s31 =	sshrl.u32 s5, $0x1;
	s9 =	sadd.s32 s6, s4  }
0x9: {  	s10 =	ssub.s32 s5, s31;
	s8 =	sshrl.u32 s7, $0x3;
	s6 =	sadd.s32 $0x7000, s7  }
0xa: {  	s7 =	sadd.s32 $0xA800, s7;
	s4 =	sadd.s32 s3, s8;
	s8 =	sadd.s32 $0x106E00, s9  }
0xb: {  	v0 =	vimm.f32 $0.0e+00;
	v1 =	vimm.f32 $1.000000000e+00;
	s9 =	smax.u32 s10, $0x1;
	s10 =	simm.s32 $0x3800;
	s5 =	sadd.s32 $0x700, s4  }
.LBB2_10:
0xc: {  	s15 =	sadd.s32 $0x1, s15  }
0xd: {  	p0 =	sne.s32 s15, s9  }
.Ltmp1:
0xe: {  	_ = 	snop;
	(pc) =	sbr.rel @!p0 .LBB2_11-.Ltmp1, $4  }
0xf: {  	[hbm4b:s8+s2] =	stream.linear.scatter [tilespmem:s12], [sflag:$0x3], $0x1000, $0x38;
	[tilespmem:$0x8000] =	vst v63  }
0x10: {  	_ =	swait.ge [sflag:s14], $0x1000  }
0x11: {  	[sflag:s14] =	ssyncset.done $0x0  }
0x12: {  	[sflag:s14] =	ssyncadd.s32 $0xFFFFF000  }
.LBB2_1:
0x13: {  	s16 =	simm.s32 $0x40;
	s17 =	simm.s32 $0x0  }
.LBB2_2:
0x14: {  	p0 =	sne.s32 s16, $0x3FC0;
	[tilespmem:s17+$0x7000] =	vst v0;
	s17 =	smov.u32 s16;
	s16 =	sadd.s32 $0x40, s16  }
.Ltmp2:
0x15: {  	(pc) =	sbr.rel @p0 .LBB2_2-.Ltmp2, $2  }
0x16: {  	_ =	sdelay $0x2  }
0x17: {  	s17 =	sshra.s32 s17, $0x2  }
0x18: {  	[tilespmem:s17+$0x7000] =	vst v0;
	s16 =	simm.s32 $0x0  }
0x19: {  	[tilespmem:s16], [sflag:$0x1] =	stream.linear.gather [hbm4b:s4+s16], $0x3800, $0x38;
	[tilespmem:$0x8000] =	vst v63  }
0x1a: {  	_ = 	snop  }
0x1b: {  	[tilespmem:s10], [sflag:$0x2] =	stream.linear.gather [hbm4b:s5+s16], $0x3800, $0x38;
	[tilespmem:$0x8000] =	vst v63  }
.LBB2_4:
0x1c: {  	_ =	swait.ge [sflag:s11], $0x3800  }
0x1d: {  	[sflag:s11] =	ssyncset.done $0x0  }
0x1e: {  	s17 =	simm.s32 $0x80;
	[sflag:s11] =	ssyncadd.s32 $0xFFFFC800  }
0x1f: {  	v2 =	vld [tilespmem:s17+$0x0];
	_ =	sdelay $0x4  }
0x20: {  	v3 =	vand.u32 $0xFFFF, v2  }
0x21: {  	v2 =	vshra.s32 v2, $0x10;
	_ =	sdelay $0x3  }
0x22: {  	[tilespmem:v3+s12+$0x0] =	vst.idx.add.f32.msk $0xffff, v1  }
0x23: {  	[tilespmem:v2+s12+$0x0] =	vst.idx.add.f32.msk $0xffff, v1  }
0x24: {  	v2 =	vld [tilespmem:s17+$0x10];
	_ =	sdelay $0x4  }
0x25: {  	v3 =	vand.u32 $0xFFFF, v2  }
0x26: {  	v4 =	vld [tilespmem:s17+$0xFFFFFF80];
	v2 =	vshra.s32 v2, $0x10;
	_ =	sdelay $0x3  }
0x27: {  	[tilespmem:v3+s12+$0x0] =	vst.idx.add.f32.msk $0xffff, v1  }
0x28: {  	v3 =	vand.u32 $0xFFFF, v4;
	[tilespmem:v2+s12+$0x0] =	vst.idx.add.f32.msk $0xffff, v1  }
0x29: {  	v2 =	vshra.s32 v4, $0x10;
	v4 =	vld [tilespmem:s17+$0x20];
	_ =	sdelay $0x3  }
0x2a: {  	[tilespmem:v3+s12+$0x0] =	vst.idx.add.f32.msk $0xffff, v1  }
0x2b: {  	[tilespmem:v2+s12+$0x0] =	vst.idx.add.f32.msk $0xffff, v1;
	v2 =	vand.u32 $0xFFFF, v4  }
0x2c: {  	v4 =	vshra.s32 v4, $0x10  }
0x2d: {  	v3 =	vld [tilespmem:s17+$0xFFFFFF90]  }
0x2e: {  	s18 =	simm.s32 $0x180  }
0x2f: {  	v5 =	vld [tilespmem:s18+$0x0]  }
0x30: {  	[tilespmem:v2+s12+$0x0] =	vst.idx.add.f32.msk $0xffff, v1  }
0x31: {  	[tilespmem:v4+s12+$0x0] =	vst.idx.add.f32.msk $0xffff, v1  }
0x32: {  	v2 =	vand.u32 $0xFFFF, v3;
	v4 =	vld [tilespmem:s17+$0x30]  }
0x33: {  	v3 =	vshra.s32 v3, $0x10;
	_ =	sdelay $0x2  }
0x34: {  	v7 =	vld [tilespmem:s18+$0xFFFFFF80];
	v6 =	vand.u32 $0xFFFF, v5  }
0x35: {  	[tilespmem:v2+s12+$0x0] =	vst.idx.add.f32.msk $0xffff, v1;
	v2 =	vand.u32 $0xFFFF, v4  }
0x36: {  	[tilespmem:v3+s12+$0x0] =	vst.idx.add.f32.msk $0xffff, v1;
	v4 =	vshra.s32 v4, $0x10  }
0x37: {  	v3 =	vld [tilespmem:s17+$0xFFFFFFA0];
	_ =	sdelay $0x1  }
0x38: {  	v5 =	vshra.s32 v5, $0x10;
	[tilespmem:v6+s12+$0x0] =	vst.idx.add.f32.msk $0xffff, v1  }
0x39: {  	[tilespmem:v2+s12+$0x0] =	vst.idx.add.f32.msk $0xffff, v1  }
0x3a: {  	v6 =	vand.u32 $0xFFFF, v7;
	[tilespmem:v4+s12+$0x0] =	vst.idx.add.f32.msk $0xffff, v1  }
0x3b: {  	v2 =	vand.u32 $0xFFFF, v3;
	v4 =	vld [tilespmem:s17+$0x40]  }
0x3c: {  	v3 =	vshra.s32 v3, $0x10  }
0x3d: {  	[tilespmem:v5+s12+$0x0] =	vst.idx.add.f32.msk $0xffff, v1  }
0x3e: {  	v5 =	vshra.s32 v7, $0x10;
	v7 =	vld [tilespmem:s18+$0x10]  }
0x3f: {  	[tilespmem:v6+s12+$0x0] =	vst.idx.add.f32.msk $0xffff, v1  }
0x40: {  	[tilespmem:v2+s12+$0x0] =	vst.idx.add.f32.msk $0xffff, v1;
	v2 =	vand.u32 $0xFFFF, v4  }
0x41: {  	[tilespmem:v3+s12+$0x0] =	vst.idx.add.f32.msk $0xffff, v1;
	v4 =	vshra.s32 v4, $0x10  }
0x42: {  	v3 =	vld [tilespmem:s17+$0xFFFFFFB0]  }
0x43: {  	[tilespmem:v5+s12+$0x0] =	vst.idx.add.f32.msk $0xffff, v1  }
0x44: {  	v5 =	vand.u32 $0xFFFF, v7;
	v6 =	vld [tilespmem:s18+$0xFFFFFF90]  }
0x45: {  	v7 =	vshra.s32 v7, $0x10;
	[tilespmem:v2+s12+$0x0] =	vst.idx.add.f32.msk $0xffff, v1  }
0x46: {  	[tilespmem:v4+s12+$0x0] =	vst.idx.add.f32.msk $0xffff, v1  }
0x47: {  	v2 =	vand.u32 $0xFFFF, v3;
	v4 =	vld [tilespmem:s17+$0x50]  }
0x48: {  	v3 =	vshra.s32 v3, $0x10  }
0x49: {  	[tilespmem:v5+s12+$0x0] =	vst.idx.add.f32.msk $0xffff, v1  }
0x4a: {  	[tilespmem:v7+s12+$0x0] =	vst.idx.add.f32.msk $0xffff, v1  }
0x4b: {  	v5 =	vand.u32 $0xFFFF, v6;
	v7 =	vld [tilespmem:s18+$0x20]  }
0x4c: {  	[tilespmem:v2+s12+$0x0] =	vst.idx.add.f32.msk $0xffff, v1;
	v2 =	vand.u32 $0xFFFF, v4  }
0x4d: {  	[tilespmem:v3+s12+$0x0] =	vst.idx.add.f32.msk $0xffff, v1;
	v4 =	vshra.s32 v4, $0x10  }
0x4e: {  	v3 =	vld [tilespmem:s17+$0xFFFFFFC0]  }
0x4f: {  	v6 =	vshra.s32 v6, $0x10  }
0x50: {  	[tilespmem:v5+s12+$0x0] =	vst.idx.add.f32.msk $0xffff, v1  }
0x51: {  	[tilespmem:v2+s12+$0x0] =	vst.idx.add.f32.msk $0xffff, v1  }
0x52: {  	v5 =	vand.u32 $0xFFFF, v7;
	[tilespmem:v4+s12+$0x0] =	vst.idx.add.f32.msk $0xffff, v1  }
0x53: {  	v2 =	vand.u32 $0xFFFF, v3;
	v4 =	vld [tilespmem:s17+$0x60]  }
0x54: {  	[tilespmem:v6+s12+$0x0] =	vst.idx.add.f32.msk $0xffff, v1;
	v6 =	vshra.s32 v7, $0x10;
	_ =	sdelay $0x1  }
0x55: {  	v7 =	vld [tilespmem:s18+$0xFFFFFFA0];
	v3 =	vshra.s32 v3, $0x10  }
0x56: {  	[tilespmem:v5+s12+$0x0] =	vst.idx.add.f32.msk $0xffff, v1  }
0x57: {  	[tilespmem:v2+s12+$0x0] =	vst.idx.add.f32.msk $0xffff, v1;
	v2 =	vand.u32 $0xFFFF, v4  }
0x58: {  	[tilespmem:v6+s12+$0x0] =	vst.idx.add.f32.msk $0xffff, v1  }
0x59: {  	v6 =	vld [tilespmem:s18+$0x30]  }
0x5a: {  	[tilespmem:v3+s12+$0x0] =	vst.idx.add.f32.msk $0xffff, v1;
	v3 =	vand.u32 $0xFFFF, v7  }
0x5b: {  	v4 =	vshra.s32 v7, $0x10;
	v7 =	vld [tilespmem:s17+$0xFFFFFFD0]  }
0x5c: {  	[tilespmem:v2+s12+$0x0] =	vst.idx.add.f32.msk $0xffff, v1  }
0x5d: {  	v2 =	vld [tilespmem:s17+$0x70];
	_ =	sdelay $0x1  }
0x5e: {  	v5 =	vand.u32 $0xFFFF, v6;
	[tilespmem:v3+s12+$0x0] =	vst.idx.add.f32.msk $0xffff, v1  }
0x5f: {  	v6 =	vshra.s32 v6, $0x10;
	[tilespmem:v4+s12+$0x0] =	vst.idx.add.f32.msk $0xffff, v1  }
0x60: {  	s19 =	simm.s32 $0x2;
	s20 =	simm.s32 $0x280;
	v4 =	vand.u32 $0xFFFF, v7;
	v3 =	vshra.s32 v7, $0x10;
	v7 =	vld [tilespmem:s18+$0xFFFFFFB0]  }
.LBB2_5:
0x61: {  	v8 =	vld [tilespmem:s20+$0x0];
	v2 =	vand.u32 $0xFFFF, v2  }
0x62: {  	v9 =	vld [tilespmem:s20+$0xFFFFFF80]  }
0x63: {  	[tilespmem:v5+s12+$0x0] =	vst.idx.add.f32.msk $0xffff, v1  }
0x64: {  	[tilespmem:v6+s12+$0x0] =	vst.idx.add.f32.msk $0xffff, v1  }
0x65: {  	v5 =	vand.u32 $0xFFFF, v7;
	v6 =	vshra.s32 v7, $0x10;
	v7 =	vld [tilespmem:s18+$0x40]  }
0x66: {  	v10 =	vand.u32 $0xFFFF, v8;
	[tilespmem:v2+s12+$0x0] =	vst.idx.add.f32.msk $0xffff, v1  }
0x67: {  	s19 =	sadd.s32 $0x2, s19;
	v8 =	vshra.s32 v8, $0x10;
	v2 =	vand.u32 $0xFFFF, v9;
	v9 =	vshra.s32 v9, $0x10;
	[tilespmem:v4+s12+$0x0] =	vst.idx.add.f32.msk $0xffff, v1  }
0x68: {  	p0 =	slt.u32 s19, $0x6E;
	[tilespmem:v3+s12+$0x0] =	vst.idx.add.f32.msk $0xffff, v1  }
0x69: {  	v3 =	vld [tilespmem:s17+$0xFFFFFFE0]  }
0x6a: {  	[tilespmem:v5+s12+$0x0] =	vst.idx.add.f32.msk $0xffff, v1;
	v4 =	vand.u32 $0xFFFF, v7  }
0x6b: {  	v5 =	vshra.s32 v7, $0x10;
	[tilespmem:v10+s12+$0x0] =	vst.idx.add.f32.msk $0xffff, v1  }
0x6c: {  	[tilespmem:v8+s12+$0x0] =	vst.idx.add.f32.msk $0xffff, v1  }
0x6d: {  	v7 =	vld [tilespmem:s20+$0x10]  }
0x6e: {  	[tilespmem:v2+s12+$0x0] =	vst.idx.add.f32.msk $0xffff, v1;
	v2 =	vand.u32 $0xFFFF, v3  }
0x6f: {  	[tilespmem:v4+s12+$0x0] =	vst.idx.add.f32.msk $0xffff, v1  }
0x70: {  	[tilespmem:v5+s12+$0x0] =	vst.idx.add.f32.msk $0xffff, v1  }
0x71: {  	v3 =	vld [tilespmem:s18+$0x50]  }
0x72: {  	[tilespmem:v9+s12+$0x0] =	vst.idx.add.f32.msk $0xffff, v1;
	v4 =	vand.u32 $0xFFFF, v7  }
0x73: {  	v7 =	vshra.s32 v7, $0x10;
	v5 =	vld [tilespmem:s20+$0xFFFFFF90]  }
0x74: {  	[tilespmem:v6+s12+$0x0] =	vst.idx.add.f32.msk $0xffff, v1  }
0x75: {  	v6 =	vld [tilespmem:s18+$0xFFFFFFC0]  }
0x76: {  	v8 =	vand.u32 $0xFFFF, v3;
	[tilespmem:v2+s12+$0x0] =	vst.idx.add.f32.msk $0xffff, v1  }
0x77: {  	v2 =	vshra.s32 v3, $0x10;
	[tilespmem:v4+s12+$0x0] =	vst.idx.add.f32.msk $0xffff, v1  }
0x78: {  	v3 =	vand.u32 $0xFFFF, v5;
	v4 =	vshra.s32 v5, $0x10;
	[tilespmem:v7+s12+$0x0] =	vst.idx.add.f32.msk $0xffff, v1  }
0x79: {  	v5 =	vld [tilespmem:s20+$0x20]  }
0x7a: {  	v7 =	vand.u32 $0xFFFF, v6;
	v6 =	vshra.s32 v6, $0x10;
	v9 =	vld [tilespmem:s17+$0xFFFFFFF0];
	s17 =	smov.u32 s18;
	s18 =	smov.u32 s20  }
0x7b: {  	[tilespmem:v8+s12+$0x0] =	vst.idx.add.f32.msk $0xffff, v1  }
0x7c: {  	[tilespmem:v2+s12+$0x0] =	vst.idx.add.f32.msk $0xffff, v1  }
0x7d: {  	v2 =	vld [tilespmem:s17+$0x60]  }
0x7e: {  	[tilespmem:v3+s12+$0x0] =	vst.idx.add.f32.msk $0xffff, v1;
	v3 =	vand.u32 $0xFFFF, v5  }
0x7f: {  	[tilespmem:v4+s12+$0x0] =	vst.idx.add.f32.msk $0xffff, v1;
	v4 =	vshra.s32 v5, $0x10;
	v5 =	vand.u32 $0xFFFF, v9  }
0x80: {  	v8 =	vld [tilespmem:s20+$0xFFFFFFA0]  }
0x81: {  	[tilespmem:v7+s12+$0x0] =	vst.idx.add.f32.msk $0xffff, v1  }
0x82: {  	[tilespmem:v6+s12+$0x0] =	vst.idx.add.f32.msk $0xffff, v1;
	v2 =	vand.u32 $0xFFFF, v2  }
0x83: {  	[tilespmem:v3+s12+$0x0] =	vst.idx.add.f32.msk $0xffff, v1  }
0x84: {  	[tilespmem:v4+s12+$0x0] =	vst.idx.add.f32.msk $0xffff, v1  }
0x85: {  	v3 =	vand.u32 $0xFFFF, v8;
	v4 =	vshra.s32 v8, $0x10;
	v6 =	vld [tilespmem:s20+$0x30]  }
0x86: {  	v7 =	vld [tilespmem:s17+$0xFFFFFFD0]  }
0x87: {  	[tilespmem:v2+s12+$0x0] =	vst.idx.add.f32.msk $0xffff, v1  }
.Ltmp3:
0x88: {  	v2 =	vld [tilespmem:s17+$0x70];
	(pc) =	sbr.rel @p0 .LBB2_5-.Ltmp3, $4  }
0x89: {  	[tilespmem:v5+s12+$0x0] =	vst.idx.add.f32.msk $0xffff, v1  }
0x8a: {  	[tilespmem:v3+s12+$0x0] =	vst.idx.add.f32.msk $0xffff, v1;
	v5 =	vand.u32 $0xFFFF, v6  }
0x8b: {  	v6 =	vshra.s32 v6, $0x10;
	[tilespmem:v4+s12+$0x0] =	vst.idx.add.f32.msk $0xffff, v1;
	v4 =	vand.u32 $0xFFFF, v7;
	v3 =	vshra.s32 v7, $0x10  }
0x8c: {  	s20 =	sadd.s32 $0x100, s20;
	v7 =	vld [tilespmem:s18+$0xFFFFFFB0]  }
0x8d: {  	_ =	sdelay $0x3  }
0x8e: {  	v8 =	vand.u32 $0xFFFF, v7  }
0x8f: {  	v7 =	vshra.s32 v7, $0x10  }
0x90: {  	[tilespmem:v5+s12+$0x0] =	vst.idx.add.f32.msk $0xffff, v1  }
0x91: {  	[tilespmem:v6+s12+$0x0] =	vst.idx.add.f32.msk $0xffff, v1  }
0x92: {  	v5 =	vld [tilespmem:s18+$0x40]  }
0x93: {  	[tilespmem:v8+s12+$0x0] =	vst.idx.add.f32.msk $0xffff, v1  }
0x94: {  	[tilespmem:v7+s12+$0x0] =	vst.idx.add.f32.msk $0xffff, v1  }
0x95: {  	v6 =	vld [tilespmem:s18+$0xFFFFFFC0];
	_ =	sdelay $0x1  }
0x96: {  	v7 =	vand.u32 $0xFFFF, v5  }
0x97: {  	v5 =	vshra.s32 v5, $0x10;
	_ =	sdelay $0x1  }
0x98: {  	v8 =	vand.u32 $0xFFFF, v6  }
0x99: {  	v6 =	vshra.s32 v6, $0x10  }
0x9a: {  	[tilespmem:v7+s12+$0x0] =	vst.idx.add.f32.msk $0xffff, v1  }
0x9b: {  	[tilespmem:v5+s12+$0x0] =	vst.idx.add.f32.msk $0xffff, v1  }
0x9c: {  	v5 =	vld [tilespmem:s18+$0x50]  }
0x9d: {  	[tilespmem:v8+s12+$0x0] =	vst.idx.add.f32.msk $0xffff, v1  }
0x9e: {  	[tilespmem:v6+s12+$0x0] =	vst.idx.add.f32.msk $0xffff, v1  }
0x9f: {  	v6 =	vld [tilespmem:s18+$0xFFFFFFD0];
	_ =	sdelay $0x1  }
0xa0: {  	v7 =	vand.u32 $0xFFFF, v5  }
0xa1: {  	v5 =	vshra.s32 v5, $0x10  }
0xa2: {  	[tilespmem:v4+s12+$0x0] =	vst.idx.add.f32.msk $0xffff, v1  }
0xa3: {  	[tilespmem:v3+s12+$0x0] =	vst.idx.add.f32.msk $0xffff, v1;
	v3 =	vand.u32 $0xFFFF, v6  }
0xa4: {  	v4 =	vld [tilespmem:s17+$0xFFFFFFE0];
	v6 =	vshra.s32 v6, $0x10  }
0xa5: {  	[tilespmem:v7+s12+$0x0] =	vst.idx.add.f32.msk $0xffff, v1  }
0xa6: {  	[tilespmem:v5+s12+$0x0] =	vst.idx.add.f32.msk $0xffff, v1  }
0xa7: {  	v5 =	vld [tilespmem:s18+$0x60]  }
0xa8: {  	[tilespmem:v3+s12+$0x0] =	vst.idx.add.f32.msk $0xffff, v1  }
0xa9: {  	[tilespmem:v6+s12+$0x0] =	vst.idx.add.f32.msk $0xffff, v1  }
0xaa: {  	v3 =	vld [tilespmem:s18+$0xFFFFFFE0]  }
0xab: {  	v4 =	vand.u32 $0xFFFF, v4;
	_ =	sdelay $0x1  }
0xac: {  	v5 =	vand.u32 $0xFFFF, v5;
	_ =	sdelay $0x1  }
0xad: {  	v3 =	vand.u32 $0xFFFF, v3  }
0xae: {  	[tilespmem:v4+s12+$0x0] =	vst.idx.add.f32.msk $0xffff, v1  }
0xaf: {  	v4 =	vld [tilespmem:s17+$0xFFFFFFF0]  }
0xb0: {  	[tilespmem:v5+s12+$0x0] =	vst.idx.add.f32.msk $0xffff, v1  }
0xb1: {  	v5 =	vld [tilespmem:s18+$0x70]  }
0xb2: {  	[tilespmem:v3+s12+$0x0] =	vst.idx.add.f32.msk $0xffff, v1  }
0xb3: {  	v3 =	vld [tilespmem:s18+$0xFFFFFFF0];
	_ =	sdelay $0x1  }
0xb4: {  	v2 =	vand.u32 $0xFFFF, v2  }
0xb5: {  	v4 =	vand.u32 $0xFFFF, v4  }
0xb6: {  	v5 =	vand.u32 $0xFFFF, v5  }
0xb7: {  	p0 =	seq.s32 s16, $0x2;
	v3 =	vand.u32 $0xFFFF, v3  }
0xb8: {  	s17 =	smul.u32 @!p0 $0x7000, s16  }
0xb9: {  	[tilespmem:v2+s12+$0x0] =	vst.idx.add.f32.msk $0xffff, v1  }
0xba: {  	s17 =	sadd.s32 @!p0 s17, s6;
	[tilespmem:v4+s12+$0x0] =	vst.idx.add.f32.msk $0xffff, v1  }
0xbb: {  	s17 =	sshrl.u32 @!p0 s17, $0x3;
	[tilespmem:v5+s12+$0x0] =	vst.idx.add.f32.msk $0xffff, v1  }
0xbc: {  	s17 =	sadd.s32 @!p0 s3, s17;
	s18 =	simm.s32 @!p0 $0x0;
	[tilespmem:v3+s12+$0x0] =	vst.idx.add.f32.msk $0xffff, v1  }
0xbd: {  	[tilespmem:s18], [sflag:$0x1] =	stream.linear.gather @!p0 [hbm4b:s17+s18], $0x3800, $0x38;
	[tilespmem:$0x8000] =	vst v63  }
0xbe: {  	_ =	swait.ge [sflag:s13], $0x3800  }
0xbf: {  	[sflag:s13] =	ssyncset.done $0x0  }
0xc0: {  	s17 =	simm.s32 $0x3880;
	[sflag:s13] =	ssyncadd.s32 $0xFFFFC800  }
0xc1: {  	v2 =	vld [tilespmem:s17+$0x0];
	_ =	sdelay $0x4  }
0xc2: {  	v3 =	vand.u32 $0xFFFF, v2  }
0xc3: {  	v2 =	vshra.s32 v2, $0x10;
	_ =	sdelay $0x3  }
0xc4: {  	[tilespmem:v3+s12+$0x0] =	vst.idx.add.f32.msk $0xffff, v1  }
0xc5: {  	[tilespmem:v2+s12+$0x0] =	vst.idx.add.f32.msk $0xffff, v1  }
0xc6: {  	v2 =	vld [tilespmem:s17+$0x10];
	_ =	sdelay $0x4  }
0xc7: {  	v3 =	vand.u32 $0xFFFF, v2  }
0xc8: {  	v4 =	vld [tilespmem:s17+$0xFFFFFF80];
	v2 =	vshra.s32 v2, $0x10;
	_ =	sdelay $0x3  }
0xc9: {  	[tilespmem:v3+s12+$0x0] =	vst.idx.add.f32.msk $0xffff, v1  }
0xca: {  	v3 =	vand.u32 $0xFFFF, v4;
	[tilespmem:v2+s12+$0x0] =	vst.idx.add.f32.msk $0xffff, v1  }
0xcb: {  	v2 =	vshra.s32 v4, $0x10;
	v4 =	vld [tilespmem:s17+$0x20];
	_ =	sdelay $0x3  }
0xcc: {  	[tilespmem:v3+s12+$0x0] =	vst.idx.add.f32.msk $0xffff, v1  }
0xcd: {  	[tilespmem:v2+s12+$0x0] =	vst.idx.add.f32.msk $0xffff, v1;
	v2 =	vand.u32 $0xFFFF, v4  }
0xce: {  	v4 =	vshra.s32 v4, $0x10  }
0xcf: {  	v3 =	vld [tilespmem:s17+$0xFFFFFF90]  }
0xd0: {  	s18 =	simm.s32 $0x3980  }
0xd1: {  	v5 =	vld [tilespmem:s18+$0x0]  }
0xd2: {  	[tilespmem:v2+s12+$0x0] =	vst.idx.add.f32.msk $0xffff, v1  }
0xd3: {  	[tilespmem:v4+s12+$0x0] =	vst.idx.add.f32.msk $0xffff, v1  }
0xd4: {  	v2 =	vand.u32 $0xFFFF, v3;
	v4 =	vld [tilespmem:s17+$0x30]  }
0xd5: {  	v3 =	vshra.s32 v3, $0x10;
	_ =	sdelay $0x2  }
0xd6: {  	v7 =	vld [tilespmem:s18+$0xFFFFFF80];
	v6 =	vand.u32 $0xFFFF, v5  }
0xd7: {  	[tilespmem:v2+s12+$0x0] =	vst.idx.add.f32.msk $0xffff, v1;
	v2 =	vand.u32 $0xFFFF, v4  }
0xd8: {  	[tilespmem:v3+s12+$0x0] =	vst.idx.add.f32.msk $0xffff, v1;
	v4 =	vshra.s32 v4, $0x10  }
0xd9: {  	v3 =	vld [tilespmem:s17+$0xFFFFFFA0];
	_ =	sdelay $0x1  }
0xda: {  	v5 =	vshra.s32 v5, $0x10;
	[tilespmem:v6+s12+$0x0] =	vst.idx.add.f32.msk $0xffff, v1  }
0xdb: {  	[tilespmem:v2+s12+$0x0] =	vst.idx.add.f32.msk $0xffff, v1  }
0xdc: {  	v6 =	vand.u32 $0xFFFF, v7;
	[tilespmem:v4+s12+$0x0] =	vst.idx.add.f32.msk $0xffff, v1  }
0xdd: {  	v2 =	vand.u32 $0xFFFF, v3;
	v4 =	vld [tilespmem:s17+$0x40]  }
0xde: {  	v3 =	vshra.s32 v3, $0x10  }
0xdf: {  	[tilespmem:v5+s12+$0x0] =	vst.idx.add.f32.msk $0xffff, v1  }
0xe0: {  	v5 =	vshra.s32 v7, $0x10;
	v7 =	vld [tilespmem:s18+$0x10]  }
0xe1: {  	[tilespmem:v6+s12+$0x0] =	vst.idx.add.f32.msk $0xffff, v1  }
0xe2: {  	[tilespmem:v2+s12+$0x0] =	vst.idx.add.f32.msk $0xffff, v1;
	v2 =	vand.u32 $0xFFFF, v4  }
0xe3: {  	[tilespmem:v3+s12+$0x0] =	vst.idx.add.f32.msk $0xffff, v1;
	v4 =	vshra.s32 v4, $0x10  }
0xe4: {  	v3 =	vld [tilespmem:s17+$0xFFFFFFB0]  }
0xe5: {  	[tilespmem:v5+s12+$0x0] =	vst.idx.add.f32.msk $0xffff, v1  }
0xe6: {  	v5 =	vand.u32 $0xFFFF, v7;
	v6 =	vld [tilespmem:s18+$0xFFFFFF90]  }
0xe7: {  	v7 =	vshra.s32 v7, $0x10;
	[tilespmem:v2+s12+$0x0] =	vst.idx.add.f32.msk $0xffff, v1  }
0xe8: {  	[tilespmem:v4+s12+$0x0] =	vst.idx.add.f32.msk $0xffff, v1  }
0xe9: {  	v2 =	vand.u32 $0xFFFF, v3;
	v4 =	vld [tilespmem:s17+$0x50]  }
0xea: {  	v3 =	vshra.s32 v3, $0x10  }
0xeb: {  	[tilespmem:v5+s12+$0x0] =	vst.idx.add.f32.msk $0xffff, v1  }
0xec: {  	[tilespmem:v7+s12+$0x0] =	vst.idx.add.f32.msk $0xffff, v1  }
0xed: {  	v5 =	vand.u32 $0xFFFF, v6;
	v7 =	vld [tilespmem:s18+$0x20]  }
0xee: {  	[tilespmem:v2+s12+$0x0] =	vst.idx.add.f32.msk $0xffff, v1;
	v2 =	vand.u32 $0xFFFF, v4  }
0xef: {  	[tilespmem:v3+s12+$0x0] =	vst.idx.add.f32.msk $0xffff, v1;
	v4 =	vshra.s32 v4, $0x10  }
0xf0: {  	v3 =	vld [tilespmem:s17+$0xFFFFFFC0]  }
0xf1: {  	v6 =	vshra.s32 v6, $0x10  }
0xf2: {  	[tilespmem:v5+s12+$0x0] =	vst.idx.add.f32.msk $0xffff, v1  }
0xf3: {  	[tilespmem:v2+s12+$0x0] =	vst.idx.add.f32.msk $0xffff, v1  }
0xf4: {  	v5 =	vand.u32 $0xFFFF, v7;
	[tilespmem:v4+s12+$0x0] =	vst.idx.add.f32.msk $0xffff, v1  }
0xf5: {  	v2 =	vand.u32 $0xFFFF, v3;
	v4 =	vld [tilespmem:s17+$0x60]  }
0xf6: {  	[tilespmem:v6+s12+$0x0] =	vst.idx.add.f32.msk $0xffff, v1;
	v6 =	vshra.s32 v7, $0x10;
	_ =	sdelay $0x1  }
0xf7: {  	v7 =	vld [tilespmem:s18+$0xFFFFFFA0];
	v3 =	vshra.s32 v3, $0x10  }
0xf8: {  	[tilespmem:v5+s12+$0x0] =	vst.idx.add.f32.msk $0xffff, v1  }
0xf9: {  	[tilespmem:v2+s12+$0x0] =	vst.idx.add.f32.msk $0xffff, v1;
	v2 =	vand.u32 $0xFFFF, v4  }
0xfa: {  	[tilespmem:v6+s12+$0x0] =	vst.idx.add.f32.msk $0xffff, v1  }
0xfb: {  	v6 =	vld [tilespmem:s18+$0x30]  }
0xfc: {  	[tilespmem:v3+s12+$0x0] =	vst.idx.add.f32.msk $0xffff, v1;
	v3 =	vand.u32 $0xFFFF, v7  }
0xfd: {  	v4 =	vshra.s32 v7, $0x10;
	v7 =	vld [tilespmem:s17+$0xFFFFFFD0]  }
0xfe: {  	[tilespmem:v2+s12+$0x0] =	vst.idx.add.f32.msk $0xffff, v1  }
0xff: {  	v2 =	vld [tilespmem:s17+$0x70];
	_ =	sdelay $0x1  }
0x100: {  	v5 =	vand.u32 $0xFFFF, v6;
	[tilespmem:v3+s12+$0x0] =	vst.idx.add.f32.msk $0xffff, v1  }
0x101: {  	v6 =	vshra.s32 v6, $0x10;
	[tilespmem:v4+s12+$0x0] =	vst.idx.add.f32.msk $0xffff, v1  }
0x102: {  	s19 =	simm.s32 $0x2;
	s20 =	simm.s32 $0x3A80;
	v4 =	vand.u32 $0xFFFF, v7;
	v3 =	vshra.s32 v7, $0x10;
	v7 =	vld [tilespmem:s18+$0xFFFFFFB0]  }
.LBB2_7:
0x103: {  	v8 =	vld [tilespmem:s20+$0x0];
	v2 =	vand.u32 $0xFFFF, v2  }
0x104: {  	v9 =	vld [tilespmem:s20+$0xFFFFFF80]  }
0x105: {  	[tilespmem:v5+s12+$0x0] =	vst.idx.add.f32.msk $0xffff, v1  }
0x106: {  	[tilespmem:v6+s12+$0x0] =	vst.idx.add.f32.msk $0xffff, v1  }
0x107: {  	v5 =	vand.u32 $0xFFFF, v7;
	v6 =	vshra.s32 v7, $0x10;
	v7 =	vld [tilespmem:s18+$0x40]  }
0x108: {  	v10 =	vand.u32 $0xFFFF, v8;
	[tilespmem:v2+s12+$0x0] =	vst.idx.add.f32.msk $0xffff, v1  }
0x109: {  	s19 =	sadd.s32 $0x2, s19;
	v8 =	vshra.s32 v8, $0x10;
	v2 =	vand.u32 $0xFFFF, v9;
	v9 =	vshra.s32 v9, $0x10;
	[tilespmem:v4+s12+$0x0] =	vst.idx.add.f32.msk $0xffff, v1  }
0x10a: {  	p1 =	slt.u32 s19, $0x6E;
	[tilespmem:v3+s12+$0x0] =	vst.idx.add.f32.msk $0xffff, v1  }
0x10b: {  	v3 =	vld [tilespmem:s17+$0xFFFFFFE0]  }
0x10c: {  	[tilespmem:v5+s12+$0x0] =	vst.idx.add.f32.msk $0xffff, v1;
	v4 =	vand.u32 $0xFFFF, v7  }
0x10d: {  	v5 =	vshra.s32 v7, $0x10;
	[tilespmem:v10+s12+$0x0] =	vst.idx.add.f32.msk $0xffff, v1  }
0x10e: {  	[tilespmem:v8+s12+$0x0] =	vst.idx.add.f32.msk $0xffff, v1  }
0x10f: {  	v7 =	vld [tilespmem:s20+$0x10]  }
0x110: {  	[tilespmem:v2+s12+$0x0] =	vst.idx.add.f32.msk $0xffff, v1;
	v2 =	vand.u32 $0xFFFF, v3  }
0x111: {  	[tilespmem:v4+s12+$0x0] =	vst.idx.add.f32.msk $0xffff, v1  }
0x112: {  	[tilespmem:v5+s12+$0x0] =	vst.idx.add.f32.msk $0xffff, v1  }
0x113: {  	v3 =	vld [tilespmem:s18+$0x50]  }
0x114: {  	[tilespmem:v9+s12+$0x0] =	vst.idx.add.f32.msk $0xffff, v1;
	v4 =	vand.u32 $0xFFFF, v7  }
0x115: {  	v7 =	vshra.s32 v7, $0x10;
	v5 =	vld [tilespmem:s20+$0xFFFFFF90]  }
0x116: {  	[tilespmem:v6+s12+$0x0] =	vst.idx.add.f32.msk $0xffff, v1  }
0x117: {  	v6 =	vld [tilespmem:s18+$0xFFFFFFC0]  }
0x118: {  	v8 =	vand.u32 $0xFFFF, v3;
	[tilespmem:v2+s12+$0x0] =	vst.idx.add.f32.msk $0xffff, v1  }
0x119: {  	v2 =	vshra.s32 v3, $0x10;
	[tilespmem:v4+s12+$0x0] =	vst.idx.add.f32.msk $0xffff, v1  }
0x11a: {  	v3 =	vand.u32 $0xFFFF, v5;
	v4 =	vshra.s32 v5, $0x10;
	[tilespmem:v7+s12+$0x0] =	vst.idx.add.f32.msk $0xffff, v1  }
0x11b: {  	v5 =	vld [tilespmem:s20+$0x20]  }
0x11c: {  	v7 =	vand.u32 $0xFFFF, v6;
	v6 =	vshra.s32 v6, $0x10;
	v9 =	vld [tilespmem:s17+$0xFFFFFFF0];
	s17 =	smov.u32 s18;
	s18 =	smov.u32 s20  }
0x11d: {  	[tilespmem:v8+s12+$0x0] =	vst.idx.add.f32.msk $0xffff, v1  }
0x11e: {  	[tilespmem:v2+s12+$0x0] =	vst.idx.add.f32.msk $0xffff, v1  }
0x11f: {  	v2 =	vld [tilespmem:s17+$0x60]  }
0x120: {  	[tilespmem:v3+s12+$0x0] =	vst.idx.add.f32.msk $0xffff, v1;
	v3 =	vand.u32 $0xFFFF, v5  }
0x121: {  	[tilespmem:v4+s12+$0x0] =	vst.idx.add.f32.msk $0xffff, v1;
	v4 =	vshra.s32 v5, $0x10;
	v5 =	vand.u32 $0xFFFF, v9  }
0x122: {  	v8 =	vld [tilespmem:s20+$0xFFFFFFA0]  }
0x123: {  	[tilespmem:v7+s12+$0x0] =	vst.idx.add.f32.msk $0xffff, v1  }
0x124: {  	[tilespmem:v6+s12+$0x0] =	vst.idx.add.f32.msk $0xffff, v1;
	v2 =	vand.u32 $0xFFFF, v2  }
0x125: {  	[tilespmem:v3+s12+$0x0] =	vst.idx.add.f32.msk $0xffff, v1  }
0x126: {  	[tilespmem:v4+s12+$0x0] =	vst.idx.add.f32.msk $0xffff, v1  }
0x127: {  	v3 =	vand.u32 $0xFFFF, v8;
	v4 =	vshra.s32 v8, $0x10;
	v6 =	vld [tilespmem:s20+$0x30]  }
0x128: {  	v7 =	vld [tilespmem:s17+$0xFFFFFFD0]  }
0x129: {  	[tilespmem:v2+s12+$0x0] =	vst.idx.add.f32.msk $0xffff, v1  }
.Ltmp4:
0x12a: {  	v2 =	vld [tilespmem:s17+$0x70];
	(pc) =	sbr.rel @p1 .LBB2_7-.Ltmp4, $4  }
0x12b: {  	[tilespmem:v5+s12+$0x0] =	vst.idx.add.f32.msk $0xffff, v1  }
0x12c: {  	[tilespmem:v3+s12+$0x0] =	vst.idx.add.f32.msk $0xffff, v1;
	v5 =	vand.u32 $0xFFFF, v6  }
0x12d: {  	v6 =	vshra.s32 v6, $0x10;
	[tilespmem:v4+s12+$0x0] =	vst.idx.add.f32.msk $0xffff, v1;
	v4 =	vand.u32 $0xFFFF, v7;
	v3 =	vshra.s32 v7, $0x10  }
0x12e: {  	s20 =	sadd.s32 $0x100, s20;
	v7 =	vld [tilespmem:s18+$0xFFFFFFB0]  }
0x12f: {  	_ =	sdelay $0x3  }
0x130: {  	v8 =	vand.u32 $0xFFFF, v7  }
0x131: {  	v59 =	vshra.s32 v7, $0x10  }
0x132: {  	[tilespmem:v5+s12+$0x0] =	vst.idx.add.f32.msk $0xffff, v1  }
0x133: {  	[tilespmem:v6+s12+$0x0] =	vst.idx.add.f32.msk $0xffff, v1  }
0x134: {  	v5 =	vld [tilespmem:s18+$0x40]  }
0x135: {  	[tilespmem:v8+s12+$0x0] =	vst.idx.add.f32.msk $0xffff, v1  }
0x136: {  	[tilespmem:v59+s12+$0x0] =	vst.idx.add.f32.msk $0xffff, v1  }
0x137: {  	v60 =	vld [tilespmem:s18+$0xFFFFFFC0];
	_ =	sdelay $0x1  }
0x138: {  	v61 =	vand.u32 $0xFFFF, v5  }
0x139: {  	v5 =	vshra.s32 v5, $0x10;
	_ =	sdelay $0x1  }
0x13a: {  	v62 =	vand.u32 $0xFFFF, v60  }
0x13b: {  	v6 =	vshra.s32 v60, $0x10  }
0x13c: {  	[tilespmem:v61+s12+$0x0] =	vst.idx.add.f32.msk $0xffff, v1  }
0x13d: {  	[tilespmem:v5+s12+$0x0] =	vst.idx.add.f32.msk $0xffff, v1  }
0x13e: {  	v5 =	vld [tilespmem:s18+$0x50]  }
0x13f: {  	[tilespmem:v62+s12+$0x0] =	vst.idx.add.f32.msk $0xffff, v1  }
0x140: {  	[tilespmem:v6+s12+$0x0] =	vst.idx.add.f32.msk $0xffff, v1  }
0x141: {  	v6 =	vld [tilespmem:s18+$0xFFFFFFD0];
	_ =	sdelay $0x1  }
0x142: {  	v63 =	vand.u32 $0xFFFF, v5  }
0x143: {  	v5 =	vshra.s32 v5, $0x10  }
0x144: {  	[tilespmem:v4+s12+$0x0] =	vst.idx.add.f32.msk $0xffff, v1  }
0x145: {  	[tilespmem:v3+s12+$0x0] =	vst.idx.add.f32.msk $0xffff, v1;
	v3 =	vand.u32 $0xFFFF, v6  }
0x146: {  	v4 =	vld [tilespmem:s17+$0xFFFFFFE0];
	v6 =	vshra.s32 v6, $0x10  }
0x147: {  	[tilespmem:v63+s12+$0x0] =	vst.idx.add.f32.msk $0xffff, v1  }
0x148: {  	[tilespmem:v5+s12+$0x0] =	vst.idx.add.f32.msk $0xffff, v1  }
0x149: {  	v5 =	vld [tilespmem:s18+$0x60]  }
0x14a: {  	[tilespmem:v3+s12+$0x0] =	vst.idx.add.f32.msk $0xffff, v1  }
0x14b: {  	[tilespmem:v6+s12+$0x0] =	vst.idx.add.f32.msk $0xffff, v1  }
0x14c: {  	v3 =	vld [tilespmem:s18+$0xFFFFFFE0]  }
0x14d: {  	v4 =	vand.u32 $0xFFFF, v4;
	_ =	sdelay $0x1  }
0x14e: {  	v5 =	vand.u32 $0xFFFF, v5;
	_ =	sdelay $0x1  }
0x14f: {  	v3 =	vand.u32 $0xFFFF, v3  }
0x150: {  	[tilespmem:v4+s12+$0x0] =	vst.idx.add.f32.msk $0xffff, v1  }
0x151: {  	v4 =	vld [tilespmem:s17+$0xFFFFFFF0]  }
0x152: {  	[tilespmem:v5+s12+$0x0] =	vst.idx.add.f32.msk $0xffff, v1  }
0x153: {  	v5 =	vld [tilespmem:s18+$0x70]  }
0x154: {  	[tilespmem:v3+s12+$0x0] =	vst.idx.add.f32.msk $0xffff, v1  }
0x155: {  	v3 =	vld [tilespmem:s18+$0xFFFFFFF0];
	_ =	sdelay $0x1  }
0x156: {  	v2 =	vand.u32 $0xFFFF, v2  }
0x157: {  	v4 =	vand.u32 $0xFFFF, v4  }
0x158: {  	v5 =	vand.u32 $0xFFFF, v5  }
0x159: {  	v3 =	vand.u32 $0xFFFF, v3  }
.Ltmp5:
0x15a: {  	_ = 	snop;
	(pc) =	sbr.rel @p0 .LBB2_10-.Ltmp5, $4  }
0x15b: {  	[tilespmem:v2+s12+$0x0] =	vst.idx.add.f32.msk $0xffff, v1  }
0x15c: {  	[tilespmem:v4+s12+$0x0] =	vst.idx.add.f32.msk $0xffff, v1  }
0x15d: {  	[tilespmem:v5+s12+$0x0] =	vst.idx.add.f32.msk $0xffff, v1  }
0x15e: {  	[tilespmem:v3+s12+$0x0] =	vst.idx.add.f32.msk $0xffff, v1  }
0x15f: {  	s17 =	smul.u32 $0x7000, s16  }
.Ltmp6:
0x160: {  	_ = 	snop;
	(pc) =	sbr.rel .LBB2_4-.Ltmp6, $4  }
0x161: {  	s17 =	sadd.s32 s17, s7  }
0x162: {  	s17 =	sshrl.u32 s17, $0x3  }
0x163: {  	s16 =	sadd.s32 $0x1, s16;
	s17 =	sadd.s32 s3, s17  }
0x164: {  	[tilespmem:s10], [sflag:$0x2] =	stream.linear.gather [hbm4b:s17+s2], $0x3800, $0x38;
	[tilespmem:$0x8000] =	vst v63  }
.LBB2_11:
0x165: {  	_ =	sfence.sel $0x180000  }
0x166: {  	[bflag:$0x0] =	sbarrier.arrive $0xFFFF  }
0x167: {  	p0 =	sne.s32 s0, $0x0;
	_ =	strace $0x9000004D  }
0x168: {  	s0 =	sadd.s32 @!p0 $0x100000, s1;
	[bflag:$0x2] =	sbarrier.arrive $0xFFFF  }
0x169: {  	[sflag:s0] =	ssyncadd.tile.s32 @!p0 $0x1;
	_ =	shalt  }
.Lfunc_end2:
_tile_overlayer_lowered:
.L_overlay_start_2:
0x16a: {  	(tag) =	ssettag $0x2  }
0x16b: {  	s0 =	rddreg [dreg:$0x0];
	s2 =	stileid.u32  }
0x16c: {  	s1 =	rddreg [dreg:$0x1];
	p0 =	sne.s32 s2, $0x0  }
0x16d: {  	s3 =	rddreg [dreg:$0x2];
	[bflag:$0x3] =	sbarrier.arrive $0xFFFF;
	s2 =	simm.s32 @!p0 $0x1C03  }
0x16e: {  	[timem:s3], [sflag:s2] =	dma.local @!p0 [hbm:s0], s1  }
0x16f: {  	s0 =	simm.s32 @!p0 $0x3  }
0x170: {  	_ =	swait.ge @!p0 [sflag:s0], s1  }
0x171: {  	s1 =	ssub.s32 @!p0 $0x0, s1;
	[sflag:s0] =	ssyncset.done @!p0 $0x0  }
0x172: {  	[sflag:s0] =	ssyncadd.s32 @!p0 s1  }
0x173: {  	[bflag:$0x3] =	sbarrier.arrive $0xFFFF  }
0x174: {  	_ =	shalt  }

// kernel: kernel.17.cloned.1.call-start
scs
__scs_entry_jumppad:
0x0: {  	(pc) =	sbr.rel $0x88, $3  }
0x1: {  	(tag) =	ssettag $0x0;
	lr =	simm.s32 $0x1  }
0x2: {  	[smem:$0x3F9F] =	sst lr;
	_ =	strace $0xD0000000  }
0x3: {  	_ = 	snop  }
0x4: {  	_ = 	snop  }
0x5: {  	_ = 	snop  }
0x6: {  	_ = 	snop  }
0x7: {  	_ = 	snop  }
__scs_overlays_trampoline_lowered:
0x8: {  	[smem:$0x3FAE] =	sst s0  }
0x9: {  	[smem:$0x3FAF] =	sst s1  }
0xa: {  	[smem:$0x3FB0] =	sst s2  }
0xb: {  	[smem:$0x3FB1] =	sst s3  }
0xc: {  	[smem:$0x3FB2] =	sst s4  }
0xd: {  	[smem:$0x3FB3] =	sst s5  }
0xe: {  	[smem:$0x3FB4] =	sst s6  }
0xf: {  	[smem:$0x3FB5] =	sst s7  }
0x10: {  	[smem:$0x3FB6] =	sst s8  }
0x11: {  	[smem:$0x3FB7] =	sst s9;
	s0 =	simm.s32 @!p0 $0x0  }
0x12: {  	s1 =	sld [smem:$0x3F9D];
	s0 =	simm.s32 @p0 $0x1  }
0x13: {  	[smem:$0x3FB8] =	sst s0;
	s0 =	simm.s32 @!p1 $0x0  }
0x14: {  	s2 =	sld [smem:$0x3F9C];
	s0 =	simm.s32 @p1 $0x1  }
0x15: {  	[smem:$0x3FB9] =	sst s0;
	s0 =	simm.s32 @!p2 $0x0  }
0x16: {  	s3 =	sld [smem:$0x3FDB];
	s0 =	simm.s32 @p2 $0x1  }
0x17: {  	s4 =	simm.s32 $0x1BF5;
	[smem:$0x3FBB] =	sst s0  }
0x18: {  	s0 =	sld [smem:$0x3F9E];
	_ =	swait.ge [sflag:s4], $0x0  }
0x19: {  	s7 =	sld [smem:$0x3F9F]  }
0x1a: {  	s8 =	sadd.s32 $0xFFFFE003, lr  }
0x1b: {  	s9 =	sadd.s32 $0xFFFFFEF7, lr;
	s5 =	simm.s32 $0xFFFFFFFF;
	p2 =	slt.u32 s8, $0xFFFFF086  }
0x1c: {  	p1 =	slt.u32 s9, $0xF7A;
	s5 =	simm.s32 @!p2 $0x0  }
0x1d: {  	s5 =	simm.s32 @p1 $0x1;
	p0 =	seq.s32 s7, s2  }
0x1e: {  	s7 =	smul.u32 @!p0 $0xF7A, s2;
	p2 =	seq.s32 @!p0 s5, $0x0  }
0x1f: {  	s9 =	smul.u32 $0xF7A, s1;
	s8 =	simm.s32 @!p0 $0x1BF5;
	p2 =	por !p2, p0  }
0x20: {  	[sflag:s8] =	ssyncset.s32 @!p0 $0xFFFFF086;
	s6 =	sadd.s32 @!p0 s3, s7;
	s7 =	simm.s32 @!p0 $0x108  }
0x21: {  	s3 =	sadd.s32 s3, s9;
	s6 =	sadd.s32 @!p0 $0x88, s6;
	s7 =	simm.s32 @p2 $0x1082  }
0x22: {  	[simem:s7], [sflag:s8] =	dma.local @!p0 [hbm:s6], $0xF7A  }
0x23: {  	s9 =	sor.u32 $0xD0000000, s2;
	s6 =	simm.s32 $0x108;
	_ =	swait.ge @!p0 [sflag:s8], $0x0  }
0x24: {  	s3 =	sadd.s32 $0x88, s3;
	s6 =	simm.s32 @!p1 $0x1082;
	[sflag:s4] =	ssyncset.s32 $0xFFFFF086  }
0x25: {  	[simem:s6], [sflag:s4] =	dma.local [hbm:s3], $0xF7A  }
0x26: {  	[smem:$0x3F9F] =	sst s1;
	(tag) =	ssettag s2;
	_ =	strace s9  }
0x27: {  	s1 =	sld [smem:$0x3FAF]  }
0x28: {  	s2 =	sld [smem:$0x3FB0]  }
0x29: {  	s4 =	sld [smem:$0x3FB2]  }
0x2a: {  	p0 =	seq.s32 s5, $0x0;
	s5 =	sld [smem:$0x3FB3]  }
0x2b: {  	s6 =	sld [smem:$0x3FB4]  }
0x2c: {  	s7 =	sld [smem:$0x3FB5]  }
0x2d: {  	s3 =	simm.s32 $0x108;
	s8 =	sld [smem:$0x3FB6]  }
0x2e: {  	s3 =	simm.s32 @!p0 $0x1082;
	s9 =	sld [smem:$0x3FB7]  }
0x2f: {  	lr =	sadd.s32 s0, s3;
	s0 =	sld [smem:$0x3FAE]  }
0x30: {  	s3 =	sld [smem:$0x3FB1]  }
0x31: {  	[smem:$0x3FBA] =	sst s10  }
0x32: {  	s10 =	sld [smem:$0x3FB8];
	_ =	sdelay $0x3  }
0x33: {  	p0 =	seq.s32 s10, $0x1;
	s10 =	sld [smem:$0x3FBA];
	_ =	sdelay $0x3  }
0x34: {  	[smem:$0x3FBA] =	sst s10  }
0x35: {  	s10 =	sld [smem:$0x3FB9];
	_ =	sdelay $0x3  }
0x36: {  	p1 =	seq.s32 s10, $0x1;
	s10 =	sld [smem:$0x3FBA];
	_ =	sdelay $0x3  }
0x37: {  	[smem:$0x3FBA] =	sst s10  }
0x38: {  	s10 =	sld [smem:$0x3FBB]  }
0x39: {  	_ = 	snop;
	(pc) =	sbr.ind lr, $3  }
0x3a: {  	_ = 	snop  }
0x3b: {  	_ = 	snop  }
0x3c: {  	p2 =	seq.s32 s10, $0x1;
	s10 =	sld [smem:$0x3FBA]  }
0x3d: {  	_ =	shalt  }
0x3e: {  	_ =	shalt  }
0x3f: {  	_ =	shalt  }
0x40: {  	_ =	shalt  }
0x41: {  	_ =	shalt  }
0x42: {  	_ =	shalt  }
0x43: {  	_ =	shalt  }
0x44: {  	_ =	shalt  }
0x45: {  	_ =	shalt  }
0x46: {  	_ =	shalt  }
0x47: {  	_ =	shalt  }
0x48: {  	_ =	shalt  }
0x49: {  	_ =	shalt  }
0x4a: {  	_ =	shalt  }
0x4b: {  	_ =	shalt  }
0x4c: {  	_ =	shalt  }
0x4d: {  	_ =	shalt  }
0x4e: {  	_ =	shalt  }
0x4f: {  	_ =	shalt  }
0x50: {  	_ =	shalt  }
0x51: {  	_ =	shalt  }
0x52: {  	_ =	shalt  }
0x53: {  	_ =	shalt  }
0x54: {  	_ =	shalt  }
0x55: {  	_ =	shalt  }
0x56: {  	_ =	shalt  }
0x57: {  	_ =	shalt  }
0x58: {  	_ =	shalt  }
0x59: {  	_ =	shalt  }
0x5a: {  	_ =	shalt  }
0x5b: {  	_ =	shalt  }
0x5c: {  	_ =	shalt  }
0x5d: {  	_ =	shalt  }
0x5e: {  	_ =	shalt  }
0x5f: {  	_ =	shalt  }
0x60: {  	_ =	shalt  }
0x61: {  	_ =	shalt  }
0x62: {  	_ =	shalt  }
0x63: {  	_ =	shalt  }
0x64: {  	_ =	shalt  }
0x65: {  	_ =	shalt  }
0x66: {  	_ =	shalt  }
0x67: {  	_ =	shalt  }
0x68: {  	_ =	shalt  }
0x69: {  	_ =	shalt  }
0x6a: {  	_ =	shalt  }
0x6b: {  	_ =	shalt  }
0x6c: {  	_ =	shalt  }
0x6d: {  	_ =	shalt  }
0x6e: {  	_ =	shalt  }
0x6f: {  	_ =	shalt  }
0x70: {  	_ =	shalt  }
0x71: {  	_ =	shalt  }
0x72: {  	_ =	shalt  }
0x73: {  	_ =	shalt  }
0x74: {  	_ =	shalt  }
0x75: {  	_ =	shalt  }
0x76: {  	_ =	shalt  }
0x77: {  	_ =	shalt  }
0x78: {  	_ =	shalt  }
0x79: {  	_ =	shalt  }
0x7a: {  	_ =	shalt  }
0x7b: {  	_ =	shalt  }
0x7c: {  	_ =	shalt  }
0x7d: {  	_ =	shalt  }
0x7e: {  	_ =	shalt  }
0x7f: {  	_ =	shalt  }
0x80: {  	_ =	shalt  }
0x81: {  	_ =	shalt  }
0x82: {  	_ =	shalt  }
0x83: {  	_ =	shalt  }
0x84: {  	_ =	shalt  }
0x85: {  	_ =	shalt  }
0x86: {  	_ =	shalt  }
0x87: {  	_ =	shalt  }
.Lfunc_end0:
.L_simem_size_0:
called_computation.2_lowered:
.L_overlay_start_0:
0x88: {  	s2 =	sld [smem:$0x3FD9]  }
0x89: {  	s3 =	sld [smem:$0x3FFE];
	_ =	sdelay $0x1  }
0x8a: {  	s1 =	srdreg.scid  }
0x8b: {  	s0 =	sand.u32 $0x1, s1  }
0x8c: {  	s17 =	sshll.u32 s0, $0xA;
	s2 =	sadd.s32 s3, s2  }
0x8d: {  	s2 =	sadd.s32 s2, s17  }
0x8e: {  	[smem:$0x3FC6] =	sst s2  }
0x8f: {  	_ = 	snop  }
0x90: {  	(tm) =	ssettm $0x1  }
0x91: {  	s18 =	sld [smem:$0x3FFB];
	_ =	sdelay $0x3  }
0x92: {  	_ =	strace s18  }
0x93: {  	s2 =	sld [smem:$0x3FFC];
	_ =	sdelay $0x3  }
0x94: {  	_ =	strace s2  }
0x95: {  	s2 =	sld [smem:$0x3FFD];
	_ =	sdelay $0x3  }
0x96: {  	_ =	strace s2  }
0x97: {  	_ =	strace $0x8FFFFFFF  }
0x98: {  	s19 =	sld [smem:$0x3FDB];
	_ =	sdelay $0x1  }
0x99: {  	s20 =	simm.s32 $_scs_section_size  }
0x9a: {  	s4 =	simm.s32 $_size__tile_overlayer_lowered;
	s5 =	simm.s32 $_tile_overlayer_lowered  }
0x9b: {  	s6 =	simm.s32 $0x1BFF;
	s21 =	sshll.u32 s5, $0x1;
	s3 =	sadd.s32 s20, s19  }
0x9c: {  	s22 =	simm.s32 $0x0;
	s4 =	sshll.u32 s4, $0x1;
	s5 =	sadd.s32 s21, s3  }
0x9d: {  	[timem:s22], [sflag:s6] =	dma.local [hbm:s5], s4  }
0x9e: {  	_ =	swait.ge [sflag:s6], s4  }
0x9f: {  	s4 =	ssub.s32 $0x0, s4;
	[sflag:s6] =	ssyncset.done $0x0  }
0xa0: {  	[sflag:s6] =	ssyncadd.s32 s4;
	_ =	sdelay $0x1  }
0xa1: {  	s23 =	simm.s32 $0x1B8B  }
0xa2: {  	_ =	swait.ge [sflag:s23], $0x1  }
0xa3: {  	[sflag:s23] =	ssyncset.done $0x0  }
0xa4: {  	[sflag:s23] =	ssyncadd.s32 $0xFFFFFFFF  }
0xa5: {  	s4 =	sld [smem:$0x0]  }
0xa6: {  	s5 =	sand.u32 $0xFFFFFFFE, s1  }
0xa7: {  	p0 =	sne.s32 s1, s5  }
0xa8: {  	s5 =	sshll.u32 @p0 s5, $0xE  }
0xa9: {  	s5 =	sadd.s32 @p0 $0x11B8D, s5;
	s6 =	sshll.u32 @p0 s4, $0x11  }
0xaa: {  	s5 =	sor.u32 @p0 s6, s5  }
0xab: {  	[sflag:s5] =	ssyncadd.remote.s32 @p0 $0x1;
	_ =	sdelay $0x1  }
0xac: {  	s5 =	simm.s32 @p0 $0x1B8D  }
0xad: {  	_ =	swait.eq @p0 [sflag:s5], $0x1  }
0xae: {  	[sflag:s5] =	ssyncadd.s32 @p0 $0xFFFFFFFF  }
0xaf: {  	s6 =	sshll.u32 @!p0 s1, $0xE  }
0xb0: {  	s6 =	sor.u32 @!p0 $0x4000, s6;
	s5 =	simm.s32 @!p0 $0x1B8D  }
0xb1: {  	s4 =	sshll.u32 @!p0 s4, $0x11;
	s6 =	sadd.s32 @!p0 $0x11B8D, s6;
	_ =	swait.eq @!p0 [sflag:s5], $0x1  }
0xb2: {  	s4 =	sor.u32 @!p0 s4, s6;
	[sflag:s5] =	ssyncadd.s32 @!p0 $0xFFFFFFFF  }
0xb3: {  	s25 =	simm.s32 $0x1B8E;
	s24 =	sld [smem:$0x3FFE];
	[sflag:s4] =	ssyncadd.remote.s32 @!p0 $0x1  }
0xb4: {  	s26 =	simm.s32 $execute0_lowered;
	[smem:$0x3FD2] =	sst s25  }
0xb5: {  	s5 =	sshll.u32 s26, $0x1;
	_ =	strace $0x80000049;
	[dreg:$0x1] =	wrdreg $0xFFFFFFFF  }
0xb6: {  	s28 =	simm.s32 $_size_execute0_lowered;
	s3 =	sadd.s32 s3, s5;
	[dreg:$0x0] =	wrdreg $0x0  }
0xb7: {  	s5 =	sshll.u32 s28, $0x1;
	[dreg:$0x2] =	wrdreg s3  }
0xb8: {  	[dreg:$0x3] =	wrdreg s5  }
0xb9: {  	[dreg:$0x4] =	wrdreg $0xC0  }
0xba: {  	_ =	task [dreg:s22], $0x5FFFF  }
0xbb: {  	[dreg:$0x1] =	wrdreg $0xFFFFFFFF  }
0xbc: {  	[dreg:$0x0] =	wrdreg $0x60  }
0xbd: {  	[dreg:$0x2] =	wrdreg s24  }
0xbe: {  	[dreg:$0x3] =	wrdreg $0xB  }
0xbf: {  	_ =	task.clear_ibuf [dreg:s22], $0x4FFFF;
	_ =	strace $0x90000049  }
0xc0: {  	s29 =	simm.s32 $0xB;
	_ =	strace $0x8000004B  }
0xc1: {  	_ =	swait.ge [sflag:s29], $0x1  }
0xc2: {  	[sflag:s29] =	ssyncadd.s32 $0xFFFFFFFF  }
0xc3: {  	_ =	strace $0x9000004B  }
0xc4: {  	_ =	sfence  }
0xc5: {  	s30 =	sld [smem:$0x0];
	_ =	sdelay $0x2  }
0xc6: {  	s31 =	sshll.u32 s1, $0xD;
	s1 =	sshrl.u32 s1, $0x2  }
0xc7: {  	s4 =	sand.u32 $0x4000, s31;
	s1 =	sadd.s32 s1, s30  }
0xc8: {  	s0 =	sor.u32 s4, s0;
	s1 =	sshll.u32 s1, $0x11  }
0xc9: {  	s0 =	sor.u32 s1, s0  }
0xca: {  	s0 =	sadd.s32 $0x8F2B, s0  }
0xcb: {  	[sflag:s0] =	ssyncadd.remote.s32 $0x1  }
0xcc: {  	_ =	sfence.sel $0xFFFF  }
0xcd: {  	[dreg:$0x0] =	wrdreg $0xFFFFFFFF;
	(pc) =	sbr.abs _section_cstart, $3  }
0xce: {  	[dreg:$0x1] =	wrdreg $0xFFFFFFFF  }
0xcf: {  	_ =	task.clear_ibuf [dreg:s22], $0x2FFFF;
	_ =	strace $0x9FFFFFFF  }
0xd0: {  	(tm) =	ssettm $0x7FFFFFFF  }
0xd1: {  	_ =	shalt  }
tec
execute0_lowered:
.L_overlay_start_1:
0x0: {  	(tag) =	ssettag $0x1  }
0x1: {  	s1 =	srdreg.scid  }
0x2: {  	s0 =	stileid.u32;
	s4 =	rddreg [dreg:$0x0];
	s2 =	simm.s32 $0x0  }
0x3: {  	s11 =	simm.s32 $0x1;
	s12 =	simm.s32 $0x7000;
	s13 =	simm.s32 $0x2  }
0x4: {  	s14 =	simm.s32 $0x3;
	s5 =	sand.u32 $0x1, s1;
	s3 =	sshll.u32 s0, $0x1  }
0x5: {  	s15 =	simm.s32 $0x0;
	[smem:$0x7FF] =	sst s2;
	s6 =	sor.u32 s5, s3  }
0x6: {  	s1 =	rddreg [dreg:$0x1];
	_ =	strace $0x8000004A;
	s7 =	smul.u32 $0x15000, s6  }
.Ltmp0:
0x7: {  	s5 =	ssub.s32 $0x2, s5;
	s6 =	sshll.u32 s6, $0x9;
	(pc) =	sbr.rel .LBB2_1-.Ltmp0, $4  }
0x8: {  	s3 =	sadd.s32 $0x5AC00, s4;
	s31 =	sshrl.u32 s5, $0x1;
	s9 =	sadd.s32 s6, s4  }
0x9: {  	s10 =	ssub.s32 s5, s31;
	s8 =	sshrl.u32 s7, $0x3;
	s6 =	sadd.s32 $0x7000, s7  }
0xa: {  	s7 =	sadd.s32 $0xA800, s7;
	s4 =	sadd.s32 s3, s8;
	s8 =	sadd.s32 $0xAEC00, s9  }
0xb: {  	v0 =	vimm.f32 $0.0e+00;
	v1 =	vimm.f32 $1.000000000e+00;
	s9 =	smax.u32 s10, $0x1;
	s10 =	simm.s32 $0x3800;
	s5 =	sadd.s32 $0x700, s4  }
.LBB2_10:
0xc: {  	s15 =	sadd.s32 $0x1, s15  }
0xd: {  	p0 =	sne.s32 s15, s9  }
.Ltmp1:
0xe: {  	_ = 	snop;
	(pc) =	sbr.rel @!p0 .LBB2_11-.Ltmp1, $4  }
0xf: {  	[hbm4b:s8+s2] =	stream.linear.scatter [tilespmem:s12], [sflag:$0x3], $0x1000, $0x38;
	[tilespmem:$0x8000] =	vst v63  }
0x10: {  	_ =	swait.ge [sflag:s14], $0x1000  }
0x11: {  	[sflag:s14] =	ssyncset.done $0x0  }
0x12: {  	[sflag:s14] =	ssyncadd.s32 $0xFFFFF000  }
.LBB2_1:
0x13: {  	s16 =	simm.s32 $0x40;
	s17 =	simm.s32 $0x0  }
.LBB2_2:
0x14: {  	p0 =	sne.s32 s16, $0x3FC0;
	[tilespmem:s17+$0x7000] =	vst v0;
	s17 =	smov.u32 s16;
	s16 =	sadd.s32 $0x40, s16  }
.Ltmp2:
0x15: {  	(pc) =	sbr.rel @p0 .LBB2_2-.Ltmp2, $2  }
0x16: {  	_ =	sdelay $0x2  }
0x17: {  	s17 =	sshra.s32 s17, $0x2  }
0x18: {  	[tilespmem:s17+$0x7000] =	vst v0;
	s16 =	simm.s32 $0x0  }
0x19: {  	[tilespmem:s16], [sflag:$0x1] =	stream.linear.gather [hbm4b:s4+s16], $0x3800, $0x38;
	[tilespmem:$0x8000] =	vst v63  }
0x1a: {  	_ = 	snop  }
0x1b: {  	[tilespmem:s10], [sflag:$0x2] =	stream.linear.gather [hbm4b:s5+s16], $0x3800, $0x38;
	[tilespmem:$0x8000] =	vst v63  }
.LBB2_4:
0x1c: {  	_ =	swait.ge [sflag:s11], $0x3800  }
0x1d: {  	[sflag:s11] =	ssyncset.done $0x0  }
0x1e: {  	s17 =	simm.s32 $0x80;
	[sflag:s11] =	ssyncadd.s32 $0xFFFFC800  }
0x1f: {  	v2 =	vld [tilespmem:s17+$0x0];
	_ =	sdelay $0x4  }
0x20: {  	v3 =	vand.u32 $0xFFFF, v2  }
0x21: {  	v2 =	vshra.s32 v2, $0x10;
	_ =	sdelay $0x3  }
0x22: {  	[tilespmem:v3+s12+$0x0] =	vst.idx.add.f32.msk $0xffff, v1  }
0x23: {  	[tilespmem:v2+s12+$0x0] =	vst.idx.add.f32.msk $0xffff, v1  }
0x24: {  	v2 =	vld [tilespmem:s17+$0x10];
	_ =	sdelay $0x4  }
0x25: {  	v3 =	vand.u32 $0xFFFF, v2  }
0x26: {  	v4 =	vld [tilespmem:s17+$0xFFFFFF80];
	v2 =	vshra.s32 v2, $0x10;
	_ =	sdelay $0x3  }
0x27: {  	[tilespmem:v3+s12+$0x0] =	vst.idx.add.f32.msk $0xffff, v1  }
0x28: {  	v3 =	vand.u32 $0xFFFF, v4;
	[tilespmem:v2+s12+$0x0] =	vst.idx.add.f32.msk $0xffff, v1  }
0x29: {  	v2 =	vshra.s32 v4, $0x10;
	v4 =	vld [tilespmem:s17+$0x20];
	_ =	sdelay $0x3  }
0x2a: {  	[tilespmem:v3+s12+$0x0] =	vst.idx.add.f32.msk $0xffff, v1  }
0x2b: {  	[tilespmem:v2+s12+$0x0] =	vst.idx.add.f32.msk $0xffff, v1;
	v2 =	vand.u32 $0xFFFF, v4  }
0x2c: {  	v4 =	vshra.s32 v4, $0x10  }
0x2d: {  	v3 =	vld [tilespmem:s17+$0xFFFFFF90]  }
0x2e: {  	s18 =	simm.s32 $0x180  }
0x2f: {  	v5 =	vld [tilespmem:s18+$0x0]  }
0x30: {  	[tilespmem:v2+s12+$0x0] =	vst.idx.add.f32.msk $0xffff, v1  }
0x31: {  	[tilespmem:v4+s12+$0x0] =	vst.idx.add.f32.msk $0xffff, v1  }
0x32: {  	v2 =	vand.u32 $0xFFFF, v3;
	v4 =	vld [tilespmem:s17+$0x30]  }
0x33: {  	v3 =	vshra.s32 v3, $0x10;
	_ =	sdelay $0x2  }
0x34: {  	v7 =	vld [tilespmem:s18+$0xFFFFFF80];
	v6 =	vand.u32 $0xFFFF, v5  }
0x35: {  	[tilespmem:v2+s12+$0x0] =	vst.idx.add.f32.msk $0xffff, v1;
	v2 =	vand.u32 $0xFFFF, v4  }
0x36: {  	[tilespmem:v3+s12+$0x0] =	vst.idx.add.f32.msk $0xffff, v1;
	v4 =	vshra.s32 v4, $0x10  }
0x37: {  	v3 =	vld [tilespmem:s17+$0xFFFFFFA0];
	_ =	sdelay $0x1  }
0x38: {  	v5 =	vshra.s32 v5, $0x10;
	[tilespmem:v6+s12+$0x0] =	vst.idx.add.f32.msk $0xffff, v1  }
0x39: {  	[tilespmem:v2+s12+$0x0] =	vst.idx.add.f32.msk $0xffff, v1  }
0x3a: {  	v6 =	vand.u32 $0xFFFF, v7;
	[tilespmem:v4+s12+$0x0] =	vst.idx.add.f32.msk $0xffff, v1  }
0x3b: {  	v2 =	vand.u32 $0xFFFF, v3;
	v4 =	vld [tilespmem:s17+$0x40]  }
0x3c: {  	v3 =	vshra.s32 v3, $0x10  }
0x3d: {  	[tilespmem:v5+s12+$0x0] =	vst.idx.add.f32.msk $0xffff, v1  }
0x3e: {  	v5 =	vshra.s32 v7, $0x10;
	v7 =	vld [tilespmem:s18+$0x10]  }
0x3f: {  	[tilespmem:v6+s12+$0x0] =	vst.idx.add.f32.msk $0xffff, v1  }
0x40: {  	[tilespmem:v2+s12+$0x0] =	vst.idx.add.f32.msk $0xffff, v1;
	v2 =	vand.u32 $0xFFFF, v4  }
0x41: {  	[tilespmem:v3+s12+$0x0] =	vst.idx.add.f32.msk $0xffff, v1;
	v4 =	vshra.s32 v4, $0x10  }
0x42: {  	v3 =	vld [tilespmem:s17+$0xFFFFFFB0]  }
0x43: {  	[tilespmem:v5+s12+$0x0] =	vst.idx.add.f32.msk $0xffff, v1  }
0x44: {  	v5 =	vand.u32 $0xFFFF, v7;
	v6 =	vld [tilespmem:s18+$0xFFFFFF90]  }
0x45: {  	v7 =	vshra.s32 v7, $0x10;
	[tilespmem:v2+s12+$0x0] =	vst.idx.add.f32.msk $0xffff, v1  }
0x46: {  	[tilespmem:v4+s12+$0x0] =	vst.idx.add.f32.msk $0xffff, v1  }
0x47: {  	v2 =	vand.u32 $0xFFFF, v3;
	v4 =	vld [tilespmem:s17+$0x50]  }
0x48: {  	v3 =	vshra.s32 v3, $0x10  }
0x49: {  	[tilespmem:v5+s12+$0x0] =	vst.idx.add.f32.msk $0xffff, v1  }
0x4a: {  	[tilespmem:v7+s12+$0x0] =	vst.idx.add.f32.msk $0xffff, v1  }
0x4b: {  	v5 =	vand.u32 $0xFFFF, v6;
	v7 =	vld [tilespmem:s18+$0x20]  }
0x4c: {  	[tilespmem:v2+s12+$0x0] =	vst.idx.add.f32.msk $0xffff, v1;
	v2 =	vand.u32 $0xFFFF, v4  }
0x4d: {  	[tilespmem:v3+s12+$0x0] =	vst.idx.add.f32.msk $0xffff, v1;
	v4 =	vshra.s32 v4, $0x10  }
0x4e: {  	v3 =	vld [tilespmem:s17+$0xFFFFFFC0]  }
0x4f: {  	v6 =	vshra.s32 v6, $0x10  }
0x50: {  	[tilespmem:v5+s12+$0x0] =	vst.idx.add.f32.msk $0xffff, v1  }
0x51: {  	[tilespmem:v2+s12+$0x0] =	vst.idx.add.f32.msk $0xffff, v1  }
0x52: {  	v5 =	vand.u32 $0xFFFF, v7;
	[tilespmem:v4+s12+$0x0] =	vst.idx.add.f32.msk $0xffff, v1  }
0x53: {  	v2 =	vand.u32 $0xFFFF, v3;
	v4 =	vld [tilespmem:s17+$0x60]  }
0x54: {  	[tilespmem:v6+s12+$0x0] =	vst.idx.add.f32.msk $0xffff, v1;
	v6 =	vshra.s32 v7, $0x10;
	_ =	sdelay $0x1  }
0x55: {  	v7 =	vld [tilespmem:s18+$0xFFFFFFA0];
	v3 =	vshra.s32 v3, $0x10  }
0x56: {  	[tilespmem:v5+s12+$0x0] =	vst.idx.add.f32.msk $0xffff, v1  }
0x57: {  	[tilespmem:v2+s12+$0x0] =	vst.idx.add.f32.msk $0xffff, v1;
	v2 =	vand.u32 $0xFFFF, v4  }
0x58: {  	[tilespmem:v6+s12+$0x0] =	vst.idx.add.f32.msk $0xffff, v1  }
0x59: {  	v6 =	vld [tilespmem:s18+$0x30]  }
0x5a: {  	[tilespmem:v3+s12+$0x0] =	vst.idx.add.f32.msk $0xffff, v1;
	v3 =	vand.u32 $0xFFFF, v7  }
0x5b: {  	v4 =	vshra.s32 v7, $0x10;
	v7 =	vld [tilespmem:s17+$0xFFFFFFD0]  }
0x5c: {  	[tilespmem:v2+s12+$0x0] =	vst.idx.add.f32.msk $0xffff, v1  }
0x5d: {  	v2 =	vld [tilespmem:s17+$0x70];
	_ =	sdelay $0x1  }
0x5e: {  	v5 =	vand.u32 $0xFFFF, v6;
	[tilespmem:v3+s12+$0x0] =	vst.idx.add.f32.msk $0xffff, v1  }
0x5f: {  	v6 =	vshra.s32 v6, $0x10;
	[tilespmem:v4+s12+$0x0] =	vst.idx.add.f32.msk $0xffff, v1  }
0x60: {  	s19 =	simm.s32 $0x2;
	s20 =	simm.s32 $0x280;
	v4 =	vand.u32 $0xFFFF, v7;
	v3 =	vshra.s32 v7, $0x10;
	v7 =	vld [tilespmem:s18+$0xFFFFFFB0]  }
.LBB2_5:
0x61: {  	v8 =	vld [tilespmem:s20+$0x0];
	v2 =	vand.u32 $0xFFFF, v2  }
0x62: {  	v9 =	vld [tilespmem:s20+$0xFFFFFF80]  }
0x63: {  	[tilespmem:v5+s12+$0x0] =	vst.idx.add.f32.msk $0xffff, v1  }
0x64: {  	[tilespmem:v6+s12+$0x0] =	vst.idx.add.f32.msk $0xffff, v1  }
0x65: {  	v5 =	vand.u32 $0xFFFF, v7;
	v6 =	vshra.s32 v7, $0x10;
	v7 =	vld [tilespmem:s18+$0x40]  }
0x66: {  	v10 =	vand.u32 $0xFFFF, v8;
	[tilespmem:v2+s12+$0x0] =	vst.idx.add.f32.msk $0xffff, v1  }
0x67: {  	s19 =	sadd.s32 $0x2, s19;
	v8 =	vshra.s32 v8, $0x10;
	v2 =	vand.u32 $0xFFFF, v9;
	v9 =	vshra.s32 v9, $0x10;
	[tilespmem:v4+s12+$0x0] =	vst.idx.add.f32.msk $0xffff, v1  }
0x68: {  	p0 =	slt.u32 s19, $0x6E;
	[tilespmem:v3+s12+$0x0] =	vst.idx.add.f32.msk $0xffff, v1  }
0x69: {  	v3 =	vld [tilespmem:s17+$0xFFFFFFE0]  }
0x6a: {  	[tilespmem:v5+s12+$0x0] =	vst.idx.add.f32.msk $0xffff, v1;
	v4 =	vand.u32 $0xFFFF, v7  }
0x6b: {  	v5 =	vshra.s32 v7, $0x10;
	[tilespmem:v10+s12+$0x0] =	vst.idx.add.f32.msk $0xffff, v1  }
0x6c: {  	[tilespmem:v8+s12+$0x0] =	vst.idx.add.f32.msk $0xffff, v1  }
0x6d: {  	v7 =	vld [tilespmem:s20+$0x10]  }
0x6e: {  	[tilespmem:v2+s12+$0x0] =	vst.idx.add.f32.msk $0xffff, v1;
	v2 =	vand.u32 $0xFFFF, v3  }
0x6f: {  	[tilespmem:v4+s12+$0x0] =	vst.idx.add.f32.msk $0xffff, v1  }
0x70: {  	[tilespmem:v5+s12+$0x0] =	vst.idx.add.f32.msk $0xffff, v1  }
0x71: {  	v3 =	vld [tilespmem:s18+$0x50]  }
0x72: {  	[tilespmem:v9+s12+$0x0] =	vst.idx.add.f32.msk $0xffff, v1;
	v4 =	vand.u32 $0xFFFF, v7  }
0x73: {  	v7 =	vshra.s32 v7, $0x10;
	v5 =	vld [tilespmem:s20+$0xFFFFFF90]  }
0x74: {  	[tilespmem:v6+s12+$0x0] =	vst.idx.add.f32.msk $0xffff, v1  }
0x75: {  	v6 =	vld [tilespmem:s18+$0xFFFFFFC0]  }
0x76: {  	v8 =	vand.u32 $0xFFFF, v3;
	[tilespmem:v2+s12+$0x0] =	vst.idx.add.f32.msk $0xffff, v1  }
0x77: {  	v2 =	vshra.s32 v3, $0x10;
	[tilespmem:v4+s12+$0x0] =	vst.idx.add.f32.msk $0xffff, v1  }
0x78: {  	v3 =	vand.u32 $0xFFFF, v5;
	v4 =	vshra.s32 v5, $0x10;
	[tilespmem:v7+s12+$0x0] =	vst.idx.add.f32.msk $0xffff, v1  }
0x79: {  	v5 =	vld [tilespmem:s20+$0x20]  }
0x7a: {  	v7 =	vand.u32 $0xFFFF, v6;
	v6 =	vshra.s32 v6, $0x10;
	v9 =	vld [tilespmem:s17+$0xFFFFFFF0];
	s17 =	smov.u32 s18;
	s18 =	smov.u32 s20  }
0x7b: {  	[tilespmem:v8+s12+$0x0] =	vst.idx.add.f32.msk $0xffff, v1  }
0x7c: {  	[tilespmem:v2+s12+$0x0] =	vst.idx.add.f32.msk $0xffff, v1  }
0x7d: {  	v2 =	vld [tilespmem:s17+$0x60]  }
0x7e: {  	[tilespmem:v3+s12+$0x0] =	vst.idx.add.f32.msk $0xffff, v1;
	v3 =	vand.u32 $0xFFFF, v5  }
0x7f: {  	[tilespmem:v4+s12+$0x0] =	vst.idx.add.f32.msk $0xffff, v1;
	v4 =	vshra.s32 v5, $0x10;
	v5 =	vand.u32 $0xFFFF, v9  }
0x80: {  	v8 =	vld [tilespmem:s20+$0xFFFFFFA0]  }
0x81: {  	[tilespmem:v7+s12+$0x0] =	vst.idx.add.f32.msk $0xffff, v1  }
0x82: {  	[tilespmem:v6+s12+$0x0] =	vst.idx.add.f32.msk $0xffff, v1;
	v2 =	vand.u32 $0xFFFF, v2  }
0x83: {  	[tilespmem:v3+s12+$0x0] =	vst.idx.add.f32.msk $0xffff, v1  }
0x84: {  	[tilespmem:v4+s12+$0x0] =	vst.idx.add.f32.msk $0xffff, v1  }
0x85: {  	v3 =	vand.u32 $0xFFFF, v8;
	v4 =	vshra.s32 v8, $0x10;
	v6 =	vld [tilespmem:s20+$0x30]  }
0x86: {  	v7 =	vld [tilespmem:s17+$0xFFFFFFD0]  }
0x87: {  	[tilespmem:v2+s12+$0x0] =	vst.idx.add.f32.msk $0xffff, v1  }
.Ltmp3:
0x88: {  	v2 =	vld [tilespmem:s17+$0x70];
	(pc) =	sbr.rel @p0 .LBB2_5-.Ltmp3, $4  }
0x89: {  	[tilespmem:v5+s12+$0x0] =	vst.idx.add.f32.msk $0xffff, v1  }
0x8a: {  	[tilespmem:v3+s12+$0x0] =	vst.idx.add.f32.msk $0xffff, v1;
	v5 =	vand.u32 $0xFFFF, v6  }
0x8b: {  	v6 =	vshra.s32 v6, $0x10;
	[tilespmem:v4+s12+$0x0] =	vst.idx.add.f32.msk $0xffff, v1;
	v4 =	vand.u32 $0xFFFF, v7;
	v3 =	vshra.s32 v7, $0x10  }
0x8c: {  	s20 =	sadd.s32 $0x100, s20;
	v7 =	vld [tilespmem:s18+$0xFFFFFFB0]  }
0x8d: {  	_ =	sdelay $0x3  }
0x8e: {  	v8 =	vand.u32 $0xFFFF, v7  }
0x8f: {  	v7 =	vshra.s32 v7, $0x10  }
0x90: {  	[tilespmem:v5+s12+$0x0] =	vst.idx.add.f32.msk $0xffff, v1  }
0x91: {  	[tilespmem:v6+s12+$0x0] =	vst.idx.add.f32.msk $0xffff, v1  }
0x92: {  	v5 =	vld [tilespmem:s18+$0x40]  }
0x93: {  	[tilespmem:v8+s12+$0x0] =	vst.idx.add.f32.msk $0xffff, v1  }
0x94: {  	[tilespmem:v7+s12+$0x0] =	vst.idx.add.f32.msk $0xffff, v1  }
0x95: {  	v6 =	vld [tilespmem:s18+$0xFFFFFFC0];
	_ =	sdelay $0x1  }
0x96: {  	v7 =	vand.u32 $0xFFFF, v5  }
0x97: {  	v5 =	vshra.s32 v5, $0x10;
	_ =	sdelay $0x1  }
0x98: {  	v8 =	vand.u32 $0xFFFF, v6  }
0x99: {  	v6 =	vshra.s32 v6, $0x10  }
0x9a: {  	[tilespmem:v7+s12+$0x0] =	vst.idx.add.f32.msk $0xffff, v1  }
0x9b: {  	[tilespmem:v5+s12+$0x0] =	vst.idx.add.f32.msk $0xffff, v1  }
0x9c: {  	v5 =	vld [tilespmem:s18+$0x50]  }
0x9d: {  	[tilespmem:v8+s12+$0x0] =	vst.idx.add.f32.msk $0xffff, v1  }
0x9e: {  	[tilespmem:v6+s12+$0x0] =	vst.idx.add.f32.msk $0xffff, v1  }
0x9f: {  	v6 =	vld [tilespmem:s18+$0xFFFFFFD0];
	_ =	sdelay $0x1  }
0xa0: {  	v7 =	vand.u32 $0xFFFF, v5  }
0xa1: {  	v5 =	vshra.s32 v5, $0x10  }
0xa2: {  	[tilespmem:v4+s12+$0x0] =	vst.idx.add.f32.msk $0xffff, v1  }
0xa3: {  	[tilespmem:v3+s12+$0x0] =	vst.idx.add.f32.msk $0xffff, v1;
	v3 =	vand.u32 $0xFFFF, v6  }
0xa4: {  	v4 =	vld [tilespmem:s17+$0xFFFFFFE0];
	v6 =	vshra.s32 v6, $0x10  }
0xa5: {  	[tilespmem:v7+s12+$0x0] =	vst.idx.add.f32.msk $0xffff, v1  }
0xa6: {  	[tilespmem:v5+s12+$0x0] =	vst.idx.add.f32.msk $0xffff, v1  }
0xa7: {  	v5 =	vld [tilespmem:s18+$0x60]  }
0xa8: {  	[tilespmem:v3+s12+$0x0] =	vst.idx.add.f32.msk $0xffff, v1  }
0xa9: {  	[tilespmem:v6+s12+$0x0] =	vst.idx.add.f32.msk $0xffff, v1  }
0xaa: {  	v3 =	vld [tilespmem:s18+$0xFFFFFFE0]  }
0xab: {  	v4 =	vand.u32 $0xFFFF, v4;
	_ =	sdelay $0x1  }
0xac: {  	v5 =	vand.u32 $0xFFFF, v5;
	_ =	sdelay $0x1  }
0xad: {  	v3 =	vand.u32 $0xFFFF, v3  }
0xae: {  	[tilespmem:v4+s12+$0x0] =	vst.idx.add.f32.msk $0xffff, v1  }
0xaf: {  	v4 =	vld [tilespmem:s17+$0xFFFFFFF0]  }
0xb0: {  	[tilespmem:v5+s12+$0x0] =	vst.idx.add.f32.msk $0xffff, v1  }
0xb1: {  	v5 =	vld [tilespmem:s18+$0x70]  }
0xb2: {  	[tilespmem:v3+s12+$0x0] =	vst.idx.add.f32.msk $0xffff, v1  }
0xb3: {  	v3 =	vld [tilespmem:s18+$0xFFFFFFF0];
	_ =	sdelay $0x1  }
0xb4: {  	v2 =	vand.u32 $0xFFFF, v2  }
0xb5: {  	v4 =	vand.u32 $0xFFFF, v4  }
0xb6: {  	v5 =	vand.u32 $0xFFFF, v5  }
0xb7: {  	p0 =	seq.s32 s16, $0x2;
	v3 =	vand.u32 $0xFFFF, v3  }
0xb8: {  	s17 =	smul.u32 @!p0 $0x7000, s16  }
0xb9: {  	[tilespmem:v2+s12+$0x0] =	vst.idx.add.f32.msk $0xffff, v1  }
0xba: {  	s17 =	sadd.s32 @!p0 s17, s6;
	[tilespmem:v4+s12+$0x0] =	vst.idx.add.f32.msk $0xffff, v1  }
0xbb: {  	s17 =	sshrl.u32 @!p0 s17, $0x3;
	[tilespmem:v5+s12+$0x0] =	vst.idx.add.f32.msk $0xffff, v1  }
0xbc: {  	s17 =	sadd.s32 @!p0 s3, s17;
	s18 =	simm.s32 @!p0 $0x0;
	[tilespmem:v3+s12+$0x0] =	vst.idx.add.f32.msk $0xffff, v1  }
0xbd: {  	[tilespmem:s18], [sflag:$0x1] =	stream.linear.gather @!p0 [hbm4b:s17+s18], $0x3800, $0x38;
	[tilespmem:$0x8000] =	vst v63  }
0xbe: {  	_ =	swait.ge [sflag:s13], $0x3800  }
0xbf: {  	[sflag:s13] =	ssyncset.done $0x0  }
0xc0: {  	s17 =	simm.s32 $0x3880;
	[sflag:s13] =	ssyncadd.s32 $0xFFFFC800  }
0xc1: {  	v2 =	vld [tilespmem:s17+$0x0];
	_ =	sdelay $0x4  }
0xc2: {  	v3 =	vand.u32 $0xFFFF, v2  }
0xc3: {  	v2 =	vshra.s32 v2, $0x10;
	_ =	sdelay $0x3  }
0xc4: {  	[tilespmem:v3+s12+$0x0] =	vst.idx.add.f32.msk $0xffff, v1  }
0xc5: {  	[tilespmem:v2+s12+$0x0] =	vst.idx.add.f32.msk $0xffff, v1  }
0xc6: {  	v2 =	vld [tilespmem:s17+$0x10];
	_ =	sdelay $0x4  }
0xc7: {  	v3 =	vand.u32 $0xFFFF, v2  }
0xc8: {  	v4 =	vld [tilespmem:s17+$0xFFFFFF80];
	v2 =	vshra.s32 v2, $0x10;
	_ =	sdelay $0x3  }
0xc9: {  	[tilespmem:v3+s12+$0x0] =	vst.idx.add.f32.msk $0xffff, v1  }
0xca: {  	v3 =	vand.u32 $0xFFFF, v4;
	[tilespmem:v2+s12+$0x0] =	vst.idx.add.f32.msk $0xffff, v1  }
0xcb: {  	v2 =	vshra.s32 v4, $0x10;
	v4 =	vld [tilespmem:s17+$0x20];
	_ =	sdelay $0x3  }
0xcc: {  	[tilespmem:v3+s12+$0x0] =	vst.idx.add.f32.msk $0xffff, v1  }
0xcd: {  	[tilespmem:v2+s12+$0x0] =	vst.idx.add.f32.msk $0xffff, v1;
	v2 =	vand.u32 $0xFFFF, v4  }
0xce: {  	v4 =	vshra.s32 v4, $0x10  }
0xcf: {  	v3 =	vld [tilespmem:s17+$0xFFFFFF90]  }
0xd0: {  	s18 =	simm.s32 $0x3980  }
0xd1: {  	v5 =	vld [tilespmem:s18+$0x0]  }
0xd2: {  	[tilespmem:v2+s12+$0x0] =	vst.idx.add.f32.msk $0xffff, v1  }
0xd3: {  	[tilespmem:v4+s12+$0x0] =	vst.idx.add.f32.msk $0xffff, v1  }
0xd4: {  	v2 =	vand.u32 $0xFFFF, v3;
	v4 =	vld [tilespmem:s17+$0x30]  }
0xd5: {  	v3 =	vshra.s32 v3, $0x10;
	_ =	sdelay $0x2  }
0xd6: {  	v7 =	vld [tilespmem:s18+$0xFFFFFF80];
	v6 =	vand.u32 $0xFFFF, v5  }
0xd7: {  	[tilespmem:v2+s12+$0x0] =	vst.idx.add.f32.msk $0xffff, v1;
	v2 =	vand.u32 $0xFFFF, v4  }
0xd8: {  	[tilespmem:v3+s12+$0x0] =	vst.idx.add.f32.msk $0xffff, v1;
	v4 =	vshra.s32 v4, $0x10  }
0xd9: {  	v3 =	vld [tilespmem:s17+$0xFFFFFFA0];
	_ =	sdelay $0x1  }
0xda: {  	v5 =	vshra.s32 v5, $0x10;
	[tilespmem:v6+s12+$0x0] =	vst.idx.add.f32.msk $0xffff, v1  }
0xdb: {  	[tilespmem:v2+s12+$0x0] =	vst.idx.add.f32.msk $0xffff, v1  }
0xdc: {  	v6 =	vand.u32 $0xFFFF, v7;
	[tilespmem:v4+s12+$0x0] =	vst.idx.add.f32.msk $0xffff, v1  }
0xdd: {  	v2 =	vand.u32 $0xFFFF, v3;
	v4 =	vld [tilespmem:s17+$0x40]  }
0xde: {  	v3 =	vshra.s32 v3, $0x10  }
0xdf: {  	[tilespmem:v5+s12+$0x0] =	vst.idx.add.f32.msk $0xffff, v1  }
0xe0: {  	v5 =	vshra.s32 v7, $0x10;
	v7 =	vld [tilespmem:s18+$0x10]  }
0xe1: {  	[tilespmem:v6+s12+$0x0] =	vst.idx.add.f32.msk $0xffff, v1  }
0xe2: {  	[tilespmem:v2+s12+$0x0] =	vst.idx.add.f32.msk $0xffff, v1;
	v2 =	vand.u32 $0xFFFF, v4  }
0xe3: {  	[tilespmem:v3+s12+$0x0] =	vst.idx.add.f32.msk $0xffff, v1;
	v4 =	vshra.s32 v4, $0x10  }
0xe4: {  	v3 =	vld [tilespmem:s17+$0xFFFFFFB0]  }
0xe5: {  	[tilespmem:v5+s12+$0x0] =	vst.idx.add.f32.msk $0xffff, v1  }
0xe6: {  	v5 =	vand.u32 $0xFFFF, v7;
	v6 =	vld [tilespmem:s18+$0xFFFFFF90]  }
0xe7: {  	v7 =	vshra.s32 v7, $0x10;
	[tilespmem:v2+s12+$0x0] =	vst.idx.add.f32.msk $0xffff, v1  }
0xe8: {  	[tilespmem:v4+s12+$0x0] =	vst.idx.add.f32.msk $0xffff, v1  }
0xe9: {  	v2 =	vand.u32 $0xFFFF, v3;
	v4 =	vld [tilespmem:s17+$0x50]  }
0xea: {  	v3 =	vshra.s32 v3, $0x10  }
0xeb: {  	[tilespmem:v5+s12+$0x0] =	vst.idx.add.f32.msk $0xffff, v1  }
0xec: {  	[tilespmem:v7+s12+$0x0] =	vst.idx.add.f32.msk $0xffff, v1  }
0xed: {  	v5 =	vand.u32 $0xFFFF, v6;
	v7 =	vld [tilespmem:s18+$0x20]  }
0xee: {  	[tilespmem:v2+s12+$0x0] =	vst.idx.add.f32.msk $0xffff, v1;
	v2 =	vand.u32 $0xFFFF, v4  }
0xef: {  	[tilespmem:v3+s12+$0x0] =	vst.idx.add.f32.msk $0xffff, v1;
	v4 =	vshra.s32 v4, $0x10  }
0xf0: {  	v3 =	vld [tilespmem:s17+$0xFFFFFFC0]  }
0xf1: {  	v6 =	vshra.s32 v6, $0x10  }
0xf2: {  	[tilespmem:v5+s12+$0x0] =	vst.idx.add.f32.msk $0xffff, v1  }
0xf3: {  	[tilespmem:v2+s12+$0x0] =	vst.idx.add.f32.msk $0xffff, v1  }
0xf4: {  	v5 =	vand.u32 $0xFFFF, v7;
	[tilespmem:v4+s12+$0x0] =	vst.idx.add.f32.msk $0xffff, v1  }
0xf5: {  	v2 =	vand.u32 $0xFFFF, v3;
	v4 =	vld [tilespmem:s17+$0x60]  }
0xf6: {  	[tilespmem:v6+s12+$0x0] =	vst.idx.add.f32.msk $0xffff, v1;
	v6 =	vshra.s32 v7, $0x10;
	_ =	sdelay $0x1  }
0xf7: {  	v7 =	vld [tilespmem:s18+$0xFFFFFFA0];
	v3 =	vshra.s32 v3, $0x10  }
0xf8: {  	[tilespmem:v5+s12+$0x0] =	vst.idx.add.f32.msk $0xffff, v1  }
0xf9: {  	[tilespmem:v2+s12+$0x0] =	vst.idx.add.f32.msk $0xffff, v1;
	v2 =	vand.u32 $0xFFFF, v4  }
0xfa: {  	[tilespmem:v6+s12+$0x0] =	vst.idx.add.f32.msk $0xffff, v1  }
0xfb: {  	v6 =	vld [tilespmem:s18+$0x30]  }
0xfc: {  	[tilespmem:v3+s12+$0x0] =	vst.idx.add.f32.msk $0xffff, v1;
	v3 =	vand.u32 $0xFFFF, v7  }
0xfd: {  	v4 =	vshra.s32 v7, $0x10;
	v7 =	vld [tilespmem:s17+$0xFFFFFFD0]  }
0xfe: {  	[tilespmem:v2+s12+$0x0] =	vst.idx.add.f32.msk $0xffff, v1  }
0xff: {  	v2 =	vld [tilespmem:s17+$0x70];
	_ =	sdelay $0x1  }
0x100: {  	v5 =	vand.u32 $0xFFFF, v6;
	[tilespmem:v3+s12+$0x0] =	vst.idx.add.f32.msk $0xffff, v1  }
0x101: {  	v6 =	vshra.s32 v6, $0x10;
	[tilespmem:v4+s12+$0x0] =	vst.idx.add.f32.msk $0xffff, v1  }
0x102: {  	s19 =	simm.s32 $0x2;
	s20 =	simm.s32 $0x3A80;
	v4 =	vand.u32 $0xFFFF, v7;
	v3 =	vshra.s32 v7, $0x10;
	v7 =	vld [tilespmem:s18+$0xFFFFFFB0]  }
.LBB2_7:
0x103: {  	v8 =	vld [tilespmem:s20+$0x0];
	v2 =	vand.u32 $0xFFFF, v2  }
0x104: {  	v9 =	vld [tilespmem:s20+$0xFFFFFF80]  }
0x105: {  	[tilespmem:v5+s12+$0x0] =	vst.idx.add.f32.msk $0xffff, v1  }
0x106: {  	[tilespmem:v6+s12+$0x0] =	vst.idx.add.f32.msk $0xffff, v1  }
0x107: {  	v5 =	vand.u32 $0xFFFF, v7;
	v6 =	vshra.s32 v7, $0x10;
	v7 =	vld [tilespmem:s18+$0x40]  }
0x108: {  	v10 =	vand.u32 $0xFFFF, v8;
	[tilespmem:v2+s12+$0x0] =	vst.idx.add.f32.msk $0xffff, v1  }
0x109: {  	s19 =	sadd.s32 $0x2, s19;
	v8 =	vshra.s32 v8, $0x10;
	v2 =	vand.u32 $0xFFFF, v9;
	v9 =	vshra.s32 v9, $0x10;
	[tilespmem:v4+s12+$0x0] =	vst.idx.add.f32.msk $0xffff, v1  }
0x10a: {  	p1 =	slt.u32 s19, $0x6E;
	[tilespmem:v3+s12+$0x0] =	vst.idx.add.f32.msk $0xffff, v1  }
0x10b: {  	v3 =	vld [tilespmem:s17+$0xFFFFFFE0]  }
0x10c: {  	[tilespmem:v5+s12+$0x0] =	vst.idx.add.f32.msk $0xffff, v1;
	v4 =	vand.u32 $0xFFFF, v7  }
0x10d: {  	v5 =	vshra.s32 v7, $0x10;
	[tilespmem:v10+s12+$0x0] =	vst.idx.add.f32.msk $0xffff, v1  }
0x10e: {  	[tilespmem:v8+s12+$0x0] =	vst.idx.add.f32.msk $0xffff, v1  }
0x10f: {  	v7 =	vld [tilespmem:s20+$0x10]  }
0x110: {  	[tilespmem:v2+s12+$0x0] =	vst.idx.add.f32.msk $0xffff, v1;
	v2 =	vand.u32 $0xFFFF, v3  }
0x111: {  	[tilespmem:v4+s12+$0x0] =	vst.idx.add.f32.msk $0xffff, v1  }
0x112: {  	[tilespmem:v5+s12+$0x0] =	vst.idx.add.f32.msk $0xffff, v1  }
0x113: {  	v3 =	vld [tilespmem:s18+$0x50]  }
0x114: {  	[tilespmem:v9+s12+$0x0] =	vst.idx.add.f32.msk $0xffff, v1;
	v4 =	vand.u32 $0xFFFF, v7  }
0x115: {  	v7 =	vshra.s32 v7, $0x10;
	v5 =	vld [tilespmem:s20+$0xFFFFFF90]  }
0x116: {  	[tilespmem:v6+s12+$0x0] =	vst.idx.add.f32.msk $0xffff, v1  }
0x117: {  	v6 =	vld [tilespmem:s18+$0xFFFFFFC0]  }
0x118: {  	v8 =	vand.u32 $0xFFFF, v3;
	[tilespmem:v2+s12+$0x0] =	vst.idx.add.f32.msk $0xffff, v1  }
0x119: {  	v2 =	vshra.s32 v3, $0x10;
	[tilespmem:v4+s12+$0x0] =	vst.idx.add.f32.msk $0xffff, v1  }
0x11a: {  	v3 =	vand.u32 $0xFFFF, v5;
	v4 =	vshra.s32 v5, $0x10;
	[tilespmem:v7+s12+$0x0] =	vst.idx.add.f32.msk $0xffff, v1  }
0x11b: {  	v5 =	vld [tilespmem:s20+$0x20]  }
0x11c: {  	v7 =	vand.u32 $0xFFFF, v6;
	v6 =	vshra.s32 v6, $0x10;
	v9 =	vld [tilespmem:s17+$0xFFFFFFF0];
	s17 =	smov.u32 s18;
	s18 =	smov.u32 s20  }
0x11d: {  	[tilespmem:v8+s12+$0x0] =	vst.idx.add.f32.msk $0xffff, v1  }
0x11e: {  	[tilespmem:v2+s12+$0x0] =	vst.idx.add.f32.msk $0xffff, v1  }
0x11f: {  	v2 =	vld [tilespmem:s17+$0x60]  }
0x120: {  	[tilespmem:v3+s12+$0x0] =	vst.idx.add.f32.msk $0xffff, v1;
	v3 =	vand.u32 $0xFFFF, v5  }
0x121: {  	[tilespmem:v4+s12+$0x0] =	vst.idx.add.f32.msk $0xffff, v1;
	v4 =	vshra.s32 v5, $0x10;
	v5 =	vand.u32 $0xFFFF, v9  }
0x122: {  	v8 =	vld [tilespmem:s20+$0xFFFFFFA0]  }
0x123: {  	[tilespmem:v7+s12+$0x0] =	vst.idx.add.f32.msk $0xffff, v1  }
0x124: {  	[tilespmem:v6+s12+$0x0] =	vst.idx.add.f32.msk $0xffff, v1;
	v2 =	vand.u32 $0xFFFF, v2  }
0x125: {  	[tilespmem:v3+s12+$0x0] =	vst.idx.add.f32.msk $0xffff, v1  }
0x126: {  	[tilespmem:v4+s12+$0x0] =	vst.idx.add.f32.msk $0xffff, v1  }
0x127: {  	v3 =	vand.u32 $0xFFFF, v8;
	v4 =	vshra.s32 v8, $0x10;
	v6 =	vld [tilespmem:s20+$0x30]  }
0x128: {  	v7 =	vld [tilespmem:s17+$0xFFFFFFD0]  }
0x129: {  	[tilespmem:v2+s12+$0x0] =	vst.idx.add.f32.msk $0xffff, v1  }
.Ltmp4:
0x12a: {  	v2 =	vld [tilespmem:s17+$0x70];
	(pc) =	sbr.rel @p1 .LBB2_7-.Ltmp4, $4  }
0x12b: {  	[tilespmem:v5+s12+$0x0] =	vst.idx.add.f32.msk $0xffff, v1  }
0x12c: {  	[tilespmem:v3+s12+$0x0] =	vst.idx.add.f32.msk $0xffff, v1;
	v5 =	vand.u32 $0xFFFF, v6  }
0x12d: {  	v6 =	vshra.s32 v6, $0x10;
	[tilespmem:v4+s12+$0x0] =	vst.idx.add.f32.msk $0xffff, v1;
	v4 =	vand.u32 $0xFFFF, v7;
	v3 =	vshra.s32 v7, $0x10  }
0x12e: {  	s20 =	sadd.s32 $0x100, s20;
	v7 =	vld [tilespmem:s18+$0xFFFFFFB0]  }
0x12f: {  	_ =	sdelay $0x3  }
0x130: {  	v8 =	vand.u32 $0xFFFF, v7  }
0x131: {  	v59 =	vshra.s32 v7, $0x10  }
0x132: {  	[tilespmem:v5+s12+$0x0] =	vst.idx.add.f32.msk $0xffff, v1  }
0x133: {  	[tilespmem:v6+s12+$0x0] =	vst.idx.add.f32.msk $0xffff, v1  }
0x134: {  	v5 =	vld [tilespmem:s18+$0x40]  }
0x135: {  	[tilespmem:v8+s12+$0x0] =	vst.idx.add.f32.msk $0xffff, v1  }
0x136: {  	[tilespmem:v59+s12+$0x0] =	vst.idx.add.f32.msk $0xffff, v1  }
0x137: {  	v60 =	vld [tilespmem:s18+$0xFFFFFFC0];
	_ =	sdelay $0x1  }
0x138: {  	v61 =	vand.u32 $0xFFFF, v5  }
0x139: {  	v5 =	vshra.s32 v5, $0x10;
	_ =	sdelay $0x1  }
0x13a: {  	v62 =	vand.u32 $0xFFFF, v60  }
0x13b: {  	v6 =	vshra.s32 v60, $0x10  }
0x13c: {  	[tilespmem:v61+s12+$0x0] =	vst.idx.add.f32.msk $0xffff, v1  }
0x13d: {  	[tilespmem:v5+s12+$0x0] =	vst.idx.add.f32.msk $0xffff, v1  }
0x13e: {  	v5 =	vld [tilespmem:s18+$0x50]  }
0x13f: {  	[tilespmem:v62+s12+$0x0] =	vst.idx.add.f32.msk $0xffff, v1  }
0x140: {  	[tilespmem:v6+s12+$0x0] =	vst.idx.add.f32.msk $0xffff, v1  }
0x141: {  	v6 =	vld [tilespmem:s18+$0xFFFFFFD0];
	_ =	sdelay $0x1  }
0x142: {  	v63 =	vand.u32 $0xFFFF, v5  }
0x143: {  	v5 =	vshra.s32 v5, $0x10  }
0x144: {  	[tilespmem:v4+s12+$0x0] =	vst.idx.add.f32.msk $0xffff, v1  }
0x145: {  	[tilespmem:v3+s12+$0x0] =	vst.idx.add.f32.msk $0xffff, v1;
	v3 =	vand.u32 $0xFFFF, v6  }
0x146: {  	v4 =	vld [tilespmem:s17+$0xFFFFFFE0];
	v6 =	vshra.s32 v6, $0x10  }
0x147: {  	[tilespmem:v63+s12+$0x0] =	vst.idx.add.f32.msk $0xffff, v1  }
0x148: {  	[tilespmem:v5+s12+$0x0] =	vst.idx.add.f32.msk $0xffff, v1  }
0x149: {  	v5 =	vld [tilespmem:s18+$0x60]  }
0x14a: {  	[tilespmem:v3+s12+$0x0] =	vst.idx.add.f32.msk $0xffff, v1  }
0x14b: {  	[tilespmem:v6+s12+$0x0] =	vst.idx.add.f32.msk $0xffff, v1  }
0x14c: {  	v3 =	vld [tilespmem:s18+$0xFFFFFFE0]  }
0x14d: {  	v4 =	vand.u32 $0xFFFF, v4;
	_ =	sdelay $0x1  }
0x14e: {  	v5 =	vand.u32 $0xFFFF, v5;
	_ =	sdelay $0x1  }
0x14f: {  	v3 =	vand.u32 $0xFFFF, v3  }
0x150: {  	[tilespmem:v4+s12+$0x0] =	vst.idx.add.f32.msk $0xffff, v1  }
0x151: {  	v4 =	vld [tilespmem:s17+$0xFFFFFFF0]  }
0x152: {  	[tilespmem:v5+s12+$0x0] =	vst.idx.add.f32.msk $0xffff, v1  }
0x153: {  	v5 =	vld [tilespmem:s18+$0x70]  }
0x154: {  	[tilespmem:v3+s12+$0x0] =	vst.idx.add.f32.msk $0xffff, v1  }
0x155: {  	v3 =	vld [tilespmem:s18+$0xFFFFFFF0];
	_ =	sdelay $0x1  }
0x156: {  	v2 =	vand.u32 $0xFFFF, v2  }
0x157: {  	v4 =	vand.u32 $0xFFFF, v4  }
0x158: {  	v5 =	vand.u32 $0xFFFF, v5  }
0x159: {  	v3 =	vand.u32 $0xFFFF, v3  }
.Ltmp5:
0x15a: {  	_ = 	snop;
	(pc) =	sbr.rel @p0 .LBB2_10-.Ltmp5, $4  }
0x15b: {  	[tilespmem:v2+s12+$0x0] =	vst.idx.add.f32.msk $0xffff, v1  }
0x15c: {  	[tilespmem:v4+s12+$0x0] =	vst.idx.add.f32.msk $0xffff, v1  }
0x15d: {  	[tilespmem:v5+s12+$0x0] =	vst.idx.add.f32.msk $0xffff, v1  }
0x15e: {  	[tilespmem:v3+s12+$0x0] =	vst.idx.add.f32.msk $0xffff, v1  }
0x15f: {  	s17 =	smul.u32 $0x7000, s16  }
.Ltmp6:
0x160: {  	_ = 	snop;
	(pc) =	sbr.rel .LBB2_4-.Ltmp6, $4  }
0x161: {  	s17 =	sadd.s32 s17, s7  }
0x162: {  	s17 =	sshrl.u32 s17, $0x3  }
0x163: {  	s16 =	sadd.s32 $0x1, s16;
	s17 =	sadd.s32 s3, s17  }
0x164: {  	[tilespmem:s10], [sflag:$0x2] =	stream.linear.gather [hbm4b:s17+s2], $0x3800, $0x38;
	[tilespmem:$0x8000] =	vst v63  }
.LBB2_11:
0x165: {  	_ =	sfence.sel $0x180000  }
0x166: {  	[bflag:$0x0] =	sbarrier.arrive $0xFFFF  }
0x167: {  	p0 =	sne.s32 s0, $0x0;
	_ =	strace $0x9000004A  }
0x168: {  	s0 =	sadd.s32 @!p0 $0x100000, s1;
	[bflag:$0x2] =	sbarrier.arrive $0xFFFF  }
0x169: {  	[sflag:s0] =	ssyncadd.tile.s32 @!p0 $0x1;
	_ =	shalt  }
.Lfunc_end2:
_tile_overlayer_lowered:
.L_overlay_start_2:
0x16a: {  	(tag) =	ssettag $0x2  }
0x16b: {  	s0 =	rddreg [dreg:$0x0];
	s2 =	stileid.u32  }
0x16c: {  	s1 =	rddreg [dreg:$0x1];
	p0 =	sne.s32 s2, $0x0  }
0x16d: {  	s3 =	rddreg [dreg:$0x2];
	[bflag:$0x3] =	sbarrier.arrive $0xFFFF;
	s2 =	simm.s32 @!p0 $0x1C03  }
0x16e: {  	[timem:s3], [sflag:s2] =	dma.local @!p0 [hbm:s0], s1  }
0x16f: {  	s0 =	simm.s32 @!p0 $0x3  }
0x170: {  	_ =	swait.ge @!p0 [sflag:s0], s1  }
0x171: {  	s1 =	ssub.s32 @!p0 $0x0, s1;
	[sflag:s0] =	ssyncset.done @!p0 $0x0  }
0x172: {  	[sflag:s0] =	ssyncadd.s32 @!p0 s1  }
0x173: {  	[bflag:$0x3] =	sbarrier.arrive $0xFFFF  }
0x174: {  	_ =	shalt  }

// kernel: kernel.20.cloned.1.call-start
scs
__scs_entry_jumppad:
0x0: {  	(pc) =	sbr.rel $0x88, $3  }
0x1: {  	(tag) =	ssettag $0x0;
	lr =	simm.s32 $0x1  }
0x2: {  	[smem:$0x3F9F] =	sst lr;
	_ =	strace $0xD0000000  }
0x3: {  	_ = 	snop  }
0x4: {  	_ = 	snop  }
0x5: {  	_ = 	snop  }
0x6: {  	_ = 	snop  }
0x7: {  	_ = 	snop  }
__scs_overlays_trampoline_lowered:
0x8: {  	[smem:$0x3FAE] =	sst s0  }
0x9: {  	[smem:$0x3FAF] =	sst s1  }
0xa: {  	[smem:$0x3FB0] =	sst s2  }
0xb: {  	[smem:$0x3FB1] =	sst s3  }
0xc: {  	[smem:$0x3FB2] =	sst s4  }
0xd: {  	[smem:$0x3FB3] =	sst s5  }
0xe: {  	[smem:$0x3FB4] =	sst s6  }
0xf: {  	[smem:$0x3FB5] =	sst s7  }
0x10: {  	[smem:$0x3FB6] =	sst s8  }
0x11: {  	[smem:$0x3FB7] =	sst s9;
	s0 =	simm.s32 @!p0 $0x0  }
0x12: {  	s1 =	sld [smem:$0x3F9D];
	s0 =	simm.s32 @p0 $0x1  }
0x13: {  	[smem:$0x3FB8] =	sst s0;
	s0 =	simm.s32 @!p1 $0x0  }
0x14: {  	s2 =	sld [smem:$0x3F9C];
	s0 =	simm.s32 @p1 $0x1  }
0x15: {  	[smem:$0x3FB9] =	sst s0;
	s0 =	simm.s32 @!p2 $0x0  }
0x16: {  	s3 =	sld [smem:$0x3FDB];
	s0 =	simm.s32 @p2 $0x1  }
0x17: {  	s4 =	simm.s32 $0x1BF5;
	[smem:$0x3FBB] =	sst s0  }
0x18: {  	s0 =	sld [smem:$0x3F9E];
	_ =	swait.ge [sflag:s4], $0x0  }
0x19: {  	s7 =	sld [smem:$0x3F9F]  }
0x1a: {  	s8 =	sadd.s32 $0xFFFFE003, lr  }
0x1b: {  	s9 =	sadd.s32 $0xFFFFFEF7, lr;
	s5 =	simm.s32 $0xFFFFFFFF;
	p2 =	slt.u32 s8, $0xFFFFF086  }
0x1c: {  	p1 =	slt.u32 s9, $0xF7A;
	s5 =	simm.s32 @!p2 $0x0  }
0x1d: {  	s5 =	simm.s32 @p1 $0x1;
	p0 =	seq.s32 s7, s2  }
0x1e: {  	s7 =	smul.u32 @!p0 $0xF7A, s2;
	p2 =	seq.s32 @!p0 s5, $0x0  }
0x1f: {  	s9 =	smul.u32 $0xF7A, s1;
	s8 =	simm.s32 @!p0 $0x1BF5;
	p2 =	por !p2, p0  }
0x20: {  	[sflag:s8] =	ssyncset.s32 @!p0 $0xFFFFF086;
	s6 =	sadd.s32 @!p0 s3, s7;
	s7 =	simm.s32 @!p0 $0x108  }
0x21: {  	s3 =	sadd.s32 s3, s9;
	s6 =	sadd.s32 @!p0 $0x88, s6;
	s7 =	simm.s32 @p2 $0x1082  }
0x22: {  	[simem:s7], [sflag:s8] =	dma.local @!p0 [hbm:s6], $0xF7A  }
0x23: {  	s9 =	sor.u32 $0xD0000000, s2;
	s6 =	simm.s32 $0x108;
	_ =	swait.ge @!p0 [sflag:s8], $0x0  }
0x24: {  	s3 =	sadd.s32 $0x88, s3;
	s6 =	simm.s32 @!p1 $0x1082;
	[sflag:s4] =	ssyncset.s32 $0xFFFFF086  }
0x25: {  	[simem:s6], [sflag:s4] =	dma.local [hbm:s3], $0xF7A  }
0x26: {  	[smem:$0x3F9F] =	sst s1;
	(tag) =	ssettag s2;
	_ =	strace s9  }
0x27: {  	s1 =	sld [smem:$0x3FAF]  }
0x28: {  	s2 =	sld [smem:$0x3FB0]  }
0x29: {  	s4 =	sld [smem:$0x3FB2]  }
0x2a: {  	p0 =	seq.s32 s5, $0x0;
	s5 =	sld [smem:$0x3FB3]  }
0x2b: {  	s6 =	sld [smem:$0x3FB4]  }
0x2c: {  	s7 =	sld [smem:$0x3FB5]  }
0x2d: {  	s3 =	simm.s32 $0x108;
	s8 =	sld [smem:$0x3FB6]  }
0x2e: {  	s3 =	simm.s32 @!p0 $0x1082;
	s9 =	sld [smem:$0x3FB7]  }
0x2f: {  	lr =	sadd.s32 s0, s3;
	s0 =	sld [smem:$0x3FAE]  }
0x30: {  	s3 =	sld [smem:$0x3FB1]  }
0x31: {  	[smem:$0x3FBA] =	sst s10  }
0x32: {  	s10 =	sld [smem:$0x3FB8];
	_ =	sdelay $0x3  }
0x33: {  	p0 =	seq.s32 s10, $0x1;
	s10 =	sld [smem:$0x3FBA];
	_ =	sdelay $0x3  }
0x34: {  	[smem:$0x3FBA] =	sst s10  }
0x35: {  	s10 =	sld [smem:$0x3FB9];
	_ =	sdelay $0x3  }
0x36: {  	p1 =	seq.s32 s10, $0x1;
	s10 =	sld [smem:$0x3FBA];
	_ =	sdelay $0x3  }
0x37: {  	[smem:$0x3FBA] =	sst s10  }
0x38: {  	s10 =	sld [smem:$0x3FBB]  }
0x39: {  	_ = 	snop;
	(pc) =	sbr.ind lr, $3  }
0x3a: {  	_ = 	snop  }
0x3b: {  	_ = 	snop  }
0x3c: {  	p2 =	seq.s32 s10, $0x1;
	s10 =	sld [smem:$0x3FBA]  }
0x3d: {  	_ =	shalt  }
0x3e: {  	_ =	shalt  }
0x3f: {  	_ =	shalt  }
0x40: {  	_ =	shalt  }
0x41: {  	_ =	shalt  }
0x42: {  	_ =	shalt  }
0x43: {  	_ =	shalt  }
0x44: {  	_ =	shalt  }
0x45: {  	_ =	shalt  }
0x46: {  	_ =	shalt  }
0x47: {  	_ =	shalt  }
0x48: {  	_ =	shalt  }
0x49: {  	_ =	shalt  }
0x4a: {  	_ =	shalt  }
0x4b: {  	_ =	shalt  }
0x4c: {  	_ =	shalt  }
0x4d: {  	_ =	shalt  }
0x4e: {  	_ =	shalt  }
0x4f: {  	_ =	shalt  }
0x50: {  	_ =	shalt  }
0x51: {  	_ =	shalt  }
0x52: {  	_ =	shalt  }
0x53: {  	_ =	shalt  }
0x54: {  	_ =	shalt  }
0x55: {  	_ =	shalt  }
0x56: {  	_ =	shalt  }
0x57: {  	_ =	shalt  }
0x58: {  	_ =	shalt  }
0x59: {  	_ =	shalt  }
0x5a: {  	_ =	shalt  }
0x5b: {  	_ =	shalt  }
0x5c: {  	_ =	shalt  }
0x5d: {  	_ =	shalt  }
0x5e: {  	_ =	shalt  }
0x5f: {  	_ =	shalt  }
0x60: {  	_ =	shalt  }
0x61: {  	_ =	shalt  }
0x62: {  	_ =	shalt  }
0x63: {  	_ =	shalt  }
0x64: {  	_ =	shalt  }
0x65: {  	_ =	shalt  }
0x66: {  	_ =	shalt  }
0x67: {  	_ =	shalt  }
0x68: {  	_ =	shalt  }
0x69: {  	_ =	shalt  }
0x6a: {  	_ =	shalt  }
0x6b: {  	_ =	shalt  }
0x6c: {  	_ =	shalt  }
0x6d: {  	_ =	shalt  }
0x6e: {  	_ =	shalt  }
0x6f: {  	_ =	shalt  }
0x70: {  	_ =	shalt  }
0x71: {  	_ =	shalt  }
0x72: {  	_ =	shalt  }
0x73: {  	_ =	shalt  }
0x74: {  	_ =	shalt  }
0x75: {  	_ =	shalt  }
0x76: {  	_ =	shalt  }
0x77: {  	_ =	shalt  }
0x78: {  	_ =	shalt  }
0x79: {  	_ =	shalt  }
0x7a: {  	_ =	shalt  }
0x7b: {  	_ =	shalt  }
0x7c: {  	_ =	shalt  }
0x7d: {  	_ =	shalt  }
0x7e: {  	_ =	shalt  }
0x7f: {  	_ =	shalt  }
0x80: {  	_ =	shalt  }
0x81: {  	_ =	shalt  }
0x82: {  	_ =	shalt  }
0x83: {  	_ =	shalt  }
0x84: {  	_ =	shalt  }
0x85: {  	_ =	shalt  }
0x86: {  	_ =	shalt  }
0x87: {  	_ =	shalt  }
.Lfunc_end0:
.L_simem_size_0:
called_computation.3_lowered:
.L_overlay_start_0:
0x88: {  	s2 =	sld [smem:$0x3FD9]  }
0x89: {  	s3 =	sld [smem:$0x3FFE];
	_ =	sdelay $0x1  }
0x8a: {  	s1 =	srdreg.scid  }
0x8b: {  	s0 =	sand.u32 $0x1, s1  }
0x8c: {  	s16 =	sshll.u32 s0, $0xA;
	s2 =	sadd.s32 s3, s2  }
0x8d: {  	s2 =	sadd.s32 s2, s16  }
0x8e: {  	[smem:$0x3FC6] =	sst s2  }
0x8f: {  	_ = 	snop  }
0x90: {  	(tm) =	ssettm $0x1  }
0x91: {  	s17 =	sld [smem:$0x3FFB];
	_ =	sdelay $0x3  }
0x92: {  	_ =	strace s17  }
0x93: {  	s2 =	sld [smem:$0x3FFC];
	_ =	sdelay $0x3  }
0x94: {  	_ =	strace s2  }
0x95: {  	s2 =	sld [smem:$0x3FFD];
	_ =	sdelay $0x3  }
0x96: {  	_ =	strace s2  }
0x97: {  	_ =	strace $0x8FFFFFFF  }
0x98: {  	s18 =	sld [smem:$0x3FDB];
	_ =	sdelay $0x1  }
0x99: {  	s19 =	simm.s32 $_scs_section_size  }
0x9a: {  	s4 =	simm.s32 $_size__tile_overlayer_lowered;
	s5 =	simm.s32 $_tile_overlayer_lowered  }
0x9b: {  	s22 =	simm.s32 $0x1BFF;
	s21 =	sshll.u32 s5, $0x1;
	s2 =	sadd.s32 s19, s18  }
0x9c: {  	s6 =	simm.s32 $0x0;
	s20 =	sshll.u32 s4, $0x1;
	s4 =	sadd.s32 s21, s2  }
0x9d: {  	[timem:s6], [sflag:s22] =	dma.local [hbm:s4], s20  }
0x9e: {  	_ =	swait.ge [sflag:s22], s20  }
0x9f: {  	s3 =	ssub.s32 $0x0, s20;
	[sflag:s22] =	ssyncset.done $0x0  }
0xa0: {  	[sflag:s22] =	ssyncadd.s32 s3;
	_ =	sdelay $0x1  }
0xa1: {  	s23 =	simm.s32 $0x1B8B  }
0xa2: {  	_ =	swait.ge [sflag:s23], $0x1  }
0xa3: {  	[sflag:s23] =	ssyncset.done $0x0  }
0xa4: {  	s25 =	simm.s32 $0x1B8E;
	s24 =	sld [smem:$0x3FFE];
	[sflag:s23] =	ssyncadd.s32 $0xFFFFFFFF  }
0xa5: {  	s26 =	simm.s32 $execute0_lowered;
	[smem:$0x3FD2] =	sst s25  }
0xa6: {  	s4 =	sshll.u32 s26, $0x1;
	_ =	strace $0x80000046;
	[dreg:$0x1] =	wrdreg $0xFFFFFFFF  }
0xa7: {  	s28 =	simm.s32 $_size_execute0_lowered;
	s2 =	sadd.s32 s2, s4;
	[dreg:$0x0] =	wrdreg $0x0  }
0xa8: {  	s4 =	sshll.u32 s28, $0x1;
	[dreg:$0x2] =	wrdreg s2  }
0xa9: {  	[dreg:$0x3] =	wrdreg s4  }
0xaa: {  	[dreg:$0x4] =	wrdreg $0xC0  }
0xab: {  	_ =	task [dreg:s6], $0x5FFFF  }
0xac: {  	[dreg:$0x1] =	wrdreg $0xFFFFFFFF  }
0xad: {  	[dreg:$0x0] =	wrdreg $0x60  }
0xae: {  	[dreg:$0x2] =	wrdreg s24  }
0xaf: {  	[dreg:$0x3] =	wrdreg $0xC  }
0xb0: {  	_ =	task.clear_ibuf [dreg:s6], $0x4FFFF;
	_ =	strace $0x90000046  }
0xb1: {  	s29 =	simm.s32 $0xC;
	_ =	strace $0x80000048  }
0xb2: {  	_ =	swait.ge [sflag:s29], $0x1  }
0xb3: {  	[sflag:s29] =	ssyncadd.s32 $0xFFFFFFFF  }
0xb4: {  	_ =	strace $0x90000048  }
0xb5: {  	_ =	sfence  }
0xb6: {  	s30 =	sld [smem:$0x0];
	_ =	sdelay $0x2  }
0xb7: {  	s31 =	sshll.u32 s1, $0xD;
	s1 =	sshrl.u32 s1, $0x2  }
0xb8: {  	s3 =	sand.u32 $0x4000, s31;
	s1 =	sadd.s32 s1, s30  }
0xb9: {  	s0 =	sor.u32 s3, s0;
	s1 =	sshll.u32 s1, $0x11  }
0xba: {  	s0 =	sor.u32 s1, s0  }
0xbb: {  	s0 =	sadd.s32 $0x8F2B, s0  }
0xbc: {  	[sflag:s0] =	ssyncadd.remote.s32 $0x1  }
0xbd: {  	_ =	sfence.sel $0xFFFF  }
0xbe: {  	[dreg:$0x0] =	wrdreg $0xFFFFFFFF;
	(pc) =	sbr.abs _section_cstart, $3  }
0xbf: {  	[dreg:$0x1] =	wrdreg $0xFFFFFFFF  }
0xc0: {  	_ =	task.clear_ibuf [dreg:s6], $0x2FFFF;
	_ =	strace $0x9FFFFFFF  }
0xc1: {  	(tm) =	ssettm $0x7FFFFFFF  }
tec
execute0_lowered:
.L_overlay_start_1:
0x0: {  	(tag) =	ssettag $0x1  }
0x1: {  	s1 =	srdreg.scid  }
0x2: {  	s0 =	stileid.u32;
	s4 =	rddreg [dreg:$0x0];
	s2 =	simm.s32 $0x0  }
0x3: {  	s11 =	simm.s32 $0x1;
	s12 =	simm.s32 $0x7000;
	s13 =	simm.s32 $0x2  }
0x4: {  	s14 =	simm.s32 $0x3;
	s5 =	sand.u32 $0x1, s1;
	s3 =	sshll.u32 s0, $0x1  }
0x5: {  	s15 =	simm.s32 $0x0;
	[smem:$0x7FF] =	sst s2;
	s6 =	sor.u32 s5, s3  }
0x6: {  	s1 =	rddreg [dreg:$0x1];
	_ =	strace $0x80000047;
	s7 =	smul.u32 $0x15000, s6  }
.Ltmp0:
0x7: {  	s5 =	ssub.s32 $0x2, s5;
	s6 =	sshll.u32 s6, $0x9;
	(pc) =	sbr.rel .LBB2_1-.Ltmp0, $4  }
0x8: {  	s3 =	sadd.s32 $0x2A00, s4;
	s31 =	sshrl.u32 s5, $0x1;
	s9 =	sadd.s32 s6, s4  }
0x9: {  	s10 =	ssub.s32 s5, s31;
	s8 =	sshrl.u32 s7, $0x3;
	s6 =	sadd.s32 $0x7000, s7  }
0xa: {  	s7 =	sadd.s32 $0xA800, s7;
	s4 =	sadd.s32 s3, s8;
	s8 =	sadd.s32 $0x56A00, s9  }
0xb: {  	v0 =	vimm.f32 $0.0e+00;
	v1 =	vimm.f32 $1.000000000e+00;
	s9 =	smax.u32 s10, $0x1;
	s10 =	simm.s32 $0x3800;
	s5 =	sadd.s32 $0x700, s4  }
.LBB2_10:
0xc: {  	s15 =	sadd.s32 $0x1, s15  }
0xd: {  	p0 =	sne.s32 s15, s9  }
.Ltmp1:
0xe: {  	_ = 	snop;
	(pc) =	sbr.rel @!p0 .LBB2_11-.Ltmp1, $4  }
0xf: {  	[hbm4b:s8+s2] =	stream.linear.scatter [tilespmem:s12], [sflag:$0x3], $0x1000, $0x38;
	[tilespmem:$0x8000] =	vst v63  }
0x10: {  	_ =	swait.ge [sflag:s14], $0x1000  }
0x11: {  	[sflag:s14] =	ssyncset.done $0x0  }
0x12: {  	[sflag:s14] =	ssyncadd.s32 $0xFFFFF000  }
.LBB2_1:
0x13: {  	s16 =	simm.s32 $0x40;
	s17 =	simm.s32 $0x0  }
.LBB2_2:
0x14: {  	p0 =	sne.s32 s16, $0x3FC0;
	[tilespmem:s17+$0x7000] =	vst v0;
	s17 =	smov.u32 s16;
	s16 =	sadd.s32 $0x40, s16  }
.Ltmp2:
0x15: {  	(pc) =	sbr.rel @p0 .LBB2_2-.Ltmp2, $2  }
0x16: {  	_ =	sdelay $0x2  }
0x17: {  	s17 =	sshra.s32 s17, $0x2  }
0x18: {  	[tilespmem:s17+$0x7000] =	vst v0;
	s16 =	simm.s32 $0x0  }
0x19: {  	[tilespmem:s16], [sflag:$0x1] =	stream.linear.gather [hbm4b:s4+s16], $0x3800, $0x38;
	[tilespmem:$0x8000] =	vst v63  }
0x1a: {  	_ = 	snop  }
0x1b: {  	[tilespmem:s10], [sflag:$0x2] =	stream.linear.gather [hbm4b:s5+s16], $0x3800, $0x38;
	[tilespmem:$0x8000] =	vst v63  }
.LBB2_4:
0x1c: {  	_ =	swait.ge [sflag:s11], $0x3800  }
0x1d: {  	[sflag:s11] =	ssyncset.done $0x0  }
0x1e: {  	s17 =	simm.s32 $0x80;
	[sflag:s11] =	ssyncadd.s32 $0xFFFFC800  }
0x1f: {  	v2 =	vld [tilespmem:s17+$0x0];
	_ =	sdelay $0x4  }
0x20: {  	v3 =	vand.u32 $0xFFFF, v2  }
0x21: {  	v2 =	vshra.s32 v2, $0x10;
	_ =	sdelay $0x3  }
0x22: {  	[tilespmem:v3+s12+$0x0] =	vst.idx.add.f32.msk $0xffff, v1  }
0x23: {  	[tilespmem:v2+s12+$0x0] =	vst.idx.add.f32.msk $0xffff, v1  }
0x24: {  	v2 =	vld [tilespmem:s17+$0x10];
	_ =	sdelay $0x4  }
0x25: {  	v3 =	vand.u32 $0xFFFF, v2  }
0x26: {  	v4 =	vld [tilespmem:s17+$0xFFFFFF80];
	v2 =	vshra.s32 v2, $0x10;
	_ =	sdelay $0x3  }
0x27: {  	[tilespmem:v3+s12+$0x0] =	vst.idx.add.f32.msk $0xffff, v1  }
0x28: {  	v3 =	vand.u32 $0xFFFF, v4;
	[tilespmem:v2+s12+$0x0] =	vst.idx.add.f32.msk $0xffff, v1  }
0x29: {  	v2 =	vshra.s32 v4, $0x10;
	v4 =	vld [tilespmem:s17+$0x20];
	_ =	sdelay $0x3  }
0x2a: {  	[tilespmem:v3+s12+$0x0] =	vst.idx.add.f32.msk $0xffff, v1  }
0x2b: {  	[tilespmem:v2+s12+$0x0] =	vst.idx.add.f32.msk $0xffff, v1;
	v2 =	vand.u32 $0xFFFF, v4  }
0x2c: {  	v4 =	vshra.s32 v4, $0x10  }
0x2d: {  	v3 =	vld [tilespmem:s17+$0xFFFFFF90]  }
0x2e: {  	s18 =	simm.s32 $0x180  }
0x2f: {  	v5 =	vld [tilespmem:s18+$0x0]  }
0x30: {  	[tilespmem:v2+s12+$0x0] =	vst.idx.add.f32.msk $0xffff, v1  }
0x31: {  	[tilespmem:v4+s12+$0x0] =	vst.idx.add.f32.msk $0xffff, v1  }
0x32: {  	v2 =	vand.u32 $0xFFFF, v3;
	v4 =	vld [tilespmem:s17+$0x30]  }
0x33: {  	v3 =	vshra.s32 v3, $0x10;
	_ =	sdelay $0x2  }
0x34: {  	v7 =	vld [tilespmem:s18+$0xFFFFFF80];
	v6 =	vand.u32 $0xFFFF, v5  }
0x35: {  	[tilespmem:v2+s12+$0x0] =	vst.idx.add.f32.msk $0xffff, v1;
	v2 =	vand.u32 $0xFFFF, v4  }
0x36: {  	[tilespmem:v3+s12+$0x0] =	vst.idx.add.f32.msk $0xffff, v1;
	v4 =	vshra.s32 v4, $0x10  }
0x37: {  	v3 =	vld [tilespmem:s17+$0xFFFFFFA0];
	_ =	sdelay $0x1  }
0x38: {  	v5 =	vshra.s32 v5, $0x10;
	[tilespmem:v6+s12+$0x0] =	vst.idx.add.f32.msk $0xffff, v1  }
0x39: {  	[tilespmem:v2+s12+$0x0] =	vst.idx.add.f32.msk $0xffff, v1  }
0x3a: {  	v6 =	vand.u32 $0xFFFF, v7;
	[tilespmem:v4+s12+$0x0] =	vst.idx.add.f32.msk $0xffff, v1  }
0x3b: {  	v2 =	vand.u32 $0xFFFF, v3;
	v4 =	vld [tilespmem:s17+$0x40]  }
0x3c: {  	v3 =	vshra.s32 v3, $0x10  }
0x3d: {  	[tilespmem:v5+s12+$0x0] =	vst.idx.add.f32.msk $0xffff, v1  }
0x3e: {  	v5 =	vshra.s32 v7, $0x10;
	v7 =	vld [tilespmem:s18+$0x10]  }
0x3f: {  	[tilespmem:v6+s12+$0x0] =	vst.idx.add.f32.msk $0xffff, v1  }
0x40: {  	[tilespmem:v2+s12+$0x0] =	vst.idx.add.f32.msk $0xffff, v1;
	v2 =	vand.u32 $0xFFFF, v4  }
0x41: {  	[tilespmem:v3+s12+$0x0] =	vst.idx.add.f32.msk $0xffff, v1;
	v4 =	vshra.s32 v4, $0x10  }
0x42: {  	v3 =	vld [tilespmem:s17+$0xFFFFFFB0]  }
0x43: {  	[tilespmem:v5+s12+$0x0] =	vst.idx.add.f32.msk $0xffff, v1  }
0x44: {  	v5 =	vand.u32 $0xFFFF, v7;
	v6 =	vld [tilespmem:s18+$0xFFFFFF90]  }
0x45: {  	v7 =	vshra.s32 v7, $0x10;
	[tilespmem:v2+s12+$0x0] =	vst.idx.add.f32.msk $0xffff, v1  }
0x46: {  	[tilespmem:v4+s12+$0x0] =	vst.idx.add.f32.msk $0xffff, v1  }
0x47: {  	v2 =	vand.u32 $0xFFFF, v3;
	v4 =	vld [tilespmem:s17+$0x50]  }
0x48: {  	v3 =	vshra.s32 v3, $0x10  }
0x49: {  	[tilespmem:v5+s12+$0x0] =	vst.idx.add.f32.msk $0xffff, v1  }
0x4a: {  	[tilespmem:v7+s12+$0x0] =	vst.idx.add.f32.msk $0xffff, v1  }
0x4b: {  	v5 =	vand.u32 $0xFFFF, v6;
	v7 =	vld [tilespmem:s18+$0x20]  }
0x4c: {  	[tilespmem:v2+s12+$0x0] =	vst.idx.add.f32.msk $0xffff, v1;
	v2 =	vand.u32 $0xFFFF, v4  }
0x4d: {  	[tilespmem:v3+s12+$0x0] =	vst.idx.add.f32.msk $0xffff, v1;
	v4 =	vshra.s32 v4, $0x10  }
0x4e: {  	v3 =	vld [tilespmem:s17+$0xFFFFFFC0]  }
0x4f: {  	v6 =	vshra.s32 v6, $0x10  }
0x50: {  	[tilespmem:v5+s12+$0x0] =	vst.idx.add.f32.msk $0xffff, v1  }
0x51: {  	[tilespmem:v2+s12+$0x0] =	vst.idx.add.f32.msk $0xffff, v1  }
0x52: {  	v5 =	vand.u32 $0xFFFF, v7;
	[tilespmem:v4+s12+$0x0] =	vst.idx.add.f32.msk $0xffff, v1  }
0x53: {  	v2 =	vand.u32 $0xFFFF, v3;
	v4 =	vld [tilespmem:s17+$0x60]  }
0x54: {  	[tilespmem:v6+s12+$0x0] =	vst.idx.add.f32.msk $0xffff, v1;
	v6 =	vshra.s32 v7, $0x10;
	_ =	sdelay $0x1  }
0x55: {  	v7 =	vld [tilespmem:s18+$0xFFFFFFA0];
	v3 =	vshra.s32 v3, $0x10  }
0x56: {  	[tilespmem:v5+s12+$0x0] =	vst.idx.add.f32.msk $0xffff, v1  }
0x57: {  	[tilespmem:v2+s12+$0x0] =	vst.idx.add.f32.msk $0xffff, v1;
	v2 =	vand.u32 $0xFFFF, v4  }
0x58: {  	[tilespmem:v6+s12+$0x0] =	vst.idx.add.f32.msk $0xffff, v1  }
0x59: {  	v6 =	vld [tilespmem:s18+$0x30]  }
0x5a: {  	[tilespmem:v3+s12+$0x0] =	vst.idx.add.f32.msk $0xffff, v1;
	v3 =	vand.u32 $0xFFFF, v7  }
0x5b: {  	v4 =	vshra.s32 v7, $0x10;
	v7 =	vld [tilespmem:s17+$0xFFFFFFD0]  }
0x5c: {  	[tilespmem:v2+s12+$0x0] =	vst.idx.add.f32.msk $0xffff, v1  }
0x5d: {  	v2 =	vld [tilespmem:s17+$0x70];
	_ =	sdelay $0x1  }
0x5e: {  	v5 =	vand.u32 $0xFFFF, v6;
	[tilespmem:v3+s12+$0x0] =	vst.idx.add.f32.msk $0xffff, v1  }
0x5f: {  	v6 =	vshra.s32 v6, $0x10;
	[tilespmem:v4+s12+$0x0] =	vst.idx.add.f32.msk $0xffff, v1  }
0x60: {  	s19 =	simm.s32 $0x2;
	s20 =	simm.s32 $0x280;
	v4 =	vand.u32 $0xFFFF, v7;
	v3 =	vshra.s32 v7, $0x10;
	v7 =	vld [tilespmem:s18+$0xFFFFFFB0]  }
.LBB2_5:
0x61: {  	v8 =	vld [tilespmem:s20+$0x0];
	v2 =	vand.u32 $0xFFFF, v2  }
0x62: {  	v9 =	vld [tilespmem:s20+$0xFFFFFF80]  }
0x63: {  	[tilespmem:v5+s12+$0x0] =	vst.idx.add.f32.msk $0xffff, v1  }
0x64: {  	[tilespmem:v6+s12+$0x0] =	vst.idx.add.f32.msk $0xffff, v1  }
0x65: {  	v5 =	vand.u32 $0xFFFF, v7;
	v6 =	vshra.s32 v7, $0x10;
	v7 =	vld [tilespmem:s18+$0x40]  }
0x66: {  	v10 =	vand.u32 $0xFFFF, v8;
	[tilespmem:v2+s12+$0x0] =	vst.idx.add.f32.msk $0xffff, v1  }
0x67: {  	s19 =	sadd.s32 $0x2, s19;
	v8 =	vshra.s32 v8, $0x10;
	v2 =	vand.u32 $0xFFFF, v9;
	v9 =	vshra.s32 v9, $0x10;
	[tilespmem:v4+s12+$0x0] =	vst.idx.add.f32.msk $0xffff, v1  }
0x68: {  	p0 =	slt.u32 s19, $0x6E;
	[tilespmem:v3+s12+$0x0] =	vst.idx.add.f32.msk $0xffff, v1  }
0x69: {  	v3 =	vld [tilespmem:s17+$0xFFFFFFE0]  }
0x6a: {  	[tilespmem:v5+s12+$0x0] =	vst.idx.add.f32.msk $0xffff, v1;
	v4 =	vand.u32 $0xFFFF, v7  }
0x6b: {  	v5 =	vshra.s32 v7, $0x10;
	[tilespmem:v10+s12+$0x0] =	vst.idx.add.f32.msk $0xffff, v1  }
0x6c: {  	[tilespmem:v8+s12+$0x0] =	vst.idx.add.f32.msk $0xffff, v1  }
0x6d: {  	v7 =	vld [tilespmem:s20+$0x10]  }
0x6e: {  	[tilespmem:v2+s12+$0x0] =	vst.idx.add.f32.msk $0xffff, v1;
	v2 =	vand.u32 $0xFFFF, v3  }
0x6f: {  	[tilespmem:v4+s12+$0x0] =	vst.idx.add.f32.msk $0xffff, v1  }
0x70: {  	[tilespmem:v5+s12+$0x0] =	vst.idx.add.f32.msk $0xffff, v1  }
0x71: {  	v3 =	vld [tilespmem:s18+$0x50]  }
0x72: {  	[tilespmem:v9+s12+$0x0] =	vst.idx.add.f32.msk $0xffff, v1;
	v4 =	vand.u32 $0xFFFF, v7  }
0x73: {  	v7 =	vshra.s32 v7, $0x10;
	v5 =	vld [tilespmem:s20+$0xFFFFFF90]  }
0x74: {  	[tilespmem:v6+s12+$0x0] =	vst.idx.add.f32.msk $0xffff, v1  }
0x75: {  	v6 =	vld [tilespmem:s18+$0xFFFFFFC0]  }
0x76: {  	v8 =	vand.u32 $0xFFFF, v3;
	[tilespmem:v2+s12+$0x0] =	vst.idx.add.f32.msk $0xffff, v1  }
0x77: {  	v2 =	vshra.s32 v3, $0x10;
	[tilespmem:v4+s12+$0x0] =	vst.idx.add.f32.msk $0xffff, v1  }
0x78: {  	v3 =	vand.u32 $0xFFFF, v5;
	v4 =	vshra.s32 v5, $0x10;
	[tilespmem:v7+s12+$0x0] =	vst.idx.add.f32.msk $0xffff, v1  }
0x79: {  	v5 =	vld [tilespmem:s20+$0x20]  }
0x7a: {  	v7 =	vand.u32 $0xFFFF, v6;
	v6 =	vshra.s32 v6, $0x10;
	v9 =	vld [tilespmem:s17+$0xFFFFFFF0];
	s17 =	smov.u32 s18;
	s18 =	smov.u32 s20  }
0x7b: {  	[tilespmem:v8+s12+$0x0] =	vst.idx.add.f32.msk $0xffff, v1  }
0x7c: {  	[tilespmem:v2+s12+$0x0] =	vst.idx.add.f32.msk $0xffff, v1  }
0x7d: {  	v2 =	vld [tilespmem:s17+$0x60]  }
0x7e: {  	[tilespmem:v3+s12+$0x0] =	vst.idx.add.f32.msk $0xffff, v1;
	v3 =	vand.u32 $0xFFFF, v5  }
0x7f: {  	[tilespmem:v4+s12+$0x0] =	vst.idx.add.f32.msk $0xffff, v1;
	v4 =	vshra.s32 v5, $0x10;
	v5 =	vand.u32 $0xFFFF, v9  }
0x80: {  	v8 =	vld [tilespmem:s20+$0xFFFFFFA0]  }
0x81: {  	[tilespmem:v7+s12+$0x0] =	vst.idx.add.f32.msk $0xffff, v1  }
0x82: {  	[tilespmem:v6+s12+$0x0] =	vst.idx.add.f32.msk $0xffff, v1;
	v2 =	vand.u32 $0xFFFF, v2  }
0x83: {  	[tilespmem:v3+s12+$0x0] =	vst.idx.add.f32.msk $0xffff, v1  }
0x84: {  	[tilespmem:v4+s12+$0x0] =	vst.idx.add.f32.msk $0xffff, v1  }
0x85: {  	v3 =	vand.u32 $0xFFFF, v8;
	v4 =	vshra.s32 v8, $0x10;
	v6 =	vld [tilespmem:s20+$0x30]  }
0x86: {  	v7 =	vld [tilespmem:s17+$0xFFFFFFD0]  }
0x87: {  	[tilespmem:v2+s12+$0x0] =	vst.idx.add.f32.msk $0xffff, v1  }
.Ltmp3:
0x88: {  	v2 =	vld [tilespmem:s17+$0x70];
	(pc) =	sbr.rel @p0 .LBB2_5-.Ltmp3, $4  }
0x89: {  	[tilespmem:v5+s12+$0x0] =	vst.idx.add.f32.msk $0xffff, v1  }
0x8a: {  	[tilespmem:v3+s12+$0x0] =	vst.idx.add.f32.msk $0xffff, v1;
	v5 =	vand.u32 $0xFFFF, v6  }
0x8b: {  	v6 =	vshra.s32 v6, $0x10;
	[tilespmem:v4+s12+$0x0] =	vst.idx.add.f32.msk $0xffff, v1;
	v4 =	vand.u32 $0xFFFF, v7;
	v3 =	vshra.s32 v7, $0x10  }
0x8c: {  	s20 =	sadd.s32 $0x100, s20;
	v7 =	vld [tilespmem:s18+$0xFFFFFFB0]  }
0x8d: {  	_ =	sdelay $0x3  }
0x8e: {  	v8 =	vand.u32 $0xFFFF, v7  }
0x8f: {  	v7 =	vshra.s32 v7, $0x10  }
0x90: {  	[tilespmem:v5+s12+$0x0] =	vst.idx.add.f32.msk $0xffff, v1  }
0x91: {  	[tilespmem:v6+s12+$0x0] =	vst.idx.add.f32.msk $0xffff, v1  }
0x92: {  	v5 =	vld [tilespmem:s18+$0x40]  }
0x93: {  	[tilespmem:v8+s12+$0x0] =	vst.idx.add.f32.msk $0xffff, v1  }
0x94: {  	[tilespmem:v7+s12+$0x0] =	vst.idx.add.f32.msk $0xffff, v1  }
0x95: {  	v6 =	vld [tilespmem:s18+$0xFFFFFFC0];
	_ =	sdelay $0x1  }
0x96: {  	v7 =	vand.u32 $0xFFFF, v5  }
0x97: {  	v5 =	vshra.s32 v5, $0x10;
	_ =	sdelay $0x1  }
0x98: {  	v8 =	vand.u32 $0xFFFF, v6  }
0x99: {  	v6 =	vshra.s32 v6, $0x10  }
0x9a: {  	[tilespmem:v7+s12+$0x0] =	vst.idx.add.f32.msk $0xffff, v1  }
0x9b: {  	[tilespmem:v5+s12+$0x0] =	vst.idx.add.f32.msk $0xffff, v1  }
0x9c: {  	v5 =	vld [tilespmem:s18+$0x50]  }
0x9d: {  	[tilespmem:v8+s12+$0x0] =	vst.idx.add.f32.msk $0xffff, v1  }
0x9e: {  	[tilespmem:v6+s12+$0x0] =	vst.idx.add.f32.msk $0xffff, v1  }
0x9f: {  	v6 =	vld [tilespmem:s18+$0xFFFFFFD0];
	_ =	sdelay $0x1  }
0xa0: {  	v7 =	vand.u32 $0xFFFF, v5  }
0xa1: {  	v5 =	vshra.s32 v5, $0x10  }
0xa2: {  	[tilespmem:v4+s12+$0x0] =	vst.idx.add.f32.msk $0xffff, v1  }
0xa3: {  	[tilespmem:v3+s12+$0x0] =	vst.idx.add.f32.msk $0xffff, v1;
	v3 =	vand.u32 $0xFFFF, v6  }
0xa4: {  	v4 =	vld [tilespmem:s17+$0xFFFFFFE0];
	v6 =	vshra.s32 v6, $0x10  }
0xa5: {  	[tilespmem:v7+s12+$0x0] =	vst.idx.add.f32.msk $0xffff, v1  }
0xa6: {  	[tilespmem:v5+s12+$0x0] =	vst.idx.add.f32.msk $0xffff, v1  }
0xa7: {  	v5 =	vld [tilespmem:s18+$0x60]  }
0xa8: {  	[tilespmem:v3+s12+$0x0] =	vst.idx.add.f32.msk $0xffff, v1  }
0xa9: {  	[tilespmem:v6+s12+$0x0] =	vst.idx.add.f32.msk $0xffff, v1  }
0xaa: {  	v3 =	vld [tilespmem:s18+$0xFFFFFFE0]  }
0xab: {  	v4 =	vand.u32 $0xFFFF, v4;
	_ =	sdelay $0x1  }
0xac: {  	v5 =	vand.u32 $0xFFFF, v5;
	_ =	sdelay $0x1  }
0xad: {  	v3 =	vand.u32 $0xFFFF, v3  }
0xae: {  	[tilespmem:v4+s12+$0x0] =	vst.idx.add.f32.msk $0xffff, v1  }
0xaf: {  	v4 =	vld [tilespmem:s17+$0xFFFFFFF0]  }
0xb0: {  	[tilespmem:v5+s12+$0x0] =	vst.idx.add.f32.msk $0xffff, v1  }
0xb1: {  	v5 =	vld [tilespmem:s18+$0x70]  }
0xb2: {  	[tilespmem:v3+s12+$0x0] =	vst.idx.add.f32.msk $0xffff, v1  }
0xb3: {  	v3 =	vld [tilespmem:s18+$0xFFFFFFF0];
	_ =	sdelay $0x1  }
0xb4: {  	v2 =	vand.u32 $0xFFFF, v2  }
0xb5: {  	v4 =	vand.u32 $0xFFFF, v4  }
0xb6: {  	v5 =	vand.u32 $0xFFFF, v5  }
0xb7: {  	p0 =	seq.s32 s16, $0x2;
	v3 =	vand.u32 $0xFFFF, v3  }
0xb8: {  	s17 =	smul.u32 @!p0 $0x7000, s16  }
0xb9: {  	[tilespmem:v2+s12+$0x0] =	vst.idx.add.f32.msk $0xffff, v1  }
0xba: {  	s17 =	sadd.s32 @!p0 s17, s6;
	[tilespmem:v4+s12+$0x0] =	vst.idx.add.f32.msk $0xffff, v1  }
0xbb: {  	s17 =	sshrl.u32 @!p0 s17, $0x3;
	[tilespmem:v5+s12+$0x0] =	vst.idx.add.f32.msk $0xffff, v1  }
0xbc: {  	s17 =	sadd.s32 @!p0 s3, s17;
	s18 =	simm.s32 @!p0 $0x0;
	[tilespmem:v3+s12+$0x0] =	vst.idx.add.f32.msk $0xffff, v1  }
0xbd: {  	[tilespmem:s18], [sflag:$0x1] =	stream.linear.gather @!p0 [hbm4b:s17+s18], $0x3800, $0x38;
	[tilespmem:$0x8000] =	vst v63  }
0xbe: {  	_ =	swait.ge [sflag:s13], $0x3800  }
0xbf: {  	[sflag:s13] =	ssyncset.done $0x0  }
0xc0: {  	s17 =	simm.s32 $0x3880;
	[sflag:s13] =	ssyncadd.s32 $0xFFFFC800  }
0xc1: {  	v2 =	vld [tilespmem:s17+$0x0];
	_ =	sdelay $0x4  }
0xc2: {  	v3 =	vand.u32 $0xFFFF, v2  }
0xc3: {  	v2 =	vshra.s32 v2, $0x10;
	_ =	sdelay $0x3  }
0xc4: {  	[tilespmem:v3+s12+$0x0] =	vst.idx.add.f32.msk $0xffff, v1  }
0xc5: {  	[tilespmem:v2+s12+$0x0] =	vst.idx.add.f32.msk $0xffff, v1  }
0xc6: {  	v2 =	vld [tilespmem:s17+$0x10];
	_ =	sdelay $0x4  }
0xc7: {  	v3 =	vand.u32 $0xFFFF, v2  }
0xc8: {  	v4 =	vld [tilespmem:s17+$0xFFFFFF80];
	v2 =	vshra.s32 v2, $0x10;
	_ =	sdelay $0x3  }
0xc9: {  	[tilespmem:v3+s12+$0x0] =	vst.idx.add.f32.msk $0xffff, v1  }
0xca: {  	v3 =	vand.u32 $0xFFFF, v4;
	[tilespmem:v2+s12+$0x0] =	vst.idx.add.f32.msk $0xffff, v1  }
0xcb: {  	v2 =	vshra.s32 v4, $0x10;
	v4 =	vld [tilespmem:s17+$0x20];
	_ =	sdelay $0x3  }
0xcc: {  	[tilespmem:v3+s12+$0x0] =	vst.idx.add.f32.msk $0xffff, v1  }
0xcd: {  	[tilespmem:v2+s12+$0x0] =	vst.idx.add.f32.msk $0xffff, v1;
	v2 =	vand.u32 $0xFFFF, v4  }
0xce: {  	v4 =	vshra.s32 v4, $0x10  }
0xcf: {  	v3 =	vld [tilespmem:s17+$0xFFFFFF90]  }
0xd0: {  	s18 =	simm.s32 $0x3980  }
0xd1: {  	v5 =	vld [tilespmem:s18+$0x0]  }
0xd2: {  	[tilespmem:v2+s12+$0x0] =	vst.idx.add.f32.msk $0xffff, v1  }
0xd3: {  	[tilespmem:v4+s12+$0x0] =	vst.idx.add.f32.msk $0xffff, v1  }
0xd4: {  	v2 =	vand.u32 $0xFFFF, v3;
	v4 =	vld [tilespmem:s17+$0x30]  }
0xd5: {  	v3 =	vshra.s32 v3, $0x10;
	_ =	sdelay $0x2  }
0xd6: {  	v7 =	vld [tilespmem:s18+$0xFFFFFF80];
	v6 =	vand.u32 $0xFFFF, v5  }
0xd7: {  	[tilespmem:v2+s12+$0x0] =	vst.idx.add.f32.msk $0xffff, v1;
	v2 =	vand.u32 $0xFFFF, v4  }
0xd8: {  	[tilespmem:v3+s12+$0x0] =	vst.idx.add.f32.msk $0xffff, v1;
	v4 =	vshra.s32 v4, $0x10  }
0xd9: {  	v3 =	vld [tilespmem:s17+$0xFFFFFFA0];
	_ =	sdelay $0x1  }
0xda: {  	v5 =	vshra.s32 v5, $0x10;
	[tilespmem:v6+s12+$0x0] =	vst.idx.add.f32.msk $0xffff, v1  }
0xdb: {  	[tilespmem:v2+s12+$0x0] =	vst.idx.add.f32.msk $0xffff, v1  }
0xdc: {  	v6 =	vand.u32 $0xFFFF, v7;
	[tilespmem:v4+s12+$0x0] =	vst.idx.add.f32.msk $0xffff, v1  }
0xdd: {  	v2 =	vand.u32 $0xFFFF, v3;
	v4 =	vld [tilespmem:s17+$0x40]  }
0xde: {  	v3 =	vshra.s32 v3, $0x10  }
0xdf: {  	[tilespmem:v5+s12+$0x0] =	vst.idx.add.f32.msk $0xffff, v1  }
0xe0: {  	v5 =	vshra.s32 v7, $0x10;
	v7 =	vld [tilespmem:s18+$0x10]  }
0xe1: {  	[tilespmem:v6+s12+$0x0] =	vst.idx.add.f32.msk $0xffff, v1  }
0xe2: {  	[tilespmem:v2+s12+$0x0] =	vst.idx.add.f32.msk $0xffff, v1;
	v2 =	vand.u32 $0xFFFF, v4  }
0xe3: {  	[tilespmem:v3+s12+$0x0] =	vst.idx.add.f32.msk $0xffff, v1;
	v4 =	vshra.s32 v4, $0x10  }
0xe4: {  	v3 =	vld [tilespmem:s17+$0xFFFFFFB0]  }
0xe5: {  	[tilespmem:v5+s12+$0x0] =	vst.idx.add.f32.msk $0xffff, v1  }
0xe6: {  	v5 =	vand.u32 $0xFFFF, v7;
	v6 =	vld [tilespmem:s18+$0xFFFFFF90]  }
0xe7: {  	v7 =	vshra.s32 v7, $0x10;
	[tilespmem:v2+s12+$0x0] =	vst.idx.add.f32.msk $0xffff, v1  }
0xe8: {  	[tilespmem:v4+s12+$0x0] =	vst.idx.add.f32.msk $0xffff, v1  }
0xe9: {  	v2 =	vand.u32 $0xFFFF, v3;
	v4 =	vld [tilespmem:s17+$0x50]  }
0xea: {  	v3 =	vshra.s32 v3, $0x10  }
0xeb: {  	[tilespmem:v5+s12+$0x0] =	vst.idx.add.f32.msk $0xffff, v1  }
0xec: {  	[tilespmem:v7+s12+$0x0] =	vst.idx.add.f32.msk $0xffff, v1  }
0xed: {  	v5 =	vand.u32 $0xFFFF, v6;
	v7 =	vld [tilespmem:s18+$0x20]  }
0xee: {  	[tilespmem:v2+s12+$0x0] =	vst.idx.add.f32.msk $0xffff, v1;
	v2 =	vand.u32 $0xFFFF, v4  }
0xef: {  	[tilespmem:v3+s12+$0x0] =	vst.idx.add.f32.msk $0xffff, v1;
	v4 =	vshra.s32 v4, $0x10  }
0xf0: {  	v3 =	vld [tilespmem:s17+$0xFFFFFFC0]  }
0xf1: {  	v6 =	vshra.s32 v6, $0x10  }
0xf2: {  	[tilespmem:v5+s12+$0x0] =	vst.idx.add.f32.msk $0xffff, v1  }
0xf3: {  	[tilespmem:v2+s12+$0x0] =	vst.idx.add.f32.msk $0xffff, v1  }
0xf4: {  	v5 =	vand.u32 $0xFFFF, v7;
	[tilespmem:v4+s12+$0x0] =	vst.idx.add.f32.msk $0xffff, v1  }
0xf5: {  	v2 =	vand.u32 $0xFFFF, v3;
	v4 =	vld [tilespmem:s17+$0x60]  }
0xf6: {  	[tilespmem:v6+s12+$0x0] =	vst.idx.add.f32.msk $0xffff, v1;
	v6 =	vshra.s32 v7, $0x10;
	_ =	sdelay $0x1  }
0xf7: {  	v7 =	vld [tilespmem:s18+$0xFFFFFFA0];
	v3 =	vshra.s32 v3, $0x10  }
0xf8: {  	[tilespmem:v5+s12+$0x0] =	vst.idx.add.f32.msk $0xffff, v1  }
0xf9: {  	[tilespmem:v2+s12+$0x0] =	vst.idx.add.f32.msk $0xffff, v1;
	v2 =	vand.u32 $0xFFFF, v4  }
0xfa: {  	[tilespmem:v6+s12+$0x0] =	vst.idx.add.f32.msk $0xffff, v1  }
0xfb: {  	v6 =	vld [tilespmem:s18+$0x30]  }
0xfc: {  	[tilespmem:v3+s12+$0x0] =	vst.idx.add.f32.msk $0xffff, v1;
	v3 =	vand.u32 $0xFFFF, v7  }
0xfd: {  	v4 =	vshra.s32 v7, $0x10;
	v7 =	vld [tilespmem:s17+$0xFFFFFFD0]  }
0xfe: {  	[tilespmem:v2+s12+$0x0] =	vst.idx.add.f32.msk $0xffff, v1  }
0xff: {  	v2 =	vld [tilespmem:s17+$0x70];
	_ =	sdelay $0x1  }
0x100: {  	v5 =	vand.u32 $0xFFFF, v6;
	[tilespmem:v3+s12+$0x0] =	vst.idx.add.f32.msk $0xffff, v1  }
0x101: {  	v6 =	vshra.s32 v6, $0x10;
	[tilespmem:v4+s12+$0x0] =	vst.idx.add.f32.msk $0xffff, v1  }
0x102: {  	s19 =	simm.s32 $0x2;
	s20 =	simm.s32 $0x3A80;
	v4 =	vand.u32 $0xFFFF, v7;
	v3 =	vshra.s32 v7, $0x10;
	v7 =	vld [tilespmem:s18+$0xFFFFFFB0]  }
.LBB2_7:
0x103: {  	v8 =	vld [tilespmem:s20+$0x0];
	v2 =	vand.u32 $0xFFFF, v2  }
0x104: {  	v9 =	vld [tilespmem:s20+$0xFFFFFF80]  }
0x105: {  	[tilespmem:v5+s12+$0x0] =	vst.idx.add.f32.msk $0xffff, v1  }
0x106: {  	[tilespmem:v6+s12+$0x0] =	vst.idx.add.f32.msk $0xffff, v1  }
0x107: {  	v5 =	vand.u32 $0xFFFF, v7;
	v6 =	vshra.s32 v7, $0x10;
	v7 =	vld [tilespmem:s18+$0x40]  }
0x108: {  	v10 =	vand.u32 $0xFFFF, v8;
	[tilespmem:v2+s12+$0x0] =	vst.idx.add.f32.msk $0xffff, v1  }
0x109: {  	s19 =	sadd.s32 $0x2, s19;
	v8 =	vshra.s32 v8, $0x10;
	v2 =	vand.u32 $0xFFFF, v9;
	v9 =	vshra.s32 v9, $0x10;
	[tilespmem:v4+s12+$0x0] =	vst.idx.add.f32.msk $0xffff, v1  }
0x10a: {  	p1 =	slt.u32 s19, $0x6E;
	[tilespmem:v3+s12+$0x0] =	vst.idx.add.f32.msk $0xffff, v1  }
0x10b: {  	v3 =	vld [tilespmem:s17+$0xFFFFFFE0]  }
0x10c: {  	[tilespmem:v5+s12+$0x0] =	vst.idx.add.f32.msk $0xffff, v1;
	v4 =	vand.u32 $0xFFFF, v7  }
0x10d: {  	v5 =	vshra.s32 v7, $0x10;
	[tilespmem:v10+s12+$0x0] =	vst.idx.add.f32.msk $0xffff, v1  }
0x10e: {  	[tilespmem:v8+s12+$0x0] =	vst.idx.add.f32.msk $0xffff, v1  }
0x10f: {  	v7 =	vld [tilespmem:s20+$0x10]  }
0x110: {  	[tilespmem:v2+s12+$0x0] =	vst.idx.add.f32.msk $0xffff, v1;
	v2 =	vand.u32 $0xFFFF, v3  }
0x111: {  	[tilespmem:v4+s12+$0x0] =	vst.idx.add.f32.msk $0xffff, v1  }
0x112: {  	[tilespmem:v5+s12+$0x0] =	vst.idx.add.f32.msk $0xffff, v1  }
0x113: {  	v3 =	vld [tilespmem:s18+$0x50]  }
0x114: {  	[tilespmem:v9+s12+$0x0] =	vst.idx.add.f32.msk $0xffff, v1;
	v4 =	vand.u32 $0xFFFF, v7  }
0x115: {  	v7 =	vshra.s32 v7, $0x10;
	v5 =	vld [tilespmem:s20+$0xFFFFFF90]  }
0x116: {  	[tilespmem:v6+s12+$0x0] =	vst.idx.add.f32.msk $0xffff, v1  }
0x117: {  	v6 =	vld [tilespmem:s18+$0xFFFFFFC0]  }
0x118: {  	v8 =	vand.u32 $0xFFFF, v3;
	[tilespmem:v2+s12+$0x0] =	vst.idx.add.f32.msk $0xffff, v1  }
0x119: {  	v2 =	vshra.s32 v3, $0x10;
	[tilespmem:v4+s12+$0x0] =	vst.idx.add.f32.msk $0xffff, v1  }
0x11a: {  	v3 =	vand.u32 $0xFFFF, v5;
	v4 =	vshra.s32 v5, $0x10;
	[tilespmem:v7+s12+$0x0] =	vst.idx.add.f32.msk $0xffff, v1  }
0x11b: {  	v5 =	vld [tilespmem:s20+$0x20]  }
0x11c: {  	v7 =	vand.u32 $0xFFFF, v6;
	v6 =	vshra.s32 v6, $0x10;
	v9 =	vld [tilespmem:s17+$0xFFFFFFF0];
	s17 =	smov.u32 s18;
	s18 =	smov.u32 s20  }
0x11d: {  	[tilespmem:v8+s12+$0x0] =	vst.idx.add.f32.msk $0xffff, v1  }
0x11e: {  	[tilespmem:v2+s12+$0x0] =	vst.idx.add.f32.msk $0xffff, v1  }
0x11f: {  	v2 =	vld [tilespmem:s17+$0x60]  }
0x120: {  	[tilespmem:v3+s12+$0x0] =	vst.idx.add.f32.msk $0xffff, v1;
	v3 =	vand.u32 $0xFFFF, v5  }
0x121: {  	[tilespmem:v4+s12+$0x0] =	vst.idx.add.f32.msk $0xffff, v1;
	v4 =	vshra.s32 v5, $0x10;
	v5 =	vand.u32 $0xFFFF, v9  }
0x122: {  	v8 =	vld [tilespmem:s20+$0xFFFFFFA0]  }
0x123: {  	[tilespmem:v7+s12+$0x0] =	vst.idx.add.f32.msk $0xffff, v1  }
0x124: {  	[tilespmem:v6+s12+$0x0] =	vst.idx.add.f32.msk $0xffff, v1;
	v2 =	vand.u32 $0xFFFF, v2  }
0x125: {  	[tilespmem:v3+s12+$0x0] =	vst.idx.add.f32.msk $0xffff, v1  }
0x126: {  	[tilespmem:v4+s12+$0x0] =	vst.idx.add.f32.msk $0xffff, v1  }
0x127: {  	v3 =	vand.u32 $0xFFFF, v8;
	v4 =	vshra.s32 v8, $0x10;
	v6 =	vld [tilespmem:s20+$0x30]  }
0x128: {  	v7 =	vld [tilespmem:s17+$0xFFFFFFD0]  }
0x129: {  	[tilespmem:v2+s12+$0x0] =	vst.idx.add.f32.msk $0xffff, v1  }
.Ltmp4:
0x12a: {  	v2 =	vld [tilespmem:s17+$0x70];
	(pc) =	sbr.rel @p1 .LBB2_7-.Ltmp4, $4  }
0x12b: {  	[tilespmem:v5+s12+$0x0] =	vst.idx.add.f32.msk $0xffff, v1  }
0x12c: {  	[tilespmem:v3+s12+$0x0] =	vst.idx.add.f32.msk $0xffff, v1;
	v5 =	vand.u32 $0xFFFF, v6  }
0x12d: {  	v6 =	vshra.s32 v6, $0x10;
	[tilespmem:v4+s12+$0x0] =	vst.idx.add.f32.msk $0xffff, v1;
	v4 =	vand.u32 $0xFFFF, v7;
	v3 =	vshra.s32 v7, $0x10  }
0x12e: {  	s20 =	sadd.s32 $0x100, s20;
	v7 =	vld [tilespmem:s18+$0xFFFFFFB0]  }
0x12f: {  	_ =	sdelay $0x3  }
0x130: {  	v8 =	vand.u32 $0xFFFF, v7  }
0x131: {  	v59 =	vshra.s32 v7, $0x10  }
0x132: {  	[tilespmem:v5+s12+$0x0] =	vst.idx.add.f32.msk $0xffff, v1  }
0x133: {  	[tilespmem:v6+s12+$0x0] =	vst.idx.add.f32.msk $0xffff, v1  }
0x134: {  	v5 =	vld [tilespmem:s18+$0x40]  }
0x135: {  	[tilespmem:v8+s12+$0x0] =	vst.idx.add.f32.msk $0xffff, v1  }
0x136: {  	[tilespmem:v59+s12+$0x0] =	vst.idx.add.f32.msk $0xffff, v1  }
0x137: {  	v60 =	vld [tilespmem:s18+$0xFFFFFFC0];
	_ =	sdelay $0x1  }
0x138: {  	v61 =	vand.u32 $0xFFFF, v5  }
0x139: {  	v5 =	vshra.s32 v5, $0x10;
	_ =	sdelay $0x1  }
0x13a: {  	v62 =	vand.u32 $0xFFFF, v60  }
0x13b: {  	v6 =	vshra.s32 v60, $0x10  }
0x13c: {  	[tilespmem:v61+s12+$0x0] =	vst.idx.add.f32.msk $0xffff, v1  }
0x13d: {  	[tilespmem:v5+s12+$0x0] =	vst.idx.add.f32.msk $0xffff, v1  }
0x13e: {  	v5 =	vld [tilespmem:s18+$0x50]  }
0x13f: {  	[tilespmem:v62+s12+$0x0] =	vst.idx.add.f32.msk $0xffff, v1  }
0x140: {  	[tilespmem:v6+s12+$0x0] =	vst.idx.add.f32.msk $0xffff, v1  }
0x141: {  	v6 =	vld [tilespmem:s18+$0xFFFFFFD0];
	_ =	sdelay $0x1  }
0x142: {  	v63 =	vand.u32 $0xFFFF, v5  }
0x143: {  	v5 =	vshra.s32 v5, $0x10  }
0x144: {  	[tilespmem:v4+s12+$0x0] =	vst.idx.add.f32.msk $0xffff, v1  }
0x145: {  	[tilespmem:v3+s12+$0x0] =	vst.idx.add.f32.msk $0xffff, v1;
	v3 =	vand.u32 $0xFFFF, v6  }
0x146: {  	v4 =	vld [tilespmem:s17+$0xFFFFFFE0];
	v6 =	vshra.s32 v6, $0x10  }
0x147: {  	[tilespmem:v63+s12+$0x0] =	vst.idx.add.f32.msk $0xffff, v1  }
0x148: {  	[tilespmem:v5+s12+$0x0] =	vst.idx.add.f32.msk $0xffff, v1  }
0x149: {  	v5 =	vld [tilespmem:s18+$0x60]  }
0x14a: {  	[tilespmem:v3+s12+$0x0] =	vst.idx.add.f32.msk $0xffff, v1  }
0x14b: {  	[tilespmem:v6+s12+$0x0] =	vst.idx.add.f32.msk $0xffff, v1  }
0x14c: {  	v3 =	vld [tilespmem:s18+$0xFFFFFFE0]  }
0x14d: {  	v4 =	vand.u32 $0xFFFF, v4;
	_ =	sdelay $0x1  }
0x14e: {  	v5 =	vand.u32 $0xFFFF, v5;
	_ =	sdelay $0x1  }
0x14f: {  	v3 =	vand.u32 $0xFFFF, v3  }
0x150: {  	[tilespmem:v4+s12+$0x0] =	vst.idx.add.f32.msk $0xffff, v1  }
0x151: {  	v4 =	vld [tilespmem:s17+$0xFFFFFFF0]  }
0x152: {  	[tilespmem:v5+s12+$0x0] =	vst.idx.add.f32.msk $0xffff, v1  }
0x153: {  	v5 =	vld [tilespmem:s18+$0x70]  }
0x154: {  	[tilespmem:v3+s12+$0x0] =	vst.idx.add.f32.msk $0xffff, v1  }
0x155: {  	v3 =	vld [tilespmem:s18+$0xFFFFFFF0];
	_ =	sdelay $0x1  }
0x156: {  	v2 =	vand.u32 $0xFFFF, v2  }
0x157: {  	v4 =	vand.u32 $0xFFFF, v4  }
0x158: {  	v5 =	vand.u32 $0xFFFF, v5  }
0x159: {  	v3 =	vand.u32 $0xFFFF, v3  }
.Ltmp5:
0x15a: {  	_ = 	snop;
	(pc) =	sbr.rel @p0 .LBB2_10-.Ltmp5, $4  }
0x15b: {  	[tilespmem:v2+s12+$0x0] =	vst.idx.add.f32.msk $0xffff, v1  }
0x15c: {  	[tilespmem:v4+s12+$0x0] =	vst.idx.add.f32.msk $0xffff, v1  }
0x15d: {  	[tilespmem:v5+s12+$0x0] =	vst.idx.add.f32.msk $0xffff, v1  }
0x15e: {  	[tilespmem:v3+s12+$0x0] =	vst.idx.add.f32.msk $0xffff, v1  }
0x15f: {  	s17 =	smul.u32 $0x7000, s16  }
.Ltmp6:
0x160: {  	_ = 	snop;
	(pc) =	sbr.rel .LBB2_4-.Ltmp6, $4  }
0x161: {  	s17 =	sadd.s32 s17, s7  }
0x162: {  	s17 =	sshrl.u32 s17, $0x3  }
0x163: {  	s16 =	sadd.s32 $0x1, s16;
	s17 =	sadd.s32 s3, s17  }
0x164: {  	[tilespmem:s10], [sflag:$0x2] =	stream.linear.gather [hbm4b:s17+s2], $0x3800, $0x38;
	[tilespmem:$0x8000] =	vst v63  }
.LBB2_11:
0x165: {  	_ =	sfence.sel $0x180000  }
0x166: {  	[bflag:$0x0] =	sbarrier.arrive $0xFFFF  }
0x167: {  	p0 =	sne.s32 s0, $0x0;
	_ =	strace $0x90000047  }
0x168: {  	s0 =	sadd.s32 @!p0 $0x100000, s1;
	[bflag:$0x2] =	sbarrier.arrive $0xFFFF  }
0x169: {  	[sflag:s0] =	ssyncadd.tile.s32 @!p0 $0x1;
	_ =	shalt  }
.Lfunc_end2:
_tile_overlayer_lowered:
.L_overlay_start_2:
0x16a: {  	(tag) =	ssettag $0x2  }
0x16b: {  	s0 =	rddreg [dreg:$0x0];
	s2 =	stileid.u32  }
0x16c: {  	s1 =	rddreg [dreg:$0x1];
	p0 =	sne.s32 s2, $0x0  }
0x16d: {  	s3 =	rddreg [dreg:$0x2];
	[bflag:$0x3] =	sbarrier.arrive $0xFFFF;
	s2 =	simm.s32 @!p0 $0x1C03  }
0x16e: {  	[timem:s3], [sflag:s2] =	dma.local @!p0 [hbm:s0], s1  }
0x16f: {  	s0 =	simm.s32 @!p0 $0x3  }
0x170: {  	_ =	swait.ge @!p0 [sflag:s0], s1  }
0x171: {  	s1 =	ssub.s32 @!p0 $0x0, s1;
	[sflag:s0] =	ssyncset.done @!p0 $0x0  }
0x172: {  	[sflag:s0] =	ssyncadd.s32 @!p0 s1  }
0x173: {  	[bflag:$0x3] =	sbarrier.arrive $0xFFFF  }
0x174: {  	_ =	shalt  }

</sc_bundles>
